<compile_context>
chip_gen: v7x
topology: tpu7x:2x2x1
jax: 0.10.2.dev20260603
libtpu: 0.0.44.dev20260713+nightly
codegen_flags: <defaults>
</compile_context>

<pallas_src>
import functools

import jax
import jax.numpy as jnp
from jax import lax
from jax.experimental import pallas as pl
from jax.experimental.pallas import tpu as pltpu
from jax.experimental.pallas import tpu_sc as plsc

B, N, C = 16, 20000, 100
K = 100
KP = 112
NB = 5
S = N // NB



SQ = S // 4


def _prob_body(l0, l1, l2, l3, act_ref, p_ref, m_ref):
    a = act_ref[...]
    for q, lq in enumerate((l0, l1, l2, l3)):
        x = lq[...]
        aq = a[:, q * SQ:(q + 1) * SQ, :]
        p = jax.nn.sigmoid(x) * aq
        p_ref[0, pl.ds(q * SQ, SQ), pl.ds(0, C)] = p[0]
        m_ref[0, 0, pl.ds(q * SQ, SQ)] = jnp.max(p, axis=2)[0]


def _prob_and_rowmax(pred_logits, pred_actionness):
    return pl.pallas_call(
        _prob_body,
        grid=(B, NB),
        in_specs=[
            pl.BlockSpec((1, SQ, C), lambda b, j: (b, 4 * j + 0, 0)),
            pl.BlockSpec((1, SQ, C), lambda b, j: (b, 4 * j + 1, 0)),
            pl.BlockSpec((1, SQ, C), lambda b, j: (b, 4 * j + 2, 0)),
            pl.BlockSpec((1, SQ, C), lambda b, j: (b, 4 * j + 3, 0)),
            pl.BlockSpec((1, S, 1), lambda b, j: (b, j, 0)),
        ],
        out_specs=[
            pl.BlockSpec((1, S, 128), lambda b, j: (b, j, 0)),
            pl.BlockSpec((1, 1, S), lambda b, j: (b * NB + j, 0, 0)),
        ],
        out_shape=[
            jax.ShapeDtypeStruct((B, N, 128), jnp.float32),
            jax.ShapeDtypeStruct((B * NB, 1, S), jnp.float32),
        ],
    )(pred_logits, pred_logits, pred_logits, pred_logits, pred_actionness)



_IOTA = lambda: lax.iota(jnp.int32, 16)


def _radix_topk(loadfn, nsteps, k, hist, sref):
    ones = jnp.ones((16,), jnp.int32)
    iota = _IOTA()
    alltrue = jnp.ones((16,), jnp.bool_)
    prefix = jnp.int32(0)
    kk = jnp.int32(k)
    for d in (3, 2, 1, 0):
        sh = 8 * d

        def _zero(i, _):
            hist[pl.ds(i * 16, 16)] = jnp.zeros((16,), jnp.int32)
            return 0

        lax.fori_loop(0, 256, _zero, 0)

        hi_sh = sh + 8
        pfx_hi = prefix >> hi_sh if d < 3 else None

        def _hist(g, _):
            for keys, valid, _pos in loadfn(g):
                digit = (keys >> sh) & 255
                if d == 3:
                    pm = alltrue if valid is None else valid
                else:
                    pm = (keys >> hi_sh) == pfx_hi
                    pm = pm if valid is None else (pm & valid)
                plsc.addupdate_scatter(hist, [digit * 16 + iota], ones, mask=pm)
            return 0

        lax.fori_loop(0, nsteps, _hist, 0)

        sref[pl.ds(256 * 16, 16)] = jnp.zeros((16,), jnp.int32)

        def _suffix(i, carry):
            bb = 255 - i
            carry = carry + hist[pl.ds(bb * 16, 16)]
            sref[pl.ds(bb * 16, 16)] = carry
            return carry

        lax.fori_loop(0, 256, _suffix, jnp.zeros((16,), jnp.int32))

        bval = jnp.int32(0)
        for step in (128, 64, 32, 16, 8, 4, 2, 1):
            cand = bval + step
            tc = jnp.sum(sref[pl.ds(cand * 16, 16)])
            bval = jnp.where(tc >= kk, cand, bval)
        kk = kk - jnp.sum(sref[pl.ds((bval + 1) * 16, 16)])
        prefix = prefix | (bval << sh)
    return prefix, kk


def _compact(loadfn, nsteps, t_key, quota, emit):

    def _body(g, carry):
        off, q = carry
        for keys, valid, pos in loadfn(g):
            gt = keys > t_key
            eq = keys == t_key
            if valid is not None:
                gt = gt & valid
                eq = eq & valid
            eqc = jnp.cumsum(eq.astype(jnp.int32))
            take = eq & (eqc <= q)
            sel = gt | take
            emit(off, (keys, valid, pos), sel)
            off = off + jnp.sum(sel.astype(jnp.int32))
            q = q - jnp.sum(take.astype(jnp.int32))
        return off, q

    return lax.fori_loop(0, nsteps, _body, (jnp.int32(0), quota))


def _sc_body(m2d, p2d, segc, segw, ts2,
             scores_o, labels_o, query_o, sego,
             mv, hist, sref, rows, rowsg, candg,
             wval, wpos, sbr, lbr, nbr, nbrg, segf, segcv, segwv, tsv, sem):
    nc = 2
    wid = lax.axis_index("s") * nc + lax.axis_index("c")
    iota = _IOTA()

    @pl.when(wid < B)
    def _work():
        b = wid
        pltpu.sync_copy(m2d.at[b], mv)
        pltpu.sync_copy(ts2.at[b], tsv)

        def load2(g):
            keys = lax.bitcast_convert_type(mv[pl.ds(g * 16, 16)], jnp.int32)
            return [(keys, None, g * 16 + iota)]

        t2, q2 = _radix_topk(load2, N // 16, K, hist, sref)

        rows[pl.ds(96, 16)] = jnp.zeros((16,), jnp.int32)
        rows[pl.ds(112, 16)] = jnp.zeros((16,), jnp.int32)

        def emit2(off, chunk, sel):
            _keys, _valid, pos = chunk
            plsc.store_compressed(rows.at[pl.ds(off, 16)], pos, mask=sel)

        _compact(load2, N // 16, t2, q2, emit2)

        base = b * N
        for j in range(7):
            rowsg[pl.ds(j * 16, 16)] = rows[pl.ds(j * 16, 16)] + base
        cp = pltpu.make_async_copy(p2d.at[rowsg], candg, sem)
        cp.start()
        cp.wait()

        def load4(r):
            out = []
            for j in range(7):
                keys = lax.bitcast_convert_type(candg[r, pl.ds(j * 16, 16)], jnp.int32)
                valid = (iota < 4) if j == 6 else None
                out.append((keys, valid, r * KP + j * 16 + iota))
            return out

        t4, q4 = _radix_topk(load4, K, K, hist, sref)

        neg = jnp.full((16,), -1.0, jnp.float32)
        zeros = jnp.zeros((16,), jnp.int32)
        for j in range(7):
            wval[pl.ds(j * 16, 16)] = neg
            nbrg[pl.ds(j * 16, 16)] = zeros

        def emit4(off, chunk, sel):
            keys, _valid, pos = chunk
            plsc.store_compressed(wpos.at[pl.ds(off, 16)], pos, mask=sel)
            plsc.store_compressed(wval.at[pl.ds(off, 16)],
                                  lax.bitcast_convert_type(keys, jnp.float32), mask=sel)

        _compact(load4, K, t4, q4, emit4)

        lane0 = iota == 0

        def _rank(i, _):
            vi = wval[pl.ds(i, 16)][0]
            pos_i = wpos[pl.ds(i, 16)][0]
            viv = jnp.full((16,), vi, jnp.float32)
            acc = jnp.zeros((16,), jnp.int32)
            for j in range(7):
                vv = wval[pl.ds(j * 16, 16)]
                lpos = j * 16 + iota
                gt = vv > viv
                eqb = (vv == viv) & (lpos < i)
                acc = acc + gt.astype(jnp.int32) + eqb.astype(jnp.int32)
            rank = jnp.sum(acc)
            rloc = pos_i // KP
            cls = pos_i - rloc * KP
            n = rows[pl.ds(rloc, 16)][0]
            rv = jnp.full((16,), rank, jnp.int32)
            plsc.store_scatter(sbr, [rv], viv, mask=lane0)
            plsc.store_scatter(lbr, [rv], jnp.full((16,), cls, jnp.int32),
                               mask=lane0)
            plsc.store_scatter(nbr, [rv], jnp.full((16,), n, jnp.int32),
                               mask=lane0)
            plsc.store_scatter(nbrg, [rv], jnp.full((16,), n + base, jnp.int32),
                               mask=lane0)
            return 0

        lax.fori_loop(0, K, _rank, 0)

        cpc = pltpu.make_async_copy(segc.at[nbrg], segcv, sem)
        cpw = pltpu.make_async_copy(segw.at[nbrg], segwv, sem)
        cpc.start()
        cpw.start()
        cpc.wait()
        cpw.wait()
        ts_v = tsv[...]
        for j in range(7):
            cv = segcv[pl.ds(j * 16, 16)]
            wv = segwv[pl.ds(j * 16, 16)]
            t1 = (cv - 0.5 * wv) * ts_v
            t2v = (cv + 0.5 * wv) * ts_v
            idx2 = (j * 16 + iota) * 2
            alltrue = jnp.ones((16,), jnp.bool_)
            plsc.store_scatter(segf, [idx2], t1, mask=alltrue)
            plsc.store_scatter(segf, [idx2 + 1], t2v, mask=alltrue)

        pltpu.sync_copy(sbr, scores_o.at[b])
        pltpu.sync_copy(lbr, labels_o.at[b])
        pltpu.sync_copy(nbr, query_o.at[b])
        pltpu.sync_copy(segf, sego.at[b])


def _sc_select(m2d, p2d, segc, segw, ts2):
    f = pl.kernel(
        _sc_body,
        out_type=(
            jax.ShapeDtypeStruct((B, KP), jnp.float32),
            jax.ShapeDtypeStruct((B, KP), jnp.int32),
            jax.ShapeDtypeStruct((B, KP), jnp.int32),
            jax.ShapeDtypeStruct((B, 2 * KP), jnp.float32),
        ),
        mesh=plsc.VectorSubcoreMesh(core_axis_name="c", subcore_axis_name="s"),
        compiler_params=pltpu.CompilerParams(needs_layout_passes=False),
        scratch_types=[
            pltpu.VMEM((N,), jnp.float32),
            pltpu.VMEM((4096,), jnp.int32),
            pltpu.VMEM((4112,), jnp.int32),
            pltpu.VMEM((128,), jnp.int32),
            pltpu.VMEM((KP,), jnp.int32),
            pltpu.VMEM((KP, 128), jnp.float32),
            pltpu.VMEM((128,), jnp.float32),
            pltpu.VMEM((128,), jnp.int32),
            pltpu.VMEM((KP,), jnp.float32),
            pltpu.VMEM((KP,), jnp.int32),
            pltpu.VMEM((KP,), jnp.int32),
            pltpu.VMEM((KP,), jnp.int32),
            pltpu.VMEM((2 * KP,), jnp.float32),
            pltpu.VMEM((KP,), jnp.float32),
            pltpu.VMEM((KP,), jnp.float32),
            pltpu.VMEM((16,), jnp.float32),
            pltpu.SemaphoreType.DMA,
        ],
    )
    return f(m2d, p2d, segc, segw, ts2)


def kernel(pred_logits, pred_segments, pred_actionness, target_sizes):
    p3, m3 = _prob_and_rowmax(pred_logits, pred_actionness)
    p2d = p3.reshape(B * N, 128)
    m2d = m3.reshape(B, N)
    segc = pred_segments[:, :, 0].reshape(B * N)
    segw = pred_segments[:, :, 1].reshape(B * N)
    ts2 = jnp.broadcast_to(target_sizes[:, None], (B, 16))
    scores_p, labels_p, query_p, seg_p = _sc_select(m2d, p2d, segc, segw, ts2)
    scores = scores_p[:, :K]
    labels = labels_p[:, :K]
    query_ids = query_p[:, :K]
    seg_out = seg_p.reshape(B, KP, 2)[:, :K, :]
    return scores, labels, seg_out, query_ids

# --- scband reference (transcript-rebuilt; emitter-appended) ---
"""Pipeline reference for scband-post-process-86517821211849 (READ-ONLY COPY).

The authoritative reference and input builder live on the scoring server;
editing this copy changes nothing except your own understanding.
"""

import jax, jax.numpy as jnp
import numpy as np

B, N, C = 16, 20000, 100
TOPK = 100

def setup_inputs(seed: int = 0) -> dict:
    key = jax.random.key(seed)
    k1, k2, k3, k4 = jax.random.split(key, 4)
    pred_logits = jax.random.normal(k1, (B, N, C), dtype=jnp.float32)
    pred_segments = jax.random.uniform(k2, (B, N, 2), dtype=jnp.float32)
    pred_actionness = jax.random.uniform(k3, (B, N, 1), dtype=jnp.float32)
    target_sizes = jax.random.uniform(k4, (B,), dtype=jnp.float32) * 100.0 + 1.0
    return {"pred_logits": pred_logits, "pred_segments": pred_segments,
            "pred_actionness": pred_actionness, "target_sizes": target_sizes}

def reference(pred_logits, pred_segments, pred_actionness, target_sizes):
    # prob = sigmoid(logits) * actionness (fuse_score=True)
    prob = jax.nn.sigmoid(pred_logits) * pred_actionness  # [B, N, C]
    # segment_cw_to_t1t2: (center, width) -> (t1, t2)
    c = pred_segments[..., 0]
    w = pred_segments[..., 1]
    segments = jnp.stack([c - 0.5 * w, c + 0.5 * w], axis=-1)  # [B, N, 2]
    b, n, ncls = pred_logits.shape
    k = min(TOPK, n * ncls)
    flat = prob.reshape(b, n * ncls)
    topk_values, topk_indexes = jax.lax.top_k(flat, k)  # [B, k]
    scores = topk_values
    topk_segments = topk_indexes // ncls  # query index
    labels = topk_indexes % ncls          # class index
    idx = jnp.broadcast_to(topk_segments[:, :, None], (b, k, 2))
    seg_gathered = jnp.take_along_axis(segments, idx, axis=1)  # [B, k, 2]
    query_ids = topk_segments
    scale_fct = jnp.stack([target_sizes, target_sizes], axis=1)  # [B, 2]
    seg_out = seg_gathered * scale_fct[:, None, :]
    return scores, labels.astype(jnp.int32), seg_out, query_ids.astype(jnp.int32)

if __name__ == "__main__":
    import jax
    _d = setup_inputs()
    print(jax.jit(kernel)(*tuple(_d.values())))

</pallas_src>

<mosaic_0001>
#map = affine_map<(d0, d1) -> (0, 0)>
#map1 = affine_map<(d0, d1) -> (0)>
module attributes {stable_mosaic.version = 14 : i64} {
  func.func @_sc_body(%arg0: i32, %arg1: i32, %arg2: memref<16x20000xf32, #tpu.memory_space<hbm>>, %arg3: memref<320000x128xf32, #tpu.memory_space<hbm>>, %arg4: memref<320000xf32, #tpu.memory_space<hbm>>, %arg5: memref<320000xf32, #tpu.memory_space<hbm>>, %arg6: memref<16x16xf32, #tpu.memory_space<hbm>>, %arg7: memref<16x112xf32, #tpu.memory_space<hbm>>, %arg8: memref<16x112xi32, #tpu.memory_space<hbm>>, %arg9: memref<16x112xi32, #tpu.memory_space<hbm>>, %arg10: memref<16x224xf32, #tpu.memory_space<hbm>>, %arg11: memref<20000xf32, #tpu.memory_space<vmem>>, %arg12: memref<4096xi32, #tpu.memory_space<vmem>>, %arg13: memref<4112xi32, #tpu.memory_space<vmem>>, %arg14: memref<128xi32, #tpu.memory_space<vmem>>, %arg15: memref<112xi32, #tpu.memory_space<vmem>>, %arg16: memref<112x128xf32, #tpu.memory_space<vmem>>, %arg17: memref<128xf32, #tpu.memory_space<vmem>>, %arg18: memref<128xi32, #tpu.memory_space<vmem>>, %arg19: memref<112xf32, #tpu.memory_space<vmem>>, %arg20: memref<112xi32, #tpu.memory_space<vmem>>, %arg21: memref<112xi32, #tpu.memory_space<vmem>>, %arg22: memref<112xi32, #tpu.memory_space<vmem>>, %arg23: memref<224xf32, #tpu.memory_space<vmem>>, %arg24: memref<112xf32, #tpu.memory_space<vmem>>, %arg25: memref<112xf32, #tpu.memory_space<vmem>>, %arg26: memref<16xf32, #tpu.memory_space<vmem>>, %arg27: memref<!tpu.dma_semaphore, #tpu.memory_space<semaphore_mem>>) attributes {dimension_semantics = [#tpu.dimension_semantics<core_parallel>, #tpu.dimension_semantics<subcore_parallel>], iteration_bounds = array<i64: 2, 16>, scalar_prefetch = 0 : i64, scratch_operands = 17 : i64, tpu.core_type = #tpu.core_type<sc_vector_subcore>, window_params = [{transform_indices = #map}, {transform_indices = #map}, {transform_indices = #map1}, {transform_indices = #map1}, {transform_indices = #map}, {transform_indices = #map}, {transform_indices = #map}, {transform_indices = #map}, {transform_indices = #map}]} {
    %mul3A = arith.constant 2 : i32
    %mul3A_0 = arith.muli %arg1, %mul3A : i32
    %add3A = arith.addi %mul3A_0, %arg0 : i32
    %iota3A = tpu.iota {dimensions = array<i32: 0>} : vector<16xi32>
    %lt3A = arith.constant 16 : i32
    %lt3A_1 = arith.cmpi slt, %add3A, %lt3A : i32
    %convert_element_type3A = arith.extui %lt3A_1 : i1 to i32
    %cond3A = arith.constant 0 : i32
    %cond3A_2 = arith.cmpi ne, %convert_element_type3A, %cond3A : i32
    scf.if %cond3A_2 {
      "tpu.region"() ({
        %run_scoped3A = tpu.sem_alloc : memref<!tpu.dma_semaphore, #tpu.memory_space<semaphore_mem>>
        %dma_start3A_1433 = arith.constant 0 : i32
        %dma_start3A_1434 = tpu.memref_slice %arg2[%add3A, %dma_start3A_1433] : memref<16x20000xf32, #tpu.memory_space<hbm>> -> memref<1x20000xf32, #tpu.memory_space<hbm>>
        %dma_start3A_1435 = tpu.memref_squeeze %dma_start3A_1434 : memref<1x20000xf32, #tpu.memory_space<hbm>> -> memref<20000xf32, #tpu.memory_space<hbm>>
        %dma_start3A_1436 = arith.constant 0 : i32
        %dma_start3A_1437 = tpu.memref_slice %arg2[%add3A, %dma_start3A_1436] : memref<16x20000xf32, #tpu.memory_space<hbm>> -> memref<1x20000xf32, #tpu.memory_space<hbm>>
        %dma_start3A_1438 = tpu.memref_squeeze %dma_start3A_1437 : memref<1x20000xf32, #tpu.memory_space<hbm>> -> memref<20000xf32, #tpu.memory_space<hbm>>
        tpu.enqueue_dma source(%dma_start3A_1438 : memref<20000xf32, #tpu.memory_space<hbm>>) target(%arg11 : memref<20000xf32, #tpu.memory_space<vmem>>) target_semaphore(%run_scoped3A : memref<!tpu.dma_semaphore, #tpu.memory_space<semaphore_mem>>)
        %dma_wait3A_1439 = arith.constant 0 : i32
        %dma_wait3A_1440 = tpu.memref_slice %arg2[%add3A, %dma_wait3A_1439] : memref<16x20000xf32, #tpu.memory_space<hbm>> -> memref<1x20000xf32, #tpu.memory_space<hbm>>
        %dma_wait3A_1441 = tpu.memref_squeeze %dma_wait3A_1440 : memref<1x20000xf32, #tpu.memory_space<hbm>> -> memref<20000xf32, #tpu.memory_space<hbm>>
        %dma_wait3A_1442 = arith.constant 0 : i32
        %dma_wait3A_1443 = tpu.memref_slice %arg2[%add3A, %dma_wait3A_1442] : memref<16x20000xf32, #tpu.memory_space<hbm>> -> memref<1x20000xf32, #tpu.memory_space<hbm>>
        %dma_wait3A_1444 = tpu.memref_squeeze %dma_wait3A_1443 : memref<1x20000xf32, #tpu.memory_space<hbm>> -> memref<20000xf32, #tpu.memory_space<hbm>>
        tpu.wait_dma2 semaphore(%run_scoped3A : memref<!tpu.dma_semaphore, #tpu.memory_space<semaphore_mem>>) src(%dma_wait3A_1444 : memref<20000xf32, #tpu.memory_space<hbm>>) dst(%arg11 : memref<20000xf32, #tpu.memory_space<vmem>>)
        tpu.yield
      }) : () -> ()
      "tpu.region"() ({
        %run_scoped3A = tpu.sem_alloc : memref<!tpu.dma_semaphore, #tpu.memory_space<semaphore_mem>>
        %dma_start3A_1433 = arith.constant 0 : i32
        %dma_start3A_1434 = tpu.memref_slice %arg6[%add3A, %dma_start3A_1433] : memref<16x16xf32, #tpu.memory_space<hbm>> -> memref<1x16xf32, #tpu.memory_space<hbm>>
        %dma_start3A_1435 = tpu.memref_squeeze %dma_start3A_1434 : memref<1x16xf32, #tpu.memory_space<hbm>> -> memref<16xf32, #tpu.memory_space<hbm>>
        %dma_start3A_1436 = arith.constant 0 : i32
        %dma_start3A_1437 = tpu.memref_slice %arg6[%add3A, %dma_start3A_1436] : memref<16x16xf32, #tpu.memory_space<hbm>> -> memref<1x16xf32, #tpu.memory_space<hbm>>
        %dma_start3A_1438 = tpu.memref_squeeze %dma_start3A_1437 : memref<1x16xf32, #tpu.memory_space<hbm>> -> memref<16xf32, #tpu.memory_space<hbm>>
        tpu.enqueue_dma source(%dma_start3A_1438 : memref<16xf32, #tpu.memory_space<hbm>>) target(%arg26 : memref<16xf32, #tpu.memory_space<vmem>>) target_semaphore(%run_scoped3A : memref<!tpu.dma_semaphore, #tpu.memory_space<semaphore_mem>>)
        %dma_wait3A_1439 = arith.constant 0 : i32
        %dma_wait3A_1440 = tpu.memref_slice %arg6[%add3A, %dma_wait3A_1439] : memref<16x16xf32, #tpu.memory_space<hbm>> -> memref<1x16xf32, #tpu.memory_space<hbm>>
        %dma_wait3A_1441 = tpu.memref_squeeze %dma_wait3A_1440 : memref<1x16xf32, #tpu.memory_space<hbm>> -> memref<16xf32, #tpu.memory_space<hbm>>
        %dma_wait3A_1442 = arith.constant 0 : i32
        %dma_wait3A_1443 = tpu.memref_slice %arg6[%add3A, %dma_wait3A_1442] : memref<16x16xf32, #tpu.memory_space<hbm>> -> memref<1x16xf32, #tpu.memory_space<hbm>>
        %dma_wait3A_1444 = tpu.memref_squeeze %dma_wait3A_1443 : memref<1x16xf32, #tpu.memory_space<hbm>> -> memref<16xf32, #tpu.memory_space<hbm>>
        tpu.wait_dma2 semaphore(%run_scoped3A : memref<!tpu.dma_semaphore, #tpu.memory_space<semaphore_mem>>) src(%dma_wait3A_1444 : memref<16xf32, #tpu.memory_space<hbm>>) dst(%arg26 : memref<16xf32, #tpu.memory_space<vmem>>)
        tpu.yield
      }) : () -> ()
      %broadcast_in_dim3A = arith.constant 1 : i32
      %broadcast_in_dim3A_3 = vector.broadcast %broadcast_in_dim3A : i32 to vector<16xi32>
      %iota3A_4 = tpu.iota {dimensions = array<i32: 0>} : vector<16xi32>
      %broadcast_in_dim3A_5 = arith.constant true
      %broadcast_in_dim3A_6 = vector.broadcast %broadcast_in_dim3A_5 : i1 to vector<16xi1>
      %scan3A = arith.constant 0 : i32
      %scan3A_7 = arith.constant 0 : i32
      %scan3A_8 = arith.constant 256 : i32
      %scan3A_9 = arith.addi %scan3A_7, %scan3A_8 : i32
      %scan3A_10 = arith.constant 1 : i32
      %scan3A_11 = scf.for %scan3A_1433 = %scan3A_7 to %scan3A_9 step %scan3A_10 iter_args(%scan3A_1434 = %scan3A) -> (i32)  : i32 {
        %broadcast_in_dim3A_1435 = arith.constant 0 : i32
        %broadcast_in_dim3A_1436 = vector.broadcast %broadcast_in_dim3A_1435 : i32 to vector<16xi32>
        %mul3A_1437 = arith.constant 16 : i32
        %mul3A_1438 = arith.muli %scan3A_1433, %mul3A_1437 : i32
        %swap3A_1439 = arith.index_cast %mul3A_1438 : i32 to index
        %swap3A_1440 = tpu.vector_load %arg12[%swap3A_1439] {strides = array<i32>} : memref<4096xi32, #tpu.memory_space<vmem>>, vector<16xi32>,
        tpu.vector_store %arg12[%swap3A_1439], %broadcast_in_dim3A_1436 {strides = array<i32>} : memref<4096xi32, #tpu.memory_space<vmem>>, vector<16xi32>,
        %scan3A_1441 = arith.constant 0 : i32
        scf.yield %scan3A_1441 : i32
      }
      %scan3A_12 = arith.constant 256 : i32
      %scan3A_13 = arith.constant 0 : i32
      %scan3A_14 = arith.constant 0 : i32
      %scan3A_15 = arith.constant 1250 : i32
      %scan3A_16 = arith.addi %scan3A_14, %scan3A_15 : i32
      %scan3A_17 = arith.constant 1 : i32
      %scan3A_18 = scf.for %scan3A_1433 = %scan3A_14 to %scan3A_16 step %scan3A_17 iter_args(%scan3A_1434 = %scan3A_13) -> (i32)  : i32 {
        %mul3A_1435 = arith.constant 16 : i32
        %mul3A_1436 = arith.muli %scan3A_1433, %mul3A_1435 : i32
        %get3A_1437 = arith.index_cast %mul3A_1436 : i32 to index
        %get3A_1438 = tpu.vector_load %arg11[%get3A_1437] {strides = array<i32>} : memref<20000xf32, #tpu.memory_space<vmem>>, vector<16xf32>,
        %bitcast_convert_type3A = tpu.bitcast %get3A_1438 : vector<16xf32> -> vector<16xi32>
        %mul3A_1439 = arith.constant 16 : i32
        %mul3A_1440 = arith.muli %scan3A_1433, %mul3A_1439 : i32
        %add3A_1441 = vector.broadcast %mul3A_1440 : i32 to vector<16xi32>
        %add3A_1442 = arith.addi %add3A_1441, %iota3A : vector<16xi32>
        %shift_right_arithmetic3A_1443 = arith.constant 24 : i32
        %shift_right_arithmetic3A_1444 = vector.broadcast %shift_right_arithmetic3A_1443 : i32 to vector<16xi32>
        %shift_right_arithmetic3A_1445 = arith.shrsi %bitcast_convert_type3A, %shift_right_arithmetic3A_1444 : vector<16xi32>
        %and3A = arith.constant 255 : i32
        %and3A_1446 = vector.broadcast %and3A : i32 to vector<16xi32>
        %and3A_1447 = arith.andi %shift_right_arithmetic3A_1445, %and3A_1446 : vector<16xi32>
        %mul3A_1448 = arith.constant 16 : i32
        %mul3A_1449 = vector.broadcast %mul3A_1448 : i32 to vector<16xi32>
        %mul3A_1450 = arith.muli %and3A_1447, %mul3A_1449 : vector<16xi32>
        %add3A_1451 = arith.addi %mul3A_1450, %iota3A_4 : vector<16xi32>
        tpu.vector_store_idx %arg12[%add3A_1451], %broadcast_in_dim3A_3 masked %broadcast_in_dim3A_6 {add = true} : memref<4096xi32, #tpu.memory_space<vmem>>[vector<16xi32>], vector<16xi32>, vector<16xi1>
        %scan3A_1452 = arith.constant 0 : i32
        scf.yield %scan3A_1452 : i32
      }
      %scan3A_19 = arith.constant 1250 : i32
      %broadcast_in_dim3A_20 = arith.constant 0 : i32
      %broadcast_in_dim3A_21 = vector.broadcast %broadcast_in_dim3A_20 : i32 to vector<16xi32>
      %swap3A = arith.constant 4096 : index
      %swap3A_22 = tpu.vector_load %arg13[%swap3A] {strides = array<i32>} : memref<4112xi32, #tpu.memory_space<vmem>>, vector<16xi32>,
      tpu.vector_store %arg13[%swap3A], %broadcast_in_dim3A_21 {strides = array<i32>} : memref<4112xi32, #tpu.memory_space<vmem>>, vector<16xi32>,
      %broadcast_in_dim3A_23 = arith.constant 0 : i32
      %broadcast_in_dim3A_24 = vector.broadcast %broadcast_in_dim3A_23 : i32 to vector<16xi32>
      %scan3A_25 = arith.constant 0 : i32
      %scan3A_26 = arith.constant 256 : i32
      %scan3A_27 = arith.addi %scan3A_25, %scan3A_26 : i32
      %scan3A_28 = arith.constant 1 : i32
      %scan3A_29 = scf.for %scan3A_1433 = %scan3A_25 to %scan3A_27 step %scan3A_28 iter_args(%scan3A_1434 = %broadcast_in_dim3A_24) -> (vector<16xi32>)  : i32 {
        %sub3A_1435 = arith.constant 255 : i32
        %sub3A_1436 = arith.subi %sub3A_1435, %scan3A_1433 : i32
        %mul3A_1437 = arith.constant 16 : i32
        %mul3A_1438 = arith.muli %sub3A_1436, %mul3A_1437 : i32
        %get3A_1439 = arith.index_cast %mul3A_1438 : i32 to index
        %get3A_1440 = tpu.vector_load %arg12[%get3A_1439] {strides = array<i32>} : memref<4096xi32, #tpu.memory_space<vmem>>, vector<16xi32>,
        %add3A_1441 = arith.addi %scan3A_1434, %get3A_1440 : vector<16xi32>
        %mul3A_1442 = arith.constant 16 : i32
        %mul3A_1443 = arith.muli %sub3A_1436, %mul3A_1442 : i32
        %swap3A_1444 = arith.index_cast %mul3A_1443 : i32 to index
        %swap3A_1445 = tpu.vector_load %arg13[%swap3A_1444] {strides = array<i32>} : memref<4112xi32, #tpu.memory_space<vmem>>, vector<16xi32>,
        tpu.vector_store %arg13[%swap3A_1444], %add3A_1441 {strides = array<i32>} : memref<4112xi32, #tpu.memory_space<vmem>>, vector<16xi32>,
        scf.yield %add3A_1441 : vector<16xi32>
      }
      %scan3A_30 = arith.constant 256 : i32
      %add3A_31 = arith.constant 0 : i32
      %add3A_32 = arith.constant 128 : i32
      %add3A_33 = arith.addi %add3A_31, %add3A_32 : i32
      %mul3A_34 = arith.constant 16 : i32
      %mul3A_35 = arith.muli %add3A_33, %mul3A_34 : i32
      %get3A = arith.index_cast %mul3A_35 : i32 to index
      %get3A_36 = tpu.vector_load %arg13[%get3A] {strides = array<i32>} : memref<4112xi32, #tpu.memory_space<vmem>>, vector<16xi32>,
      %reduce_sum3A = arith.constant true
      %reduce_sum3A_37 = vector.broadcast %reduce_sum3A : i1 to vector<16xi1>
      %reduce_sum3A_38 = tpu.scan <sum>, %get3A_36 masked %reduce_sum3A_37 : vector<16xi32>, vector<16xi1> -> vector<16xi32>
      %reduce_sum3A_39 = vector.extract %reduce_sum3A_38[15] : i32 from vector<16xi32>
      %ge3A = arith.constant 100 : i32
      %ge3A_40 = arith.cmpi sge, %reduce_sum3A_39, %ge3A : i32
      %jit3A = arith.constant 0 : i32
      %select_n3A = arith.select %ge3A_40, %add3A_33, %jit3A : i32
      %add3A_41 = arith.constant 64 : i32
      %add3A_42 = arith.addi %select_n3A, %add3A_41 : i32
      %mul3A_43 = arith.constant 16 : i32
      %mul3A_44 = arith.muli %add3A_42, %mul3A_43 : i32
      %get3A_45 = arith.index_cast %mul3A_44 : i32 to index
      %get3A_46 = tpu.vector_load %arg13[%get3A_45] {strides = array<i32>} : memref<4112xi32, #tpu.memory_space<vmem>>, vector<16xi32>,
      %reduce_sum3A_47 = arith.constant true
      %reduce_sum3A_48 = vector.broadcast %reduce_sum3A_47 : i1 to vector<16xi1>
      %reduce_sum3A_49 = tpu.scan <sum>, %get3A_46 masked %reduce_sum3A_48 : vector<16xi32>, vector<16xi1> -> vector<16xi32>
      %reduce_sum3A_50 = vector.extract %reduce_sum3A_49[15] : i32 from vector<16xi32>
      %ge3A_51 = arith.constant 100 : i32
      %ge3A_52 = arith.cmpi sge, %reduce_sum3A_50, %ge3A_51 : i32
      %select_n3A_53 = arith.select %ge3A_52, %add3A_42, %select_n3A : i32
      %add3A_54 = arith.constant 32 : i32
      %add3A_55 = arith.addi %select_n3A_53, %add3A_54 : i32
      %mul3A_56 = arith.constant 16 : i32
      %mul3A_57 = arith.muli %add3A_55, %mul3A_56 : i32
      %get3A_58 = arith.index_cast %mul3A_57 : i32 to index
      %get3A_59 = tpu.vector_load %arg13[%get3A_58] {strides = array<i32>} : memref<4112xi32, #tpu.memory_space<vmem>>, vector<16xi32>,
      %reduce_sum3A_60 = arith.constant true
      %reduce_sum3A_61 = vector.broadcast %reduce_sum3A_60 : i1 to vector<16xi1>
      %reduce_sum3A_62 = tpu.scan <sum>, %get3A_59 masked %reduce_sum3A_61 : vector<16xi32>, vector<16xi1> -> vector<16xi32>
      %reduce_sum3A_63 = vector.extract %reduce_sum3A_62[15] : i32 from vector<16xi32>
      %ge3A_64 = arith.constant 100 : i32
      %ge3A_65 = arith.cmpi sge, %reduce_sum3A_63, %ge3A_64 : i32
      %select_n3A_66 = arith.select %ge3A_65, %add3A_55, %select_n3A_53 : i32
      %add3A_67 = arith.constant 16 : i32
      %add3A_68 = arith.addi %select_n3A_66, %add3A_67 : i32
      %mul3A_69 = arith.constant 16 : i32
      %mul3A_70 = arith.muli %add3A_68, %mul3A_69 : i32
      %get3A_71 = arith.index_cast %mul3A_70 : i32 to index
      %get3A_72 = tpu.vector_load %arg13[%get3A_71] {strides = array<i32>} : memref<4112xi32, #tpu.memory_space<vmem>>, vector<16xi32>,
      %reduce_sum3A_73 = arith.constant true
      %reduce_sum3A_74 = vector.broadcast %reduce_sum3A_73 : i1 to vector<16xi1>
      %reduce_sum3A_75 = tpu.scan <sum>, %get3A_72 masked %reduce_sum3A_74 : vector<16xi32>, vector<16xi1> -> vector<16xi32>
      %reduce_sum3A_76 = vector.extract %reduce_sum3A_75[15] : i32 from vector<16xi32>
      %ge3A_77 = arith.constant 100 : i32
      %ge3A_78 = arith.cmpi sge, %reduce_sum3A_76, %ge3A_77 : i32
      %select_n3A_79 = arith.select %ge3A_78, %add3A_68, %select_n3A_66 : i32
      %add3A_80 = arith.constant 8 : i32
      %add3A_81 = arith.addi %select_n3A_79, %add3A_80 : i32
      %mul3A_82 = arith.constant 16 : i32
      %mul3A_83 = arith.muli %add3A_81, %mul3A_82 : i32
      %get3A_84 = arith.index_cast %mul3A_83 : i32 to index
      %get3A_85 = tpu.vector_load %arg13[%get3A_84] {strides = array<i32>} : memref<4112xi32, #tpu.memory_space<vmem>>, vector<16xi32>,
      %reduce_sum3A_86 = arith.constant true
      %reduce_sum3A_87 = vector.broadcast %reduce_sum3A_86 : i1 to vector<16xi1>
      %reduce_sum3A_88 = tpu.scan <sum>, %get3A_85 masked %reduce_sum3A_87 : vector<16xi32>, vector<16xi1> -> vector<16xi32>
      %reduce_sum3A_89 = vector.extract %reduce_sum3A_88[15] : i32 from vector<16xi32>
      %ge3A_90 = arith.constant 100 : i32
      %ge3A_91 = arith.cmpi sge, %reduce_sum3A_89, %ge3A_90 : i32
      %select_n3A_92 = arith.select %ge3A_91, %add3A_81, %select_n3A_79 : i32
      %add3A_93 = arith.constant 4 : i32
      %add3A_94 = arith.addi %select_n3A_92, %add3A_93 : i32
      %mul3A_95 = arith.constant 16 : i32
      %mul3A_96 = arith.muli %add3A_94, %mul3A_95 : i32
      %get3A_97 = arith.index_cast %mul3A_96 : i32 to index
      %get3A_98 = tpu.vector_load %arg13[%get3A_97] {strides = array<i32>} : memref<4112xi32, #tpu.memory_space<vmem>>, vector<16xi32>,
      %reduce_sum3A_99 = arith.constant true
      %reduce_sum3A_100 = vector.broadcast %reduce_sum3A_99 : i1 to vector<16xi1>
      %reduce_sum3A_101 = tpu.scan <sum>, %get3A_98 masked %reduce_sum3A_100 : vector<16xi32>, vector<16xi1> -> vector<16xi32>
      %reduce_sum3A_102 = vector.extract %reduce_sum3A_101[15] : i32 from vector<16xi32>
      %ge3A_103 = arith.constant 100 : i32
      %ge3A_104 = arith.cmpi sge, %reduce_sum3A_102, %ge3A_103 : i32
      %select_n3A_105 = arith.select %ge3A_104, %add3A_94, %select_n3A_92 : i32
      %add3A_106 = arith.constant 2 : i32
      %add3A_107 = arith.addi %select_n3A_105, %add3A_106 : i32
      %mul3A_108 = arith.constant 16 : i32
      %mul3A_109 = arith.muli %add3A_107, %mul3A_108 : i32
      %get3A_110 = arith.index_cast %mul3A_109 : i32 to index
      %get3A_111 = tpu.vector_load %arg13[%get3A_110] {strides = array<i32>} : memref<4112xi32, #tpu.memory_space<vmem>>, vector<16xi32>,
      %reduce_sum3A_112 = arith.constant true
      %reduce_sum3A_113 = vector.broadcast %reduce_sum3A_112 : i1 to vector<16xi1>
      %reduce_sum3A_114 = tpu.scan <sum>, %get3A_111 masked %reduce_sum3A_113 : vector<16xi32>, vector<16xi1> -> vector<16xi32>
      %reduce_sum3A_115 = vector.extract %reduce_sum3A_114[15] : i32 from vector<16xi32>
      %ge3A_116 = arith.constant 100 : i32
      %ge3A_117 = arith.cmpi sge, %reduce_sum3A_115, %ge3A_116 : i32
      %select_n3A_118 = arith.select %ge3A_117, %add3A_107, %select_n3A_105 : i32
      %add3A_119 = arith.constant 1 : i32
      %add3A_120 = arith.addi %select_n3A_118, %add3A_119 : i32
      %mul3A_121 = arith.constant 16 : i32
      %mul3A_122 = arith.muli %add3A_120, %mul3A_121 : i32
      %get3A_123 = arith.index_cast %mul3A_122 : i32 to index
      %get3A_124 = tpu.vector_load %arg13[%get3A_123] {strides = array<i32>} : memref<4112xi32, #tpu.memory_space<vmem>>, vector<16xi32>,
      %reduce_sum3A_125 = arith.constant true
      %reduce_sum3A_126 = vector.broadcast %reduce_sum3A_125 : i1 to vector<16xi1>
      %reduce_sum3A_127 = tpu.scan <sum>, %get3A_124 masked %reduce_sum3A_126 : vector<16xi32>, vector<16xi1> -> vector<16xi32>
      %reduce_sum3A_128 = vector.extract %reduce_sum3A_127[15] : i32 from vector<16xi32>
      %ge3A_129 = arith.constant 100 : i32
      %ge3A_130 = arith.cmpi sge, %reduce_sum3A_128, %ge3A_129 : i32
      %select_n3A_131 = arith.select %ge3A_130, %add3A_120, %select_n3A_118 : i32
      %add3A_132 = arith.constant 1 : i32
      %add3A_133 = arith.addi %select_n3A_131, %add3A_132 : i32
      %mul3A_134 = arith.constant 16 : i32
      %mul3A_135 = arith.muli %add3A_133, %mul3A_134 : i32
      %get3A_136 = arith.index_cast %mul3A_135 : i32 to index
      %get3A_137 = tpu.vector_load %arg13[%get3A_136] {strides = array<i32>} : memref<4112xi32, #tpu.memory_space<vmem>>, vector<16xi32>,
      %reduce_sum3A_138 = arith.constant true
      %reduce_sum3A_139 = vector.broadcast %reduce_sum3A_138 : i1 to vector<16xi1>
      %reduce_sum3A_140 = tpu.scan <sum>, %get3A_137 masked %reduce_sum3A_139 : vector<16xi32>, vector<16xi1> -> vector<16xi32>
      %reduce_sum3A_141 = vector.extract %reduce_sum3A_140[15] : i32 from vector<16xi32>
      %sub3A = arith.constant 100 : i32
      %sub3A_142 = arith.subi %sub3A, %reduce_sum3A_141 : i32
      %shift_left3A = arith.constant 24 : i32
      %shift_left3A_143 = arith.shli %select_n3A_131, %shift_left3A : i32
      %or3A = arith.constant 0 : i32
      %or3A_144 = arith.ori %or3A, %shift_left3A_143 : i32
      %scan3A_145 = arith.constant 0 : i32
      %scan3A_146 = arith.constant 0 : i32
      %scan3A_147 = arith.constant 256 : i32
      %scan3A_148 = arith.addi %scan3A_146, %scan3A_147 : i32
      %scan3A_149 = arith.constant 1 : i32
      %scan3A_150 = scf.for %scan3A_1433 = %scan3A_146 to %scan3A_148 step %scan3A_149 iter_args(%scan3A_1434 = %scan3A_145) -> (i32)  : i32 {
        %broadcast_in_dim3A_1435 = arith.constant 0 : i32
        %broadcast_in_dim3A_1436 = vector.broadcast %broadcast_in_dim3A_1435 : i32 to vector<16xi32>
        %mul3A_1437 = arith.constant 16 : i32
        %mul3A_1438 = arith.muli %scan3A_1433, %mul3A_1437 : i32
        %swap3A_1439 = arith.index_cast %mul3A_1438 : i32 to index
        %swap3A_1440 = tpu.vector_load %arg12[%swap3A_1439] {strides = array<i32>} : memref<4096xi32, #tpu.memory_space<vmem>>, vector<16xi32>,
        tpu.vector_store %arg12[%swap3A_1439], %broadcast_in_dim3A_1436 {strides = array<i32>} : memref<4096xi32, #tpu.memory_space<vmem>>, vector<16xi32>,
        %scan3A_1441 = arith.constant 0 : i32
        scf.yield %scan3A_1441 : i32
      }
      %scan3A_151 = arith.constant 256 : i32
      %shift_right_arithmetic3A = arith.constant 24 : i32
      %shift_right_arithmetic3A_152 = arith.shrsi %or3A_144, %shift_right_arithmetic3A : i32
      %scan3A_153 = arith.constant 0 : i32
      %scan3A_154 = arith.constant 0 : i32
      %scan3A_155 = arith.constant 1250 : i32
      %scan3A_156 = arith.addi %scan3A_154, %scan3A_155 : i32
      %scan3A_157 = arith.constant 1 : i32
      %scan3A_158 = scf.for %scan3A_1433 = %scan3A_154 to %scan3A_156 step %scan3A_157 iter_args(%scan3A_1434 = %scan3A_153) -> (i32)  : i32 {
        %mul3A_1435 = arith.constant 16 : i32
        %mul3A_1436 = arith.muli %scan3A_1433, %mul3A_1435 : i32
        %get3A_1437 = arith.index_cast %mul3A_1436 : i32 to index
        %get3A_1438 = tpu.vector_load %arg11[%get3A_1437] {strides = array<i32>} : memref<20000xf32, #tpu.memory_space<vmem>>, vector<16xf32>,
        %bitcast_convert_type3A = tpu.bitcast %get3A_1438 : vector<16xf32> -> vector<16xi32>
        %mul3A_1439 = arith.constant 16 : i32
        %mul3A_1440 = arith.muli %scan3A_1433, %mul3A_1439 : i32
        %add3A_1441 = vector.broadcast %mul3A_1440 : i32 to vector<16xi32>
        %add3A_1442 = arith.addi %add3A_1441, %iota3A : vector<16xi32>
        %shift_right_arithmetic3A_1443 = arith.constant 16 : i32
        %shift_right_arithmetic3A_1444 = vector.broadcast %shift_right_arithmetic3A_1443 : i32 to vector<16xi32>
        %shift_right_arithmetic3A_1445 = arith.shrsi %bitcast_convert_type3A, %shift_right_arithmetic3A_1444 : vector<16xi32>
        %and3A = arith.constant 255 : i32
        %and3A_1446 = vector.broadcast %and3A : i32 to vector<16xi32>
        %and3A_1447 = arith.andi %shift_right_arithmetic3A_1445, %and3A_1446 : vector<16xi32>
        %shift_right_arithmetic3A_1448 = arith.constant 24 : i32
        %shift_right_arithmetic3A_1449 = vector.broadcast %shift_right_arithmetic3A_1448 : i32 to vector<16xi32>
        %shift_right_arithmetic3A_1450 = arith.shrsi %bitcast_convert_type3A, %shift_right_arithmetic3A_1449 : vector<16xi32>
        %eq3A_1451 = vector.broadcast %shift_right_arithmetic3A_152 : i32 to vector<16xi32>
        %eq3A_1452 = arith.cmpi eq, %shift_right_arithmetic3A_1450, %eq3A_1451 : vector<16xi32>
        %mul3A_1453 = arith.constant 16 : i32
        %mul3A_1454 = vector.broadcast %mul3A_1453 : i32 to vector<16xi32>
        %mul3A_1455 = arith.muli %and3A_1447, %mul3A_1454 : vector<16xi32>
        %add3A_1456 = arith.addi %mul3A_1455, %iota3A_4 : vector<16xi32>
        tpu.vector_store_idx %arg12[%add3A_1456], %broadcast_in_dim3A_3 masked %eq3A_1452 {add = true} : memref<4096xi32, #tpu.memory_space<vmem>>[vector<16xi32>], vector<16xi32>, vector<16xi1>
        %scan3A_1457 = arith.constant 0 : i32
        scf.yield %scan3A_1457 : i32
      }
      %scan3A_159 = arith.constant 1250 : i32
      %broadcast_in_dim3A_160 = arith.constant 0 : i32
      %broadcast_in_dim3A_161 = vector.broadcast %broadcast_in_dim3A_160 : i32 to vector<16xi32>
      %swap3A_162 = arith.constant 4096 : index
      %swap3A_163 = tpu.vector_load %arg13[%swap3A_162] {strides = array<i32>} : memref<4112xi32, #tpu.memory_space<vmem>>, vector<16xi32>,
      tpu.vector_store %arg13[%swap3A_162], %broadcast_in_dim3A_161 {strides = array<i32>} : memref<4112xi32, #tpu.memory_space<vmem>>, vector<16xi32>,
      %broadcast_in_dim3A_164 = arith.constant 0 : i32
      %broadcast_in_dim3A_165 = vector.broadcast %broadcast_in_dim3A_164 : i32 to vector<16xi32>
      %scan3A_166 = arith.constant 0 : i32
      %scan3A_167 = arith.constant 256 : i32
      %scan3A_168 = arith.addi %scan3A_166, %scan3A_167 : i32
      %scan3A_169 = arith.constant 1 : i32
      %scan3A_170 = scf.for %scan3A_1433 = %scan3A_166 to %scan3A_168 step %scan3A_169 iter_args(%scan3A_1434 = %broadcast_in_dim3A_165) -> (vector<16xi32>)  : i32 {
        %sub3A_1435 = arith.constant 255 : i32
        %sub3A_1436 = arith.subi %sub3A_1435, %scan3A_1433 : i32
        %mul3A_1437 = arith.constant 16 : i32
        %mul3A_1438 = arith.muli %sub3A_1436, %mul3A_1437 : i32
        %get3A_1439 = arith.index_cast %mul3A_1438 : i32 to index
        %get3A_1440 = tpu.vector_load %arg12[%get3A_1439] {strides = array<i32>} : memref<4096xi32, #tpu.memory_space<vmem>>, vector<16xi32>,
        %add3A_1441 = arith.addi %scan3A_1434, %get3A_1440 : vector<16xi32>
        %mul3A_1442 = arith.constant 16 : i32
        %mul3A_1443 = arith.muli %sub3A_1436, %mul3A_1442 : i32
        %swap3A_1444 = arith.index_cast %mul3A_1443 : i32 to index
        %swap3A_1445 = tpu.vector_load %arg13[%swap3A_1444] {strides = array<i32>} : memref<4112xi32, #tpu.memory_space<vmem>>, vector<16xi32>,
        tpu.vector_store %arg13[%swap3A_1444], %add3A_1441 {strides = array<i32>} : memref<4112xi32, #tpu.memory_space<vmem>>, vector<16xi32>,
        scf.yield %add3A_1441 : vector<16xi32>
      }
      %scan3A_171 = arith.constant 256 : i32
      %add3A_172 = arith.constant 0 : i32
      %add3A_173 = arith.constant 128 : i32
      %add3A_174 = arith.addi %add3A_172, %add3A_173 : i32
      %mul3A_175 = arith.constant 16 : i32
      %mul3A_176 = arith.muli %add3A_174, %mul3A_175 : i32
      %get3A_177 = arith.index_cast %mul3A_176 : i32 to index
      %get3A_178 = tpu.vector_load %arg13[%get3A_177] {strides = array<i32>} : memref<4112xi32, #tpu.memory_space<vmem>>, vector<16xi32>,
      %reduce_sum3A_179 = arith.constant true
      %reduce_sum3A_180 = vector.broadcast %reduce_sum3A_179 : i1 to vector<16xi1>
      %reduce_sum3A_181 = tpu.scan <sum>, %get3A_178 masked %reduce_sum3A_180 : vector<16xi32>, vector<16xi1> -> vector<16xi32>
      %reduce_sum3A_182 = vector.extract %reduce_sum3A_181[15] : i32 from vector<16xi32>
      %ge3A_183 = arith.cmpi sge, %reduce_sum3A_182, %sub3A_142 : i32
      %jit3A_184 = arith.constant 0 : i32
      %select_n3A_185 = arith.select %ge3A_183, %add3A_174, %jit3A_184 : i32
      %add3A_186 = arith.constant 64 : i32
      %add3A_187 = arith.addi %select_n3A_185, %add3A_186 : i32
      %mul3A_188 = arith.constant 16 : i32
      %mul3A_189 = arith.muli %add3A_187, %mul3A_188 : i32
      %get3A_190 = arith.index_cast %mul3A_189 : i32 to index
      %get3A_191 = tpu.vector_load %arg13[%get3A_190] {strides = array<i32>} : memref<4112xi32, #tpu.memory_space<vmem>>, vector<16xi32>,
      %reduce_sum3A_192 = arith.constant true
      %reduce_sum3A_193 = vector.broadcast %reduce_sum3A_192 : i1 to vector<16xi1>
      %reduce_sum3A_194 = tpu.scan <sum>, %get3A_191 masked %reduce_sum3A_193 : vector<16xi32>, vector<16xi1> -> vector<16xi32>
      %reduce_sum3A_195 = vector.extract %reduce_sum3A_194[15] : i32 from vector<16xi32>
      %ge3A_196 = arith.cmpi sge, %reduce_sum3A_195, %sub3A_142 : i32
      %select_n3A_197 = arith.select %ge3A_196, %add3A_187, %select_n3A_185 : i32
      %add3A_198 = arith.constant 32 : i32
      %add3A_199 = arith.addi %select_n3A_197, %add3A_198 : i32
      %mul3A_200 = arith.constant 16 : i32
      %mul3A_201 = arith.muli %add3A_199, %mul3A_200 : i32
      %get3A_202 = arith.index_cast %mul3A_201 : i32 to index
      %get3A_203 = tpu.vector_load %arg13[%get3A_202] {strides = array<i32>} : memref<4112xi32, #tpu.memory_space<vmem>>, vector<16xi32>,
      %reduce_sum3A_204 = arith.constant true
      %reduce_sum3A_205 = vector.broadcast %reduce_sum3A_204 : i1 to vector<16xi1>
      %reduce_sum3A_206 = tpu.scan <sum>, %get3A_203 masked %reduce_sum3A_205 : vector<16xi32>, vector<16xi1> -> vector<16xi32>
      %reduce_sum3A_207 = vector.extract %reduce_sum3A_206[15] : i32 from vector<16xi32>
      %ge3A_208 = arith.cmpi sge, %reduce_sum3A_207, %sub3A_142 : i32
      %select_n3A_209 = arith.select %ge3A_208, %add3A_199, %select_n3A_197 : i32
      %add3A_210 = arith.constant 16 : i32
      %add3A_211 = arith.addi %select_n3A_209, %add3A_210 : i32
      %mul3A_212 = arith.constant 16 : i32
      %mul3A_213 = arith.muli %add3A_211, %mul3A_212 : i32
      %get3A_214 = arith.index_cast %mul3A_213 : i32 to index
      %get3A_215 = tpu.vector_load %arg13[%get3A_214] {strides = array<i32>} : memref<4112xi32, #tpu.memory_space<vmem>>, vector<16xi32>,
      %reduce_sum3A_216 = arith.constant true
      %reduce_sum3A_217 = vector.broadcast %reduce_sum3A_216 : i1 to vector<16xi1>
      %reduce_sum3A_218 = tpu.scan <sum>, %get3A_215 masked %reduce_sum3A_217 : vector<16xi32>, vector<16xi1> -> vector<16xi32>
      %reduce_sum3A_219 = vector.extract %reduce_sum3A_218[15] : i32 from vector<16xi32>
      %ge3A_220 = arith.cmpi sge, %reduce_sum3A_219, %sub3A_142 : i32
      %select_n3A_221 = arith.select %ge3A_220, %add3A_211, %select_n3A_209 : i32
      %add3A_222 = arith.constant 8 : i32
      %add3A_223 = arith.addi %select_n3A_221, %add3A_222 : i32
      %mul3A_224 = arith.constant 16 : i32
      %mul3A_225 = arith.muli %add3A_223, %mul3A_224 : i32
      %get3A_226 = arith.index_cast %mul3A_225 : i32 to index
      %get3A_227 = tpu.vector_load %arg13[%get3A_226] {strides = array<i32>} : memref<4112xi32, #tpu.memory_space<vmem>>, vector<16xi32>,
      %reduce_sum3A_228 = arith.constant true
      %reduce_sum3A_229 = vector.broadcast %reduce_sum3A_228 : i1 to vector<16xi1>
      %reduce_sum3A_230 = tpu.scan <sum>, %get3A_227 masked %reduce_sum3A_229 : vector<16xi32>, vector<16xi1> -> vector<16xi32>
      %reduce_sum3A_231 = vector.extract %reduce_sum3A_230[15] : i32 from vector<16xi32>
      %ge3A_232 = arith.cmpi sge, %reduce_sum3A_231, %sub3A_142 : i32
      %select_n3A_233 = arith.select %ge3A_232, %add3A_223, %select_n3A_221 : i32
      %add3A_234 = arith.constant 4 : i32
      %add3A_235 = arith.addi %select_n3A_233, %add3A_234 : i32
      %mul3A_236 = arith.constant 16 : i32
      %mul3A_237 = arith.muli %add3A_235, %mul3A_236 : i32
      %get3A_238 = arith.index_cast %mul3A_237 : i32 to index
      %get3A_239 = tpu.vector_load %arg13[%get3A_238] {strides = array<i32>} : memref<4112xi32, #tpu.memory_space<vmem>>, vector<16xi32>,
      %reduce_sum3A_240 = arith.constant true
      %reduce_sum3A_241 = vector.broadcast %reduce_sum3A_240 : i1 to vector<16xi1>
      %reduce_sum3A_242 = tpu.scan <sum>, %get3A_239 masked %reduce_sum3A_241 : vector<16xi32>, vector<16xi1> -> vector<16xi32>
      %reduce_sum3A_243 = vector.extract %reduce_sum3A_242[15] : i32 from vector<16xi32>
      %ge3A_244 = arith.cmpi sge, %reduce_sum3A_243, %sub3A_142 : i32
      %select_n3A_245 = arith.select %ge3A_244, %add3A_235, %select_n3A_233 : i32
      %add3A_246 = arith.constant 2 : i32
      %add3A_247 = arith.addi %select_n3A_245, %add3A_246 : i32
      %mul3A_248 = arith.constant 16 : i32
      %mul3A_249 = arith.muli %add3A_247, %mul3A_248 : i32
      %get3A_250 = arith.index_cast %mul3A_249 : i32 to index
      %get3A_251 = tpu.vector_load %arg13[%get3A_250] {strides = array<i32>} : memref<4112xi32, #tpu.memory_space<vmem>>, vector<16xi32>,
      %reduce_sum3A_252 = arith.constant true
      %reduce_sum3A_253 = vector.broadcast %reduce_sum3A_252 : i1 to vector<16xi1>
      %reduce_sum3A_254 = tpu.scan <sum>, %get3A_251 masked %reduce_sum3A_253 : vector<16xi32>, vector<16xi1> -> vector<16xi32>
      %reduce_sum3A_255 = vector.extract %reduce_sum3A_254[15] : i32 from vector<16xi32>
      %ge3A_256 = arith.cmpi sge, %reduce_sum3A_255, %sub3A_142 : i32
      %select_n3A_257 = arith.select %ge3A_256, %add3A_247, %select_n3A_245 : i32
      %add3A_258 = arith.constant 1 : i32
      %add3A_259 = arith.addi %select_n3A_257, %add3A_258 : i32
      %mul3A_260 = arith.constant 16 : i32
      %mul3A_261 = arith.muli %add3A_259, %mul3A_260 : i32
      %get3A_262 = arith.index_cast %mul3A_261 : i32 to index
      %get3A_263 = tpu.vector_load %arg13[%get3A_262] {strides = array<i32>} : memref<4112xi32, #tpu.memory_space<vmem>>, vector<16xi32>,
      %reduce_sum3A_264 = arith.constant true
      %reduce_sum3A_265 = vector.broadcast %reduce_sum3A_264 : i1 to vector<16xi1>
      %reduce_sum3A_266 = tpu.scan <sum>, %get3A_263 masked %reduce_sum3A_265 : vector<16xi32>, vector<16xi1> -> vector<16xi32>
      %reduce_sum3A_267 = vector.extract %reduce_sum3A_266[15] : i32 from vector<16xi32>
      %ge3A_268 = arith.cmpi sge, %reduce_sum3A_267, %sub3A_142 : i32
      %select_n3A_269 = arith.select %ge3A_268, %add3A_259, %select_n3A_257 : i32
      %add3A_270 = arith.constant 1 : i32
      %add3A_271 = arith.addi %select_n3A_269, %add3A_270 : i32
      %mul3A_272 = arith.constant 16 : i32
      %mul3A_273 = arith.muli %add3A_271, %mul3A_272 : i32
      %get3A_274 = arith.index_cast %mul3A_273 : i32 to index
      %get3A_275 = tpu.vector_load %arg13[%get3A_274] {strides = array<i32>} : memref<4112xi32, #tpu.memory_space<vmem>>, vector<16xi32>,
      %reduce_sum3A_276 = arith.constant true
      %reduce_sum3A_277 = vector.broadcast %reduce_sum3A_276 : i1 to vector<16xi1>
      %reduce_sum3A_278 = tpu.scan <sum>, %get3A_275 masked %reduce_sum3A_277 : vector<16xi32>, vector<16xi1> -> vector<16xi32>
      %reduce_sum3A_279 = vector.extract %reduce_sum3A_278[15] : i32 from vector<16xi32>
      %sub3A_280 = arith.subi %sub3A_142, %reduce_sum3A_279 : i32
      %shift_left3A_281 = arith.constant 16 : i32
      %shift_left3A_282 = arith.shli %select_n3A_269, %shift_left3A_281 : i32
      %or3A_283 = arith.ori %or3A_144, %shift_left3A_282 : i32
      %scan3A_284 = arith.constant 0 : i32
      %scan3A_285 = arith.constant 0 : i32
      %scan3A_286 = arith.constant 256 : i32
      %scan3A_287 = arith.addi %scan3A_285, %scan3A_286 : i32
      %scan3A_288 = arith.constant 1 : i32
      %scan3A_289 = scf.for %scan3A_1433 = %scan3A_285 to %scan3A_287 step %scan3A_288 iter_args(%scan3A_1434 = %scan3A_284) -> (i32)  : i32 {
        %broadcast_in_dim3A_1435 = arith.constant 0 : i32
        %broadcast_in_dim3A_1436 = vector.broadcast %broadcast_in_dim3A_1435 : i32 to vector<16xi32>
        %mul3A_1437 = arith.constant 16 : i32
        %mul3A_1438 = arith.muli %scan3A_1433, %mul3A_1437 : i32
        %swap3A_1439 = arith.index_cast %mul3A_1438 : i32 to index
        %swap3A_1440 = tpu.vector_load %arg12[%swap3A_1439] {strides = array<i32>} : memref<4096xi32, #tpu.memory_space<vmem>>, vector<16xi32>,
        tpu.vector_store %arg12[%swap3A_1439], %broadcast_in_dim3A_1436 {strides = array<i32>} : memref<4096xi32, #tpu.memory_space<vmem>>, vector<16xi32>,
        %scan3A_1441 = arith.constant 0 : i32
        scf.yield %scan3A_1441 : i32
      }
      %scan3A_290 = arith.constant 256 : i32
      %shift_right_arithmetic3A_291 = arith.constant 16 : i32
      %shift_right_arithmetic3A_292 = arith.shrsi %or3A_283, %shift_right_arithmetic3A_291 : i32
      %scan3A_293 = arith.constant 0 : i32
      %scan3A_294 = arith.constant 0 : i32
      %scan3A_295 = arith.constant 1250 : i32
      %scan3A_296 = arith.addi %scan3A_294, %scan3A_295 : i32
      %scan3A_297 = arith.constant 1 : i32
      %scan3A_298 = scf.for %scan3A_1433 = %scan3A_294 to %scan3A_296 step %scan3A_297 iter_args(%scan3A_1434 = %scan3A_293) -> (i32)  : i32 {
        %mul3A_1435 = arith.constant 16 : i32
        %mul3A_1436 = arith.muli %scan3A_1433, %mul3A_1435 : i32
        %get3A_1437 = arith.index_cast %mul3A_1436 : i32 to index
        %get3A_1438 = tpu.vector_load %arg11[%get3A_1437] {strides = array<i32>} : memref<20000xf32, #tpu.memory_space<vmem>>, vector<16xf32>,
        %bitcast_convert_type3A = tpu.bitcast %get3A_1438 : vector<16xf32> -> vector<16xi32>
        %mul3A_1439 = arith.constant 16 : i32
        %mul3A_1440 = arith.muli %scan3A_1433, %mul3A_1439 : i32
        %add3A_1441 = vector.broadcast %mul3A_1440 : i32 to vector<16xi32>
        %add3A_1442 = arith.addi %add3A_1441, %iota3A : vector<16xi32>
        %shift_right_arithmetic3A_1443 = arith.constant 8 : i32
        %shift_right_arithmetic3A_1444 = vector.broadcast %shift_right_arithmetic3A_1443 : i32 to vector<16xi32>
        %shift_right_arithmetic3A_1445 = arith.shrsi %bitcast_convert_type3A, %shift_right_arithmetic3A_1444 : vector<16xi32>
        %and3A = arith.constant 255 : i32
        %and3A_1446 = vector.broadcast %and3A : i32 to vector<16xi32>
        %and3A_1447 = arith.andi %shift_right_arithmetic3A_1445, %and3A_1446 : vector<16xi32>
        %shift_right_arithmetic3A_1448 = arith.constant 16 : i32
        %shift_right_arithmetic3A_1449 = vector.broadcast %shift_right_arithmetic3A_1448 : i32 to vector<16xi32>
        %shift_right_arithmetic3A_1450 = arith.shrsi %bitcast_convert_type3A, %shift_right_arithmetic3A_1449 : vector<16xi32>
        %eq3A_1451 = vector.broadcast %shift_right_arithmetic3A_292 : i32 to vector<16xi32>
        %eq3A_1452 = arith.cmpi eq, %shift_right_arithmetic3A_1450, %eq3A_1451 : vector<16xi32>
        %mul3A_1453 = arith.constant 16 : i32
        %mul3A_1454 = vector.broadcast %mul3A_1453 : i32 to vector<16xi32>
        %mul3A_1455 = arith.muli %and3A_1447, %mul3A_1454 : vector<16xi32>
        %add3A_1456 = arith.addi %mul3A_1455, %iota3A_4 : vector<16xi32>
        tpu.vector_store_idx %arg12[%add3A_1456], %broadcast_in_dim3A_3 masked %eq3A_1452 {add = true} : memref<4096xi32, #tpu.memory_space<vmem>>[vector<16xi32>], vector<16xi32>, vector<16xi1>
        %scan3A_1457 = arith.constant 0 : i32
        scf.yield %scan3A_1457 : i32
      }
      %scan3A_299 = arith.constant 1250 : i32
      %broadcast_in_dim3A_300 = arith.constant 0 : i32
      %broadcast_in_dim3A_301 = vector.broadcast %broadcast_in_dim3A_300 : i32 to vector<16xi32>
      %swap3A_302 = arith.constant 4096 : index
      %swap3A_303 = tpu.vector_load %arg13[%swap3A_302] {strides = array<i32>} : memref<4112xi32, #tpu.memory_space<vmem>>, vector<16xi32>,
      tpu.vector_store %arg13[%swap3A_302], %broadcast_in_dim3A_301 {strides = array<i32>} : memref<4112xi32, #tpu.memory_space<vmem>>, vector<16xi32>,
      %broadcast_in_dim3A_304 = arith.constant 0 : i32
      %broadcast_in_dim3A_305 = vector.broadcast %broadcast_in_dim3A_304 : i32 to vector<16xi32>
      %scan3A_306 = arith.constant 0 : i32
      %scan3A_307 = arith.constant 256 : i32
      %scan3A_308 = arith.addi %scan3A_306, %scan3A_307 : i32
      %scan3A_309 = arith.constant 1 : i32
      %scan3A_310 = scf.for %scan3A_1433 = %scan3A_306 to %scan3A_308 step %scan3A_309 iter_args(%scan3A_1434 = %broadcast_in_dim3A_305) -> (vector<16xi32>)  : i32 {
        %sub3A_1435 = arith.constant 255 : i32
        %sub3A_1436 = arith.subi %sub3A_1435, %scan3A_1433 : i32
        %mul3A_1437 = arith.constant 16 : i32
        %mul3A_1438 = arith.muli %sub3A_1436, %mul3A_1437 : i32
        %get3A_1439 = arith.index_cast %mul3A_1438 : i32 to index
        %get3A_1440 = tpu.vector_load %arg12[%get3A_1439] {strides = array<i32>} : memref<4096xi32, #tpu.memory_space<vmem>>, vector<16xi32>,
        %add3A_1441 = arith.addi %scan3A_1434, %get3A_1440 : vector<16xi32>
        %mul3A_1442 = arith.constant 16 : i32
        %mul3A_1443 = arith.muli %sub3A_1436, %mul3A_1442 : i32
        %swap3A_1444 = arith.index_cast %mul3A_1443 : i32 to index
        %swap3A_1445 = tpu.vector_load %arg13[%swap3A_1444] {strides = array<i32>} : memref<4112xi32, #tpu.memory_space<vmem>>, vector<16xi32>,
        tpu.vector_store %arg13[%swap3A_1444], %add3A_1441 {strides = array<i32>} : memref<4112xi32, #tpu.memory_space<vmem>>, vector<16xi32>,
        scf.yield %add3A_1441 : vector<16xi32>
      }
      %scan3A_311 = arith.constant 256 : i32
      %add3A_312 = arith.constant 0 : i32
      %add3A_313 = arith.constant 128 : i32
      %add3A_314 = arith.addi %add3A_312, %add3A_313 : i32
      %mul3A_315 = arith.constant 16 : i32
      %mul3A_316 = arith.muli %add3A_314, %mul3A_315 : i32
      %get3A_317 = arith.index_cast %mul3A_316 : i32 to index
      %get3A_318 = tpu.vector_load %arg13[%get3A_317] {strides = array<i32>} : memref<4112xi32, #tpu.memory_space<vmem>>, vector<16xi32>,
      %reduce_sum3A_319 = arith.constant true
      %reduce_sum3A_320 = vector.broadcast %reduce_sum3A_319 : i1 to vector<16xi1>
      %reduce_sum3A_321 = tpu.scan <sum>, %get3A_318 masked %reduce_sum3A_320 : vector<16xi32>, vector<16xi1> -> vector<16xi32>
      %reduce_sum3A_322 = vector.extract %reduce_sum3A_321[15] : i32 from vector<16xi32>
      %ge3A_323 = arith.cmpi sge, %reduce_sum3A_322, %sub3A_280 : i32
      %jit3A_324 = arith.constant 0 : i32
      %select_n3A_325 = arith.select %ge3A_323, %add3A_314, %jit3A_324 : i32
      %add3A_326 = arith.constant 64 : i32
      %add3A_327 = arith.addi %select_n3A_325, %add3A_326 : i32
      %mul3A_328 = arith.constant 16 : i32
      %mul3A_329 = arith.muli %add3A_327, %mul3A_328 : i32
      %get3A_330 = arith.index_cast %mul3A_329 : i32 to index
      %get3A_331 = tpu.vector_load %arg13[%get3A_330] {strides = array<i32>} : memref<4112xi32, #tpu.memory_space<vmem>>, vector<16xi32>,
      %reduce_sum3A_332 = arith.constant true
      %reduce_sum3A_333 = vector.broadcast %reduce_sum3A_332 : i1 to vector<16xi1>
      %reduce_sum3A_334 = tpu.scan <sum>, %get3A_331 masked %reduce_sum3A_333 : vector<16xi32>, vector<16xi1> -> vector<16xi32>
      %reduce_sum3A_335 = vector.extract %reduce_sum3A_334[15] : i32 from vector<16xi32>
      %ge3A_336 = arith.cmpi sge, %reduce_sum3A_335, %sub3A_280 : i32
      %select_n3A_337 = arith.select %ge3A_336, %add3A_327, %select_n3A_325 : i32
      %add3A_338 = arith.constant 32 : i32
      %add3A_339 = arith.addi %select_n3A_337, %add3A_338 : i32
      %mul3A_340 = arith.constant 16 : i32
      %mul3A_341 = arith.muli %add3A_339, %mul3A_340 : i32
      %get3A_342 = arith.index_cast %mul3A_341 : i32 to index
      %get3A_343 = tpu.vector_load %arg13[%get3A_342] {strides = array<i32>} : memref<4112xi32, #tpu.memory_space<vmem>>, vector<16xi32>,
      %reduce_sum3A_344 = arith.constant true
      %reduce_sum3A_345 = vector.broadcast %reduce_sum3A_344 : i1 to vector<16xi1>
      %reduce_sum3A_346 = tpu.scan <sum>, %get3A_343 masked %reduce_sum3A_345 : vector<16xi32>, vector<16xi1> -> vector<16xi32>
      %reduce_sum3A_347 = vector.extract %reduce_sum3A_346[15] : i32 from vector<16xi32>
      %ge3A_348 = arith.cmpi sge, %reduce_sum3A_347, %sub3A_280 : i32
      %select_n3A_349 = arith.select %ge3A_348, %add3A_339, %select_n3A_337 : i32
      %add3A_350 = arith.constant 16 : i32
      %add3A_351 = arith.addi %select_n3A_349, %add3A_350 : i32
      %mul3A_352 = arith.constant 16 : i32
      %mul3A_353 = arith.muli %add3A_351, %mul3A_352 : i32
      %get3A_354 = arith.index_cast %mul3A_353 : i32 to index
      %get3A_355 = tpu.vector_load %arg13[%get3A_354] {strides = array<i32>} : memref<4112xi32, #tpu.memory_space<vmem>>, vector<16xi32>,
      %reduce_sum3A_356 = arith.constant true
      %reduce_sum3A_357 = vector.broadcast %reduce_sum3A_356 : i1 to vector<16xi1>
      %reduce_sum3A_358 = tpu.scan <sum>, %get3A_355 masked %reduce_sum3A_357 : vector<16xi32>, vector<16xi1> -> vector<16xi32>
      %reduce_sum3A_359 = vector.extract %reduce_sum3A_358[15] : i32 from vector<16xi32>
      %ge3A_360 = arith.cmpi sge, %reduce_sum3A_359, %sub3A_280 : i32
      %select_n3A_361 = arith.select %ge3A_360, %add3A_351, %select_n3A_349 : i32
      %add3A_362 = arith.constant 8 : i32
      %add3A_363 = arith.addi %select_n3A_361, %add3A_362 : i32
      %mul3A_364 = arith.constant 16 : i32
      %mul3A_365 = arith.muli %add3A_363, %mul3A_364 : i32
      %get3A_366 = arith.index_cast %mul3A_365 : i32 to index
      %get3A_367 = tpu.vector_load %arg13[%get3A_366] {strides = array<i32>} : memref<4112xi32, #tpu.memory_space<vmem>>, vector<16xi32>,
      %reduce_sum3A_368 = arith.constant true
      %reduce_sum3A_369 = vector.broadcast %reduce_sum3A_368 : i1 to vector<16xi1>
      %reduce_sum3A_370 = tpu.scan <sum>, %get3A_367 masked %reduce_sum3A_369 : vector<16xi32>, vector<16xi1> -> vector<16xi32>
      %reduce_sum3A_371 = vector.extract %reduce_sum3A_370[15] : i32 from vector<16xi32>
      %ge3A_372 = arith.cmpi sge, %reduce_sum3A_371, %sub3A_280 : i32
      %select_n3A_373 = arith.select %ge3A_372, %add3A_363, %select_n3A_361 : i32
      %add3A_374 = arith.constant 4 : i32
      %add3A_375 = arith.addi %select_n3A_373, %add3A_374 : i32
      %mul3A_376 = arith.constant 16 : i32
      %mul3A_377 = arith.muli %add3A_375, %mul3A_376 : i32
      %get3A_378 = arith.index_cast %mul3A_377 : i32 to index
      %get3A_379 = tpu.vector_load %arg13[%get3A_378] {strides = array<i32>} : memref<4112xi32, #tpu.memory_space<vmem>>, vector<16xi32>,
      %reduce_sum3A_380 = arith.constant true
      %reduce_sum3A_381 = vector.broadcast %reduce_sum3A_380 : i1 to vector<16xi1>
      %reduce_sum3A_382 = tpu.scan <sum>, %get3A_379 masked %reduce_sum3A_381 : vector<16xi32>, vector<16xi1> -> vector<16xi32>
      %reduce_sum3A_383 = vector.extract %reduce_sum3A_382[15] : i32 from vector<16xi32>
      %ge3A_384 = arith.cmpi sge, %reduce_sum3A_383, %sub3A_280 : i32
      %select_n3A_385 = arith.select %ge3A_384, %add3A_375, %select_n3A_373 : i32
      %add3A_386 = arith.constant 2 : i32
      %add3A_387 = arith.addi %select_n3A_385, %add3A_386 : i32
      %mul3A_388 = arith.constant 16 : i32
      %mul3A_389 = arith.muli %add3A_387, %mul3A_388 : i32
      %get3A_390 = arith.index_cast %mul3A_389 : i32 to index
      %get3A_391 = tpu.vector_load %arg13[%get3A_390] {strides = array<i32>} : memref<4112xi32, #tpu.memory_space<vmem>>, vector<16xi32>,
      %reduce_sum3A_392 = arith.constant true
      %reduce_sum3A_393 = vector.broadcast %reduce_sum3A_392 : i1 to vector<16xi1>
      %reduce_sum3A_394 = tpu.scan <sum>, %get3A_391 masked %reduce_sum3A_393 : vector<16xi32>, vector<16xi1> -> vector<16xi32>
      %reduce_sum3A_395 = vector.extract %reduce_sum3A_394[15] : i32 from vector<16xi32>
      %ge3A_396 = arith.cmpi sge, %reduce_sum3A_395, %sub3A_280 : i32
      %select_n3A_397 = arith.select %ge3A_396, %add3A_387, %select_n3A_385 : i32
      %add3A_398 = arith.constant 1 : i32
      %add3A_399 = arith.addi %select_n3A_397, %add3A_398 : i32
      %mul3A_400 = arith.constant 16 : i32
      %mul3A_401 = arith.muli %add3A_399, %mul3A_400 : i32
      %get3A_402 = arith.index_cast %mul3A_401 : i32 to index
      %get3A_403 = tpu.vector_load %arg13[%get3A_402] {strides = array<i32>} : memref<4112xi32, #tpu.memory_space<vmem>>, vector<16xi32>,
      %reduce_sum3A_404 = arith.constant true
      %reduce_sum3A_405 = vector.broadcast %reduce_sum3A_404 : i1 to vector<16xi1>
      %reduce_sum3A_406 = tpu.scan <sum>, %get3A_403 masked %reduce_sum3A_405 : vector<16xi32>, vector<16xi1> -> vector<16xi32>
      %reduce_sum3A_407 = vector.extract %reduce_sum3A_406[15] : i32 from vector<16xi32>
      %ge3A_408 = arith.cmpi sge, %reduce_sum3A_407, %sub3A_280 : i32
      %select_n3A_409 = arith.select %ge3A_408, %add3A_399, %select_n3A_397 : i32
      %add3A_410 = arith.constant 1 : i32
      %add3A_411 = arith.addi %select_n3A_409, %add3A_410 : i32
      %mul3A_412 = arith.constant 16 : i32
      %mul3A_413 = arith.muli %add3A_411, %mul3A_412 : i32
      %get3A_414 = arith.index_cast %mul3A_413 : i32 to index
      %get3A_415 = tpu.vector_load %arg13[%get3A_414] {strides = array<i32>} : memref<4112xi32, #tpu.memory_space<vmem>>, vector<16xi32>,
      %reduce_sum3A_416 = arith.constant true
      %reduce_sum3A_417 = vector.broadcast %reduce_sum3A_416 : i1 to vector<16xi1>
      %reduce_sum3A_418 = tpu.scan <sum>, %get3A_415 masked %reduce_sum3A_417 : vector<16xi32>, vector<16xi1> -> vector<16xi32>
      %reduce_sum3A_419 = vector.extract %reduce_sum3A_418[15] : i32 from vector<16xi32>
      %sub3A_420 = arith.subi %sub3A_280, %reduce_sum3A_419 : i32
      %shift_left3A_421 = arith.constant 8 : i32
      %shift_left3A_422 = arith.shli %select_n3A_409, %shift_left3A_421 : i32
      %or3A_423 = arith.ori %or3A_283, %shift_left3A_422 : i32
      %scan3A_424 = arith.constant 0 : i32
      %scan3A_425 = arith.constant 0 : i32
      %scan3A_426 = arith.constant 256 : i32
      %scan3A_427 = arith.addi %scan3A_425, %scan3A_426 : i32
      %scan3A_428 = arith.constant 1 : i32
      %scan3A_429 = scf.for %scan3A_1433 = %scan3A_425 to %scan3A_427 step %scan3A_428 iter_args(%scan3A_1434 = %scan3A_424) -> (i32)  : i32 {
        %broadcast_in_dim3A_1435 = arith.constant 0 : i32
        %broadcast_in_dim3A_1436 = vector.broadcast %broadcast_in_dim3A_1435 : i32 to vector<16xi32>
        %mul3A_1437 = arith.constant 16 : i32
        %mul3A_1438 = arith.muli %scan3A_1433, %mul3A_1437 : i32
        %swap3A_1439 = arith.index_cast %mul3A_1438 : i32 to index
        %swap3A_1440 = tpu.vector_load %arg12[%swap3A_1439] {strides = array<i32>} : memref<4096xi32, #tpu.memory_space<vmem>>, vector<16xi32>,
        tpu.vector_store %arg12[%swap3A_1439], %broadcast_in_dim3A_1436 {strides = array<i32>} : memref<4096xi32, #tpu.memory_space<vmem>>, vector<16xi32>,
        %scan3A_1441 = arith.constant 0 : i32
        scf.yield %scan3A_1441 : i32
      }
      %scan3A_430 = arith.constant 256 : i32
      %shift_right_arithmetic3A_431 = arith.constant 8 : i32
      %shift_right_arithmetic3A_432 = arith.shrsi %or3A_423, %shift_right_arithmetic3A_431 : i32
      %scan3A_433 = arith.constant 0 : i32
      %scan3A_434 = arith.constant 0 : i32
      %scan3A_435 = arith.constant 1250 : i32
      %scan3A_436 = arith.addi %scan3A_434, %scan3A_435 : i32
      %scan3A_437 = arith.constant 1 : i32
      %scan3A_438 = scf.for %scan3A_1433 = %scan3A_434 to %scan3A_436 step %scan3A_437 iter_args(%scan3A_1434 = %scan3A_433) -> (i32)  : i32 {
        %mul3A_1435 = arith.constant 16 : i32
        %mul3A_1436 = arith.muli %scan3A_1433, %mul3A_1435 : i32
        %get3A_1437 = arith.index_cast %mul3A_1436 : i32 to index
        %get3A_1438 = tpu.vector_load %arg11[%get3A_1437] {strides = array<i32>} : memref<20000xf32, #tpu.memory_space<vmem>>, vector<16xf32>,
        %bitcast_convert_type3A = tpu.bitcast %get3A_1438 : vector<16xf32> -> vector<16xi32>
        %mul3A_1439 = arith.constant 16 : i32
        %mul3A_1440 = arith.muli %scan3A_1433, %mul3A_1439 : i32
        %add3A_1441 = vector.broadcast %mul3A_1440 : i32 to vector<16xi32>
        %add3A_1442 = arith.addi %add3A_1441, %iota3A : vector<16xi32>
        %shift_right_arithmetic3A_1443 = arith.constant 0 : i32
        %shift_right_arithmetic3A_1444 = vector.broadcast %shift_right_arithmetic3A_1443 : i32 to vector<16xi32>
        %shift_right_arithmetic3A_1445 = arith.shrsi %bitcast_convert_type3A, %shift_right_arithmetic3A_1444 : vector<16xi32>
        %and3A = arith.constant 255 : i32
        %and3A_1446 = vector.broadcast %and3A : i32 to vector<16xi32>
        %and3A_1447 = arith.andi %shift_right_arithmetic3A_1445, %and3A_1446 : vector<16xi32>
        %shift_right_arithmetic3A_1448 = arith.constant 8 : i32
        %shift_right_arithmetic3A_1449 = vector.broadcast %shift_right_arithmetic3A_1448 : i32 to vector<16xi32>
        %shift_right_arithmetic3A_1450 = arith.shrsi %bitcast_convert_type3A, %shift_right_arithmetic3A_1449 : vector<16xi32>
        %eq3A_1451 = vector.broadcast %shift_right_arithmetic3A_432 : i32 to vector<16xi32>
        %eq3A_1452 = arith.cmpi eq, %shift_right_arithmetic3A_1450, %eq3A_1451 : vector<16xi32>
        %mul3A_1453 = arith.constant 16 : i32
        %mul3A_1454 = vector.broadcast %mul3A_1453 : i32 to vector<16xi32>
        %mul3A_1455 = arith.muli %and3A_1447, %mul3A_1454 : vector<16xi32>
        %add3A_1456 = arith.addi %mul3A_1455, %iota3A_4 : vector<16xi32>
        tpu.vector_store_idx %arg12[%add3A_1456], %broadcast_in_dim3A_3 masked %eq3A_1452 {add = true} : memref<4096xi32, #tpu.memory_space<vmem>>[vector<16xi32>], vector<16xi32>, vector<16xi1>
        %scan3A_1457 = arith.constant 0 : i32
        scf.yield %scan3A_1457 : i32
      }
      %scan3A_439 = arith.constant 1250 : i32
      %broadcast_in_dim3A_440 = arith.constant 0 : i32
      %broadcast_in_dim3A_441 = vector.broadcast %broadcast_in_dim3A_440 : i32 to vector<16xi32>
      %swap3A_442 = arith.constant 4096 : index
      %swap3A_443 = tpu.vector_load %arg13[%swap3A_442] {strides = array<i32>} : memref<4112xi32, #tpu.memory_space<vmem>>, vector<16xi32>,
      tpu.vector_store %arg13[%swap3A_442], %broadcast_in_dim3A_441 {strides = array<i32>} : memref<4112xi32, #tpu.memory_space<vmem>>, vector<16xi32>,
      %broadcast_in_dim3A_444 = arith.constant 0 : i32
      %broadcast_in_dim3A_445 = vector.broadcast %broadcast_in_dim3A_444 : i32 to vector<16xi32>
      %scan3A_446 = arith.constant 0 : i32
      %scan3A_447 = arith.constant 256 : i32
      %scan3A_448 = arith.addi %scan3A_446, %scan3A_447 : i32
      %scan3A_449 = arith.constant 1 : i32
      %scan3A_450 = scf.for %scan3A_1433 = %scan3A_446 to %scan3A_448 step %scan3A_449 iter_args(%scan3A_1434 = %broadcast_in_dim3A_445) -> (vector<16xi32>)  : i32 {
        %sub3A_1435 = arith.constant 255 : i32
        %sub3A_1436 = arith.subi %sub3A_1435, %scan3A_1433 : i32
        %mul3A_1437 = arith.constant 16 : i32
        %mul3A_1438 = arith.muli %sub3A_1436, %mul3A_1437 : i32
        %get3A_1439 = arith.index_cast %mul3A_1438 : i32 to index
        %get3A_1440 = tpu.vector_load %arg12[%get3A_1439] {strides = array<i32>} : memref<4096xi32, #tpu.memory_space<vmem>>, vector<16xi32>,
        %add3A_1441 = arith.addi %scan3A_1434, %get3A_1440 : vector<16xi32>
        %mul3A_1442 = arith.constant 16 : i32
        %mul3A_1443 = arith.muli %sub3A_1436, %mul3A_1442 : i32
        %swap3A_1444 = arith.index_cast %mul3A_1443 : i32 to index
        %swap3A_1445 = tpu.vector_load %arg13[%swap3A_1444] {strides = array<i32>} : memref<4112xi32, #tpu.memory_space<vmem>>, vector<16xi32>,
        tpu.vector_store %arg13[%swap3A_1444], %add3A_1441 {strides = array<i32>} : memref<4112xi32, #tpu.memory_space<vmem>>, vector<16xi32>,
        scf.yield %add3A_1441 : vector<16xi32>
      }
      %scan3A_451 = arith.constant 256 : i32
      %add3A_452 = arith.constant 0 : i32
      %add3A_453 = arith.constant 128 : i32
      %add3A_454 = arith.addi %add3A_452, %add3A_453 : i32
      %mul3A_455 = arith.constant 16 : i32
      %mul3A_456 = arith.muli %add3A_454, %mul3A_455 : i32
      %get3A_457 = arith.index_cast %mul3A_456 : i32 to index
      %get3A_458 = tpu.vector_load %arg13[%get3A_457] {strides = array<i32>} : memref<4112xi32, #tpu.memory_space<vmem>>, vector<16xi32>,
      %reduce_sum3A_459 = arith.constant true
      %reduce_sum3A_460 = vector.broadcast %reduce_sum3A_459 : i1 to vector<16xi1>
      %reduce_sum3A_461 = tpu.scan <sum>, %get3A_458 masked %reduce_sum3A_460 : vector<16xi32>, vector<16xi1> -> vector<16xi32>
      %reduce_sum3A_462 = vector.extract %reduce_sum3A_461[15] : i32 from vector<16xi32>
      %ge3A_463 = arith.cmpi sge, %reduce_sum3A_462, %sub3A_420 : i32
      %jit3A_464 = arith.constant 0 : i32
      %select_n3A_465 = arith.select %ge3A_463, %add3A_454, %jit3A_464 : i32
      %add3A_466 = arith.constant 64 : i32
      %add3A_467 = arith.addi %select_n3A_465, %add3A_466 : i32
      %mul3A_468 = arith.constant 16 : i32
      %mul3A_469 = arith.muli %add3A_467, %mul3A_468 : i32
      %get3A_470 = arith.index_cast %mul3A_469 : i32 to index
      %get3A_471 = tpu.vector_load %arg13[%get3A_470] {strides = array<i32>} : memref<4112xi32, #tpu.memory_space<vmem>>, vector<16xi32>,
      %reduce_sum3A_472 = arith.constant true
      %reduce_sum3A_473 = vector.broadcast %reduce_sum3A_472 : i1 to vector<16xi1>
      %reduce_sum3A_474 = tpu.scan <sum>, %get3A_471 masked %reduce_sum3A_473 : vector<16xi32>, vector<16xi1> -> vector<16xi32>
      %reduce_sum3A_475 = vector.extract %reduce_sum3A_474[15] : i32 from vector<16xi32>
      %ge3A_476 = arith.cmpi sge, %reduce_sum3A_475, %sub3A_420 : i32
      %select_n3A_477 = arith.select %ge3A_476, %add3A_467, %select_n3A_465 : i32
      %add3A_478 = arith.constant 32 : i32
      %add3A_479 = arith.addi %select_n3A_477, %add3A_478 : i32
      %mul3A_480 = arith.constant 16 : i32
      %mul3A_481 = arith.muli %add3A_479, %mul3A_480 : i32
      %get3A_482 = arith.index_cast %mul3A_481 : i32 to index
      %get3A_483 = tpu.vector_load %arg13[%get3A_482] {strides = array<i32>} : memref<4112xi32, #tpu.memory_space<vmem>>, vector<16xi32>,
      %reduce_sum3A_484 = arith.constant true
      %reduce_sum3A_485 = vector.broadcast %reduce_sum3A_484 : i1 to vector<16xi1>
      %reduce_sum3A_486 = tpu.scan <sum>, %get3A_483 masked %reduce_sum3A_485 : vector<16xi32>, vector<16xi1> -> vector<16xi32>
      %reduce_sum3A_487 = vector.extract %reduce_sum3A_486[15] : i32 from vector<16xi32>
      %ge3A_488 = arith.cmpi sge, %reduce_sum3A_487, %sub3A_420 : i32
      %select_n3A_489 = arith.select %ge3A_488, %add3A_479, %select_n3A_477 : i32
      %add3A_490 = arith.constant 16 : i32
      %add3A_491 = arith.addi %select_n3A_489, %add3A_490 : i32
      %mul3A_492 = arith.constant 16 : i32
      %mul3A_493 = arith.muli %add3A_491, %mul3A_492 : i32
      %get3A_494 = arith.index_cast %mul3A_493 : i32 to index
      %get3A_495 = tpu.vector_load %arg13[%get3A_494] {strides = array<i32>} : memref<4112xi32, #tpu.memory_space<vmem>>, vector<16xi32>,
      %reduce_sum3A_496 = arith.constant true
      %reduce_sum3A_497 = vector.broadcast %reduce_sum3A_496 : i1 to vector<16xi1>
      %reduce_sum3A_498 = tpu.scan <sum>, %get3A_495 masked %reduce_sum3A_497 : vector<16xi32>, vector<16xi1> -> vector<16xi32>
      %reduce_sum3A_499 = vector.extract %reduce_sum3A_498[15] : i32 from vector<16xi32>
      %ge3A_500 = arith.cmpi sge, %reduce_sum3A_499, %sub3A_420 : i32
      %select_n3A_501 = arith.select %ge3A_500, %add3A_491, %select_n3A_489 : i32
      %add3A_502 = arith.constant 8 : i32
      %add3A_503 = arith.addi %select_n3A_501, %add3A_502 : i32
      %mul3A_504 = arith.constant 16 : i32
      %mul3A_505 = arith.muli %add3A_503, %mul3A_504 : i32
      %get3A_506 = arith.index_cast %mul3A_505 : i32 to index
      %get3A_507 = tpu.vector_load %arg13[%get3A_506] {strides = array<i32>} : memref<4112xi32, #tpu.memory_space<vmem>>, vector<16xi32>,
      %reduce_sum3A_508 = arith.constant true
      %reduce_sum3A_509 = vector.broadcast %reduce_sum3A_508 : i1 to vector<16xi1>
      %reduce_sum3A_510 = tpu.scan <sum>, %get3A_507 masked %reduce_sum3A_509 : vector<16xi32>, vector<16xi1> -> vector<16xi32>
      %reduce_sum3A_511 = vector.extract %reduce_sum3A_510[15] : i32 from vector<16xi32>
      %ge3A_512 = arith.cmpi sge, %reduce_sum3A_511, %sub3A_420 : i32
      %select_n3A_513 = arith.select %ge3A_512, %add3A_503, %select_n3A_501 : i32
      %add3A_514 = arith.constant 4 : i32
      %add3A_515 = arith.addi %select_n3A_513, %add3A_514 : i32
      %mul3A_516 = arith.constant 16 : i32
      %mul3A_517 = arith.muli %add3A_515, %mul3A_516 : i32
      %get3A_518 = arith.index_cast %mul3A_517 : i32 to index
      %get3A_519 = tpu.vector_load %arg13[%get3A_518] {strides = array<i32>} : memref<4112xi32, #tpu.memory_space<vmem>>, vector<16xi32>,
      %reduce_sum3A_520 = arith.constant true
      %reduce_sum3A_521 = vector.broadcast %reduce_sum3A_520 : i1 to vector<16xi1>
      %reduce_sum3A_522 = tpu.scan <sum>, %get3A_519 masked %reduce_sum3A_521 : vector<16xi32>, vector<16xi1> -> vector<16xi32>
      %reduce_sum3A_523 = vector.extract %reduce_sum3A_522[15] : i32 from vector<16xi32>
      %ge3A_524 = arith.cmpi sge, %reduce_sum3A_523, %sub3A_420 : i32
      %select_n3A_525 = arith.select %ge3A_524, %add3A_515, %select_n3A_513 : i32
      %add3A_526 = arith.constant 2 : i32
      %add3A_527 = arith.addi %select_n3A_525, %add3A_526 : i32
      %mul3A_528 = arith.constant 16 : i32
      %mul3A_529 = arith.muli %add3A_527, %mul3A_528 : i32
      %get3A_530 = arith.index_cast %mul3A_529 : i32 to index
      %get3A_531 = tpu.vector_load %arg13[%get3A_530] {strides = array<i32>} : memref<4112xi32, #tpu.memory_space<vmem>>, vector<16xi32>,
      %reduce_sum3A_532 = arith.constant true
      %reduce_sum3A_533 = vector.broadcast %reduce_sum3A_532 : i1 to vector<16xi1>
      %reduce_sum3A_534 = tpu.scan <sum>, %get3A_531 masked %reduce_sum3A_533 : vector<16xi32>, vector<16xi1> -> vector<16xi32>
      %reduce_sum3A_535 = vector.extract %reduce_sum3A_534[15] : i32 from vector<16xi32>
      %ge3A_536 = arith.cmpi sge, %reduce_sum3A_535, %sub3A_420 : i32
      %select_n3A_537 = arith.select %ge3A_536, %add3A_527, %select_n3A_525 : i32
      %add3A_538 = arith.constant 1 : i32
      %add3A_539 = arith.addi %select_n3A_537, %add3A_538 : i32
      %mul3A_540 = arith.constant 16 : i32
      %mul3A_541 = arith.muli %add3A_539, %mul3A_540 : i32
      %get3A_542 = arith.index_cast %mul3A_541 : i32 to index
      %get3A_543 = tpu.vector_load %arg13[%get3A_542] {strides = array<i32>} : memref<4112xi32, #tpu.memory_space<vmem>>, vector<16xi32>,
      %reduce_sum3A_544 = arith.constant true
      %reduce_sum3A_545 = vector.broadcast %reduce_sum3A_544 : i1 to vector<16xi1>
      %reduce_sum3A_546 = tpu.scan <sum>, %get3A_543 masked %reduce_sum3A_545 : vector<16xi32>, vector<16xi1> -> vector<16xi32>
      %reduce_sum3A_547 = vector.extract %reduce_sum3A_546[15] : i32 from vector<16xi32>
      %ge3A_548 = arith.cmpi sge, %reduce_sum3A_547, %sub3A_420 : i32
      %select_n3A_549 = arith.select %ge3A_548, %add3A_539, %select_n3A_537 : i32
      %add3A_550 = arith.constant 1 : i32
      %add3A_551 = arith.addi %select_n3A_549, %add3A_550 : i32
      %mul3A_552 = arith.constant 16 : i32
      %mul3A_553 = arith.muli %add3A_551, %mul3A_552 : i32
      %get3A_554 = arith.index_cast %mul3A_553 : i32 to index
      %get3A_555 = tpu.vector_load %arg13[%get3A_554] {strides = array<i32>} : memref<4112xi32, #tpu.memory_space<vmem>>, vector<16xi32>,
      %reduce_sum3A_556 = arith.constant true
      %reduce_sum3A_557 = vector.broadcast %reduce_sum3A_556 : i1 to vector<16xi1>
      %reduce_sum3A_558 = tpu.scan <sum>, %get3A_555 masked %reduce_sum3A_557 : vector<16xi32>, vector<16xi1> -> vector<16xi32>
      %reduce_sum3A_559 = vector.extract %reduce_sum3A_558[15] : i32 from vector<16xi32>
      %sub3A_560 = arith.subi %sub3A_420, %reduce_sum3A_559 : i32
      %shift_left3A_561 = arith.constant 0 : i32
      %shift_left3A_562 = arith.shli %select_n3A_549, %shift_left3A_561 : i32
      %or3A_563 = arith.ori %or3A_423, %shift_left3A_562 : i32
      %broadcast_in_dim3A_564 = arith.constant 0 : i32
      %broadcast_in_dim3A_565 = vector.broadcast %broadcast_in_dim3A_564 : i32 to vector<16xi32>
      %swap3A_566 = arith.constant 96 : index
      %swap3A_567 = tpu.vector_load %arg14[%swap3A_566] {strides = array<i32>} : memref<128xi32, #tpu.memory_space<vmem>>, vector<16xi32>,
      tpu.vector_store %arg14[%swap3A_566], %broadcast_in_dim3A_565 {strides = array<i32>} : memref<128xi32, #tpu.memory_space<vmem>>, vector<16xi32>,
      %broadcast_in_dim3A_568 = arith.constant 0 : i32
      %broadcast_in_dim3A_569 = vector.broadcast %broadcast_in_dim3A_568 : i32 to vector<16xi32>
      %swap3A_570 = arith.constant 112 : index
      %swap3A_571 = tpu.vector_load %arg14[%swap3A_570] {strides = array<i32>} : memref<128xi32, #tpu.memory_space<vmem>>, vector<16xi32>,
      tpu.vector_store %arg14[%swap3A_570], %broadcast_in_dim3A_569 {strides = array<i32>} : memref<128xi32, #tpu.memory_space<vmem>>, vector<16xi32>,
      %scan3A_572 = arith.constant 0 : i32
      %scan3A_573 = arith.constant 0 : i32
      %scan3A_574 = arith.constant 1250 : i32
      %scan3A_575 = arith.addi %scan3A_573, %scan3A_574 : i32
      %scan3A_576 = arith.constant 1 : i32
      %scan3A_577:2 = scf.for %scan3A_1433 = %scan3A_573 to %scan3A_575 step %scan3A_576 iter_args(%scan3A_1434 = %scan3A_572, %scan3A_1435 = %sub3A_560) -> (i32, i32)  : i32 {
        %mul3A_1436 = arith.constant 16 : i32
        %mul3A_1437 = arith.muli %scan3A_1433, %mul3A_1436 : i32
        %get3A_1438 = arith.index_cast %mul3A_1437 : i32 to index
        %get3A_1439 = tpu.vector_load %arg11[%get3A_1438] {strides = array<i32>} : memref<20000xf32, #tpu.memory_space<vmem>>, vector<16xf32>,
        %bitcast_convert_type3A = tpu.bitcast %get3A_1439 : vector<16xf32> -> vector<16xi32>
        %mul3A_1440 = arith.constant 16 : i32
        %mul3A_1441 = arith.muli %scan3A_1433, %mul3A_1440 : i32
        %add3A_1442 = vector.broadcast %mul3A_1441 : i32 to vector<16xi32>
        %add3A_1443 = arith.addi %add3A_1442, %iota3A : vector<16xi32>
        %gt3A = vector.broadcast %or3A_563 : i32 to vector<16xi32>
        %gt3A_1444 = arith.cmpi sgt, %bitcast_convert_type3A, %gt3A : vector<16xi32>
        %eq3A_1445 = vector.broadcast %or3A_563 : i32 to vector<16xi32>
        %eq3A_1446 = arith.cmpi eq, %bitcast_convert_type3A, %eq3A_1445 : vector<16xi32>
        %convert_element_type3A_1447 = arith.extui %eq3A_1446 : vector<16xi1> to vector<16xi32>
        %cumsum3A = arith.constant true
        %cumsum3A_1448 = vector.broadcast %cumsum3A : i1 to vector<16xi1>
        %cumsum3A_1449 = tpu.scan <sum>, %convert_element_type3A_1447 masked %cumsum3A_1448 : vector<16xi32>, vector<16xi1> -> vector<16xi32>
        %le3A = vector.broadcast %scan3A_1435 : i32 to vector<16xi32>
        %le3A_1450 = arith.cmpi sle, %cumsum3A_1449, %le3A : vector<16xi32>
        %and3A = arith.andi %eq3A_1446, %le3A_1450 : vector<16xi1>
        %or3A_1451 = arith.ori %gt3A_1444, %and3A : vector<16xi1>
        %swap3A_1452 = arith.index_cast %scan3A_1434 : i32 to index
        %swap3A_1453 = tpu.vector_load %arg14[%swap3A_1452] masked %or3A_1451 {strides = array<i32>} : memref<128xi32, #tpu.memory_space<vmem>>, vector<16xi32>, vector<16xi1>
        tpu.vector_store %arg14[%swap3A_1452], %add3A_1443 masked %or3A_1451 {strides = array<i32>} : memref<128xi32, #tpu.memory_space<vmem>>, vector<16xi32>, vector<16xi1>
        %convert_element_type3A_1454 = arith.extui %or3A_1451 : vector<16xi1> to vector<16xi32>
        %reduce_sum3A_1455 = arith.constant true
        %reduce_sum3A_1456 = vector.broadcast %reduce_sum3A_1455 : i1 to vector<16xi1>
        %reduce_sum3A_1457 = tpu.scan <sum>, %convert_element_type3A_1454 masked %reduce_sum3A_1456 : vector<16xi32>, vector<16xi1> -> vector<16xi32>
        %reduce_sum3A_1458 = vector.extract %reduce_sum3A_1457[15] : i32 from vector<16xi32>
        %add3A_1459 = arith.addi %scan3A_1434, %reduce_sum3A_1458 : i32
        %convert_element_type3A_1460 = arith.extui %and3A : vector<16xi1> to vector<16xi32>
        %reduce_sum3A_1461 = arith.constant true
        %reduce_sum3A_1462 = vector.broadcast %reduce_sum3A_1461 : i1 to vector<16xi1>
        %reduce_sum3A_1463 = tpu.scan <sum>, %convert_element_type3A_1460 masked %reduce_sum3A_1462 : vector<16xi32>, vector<16xi1> -> vector<16xi32>
        %reduce_sum3A_1464 = vector.extract %reduce_sum3A_1463[15] : i32 from vector<16xi32>
        %sub3A_1465 = arith.subi %scan3A_1435, %reduce_sum3A_1464 : i32
        scf.yield %add3A_1459, %sub3A_1465 : i32, i32
      }
      %scan3A_578 = arith.constant 1250 : i32
      %mul3A_579 = arith.constant 20000 : i32
      %mul3A_580 = arith.muli %add3A, %mul3A_579 : i32
      %get3A_581 = arith.constant 0 : index
      %get3A_582 = tpu.vector_load %arg14[%get3A_581] {strides = array<i32>} : memref<128xi32, #tpu.memory_space<vmem>>, vector<16xi32>,
      %add3A_583 = vector.broadcast %mul3A_580 : i32 to vector<16xi32>
      %add3A_584 = arith.addi %get3A_582, %add3A_583 : vector<16xi32>
      %swap3A_585 = arith.constant 0 : index
      %swap3A_586 = tpu.vector_load %arg15[%swap3A_585] {strides = array<i32>} : memref<112xi32, #tpu.memory_space<vmem>>, vector<16xi32>,
      tpu.vector_store %arg15[%swap3A_585], %add3A_584 {strides = array<i32>} : memref<112xi32, #tpu.memory_space<vmem>>, vector<16xi32>,
      %get3A_587 = arith.constant 16 : index
      %get3A_588 = tpu.vector_load %arg14[%get3A_587] {strides = array<i32>} : memref<128xi32, #tpu.memory_space<vmem>>, vector<16xi32>,
      %add3A_589 = vector.broadcast %mul3A_580 : i32 to vector<16xi32>
      %add3A_590 = arith.addi %get3A_588, %add3A_589 : vector<16xi32>
      %swap3A_591 = arith.constant 16 : index
      %swap3A_592 = tpu.vector_load %arg15[%swap3A_591] {strides = array<i32>} : memref<112xi32, #tpu.memory_space<vmem>>, vector<16xi32>,
      tpu.vector_store %arg15[%swap3A_591], %add3A_590 {strides = array<i32>} : memref<112xi32, #tpu.memory_space<vmem>>, vector<16xi32>,
      %get3A_593 = arith.constant 32 : index
      %get3A_594 = tpu.vector_load %arg14[%get3A_593] {strides = array<i32>} : memref<128xi32, #tpu.memory_space<vmem>>, vector<16xi32>,
      %add3A_595 = vector.broadcast %mul3A_580 : i32 to vector<16xi32>
      %add3A_596 = arith.addi %get3A_594, %add3A_595 : vector<16xi32>
      %swap3A_597 = arith.constant 32 : index
      %swap3A_598 = tpu.vector_load %arg15[%swap3A_597] {strides = array<i32>} : memref<112xi32, #tpu.memory_space<vmem>>, vector<16xi32>,
      tpu.vector_store %arg15[%swap3A_597], %add3A_596 {strides = array<i32>} : memref<112xi32, #tpu.memory_space<vmem>>, vector<16xi32>,
      %get3A_599 = arith.constant 48 : index
      %get3A_600 = tpu.vector_load %arg14[%get3A_599] {strides = array<i32>} : memref<128xi32, #tpu.memory_space<vmem>>, vector<16xi32>,
      %add3A_601 = vector.broadcast %mul3A_580 : i32 to vector<16xi32>
      %add3A_602 = arith.addi %get3A_600, %add3A_601 : vector<16xi32>
      %swap3A_603 = arith.constant 48 : index
      %swap3A_604 = tpu.vector_load %arg15[%swap3A_603] {strides = array<i32>} : memref<112xi32, #tpu.memory_space<vmem>>, vector<16xi32>,
      tpu.vector_store %arg15[%swap3A_603], %add3A_602 {strides = array<i32>} : memref<112xi32, #tpu.memory_space<vmem>>, vector<16xi32>,
      %get3A_605 = arith.constant 64 : index
      %get3A_606 = tpu.vector_load %arg14[%get3A_605] {strides = array<i32>} : memref<128xi32, #tpu.memory_space<vmem>>, vector<16xi32>,
      %add3A_607 = vector.broadcast %mul3A_580 : i32 to vector<16xi32>
      %add3A_608 = arith.addi %get3A_606, %add3A_607 : vector<16xi32>
      %swap3A_609 = arith.constant 64 : index
      %swap3A_610 = tpu.vector_load %arg15[%swap3A_609] {strides = array<i32>} : memref<112xi32, #tpu.memory_space<vmem>>, vector<16xi32>,
      tpu.vector_store %arg15[%swap3A_609], %add3A_608 {strides = array<i32>} : memref<112xi32, #tpu.memory_space<vmem>>, vector<16xi32>,
      %get3A_611 = arith.constant 80 : index
      %get3A_612 = tpu.vector_load %arg14[%get3A_611] {strides = array<i32>} : memref<128xi32, #tpu.memory_space<vmem>>, vector<16xi32>,
      %add3A_613 = vector.broadcast %mul3A_580 : i32 to vector<16xi32>
      %add3A_614 = arith.addi %get3A_612, %add3A_613 : vector<16xi32>
      %swap3A_615 = arith.constant 80 : index
      %swap3A_616 = tpu.vector_load %arg15[%swap3A_615] {strides = array<i32>} : memref<112xi32, #tpu.memory_space<vmem>>, vector<16xi32>,
      tpu.vector_store %arg15[%swap3A_615], %add3A_614 {strides = array<i32>} : memref<112xi32, #tpu.memory_space<vmem>>, vector<16xi32>,
      %get3A_617 = arith.constant 96 : index
      %get3A_618 = tpu.vector_load %arg14[%get3A_617] {strides = array<i32>} : memref<128xi32, #tpu.memory_space<vmem>>, vector<16xi32>,
      %add3A_619 = vector.broadcast %mul3A_580 : i32 to vector<16xi32>
      %add3A_620 = arith.addi %get3A_618, %add3A_619 : vector<16xi32>
      %swap3A_621 = arith.constant 96 : index
      %swap3A_622 = tpu.vector_load %arg15[%swap3A_621] {strides = array<i32>} : memref<112xi32, #tpu.memory_space<vmem>>, vector<16xi32>,
      tpu.vector_store %arg15[%swap3A_621], %add3A_620 {strides = array<i32>} : memref<112xi32, #tpu.memory_space<vmem>>, vector<16xi32>,
      %dma_start3A = arith.constant 0 : i32
      %dma_start3A_623 = arith.constant 0 : i32
      %dma_start3A_624 = tpu.memref_slice %arg3[%dma_start3A, %dma_start3A_623] : memref<320000x128xf32, #tpu.memory_space<hbm>> -> memref<320000x128xf32, #tpu.memory_space<hbm>>
      tpu.enqueue_indirect_dma source(%dma_start3A_624 : memref<320000x128xf32, #tpu.memory_space<hbm>>) target(%arg16 : memref<112x128xf32, #tpu.memory_space<vmem>>) offsets(%arg15 : memref<112xi32, #tpu.memory_space<vmem>>) semaphore(%arg27 : memref<!tpu.dma_semaphore, #tpu.memory_space<semaphore_mem>>)
      %dma_wait3A = arith.constant 0 : i32
      %dma_wait3A_625 = arith.constant 0 : i32
      %dma_wait3A_626 = tpu.memref_slice %arg3[%dma_wait3A, %dma_wait3A_625] : memref<320000x128xf32, #tpu.memory_space<hbm>> -> memref<320000x128xf32, #tpu.memory_space<hbm>>
      tpu.wait_indirect_dma semaphore(%arg27 : memref<!tpu.dma_semaphore, #tpu.memory_space<semaphore_mem>>) src(%dma_wait3A_626 : memref<320000x128xf32, #tpu.memory_space<hbm>>) dst(%arg16 : memref<112x128xf32, #tpu.memory_space<vmem>>)
      %broadcast_in_dim3A_627 = arith.constant 1 : i32
      %broadcast_in_dim3A_628 = vector.broadcast %broadcast_in_dim3A_627 : i32 to vector<16xi32>
      %iota3A_629 = tpu.iota {dimensions = array<i32: 0>} : vector<16xi32>
      %broadcast_in_dim3A_630 = arith.constant true
      %broadcast_in_dim3A_631 = vector.broadcast %broadcast_in_dim3A_630 : i1 to vector<16xi1>
      %scan3A_632 = arith.constant 0 : i32
      %scan3A_633 = arith.constant 0 : i32
      %scan3A_634 = arith.constant 256 : i32
      %scan3A_635 = arith.addi %scan3A_633, %scan3A_634 : i32
      %scan3A_636 = arith.constant 1 : i32
      %scan3A_637 = scf.for %scan3A_1433 = %scan3A_633 to %scan3A_635 step %scan3A_636 iter_args(%scan3A_1434 = %scan3A_632) -> (i32)  : i32 {
        %broadcast_in_dim3A_1435 = arith.constant 0 : i32
        %broadcast_in_dim3A_1436 = vector.broadcast %broadcast_in_dim3A_1435 : i32 to vector<16xi32>
        %mul3A_1437 = arith.constant 16 : i32
        %mul3A_1438 = arith.muli %scan3A_1433, %mul3A_1437 : i32
        %swap3A_1439 = arith.index_cast %mul3A_1438 : i32 to index
        %swap3A_1440 = tpu.vector_load %arg12[%swap3A_1439] {strides = array<i32>} : memref<4096xi32, #tpu.memory_space<vmem>>, vector<16xi32>,
        tpu.vector_store %arg12[%swap3A_1439], %broadcast_in_dim3A_1436 {strides = array<i32>} : memref<4096xi32, #tpu.memory_space<vmem>>, vector<16xi32>,
        %scan3A_1441 = arith.constant 0 : i32
        scf.yield %scan3A_1441 : i32
      }
      %scan3A_638 = arith.constant 256 : i32
      %scan3A_639 = arith.constant 0 : i32
      %scan3A_640 = arith.constant 0 : i32
      %scan3A_641 = arith.constant 100 : i32
      %scan3A_642 = arith.addi %scan3A_640, %scan3A_641 : i32
      %scan3A_643 = arith.constant 1 : i32
      %scan3A_644 = scf.for %scan3A_1433 = %scan3A_640 to %scan3A_642 step %scan3A_643 iter_args(%scan3A_1434 = %scan3A_639) -> (i32)  : i32 {
        %get3A_1435 = arith.index_cast %scan3A_1433 : i32 to index
        %get3A_1436 = arith.constant 0 : index
        %get3A_1437 = tpu.vector_load %arg16[%get3A_1435, %get3A_1436] {strides = array<i32>} : memref<112x128xf32, #tpu.memory_space<vmem>>, vector<16xf32>,
        %bitcast_convert_type3A = tpu.bitcast %get3A_1437 : vector<16xf32> -> vector<16xi32>
        %mul3A_1438 = arith.constant 112 : i32
        %mul3A_1439 = arith.muli %scan3A_1433, %mul3A_1438 : i32
        %add3A_1440 = arith.constant 0 : i32
        %add3A_1441 = arith.addi %mul3A_1439, %add3A_1440 : i32
        %add3A_1442 = vector.broadcast %add3A_1441 : i32 to vector<16xi32>
        %add3A_1443 = arith.addi %add3A_1442, %iota3A : vector<16xi32>
        %get3A_1444 = arith.index_cast %scan3A_1433 : i32 to index
        %get3A_1445 = arith.constant 16 : index
        %get3A_1446 = tpu.vector_load %arg16[%get3A_1444, %get3A_1445] {strides = array<i32>} : memref<112x128xf32, #tpu.memory_space<vmem>>, vector<16xf32>,
        %bitcast_convert_type3A_1447 = tpu.bitcast %get3A_1446 : vector<16xf32> -> vector<16xi32>
        %mul3A_1448 = arith.constant 112 : i32
        %mul3A_1449 = arith.muli %scan3A_1433, %mul3A_1448 : i32
        %add3A_1450 = arith.constant 16 : i32
        %add3A_1451 = arith.addi %mul3A_1449, %add3A_1450 : i32
        %add3A_1452 = vector.broadcast %add3A_1451 : i32 to vector<16xi32>
        %add3A_1453 = arith.addi %add3A_1452, %iota3A : vector<16xi32>
        %get3A_1454 = arith.index_cast %scan3A_1433 : i32 to index
        %get3A_1455 = arith.constant 32 : index
        %get3A_1456 = tpu.vector_load %arg16[%get3A_1454, %get3A_1455] {strides = array<i32>} : memref<112x128xf32, #tpu.memory_space<vmem>>, vector<16xf32>,
        %bitcast_convert_type3A_1457 = tpu.bitcast %get3A_1456 : vector<16xf32> -> vector<16xi32>
        %mul3A_1458 = arith.constant 112 : i32
        %mul3A_1459 = arith.muli %scan3A_1433, %mul3A_1458 : i32
        %add3A_1460 = arith.constant 32 : i32
        %add3A_1461 = arith.addi %mul3A_1459, %add3A_1460 : i32
        %add3A_1462 = vector.broadcast %add3A_1461 : i32 to vector<16xi32>
        %add3A_1463 = arith.addi %add3A_1462, %iota3A : vector<16xi32>
        %get3A_1464 = arith.index_cast %scan3A_1433 : i32 to index
        %get3A_1465 = arith.constant 48 : index
        %get3A_1466 = tpu.vector_load %arg16[%get3A_1464, %get3A_1465] {strides = array<i32>} : memref<112x128xf32, #tpu.memory_space<vmem>>, vector<16xf32>,
        %bitcast_convert_type3A_1467 = tpu.bitcast %get3A_1466 : vector<16xf32> -> vector<16xi32>
        %mul3A_1468 = arith.constant 112 : i32
        %mul3A_1469 = arith.muli %scan3A_1433, %mul3A_1468 : i32
        %add3A_1470 = arith.constant 48 : i32
        %add3A_1471 = arith.addi %mul3A_1469, %add3A_1470 : i32
        %add3A_1472 = vector.broadcast %add3A_1471 : i32 to vector<16xi32>
        %add3A_1473 = arith.addi %add3A_1472, %iota3A : vector<16xi32>
        %get3A_1474 = arith.index_cast %scan3A_1433 : i32 to index
        %get3A_1475 = arith.constant 64 : index
        %get3A_1476 = tpu.vector_load %arg16[%get3A_1474, %get3A_1475] {strides = array<i32>} : memref<112x128xf32, #tpu.memory_space<vmem>>, vector<16xf32>,
        %bitcast_convert_type3A_1477 = tpu.bitcast %get3A_1476 : vector<16xf32> -> vector<16xi32>
        %mul3A_1478 = arith.constant 112 : i32
        %mul3A_1479 = arith.muli %scan3A_1433, %mul3A_1478 : i32
        %add3A_1480 = arith.constant 64 : i32
        %add3A_1481 = arith.addi %mul3A_1479, %add3A_1480 : i32
        %add3A_1482 = vector.broadcast %add3A_1481 : i32 to vector<16xi32>
        %add3A_1483 = arith.addi %add3A_1482, %iota3A : vector<16xi32>
        %get3A_1484 = arith.index_cast %scan3A_1433 : i32 to index
        %get3A_1485 = arith.constant 80 : index
        %get3A_1486 = tpu.vector_load %arg16[%get3A_1484, %get3A_1485] {strides = array<i32>} : memref<112x128xf32, #tpu.memory_space<vmem>>, vector<16xf32>,
        %bitcast_convert_type3A_1487 = tpu.bitcast %get3A_1486 : vector<16xf32> -> vector<16xi32>
        %mul3A_1488 = arith.constant 112 : i32
        %mul3A_1489 = arith.muli %scan3A_1433, %mul3A_1488 : i32
        %add3A_1490 = arith.constant 80 : i32
        %add3A_1491 = arith.addi %mul3A_1489, %add3A_1490 : i32
        %add3A_1492 = vector.broadcast %add3A_1491 : i32 to vector<16xi32>
        %add3A_1493 = arith.addi %add3A_1492, %iota3A : vector<16xi32>
        %get3A_1494 = arith.index_cast %scan3A_1433 : i32 to index
        %get3A_1495 = arith.constant 96 : index
        %get3A_1496 = tpu.vector_load %arg16[%get3A_1494, %get3A_1495] {strides = array<i32>} : memref<112x128xf32, #tpu.memory_space<vmem>>, vector<16xf32>,
        %bitcast_convert_type3A_1497 = tpu.bitcast %get3A_1496 : vector<16xf32> -> vector<16xi32>
        %lt3A_1498 = arith.constant 4 : i32
        %lt3A_1499 = vector.broadcast %lt3A_1498 : i32 to vector<16xi32>
        %lt3A_1500 = arith.cmpi slt, %iota3A, %lt3A_1499 : vector<16xi32>
        %mul3A_1501 = arith.constant 112 : i32
        %mul3A_1502 = arith.muli %scan3A_1433, %mul3A_1501 : i32
        %add3A_1503 = arith.constant 96 : i32
        %add3A_1504 = arith.addi %mul3A_1502, %add3A_1503 : i32
        %add3A_1505 = vector.broadcast %add3A_1504 : i32 to vector<16xi32>
        %add3A_1506 = arith.addi %add3A_1505, %iota3A : vector<16xi32>
        %shift_right_arithmetic3A_1507 = arith.constant 24 : i32
        %shift_right_arithmetic3A_1508 = vector.broadcast %shift_right_arithmetic3A_1507 : i32 to vector<16xi32>
        %shift_right_arithmetic3A_1509 = arith.shrsi %bitcast_convert_type3A, %shift_right_arithmetic3A_1508 : vector<16xi32>
        %and3A = arith.constant 255 : i32
        %and3A_1510 = vector.broadcast %and3A : i32 to vector<16xi32>
        %and3A_1511 = arith.andi %shift_right_arithmetic3A_1509, %and3A_1510 : vector<16xi32>
        %mul3A_1512 = arith.constant 16 : i32
        %mul3A_1513 = vector.broadcast %mul3A_1512 : i32 to vector<16xi32>
        %mul3A_1514 = arith.muli %and3A_1511, %mul3A_1513 : vector<16xi32>
        %add3A_1515 = arith.addi %mul3A_1514, %iota3A_629 : vector<16xi32>
        tpu.vector_store_idx %arg12[%add3A_1515], %broadcast_in_dim3A_628 masked %broadcast_in_dim3A_631 {add = true} : memref<4096xi32, #tpu.memory_space<vmem>>[vector<16xi32>], vector<16xi32>, vector<16xi1>
        %shift_right_arithmetic3A_1516 = arith.constant 24 : i32
        %shift_right_arithmetic3A_1517 = vector.broadcast %shift_right_arithmetic3A_1516 : i32 to vector<16xi32>
        %shift_right_arithmetic3A_1518 = arith.shrsi %bitcast_convert_type3A_1447, %shift_right_arithmetic3A_1517 : vector<16xi32>
        %and3A_1519 = arith.constant 255 : i32
        %and3A_1520 = vector.broadcast %and3A_1519 : i32 to vector<16xi32>
        %and3A_1521 = arith.andi %shift_right_arithmetic3A_1518, %and3A_1520 : vector<16xi32>
        %mul3A_1522 = arith.constant 16 : i32
        %mul3A_1523 = vector.broadcast %mul3A_1522 : i32 to vector<16xi32>
        %mul3A_1524 = arith.muli %and3A_1521, %mul3A_1523 : vector<16xi32>
        %add3A_1525 = arith.addi %mul3A_1524, %iota3A_629 : vector<16xi32>
        tpu.vector_store_idx %arg12[%add3A_1525], %broadcast_in_dim3A_628 masked %broadcast_in_dim3A_631 {add = true} : memref<4096xi32, #tpu.memory_space<vmem>>[vector<16xi32>], vector<16xi32>, vector<16xi1>
        %shift_right_arithmetic3A_1526 = arith.constant 24 : i32
        %shift_right_arithmetic3A_1527 = vector.broadcast %shift_right_arithmetic3A_1526 : i32 to vector<16xi32>
        %shift_right_arithmetic3A_1528 = arith.shrsi %bitcast_convert_type3A_1457, %shift_right_arithmetic3A_1527 : vector<16xi32>
        %and3A_1529 = arith.constant 255 : i32
        %and3A_1530 = vector.broadcast %and3A_1529 : i32 to vector<16xi32>
        %and3A_1531 = arith.andi %shift_right_arithmetic3A_1528, %and3A_1530 : vector<16xi32>
        %mul3A_1532 = arith.constant 16 : i32
        %mul3A_1533 = vector.broadcast %mul3A_1532 : i32 to vector<16xi32>
        %mul3A_1534 = arith.muli %and3A_1531, %mul3A_1533 : vector<16xi32>
        %add3A_1535 = arith.addi %mul3A_1534, %iota3A_629 : vector<16xi32>
        tpu.vector_store_idx %arg12[%add3A_1535], %broadcast_in_dim3A_628 masked %broadcast_in_dim3A_631 {add = true} : memref<4096xi32, #tpu.memory_space<vmem>>[vector<16xi32>], vector<16xi32>, vector<16xi1>
        %shift_right_arithmetic3A_1536 = arith.constant 24 : i32
        %shift_right_arithmetic3A_1537 = vector.broadcast %shift_right_arithmetic3A_1536 : i32 to vector<16xi32>
        %shift_right_arithmetic3A_1538 = arith.shrsi %bitcast_convert_type3A_1467, %shift_right_arithmetic3A_1537 : vector<16xi32>
        %and3A_1539 = arith.constant 255 : i32
        %and3A_1540 = vector.broadcast %and3A_1539 : i32 to vector<16xi32>
        %and3A_1541 = arith.andi %shift_right_arithmetic3A_1538, %and3A_1540 : vector<16xi32>
        %mul3A_1542 = arith.constant 16 : i32
        %mul3A_1543 = vector.broadcast %mul3A_1542 : i32 to vector<16xi32>
        %mul3A_1544 = arith.muli %and3A_1541, %mul3A_1543 : vector<16xi32>
        %add3A_1545 = arith.addi %mul3A_1544, %iota3A_629 : vector<16xi32>
        tpu.vector_store_idx %arg12[%add3A_1545], %broadcast_in_dim3A_628 masked %broadcast_in_dim3A_631 {add = true} : memref<4096xi32, #tpu.memory_space<vmem>>[vector<16xi32>], vector<16xi32>, vector<16xi1>
        %shift_right_arithmetic3A_1546 = arith.constant 24 : i32
        %shift_right_arithmetic3A_1547 = vector.broadcast %shift_right_arithmetic3A_1546 : i32 to vector<16xi32>
        %shift_right_arithmetic3A_1548 = arith.shrsi %bitcast_convert_type3A_1477, %shift_right_arithmetic3A_1547 : vector<16xi32>
        %and3A_1549 = arith.constant 255 : i32
        %and3A_1550 = vector.broadcast %and3A_1549 : i32 to vector<16xi32>
        %and3A_1551 = arith.andi %shift_right_arithmetic3A_1548, %and3A_1550 : vector<16xi32>
        %mul3A_1552 = arith.constant 16 : i32
        %mul3A_1553 = vector.broadcast %mul3A_1552 : i32 to vector<16xi32>
        %mul3A_1554 = arith.muli %and3A_1551, %mul3A_1553 : vector<16xi32>
        %add3A_1555 = arith.addi %mul3A_1554, %iota3A_629 : vector<16xi32>
        tpu.vector_store_idx %arg12[%add3A_1555], %broadcast_in_dim3A_628 masked %broadcast_in_dim3A_631 {add = true} : memref<4096xi32, #tpu.memory_space<vmem>>[vector<16xi32>], vector<16xi32>, vector<16xi1>
        %shift_right_arithmetic3A_1556 = arith.constant 24 : i32
        %shift_right_arithmetic3A_1557 = vector.broadcast %shift_right_arithmetic3A_1556 : i32 to vector<16xi32>
        %shift_right_arithmetic3A_1558 = arith.shrsi %bitcast_convert_type3A_1487, %shift_right_arithmetic3A_1557 : vector<16xi32>
        %and3A_1559 = arith.constant 255 : i32
        %and3A_1560 = vector.broadcast %and3A_1559 : i32 to vector<16xi32>
        %and3A_1561 = arith.andi %shift_right_arithmetic3A_1558, %and3A_1560 : vector<16xi32>
        %mul3A_1562 = arith.constant 16 : i32
        %mul3A_1563 = vector.broadcast %mul3A_1562 : i32 to vector<16xi32>
        %mul3A_1564 = arith.muli %and3A_1561, %mul3A_1563 : vector<16xi32>
        %add3A_1565 = arith.addi %mul3A_1564, %iota3A_629 : vector<16xi32>
        tpu.vector_store_idx %arg12[%add3A_1565], %broadcast_in_dim3A_628 masked %broadcast_in_dim3A_631 {add = true} : memref<4096xi32, #tpu.memory_space<vmem>>[vector<16xi32>], vector<16xi32>, vector<16xi1>
        %shift_right_arithmetic3A_1566 = arith.constant 24 : i32
        %shift_right_arithmetic3A_1567 = vector.broadcast %shift_right_arithmetic3A_1566 : i32 to vector<16xi32>
        %shift_right_arithmetic3A_1568 = arith.shrsi %bitcast_convert_type3A_1497, %shift_right_arithmetic3A_1567 : vector<16xi32>
        %and3A_1569 = arith.constant 255 : i32
        %and3A_1570 = vector.broadcast %and3A_1569 : i32 to vector<16xi32>
        %and3A_1571 = arith.andi %shift_right_arithmetic3A_1568, %and3A_1570 : vector<16xi32>
        %mul3A_1572 = arith.constant 16 : i32
        %mul3A_1573 = vector.broadcast %mul3A_1572 : i32 to vector<16xi32>
        %mul3A_1574 = arith.muli %and3A_1571, %mul3A_1573 : vector<16xi32>
        %add3A_1575 = arith.addi %mul3A_1574, %iota3A_629 : vector<16xi32>
        tpu.vector_store_idx %arg12[%add3A_1575], %broadcast_in_dim3A_628 masked %lt3A_1500 {add = true} : memref<4096xi32, #tpu.memory_space<vmem>>[vector<16xi32>], vector<16xi32>, vector<16xi1>
        %scan3A_1576 = arith.constant 0 : i32
        scf.yield %scan3A_1576 : i32
      }
      %scan3A_645 = arith.constant 100 : i32
      %broadcast_in_dim3A_646 = arith.constant 0 : i32
      %broadcast_in_dim3A_647 = vector.broadcast %broadcast_in_dim3A_646 : i32 to vector<16xi32>
      %swap3A_648 = arith.constant 4096 : index
      %swap3A_649 = tpu.vector_load %arg13[%swap3A_648] {strides = array<i32>} : memref<4112xi32, #tpu.memory_space<vmem>>, vector<16xi32>,
      tpu.vector_store %arg13[%swap3A_648], %broadcast_in_dim3A_647 {strides = array<i32>} : memref<4112xi32, #tpu.memory_space<vmem>>, vector<16xi32>,
      %broadcast_in_dim3A_650 = arith.constant 0 : i32
      %broadcast_in_dim3A_651 = vector.broadcast %broadcast_in_dim3A_650 : i32 to vector<16xi32>
      %scan3A_652 = arith.constant 0 : i32
      %scan3A_653 = arith.constant 256 : i32
      %scan3A_654 = arith.addi %scan3A_652, %scan3A_653 : i32
      %scan3A_655 = arith.constant 1 : i32
      %scan3A_656 = scf.for %scan3A_1433 = %scan3A_652 to %scan3A_654 step %scan3A_655 iter_args(%scan3A_1434 = %broadcast_in_dim3A_651) -> (vector<16xi32>)  : i32 {
        %sub3A_1435 = arith.constant 255 : i32
        %sub3A_1436 = arith.subi %sub3A_1435, %scan3A_1433 : i32
        %mul3A_1437 = arith.constant 16 : i32
        %mul3A_1438 = arith.muli %sub3A_1436, %mul3A_1437 : i32
        %get3A_1439 = arith.index_cast %mul3A_1438 : i32 to index
        %get3A_1440 = tpu.vector_load %arg12[%get3A_1439] {strides = array<i32>} : memref<4096xi32, #tpu.memory_space<vmem>>, vector<16xi32>,
        %add3A_1441 = arith.addi %scan3A_1434, %get3A_1440 : vector<16xi32>
        %mul3A_1442 = arith.constant 16 : i32
        %mul3A_1443 = arith.muli %sub3A_1436, %mul3A_1442 : i32
        %swap3A_1444 = arith.index_cast %mul3A_1443 : i32 to index
        %swap3A_1445 = tpu.vector_load %arg13[%swap3A_1444] {strides = array<i32>} : memref<4112xi32, #tpu.memory_space<vmem>>, vector<16xi32>,
        tpu.vector_store %arg13[%swap3A_1444], %add3A_1441 {strides = array<i32>} : memref<4112xi32, #tpu.memory_space<vmem>>, vector<16xi32>,
        scf.yield %add3A_1441 : vector<16xi32>
      }
      %scan3A_657 = arith.constant 256 : i32
      %add3A_658 = arith.constant 0 : i32
      %add3A_659 = arith.constant 128 : i32
      %add3A_660 = arith.addi %add3A_658, %add3A_659 : i32
      %mul3A_661 = arith.constant 16 : i32
      %mul3A_662 = arith.muli %add3A_660, %mul3A_661 : i32
      %get3A_663 = arith.index_cast %mul3A_662 : i32 to index
      %get3A_664 = tpu.vector_load %arg13[%get3A_663] {strides = array<i32>} : memref<4112xi32, #tpu.memory_space<vmem>>, vector<16xi32>,
      %reduce_sum3A_665 = arith.constant true
      %reduce_sum3A_666 = vector.broadcast %reduce_sum3A_665 : i1 to vector<16xi1>
      %reduce_sum3A_667 = tpu.scan <sum>, %get3A_664 masked %reduce_sum3A_666 : vector<16xi32>, vector<16xi1> -> vector<16xi32>
      %reduce_sum3A_668 = vector.extract %reduce_sum3A_667[15] : i32 from vector<16xi32>
      %ge3A_669 = arith.constant 100 : i32
      %ge3A_670 = arith.cmpi sge, %reduce_sum3A_668, %ge3A_669 : i32
      %jit3A_671 = arith.constant 0 : i32
      %select_n3A_672 = arith.select %ge3A_670, %add3A_660, %jit3A_671 : i32
      %add3A_673 = arith.constant 64 : i32
      %add3A_674 = arith.addi %select_n3A_672, %add3A_673 : i32
      %mul3A_675 = arith.constant 16 : i32
      %mul3A_676 = arith.muli %add3A_674, %mul3A_675 : i32
      %get3A_677 = arith.index_cast %mul3A_676 : i32 to index
      %get3A_678 = tpu.vector_load %arg13[%get3A_677] {strides = array<i32>} : memref<4112xi32, #tpu.memory_space<vmem>>, vector<16xi32>,
      %reduce_sum3A_679 = arith.constant true
      %reduce_sum3A_680 = vector.broadcast %reduce_sum3A_679 : i1 to vector<16xi1>
      %reduce_sum3A_681 = tpu.scan <sum>, %get3A_678 masked %reduce_sum3A_680 : vector<16xi32>, vector<16xi1> -> vector<16xi32>
      %reduce_sum3A_682 = vector.extract %reduce_sum3A_681[15] : i32 from vector<16xi32>
      %ge3A_683 = arith.constant 100 : i32
      %ge3A_684 = arith.cmpi sge, %reduce_sum3A_682, %ge3A_683 : i32
      %select_n3A_685 = arith.select %ge3A_684, %add3A_674, %select_n3A_672 : i32
      %add3A_686 = arith.constant 32 : i32
      %add3A_687 = arith.addi %select_n3A_685, %add3A_686 : i32
      %mul3A_688 = arith.constant 16 : i32
      %mul3A_689 = arith.muli %add3A_687, %mul3A_688 : i32
      %get3A_690 = arith.index_cast %mul3A_689 : i32 to index
      %get3A_691 = tpu.vector_load %arg13[%get3A_690] {strides = array<i32>} : memref<4112xi32, #tpu.memory_space<vmem>>, vector<16xi32>,
      %reduce_sum3A_692 = arith.constant true
      %reduce_sum3A_693 = vector.broadcast %reduce_sum3A_692 : i1 to vector<16xi1>
      %reduce_sum3A_694 = tpu.scan <sum>, %get3A_691 masked %reduce_sum3A_693 : vector<16xi32>, vector<16xi1> -> vector<16xi32>
      %reduce_sum3A_695 = vector.extract %reduce_sum3A_694[15] : i32 from vector<16xi32>
      %ge3A_696 = arith.constant 100 : i32
      %ge3A_697 = arith.cmpi sge, %reduce_sum3A_695, %ge3A_696 : i32
      %select_n3A_698 = arith.select %ge3A_697, %add3A_687, %select_n3A_685 : i32
      %add3A_699 = arith.constant 16 : i32
      %add3A_700 = arith.addi %select_n3A_698, %add3A_699 : i32
      %mul3A_701 = arith.constant 16 : i32
      %mul3A_702 = arith.muli %add3A_700, %mul3A_701 : i32
      %get3A_703 = arith.index_cast %mul3A_702 : i32 to index
      %get3A_704 = tpu.vector_load %arg13[%get3A_703] {strides = array<i32>} : memref<4112xi32, #tpu.memory_space<vmem>>, vector<16xi32>,
      %reduce_sum3A_705 = arith.constant true
      %reduce_sum3A_706 = vector.broadcast %reduce_sum3A_705 : i1 to vector<16xi1>
      %reduce_sum3A_707 = tpu.scan <sum>, %get3A_704 masked %reduce_sum3A_706 : vector<16xi32>, vector<16xi1> -> vector<16xi32>
      %reduce_sum3A_708 = vector.extract %reduce_sum3A_707[15] : i32 from vector<16xi32>
      %ge3A_709 = arith.constant 100 : i32
      %ge3A_710 = arith.cmpi sge, %reduce_sum3A_708, %ge3A_709 : i32
      %select_n3A_711 = arith.select %ge3A_710, %add3A_700, %select_n3A_698 : i32
      %add3A_712 = arith.constant 8 : i32
      %add3A_713 = arith.addi %select_n3A_711, %add3A_712 : i32
      %mul3A_714 = arith.constant 16 : i32
      %mul3A_715 = arith.muli %add3A_713, %mul3A_714 : i32
      %get3A_716 = arith.index_cast %mul3A_715 : i32 to index
      %get3A_717 = tpu.vector_load %arg13[%get3A_716] {strides = array<i32>} : memref<4112xi32, #tpu.memory_space<vmem>>, vector<16xi32>,
      %reduce_sum3A_718 = arith.constant true
      %reduce_sum3A_719 = vector.broadcast %reduce_sum3A_718 : i1 to vector<16xi1>
      %reduce_sum3A_720 = tpu.scan <sum>, %get3A_717 masked %reduce_sum3A_719 : vector<16xi32>, vector<16xi1> -> vector<16xi32>
      %reduce_sum3A_721 = vector.extract %reduce_sum3A_720[15] : i32 from vector<16xi32>
      %ge3A_722 = arith.constant 100 : i32
      %ge3A_723 = arith.cmpi sge, %reduce_sum3A_721, %ge3A_722 : i32
      %select_n3A_724 = arith.select %ge3A_723, %add3A_713, %select_n3A_711 : i32
      %add3A_725 = arith.constant 4 : i32
      %add3A_726 = arith.addi %select_n3A_724, %add3A_725 : i32
      %mul3A_727 = arith.constant 16 : i32
      %mul3A_728 = arith.muli %add3A_726, %mul3A_727 : i32
      %get3A_729 = arith.index_cast %mul3A_728 : i32 to index
      %get3A_730 = tpu.vector_load %arg13[%get3A_729] {strides = array<i32>} : memref<4112xi32, #tpu.memory_space<vmem>>, vector<16xi32>,
      %reduce_sum3A_731 = arith.constant true
      %reduce_sum3A_732 = vector.broadcast %reduce_sum3A_731 : i1 to vector<16xi1>
      %reduce_sum3A_733 = tpu.scan <sum>, %get3A_730 masked %reduce_sum3A_732 : vector<16xi32>, vector<16xi1> -> vector<16xi32>
      %reduce_sum3A_734 = vector.extract %reduce_sum3A_733[15] : i32 from vector<16xi32>
      %ge3A_735 = arith.constant 100 : i32
      %ge3A_736 = arith.cmpi sge, %reduce_sum3A_734, %ge3A_735 : i32
      %select_n3A_737 = arith.select %ge3A_736, %add3A_726, %select_n3A_724 : i32
      %add3A_738 = arith.constant 2 : i32
      %add3A_739 = arith.addi %select_n3A_737, %add3A_738 : i32
      %mul3A_740 = arith.constant 16 : i32
      %mul3A_741 = arith.muli %add3A_739, %mul3A_740 : i32
      %get3A_742 = arith.index_cast %mul3A_741 : i32 to index
      %get3A_743 = tpu.vector_load %arg13[%get3A_742] {strides = array<i32>} : memref<4112xi32, #tpu.memory_space<vmem>>, vector<16xi32>,
      %reduce_sum3A_744 = arith.constant true
      %reduce_sum3A_745 = vector.broadcast %reduce_sum3A_744 : i1 to vector<16xi1>
      %reduce_sum3A_746 = tpu.scan <sum>, %get3A_743 masked %reduce_sum3A_745 : vector<16xi32>, vector<16xi1> -> vector<16xi32>
      %reduce_sum3A_747 = vector.extract %reduce_sum3A_746[15] : i32 from vector<16xi32>
      %ge3A_748 = arith.constant 100 : i32
      %ge3A_749 = arith.cmpi sge, %reduce_sum3A_747, %ge3A_748 : i32
      %select_n3A_750 = arith.select %ge3A_749, %add3A_739, %select_n3A_737 : i32
      %add3A_751 = arith.constant 1 : i32
      %add3A_752 = arith.addi %select_n3A_750, %add3A_751 : i32
      %mul3A_753 = arith.constant 16 : i32
      %mul3A_754 = arith.muli %add3A_752, %mul3A_753 : i32
      %get3A_755 = arith.index_cast %mul3A_754 : i32 to index
      %get3A_756 = tpu.vector_load %arg13[%get3A_755] {strides = array<i32>} : memref<4112xi32, #tpu.memory_space<vmem>>, vector<16xi32>,
      %reduce_sum3A_757 = arith.constant true
      %reduce_sum3A_758 = vector.broadcast %reduce_sum3A_757 : i1 to vector<16xi1>
      %reduce_sum3A_759 = tpu.scan <sum>, %get3A_756 masked %reduce_sum3A_758 : vector<16xi32>, vector<16xi1> -> vector<16xi32>
      %reduce_sum3A_760 = vector.extract %reduce_sum3A_759[15] : i32 from vector<16xi32>
      %ge3A_761 = arith.constant 100 : i32
      %ge3A_762 = arith.cmpi sge, %reduce_sum3A_760, %ge3A_761 : i32
      %select_n3A_763 = arith.select %ge3A_762, %add3A_752, %select_n3A_750 : i32
      %add3A_764 = arith.constant 1 : i32
      %add3A_765 = arith.addi %select_n3A_763, %add3A_764 : i32
      %mul3A_766 = arith.constant 16 : i32
      %mul3A_767 = arith.muli %add3A_765, %mul3A_766 : i32
      %get3A_768 = arith.index_cast %mul3A_767 : i32 to index
      %get3A_769 = tpu.vector_load %arg13[%get3A_768] {strides = array<i32>} : memref<4112xi32, #tpu.memory_space<vmem>>, vector<16xi32>,
      %reduce_sum3A_770 = arith.constant true
      %reduce_sum3A_771 = vector.broadcast %reduce_sum3A_770 : i1 to vector<16xi1>
      %reduce_sum3A_772 = tpu.scan <sum>, %get3A_769 masked %reduce_sum3A_771 : vector<16xi32>, vector<16xi1> -> vector<16xi32>
      %reduce_sum3A_773 = vector.extract %reduce_sum3A_772[15] : i32 from vector<16xi32>
      %sub3A_774 = arith.constant 100 : i32
      %sub3A_775 = arith.subi %sub3A_774, %reduce_sum3A_773 : i32
      %shift_left3A_776 = arith.constant 24 : i32
      %shift_left3A_777 = arith.shli %select_n3A_763, %shift_left3A_776 : i32
      %or3A_778 = arith.constant 0 : i32
      %or3A_779 = arith.ori %or3A_778, %shift_left3A_777 : i32
      %scan3A_780 = arith.constant 0 : i32
      %scan3A_781 = arith.constant 0 : i32
      %scan3A_782 = arith.constant 256 : i32
      %scan3A_783 = arith.addi %scan3A_781, %scan3A_782 : i32
      %scan3A_784 = arith.constant 1 : i32
      %scan3A_785 = scf.for %scan3A_1433 = %scan3A_781 to %scan3A_783 step %scan3A_784 iter_args(%scan3A_1434 = %scan3A_780) -> (i32)  : i32 {
        %broadcast_in_dim3A_1435 = arith.constant 0 : i32
        %broadcast_in_dim3A_1436 = vector.broadcast %broadcast_in_dim3A_1435 : i32 to vector<16xi32>
        %mul3A_1437 = arith.constant 16 : i32
        %mul3A_1438 = arith.muli %scan3A_1433, %mul3A_1437 : i32
        %swap3A_1439 = arith.index_cast %mul3A_1438 : i32 to index
        %swap3A_1440 = tpu.vector_load %arg12[%swap3A_1439] {strides = array<i32>} : memref<4096xi32, #tpu.memory_space<vmem>>, vector<16xi32>,
        tpu.vector_store %arg12[%swap3A_1439], %broadcast_in_dim3A_1436 {strides = array<i32>} : memref<4096xi32, #tpu.memory_space<vmem>>, vector<16xi32>,
        %scan3A_1441 = arith.constant 0 : i32
        scf.yield %scan3A_1441 : i32
      }
      %scan3A_786 = arith.constant 256 : i32
      %shift_right_arithmetic3A_787 = arith.constant 24 : i32
      %shift_right_arithmetic3A_788 = arith.shrsi %or3A_779, %shift_right_arithmetic3A_787 : i32
      %scan3A_789 = arith.constant 0 : i32
      %scan3A_790 = arith.constant 0 : i32
      %scan3A_791 = arith.constant 100 : i32
      %scan3A_792 = arith.addi %scan3A_790, %scan3A_791 : i32
      %scan3A_793 = arith.constant 1 : i32
      %scan3A_794 = scf.for %scan3A_1433 = %scan3A_790 to %scan3A_792 step %scan3A_793 iter_args(%scan3A_1434 = %scan3A_789) -> (i32)  : i32 {
        %get3A_1435 = arith.index_cast %scan3A_1433 : i32 to index
        %get3A_1436 = arith.constant 0 : index
        %get3A_1437 = tpu.vector_load %arg16[%get3A_1435, %get3A_1436] {strides = array<i32>} : memref<112x128xf32, #tpu.memory_space<vmem>>, vector<16xf32>,
        %bitcast_convert_type3A = tpu.bitcast %get3A_1437 : vector<16xf32> -> vector<16xi32>
        %mul3A_1438 = arith.constant 112 : i32
        %mul3A_1439 = arith.muli %scan3A_1433, %mul3A_1438 : i32
        %add3A_1440 = arith.constant 0 : i32
        %add3A_1441 = arith.addi %mul3A_1439, %add3A_1440 : i32
        %add3A_1442 = vector.broadcast %add3A_1441 : i32 to vector<16xi32>
        %add3A_1443 = arith.addi %add3A_1442, %iota3A : vector<16xi32>
        %get3A_1444 = arith.index_cast %scan3A_1433 : i32 to index
        %get3A_1445 = arith.constant 16 : index
        %get3A_1446 = tpu.vector_load %arg16[%get3A_1444, %get3A_1445] {strides = array<i32>} : memref<112x128xf32, #tpu.memory_space<vmem>>, vector<16xf32>,
        %bitcast_convert_type3A_1447 = tpu.bitcast %get3A_1446 : vector<16xf32> -> vector<16xi32>
        %mul3A_1448 = arith.constant 112 : i32
        %mul3A_1449 = arith.muli %scan3A_1433, %mul3A_1448 : i32
        %add3A_1450 = arith.constant 16 : i32
        %add3A_1451 = arith.addi %mul3A_1449, %add3A_1450 : i32
        %add3A_1452 = vector.broadcast %add3A_1451 : i32 to vector<16xi32>
        %add3A_1453 = arith.addi %add3A_1452, %iota3A : vector<16xi32>
        %get3A_1454 = arith.index_cast %scan3A_1433 : i32 to index
        %get3A_1455 = arith.constant 32 : index
        %get3A_1456 = tpu.vector_load %arg16[%get3A_1454, %get3A_1455] {strides = array<i32>} : memref<112x128xf32, #tpu.memory_space<vmem>>, vector<16xf32>,
        %bitcast_convert_type3A_1457 = tpu.bitcast %get3A_1456 : vector<16xf32> -> vector<16xi32>
        %mul3A_1458 = arith.constant 112 : i32
        %mul3A_1459 = arith.muli %scan3A_1433, %mul3A_1458 : i32
        %add3A_1460 = arith.constant 32 : i32
        %add3A_1461 = arith.addi %mul3A_1459, %add3A_1460 : i32
        %add3A_1462 = vector.broadcast %add3A_1461 : i32 to vector<16xi32>
        %add3A_1463 = arith.addi %add3A_1462, %iota3A : vector<16xi32>
        %get3A_1464 = arith.index_cast %scan3A_1433 : i32 to index
        %get3A_1465 = arith.constant 48 : index
        %get3A_1466 = tpu.vector_load %arg16[%get3A_1464, %get3A_1465] {strides = array<i32>} : memref<112x128xf32, #tpu.memory_space<vmem>>, vector<16xf32>,
        %bitcast_convert_type3A_1467 = tpu.bitcast %get3A_1466 : vector<16xf32> -> vector<16xi32>
        %mul3A_1468 = arith.constant 112 : i32
        %mul3A_1469 = arith.muli %scan3A_1433, %mul3A_1468 : i32
        %add3A_1470 = arith.constant 48 : i32
        %add3A_1471 = arith.addi %mul3A_1469, %add3A_1470 : i32
        %add3A_1472 = vector.broadcast %add3A_1471 : i32 to vector<16xi32>
        %add3A_1473 = arith.addi %add3A_1472, %iota3A : vector<16xi32>
        %get3A_1474 = arith.index_cast %scan3A_1433 : i32 to index
        %get3A_1475 = arith.constant 64 : index
        %get3A_1476 = tpu.vector_load %arg16[%get3A_1474, %get3A_1475] {strides = array<i32>} : memref<112x128xf32, #tpu.memory_space<vmem>>, vector<16xf32>,
        %bitcast_convert_type3A_1477 = tpu.bitcast %get3A_1476 : vector<16xf32> -> vector<16xi32>
        %mul3A_1478 = arith.constant 112 : i32
        %mul3A_1479 = arith.muli %scan3A_1433, %mul3A_1478 : i32
        %add3A_1480 = arith.constant 64 : i32
        %add3A_1481 = arith.addi %mul3A_1479, %add3A_1480 : i32
        %add3A_1482 = vector.broadcast %add3A_1481 : i32 to vector<16xi32>
        %add3A_1483 = arith.addi %add3A_1482, %iota3A : vector<16xi32>
        %get3A_1484 = arith.index_cast %scan3A_1433 : i32 to index
        %get3A_1485 = arith.constant 80 : index
        %get3A_1486 = tpu.vector_load %arg16[%get3A_1484, %get3A_1485] {strides = array<i32>} : memref<112x128xf32, #tpu.memory_space<vmem>>, vector<16xf32>,
        %bitcast_convert_type3A_1487 = tpu.bitcast %get3A_1486 : vector<16xf32> -> vector<16xi32>
        %mul3A_1488 = arith.constant 112 : i32
        %mul3A_1489 = arith.muli %scan3A_1433, %mul3A_1488 : i32
        %add3A_1490 = arith.constant 80 : i32
        %add3A_1491 = arith.addi %mul3A_1489, %add3A_1490 : i32
        %add3A_1492 = vector.broadcast %add3A_1491 : i32 to vector<16xi32>
        %add3A_1493 = arith.addi %add3A_1492, %iota3A : vector<16xi32>
        %get3A_1494 = arith.index_cast %scan3A_1433 : i32 to index
        %get3A_1495 = arith.constant 96 : index
        %get3A_1496 = tpu.vector_load %arg16[%get3A_1494, %get3A_1495] {strides = array<i32>} : memref<112x128xf32, #tpu.memory_space<vmem>>, vector<16xf32>,
        %bitcast_convert_type3A_1497 = tpu.bitcast %get3A_1496 : vector<16xf32> -> vector<16xi32>
        %lt3A_1498 = arith.constant 4 : i32
        %lt3A_1499 = vector.broadcast %lt3A_1498 : i32 to vector<16xi32>
        %lt3A_1500 = arith.cmpi slt, %iota3A, %lt3A_1499 : vector<16xi32>
        %mul3A_1501 = arith.constant 112 : i32
        %mul3A_1502 = arith.muli %scan3A_1433, %mul3A_1501 : i32
        %add3A_1503 = arith.constant 96 : i32
        %add3A_1504 = arith.addi %mul3A_1502, %add3A_1503 : i32
        %add3A_1505 = vector.broadcast %add3A_1504 : i32 to vector<16xi32>
        %add3A_1506 = arith.addi %add3A_1505, %iota3A : vector<16xi32>
        %shift_right_arithmetic3A_1507 = arith.constant 16 : i32
        %shift_right_arithmetic3A_1508 = vector.broadcast %shift_right_arithmetic3A_1507 : i32 to vector<16xi32>
        %shift_right_arithmetic3A_1509 = arith.shrsi %bitcast_convert_type3A, %shift_right_arithmetic3A_1508 : vector<16xi32>
        %and3A = arith.constant 255 : i32
        %and3A_1510 = vector.broadcast %and3A : i32 to vector<16xi32>
        %and3A_1511 = arith.andi %shift_right_arithmetic3A_1509, %and3A_1510 : vector<16xi32>
        %shift_right_arithmetic3A_1512 = arith.constant 24 : i32
        %shift_right_arithmetic3A_1513 = vector.broadcast %shift_right_arithmetic3A_1512 : i32 to vector<16xi32>
        %shift_right_arithmetic3A_1514 = arith.shrsi %bitcast_convert_type3A, %shift_right_arithmetic3A_1513 : vector<16xi32>
        %eq3A_1515 = vector.broadcast %shift_right_arithmetic3A_788 : i32 to vector<16xi32>
        %eq3A_1516 = arith.cmpi eq, %shift_right_arithmetic3A_1514, %eq3A_1515 : vector<16xi32>
        %mul3A_1517 = arith.constant 16 : i32
        %mul3A_1518 = vector.broadcast %mul3A_1517 : i32 to vector<16xi32>
        %mul3A_1519 = arith.muli %and3A_1511, %mul3A_1518 : vector<16xi32>
        %add3A_1520 = arith.addi %mul3A_1519, %iota3A_629 : vector<16xi32>
        tpu.vector_store_idx %arg12[%add3A_1520], %broadcast_in_dim3A_628 masked %eq3A_1516 {add = true} : memref<4096xi32, #tpu.memory_space<vmem>>[vector<16xi32>], vector<16xi32>, vector<16xi1>
        %shift_right_arithmetic3A_1521 = arith.constant 16 : i32
        %shift_right_arithmetic3A_1522 = vector.broadcast %shift_right_arithmetic3A_1521 : i32 to vector<16xi32>
        %shift_right_arithmetic3A_1523 = arith.shrsi %bitcast_convert_type3A_1447, %shift_right_arithmetic3A_1522 : vector<16xi32>
        %and3A_1524 = arith.constant 255 : i32
        %and3A_1525 = vector.broadcast %and3A_1524 : i32 to vector<16xi32>
        %and3A_1526 = arith.andi %shift_right_arithmetic3A_1523, %and3A_1525 : vector<16xi32>
        %shift_right_arithmetic3A_1527 = arith.constant 24 : i32
        %shift_right_arithmetic3A_1528 = vector.broadcast %shift_right_arithmetic3A_1527 : i32 to vector<16xi32>
        %shift_right_arithmetic3A_1529 = arith.shrsi %bitcast_convert_type3A_1447, %shift_right_arithmetic3A_1528 : vector<16xi32>
        %eq3A_1530 = vector.broadcast %shift_right_arithmetic3A_788 : i32 to vector<16xi32>
        %eq3A_1531 = arith.cmpi eq, %shift_right_arithmetic3A_1529, %eq3A_1530 : vector<16xi32>
        %mul3A_1532 = arith.constant 16 : i32
        %mul3A_1533 = vector.broadcast %mul3A_1532 : i32 to vector<16xi32>
        %mul3A_1534 = arith.muli %and3A_1526, %mul3A_1533 : vector<16xi32>
        %add3A_1535 = arith.addi %mul3A_1534, %iota3A_629 : vector<16xi32>
        tpu.vector_store_idx %arg12[%add3A_1535], %broadcast_in_dim3A_628 masked %eq3A_1531 {add = true} : memref<4096xi32, #tpu.memory_space<vmem>>[vector<16xi32>], vector<16xi32>, vector<16xi1>
        %shift_right_arithmetic3A_1536 = arith.constant 16 : i32
        %shift_right_arithmetic3A_1537 = vector.broadcast %shift_right_arithmetic3A_1536 : i32 to vector<16xi32>
        %shift_right_arithmetic3A_1538 = arith.shrsi %bitcast_convert_type3A_1457, %shift_right_arithmetic3A_1537 : vector<16xi32>
        %and3A_1539 = arith.constant 255 : i32
        %and3A_1540 = vector.broadcast %and3A_1539 : i32 to vector<16xi32>
        %and3A_1541 = arith.andi %shift_right_arithmetic3A_1538, %and3A_1540 : vector<16xi32>
        %shift_right_arithmetic3A_1542 = arith.constant 24 : i32
        %shift_right_arithmetic3A_1543 = vector.broadcast %shift_right_arithmetic3A_1542 : i32 to vector<16xi32>
        %shift_right_arithmetic3A_1544 = arith.shrsi %bitcast_convert_type3A_1457, %shift_right_arithmetic3A_1543 : vector<16xi32>
        %eq3A_1545 = vector.broadcast %shift_right_arithmetic3A_788 : i32 to vector<16xi32>
        %eq3A_1546 = arith.cmpi eq, %shift_right_arithmetic3A_1544, %eq3A_1545 : vector<16xi32>
        %mul3A_1547 = arith.constant 16 : i32
        %mul3A_1548 = vector.broadcast %mul3A_1547 : i32 to vector<16xi32>
        %mul3A_1549 = arith.muli %and3A_1541, %mul3A_1548 : vector<16xi32>
        %add3A_1550 = arith.addi %mul3A_1549, %iota3A_629 : vector<16xi32>
        tpu.vector_store_idx %arg12[%add3A_1550], %broadcast_in_dim3A_628 masked %eq3A_1546 {add = true} : memref<4096xi32, #tpu.memory_space<vmem>>[vector<16xi32>], vector<16xi32>, vector<16xi1>
        %shift_right_arithmetic3A_1551 = arith.constant 16 : i32
        %shift_right_arithmetic3A_1552 = vector.broadcast %shift_right_arithmetic3A_1551 : i32 to vector<16xi32>
        %shift_right_arithmetic3A_1553 = arith.shrsi %bitcast_convert_type3A_1467, %shift_right_arithmetic3A_1552 : vector<16xi32>
        %and3A_1554 = arith.constant 255 : i32
        %and3A_1555 = vector.broadcast %and3A_1554 : i32 to vector<16xi32>
        %and3A_1556 = arith.andi %shift_right_arithmetic3A_1553, %and3A_1555 : vector<16xi32>
        %shift_right_arithmetic3A_1557 = arith.constant 24 : i32
        %shift_right_arithmetic3A_1558 = vector.broadcast %shift_right_arithmetic3A_1557 : i32 to vector<16xi32>
        %shift_right_arithmetic3A_1559 = arith.shrsi %bitcast_convert_type3A_1467, %shift_right_arithmetic3A_1558 : vector<16xi32>
        %eq3A_1560 = vector.broadcast %shift_right_arithmetic3A_788 : i32 to vector<16xi32>
        %eq3A_1561 = arith.cmpi eq, %shift_right_arithmetic3A_1559, %eq3A_1560 : vector<16xi32>
        %mul3A_1562 = arith.constant 16 : i32
        %mul3A_1563 = vector.broadcast %mul3A_1562 : i32 to vector<16xi32>
        %mul3A_1564 = arith.muli %and3A_1556, %mul3A_1563 : vector<16xi32>
        %add3A_1565 = arith.addi %mul3A_1564, %iota3A_629 : vector<16xi32>
        tpu.vector_store_idx %arg12[%add3A_1565], %broadcast_in_dim3A_628 masked %eq3A_1561 {add = true} : memref<4096xi32, #tpu.memory_space<vmem>>[vector<16xi32>], vector<16xi32>, vector<16xi1>
        %shift_right_arithmetic3A_1566 = arith.constant 16 : i32
        %shift_right_arithmetic3A_1567 = vector.broadcast %shift_right_arithmetic3A_1566 : i32 to vector<16xi32>
        %shift_right_arithmetic3A_1568 = arith.shrsi %bitcast_convert_type3A_1477, %shift_right_arithmetic3A_1567 : vector<16xi32>
        %and3A_1569 = arith.constant 255 : i32
        %and3A_1570 = vector.broadcast %and3A_1569 : i32 to vector<16xi32>
        %and3A_1571 = arith.andi %shift_right_arithmetic3A_1568, %and3A_1570 : vector<16xi32>
        %shift_right_arithmetic3A_1572 = arith.constant 24 : i32
        %shift_right_arithmetic3A_1573 = vector.broadcast %shift_right_arithmetic3A_1572 : i32 to vector<16xi32>
        %shift_right_arithmetic3A_1574 = arith.shrsi %bitcast_convert_type3A_1477, %shift_right_arithmetic3A_1573 : vector<16xi32>
        %eq3A_1575 = vector.broadcast %shift_right_arithmetic3A_788 : i32 to vector<16xi32>
        %eq3A_1576 = arith.cmpi eq, %shift_right_arithmetic3A_1574, %eq3A_1575 : vector<16xi32>
        %mul3A_1577 = arith.constant 16 : i32
        %mul3A_1578 = vector.broadcast %mul3A_1577 : i32 to vector<16xi32>
        %mul3A_1579 = arith.muli %and3A_1571, %mul3A_1578 : vector<16xi32>
        %add3A_1580 = arith.addi %mul3A_1579, %iota3A_629 : vector<16xi32>
        tpu.vector_store_idx %arg12[%add3A_1580], %broadcast_in_dim3A_628 masked %eq3A_1576 {add = true} : memref<4096xi32, #tpu.memory_space<vmem>>[vector<16xi32>], vector<16xi32>, vector<16xi1>
        %shift_right_arithmetic3A_1581 = arith.constant 16 : i32
        %shift_right_arithmetic3A_1582 = vector.broadcast %shift_right_arithmetic3A_1581 : i32 to vector<16xi32>
        %shift_right_arithmetic3A_1583 = arith.shrsi %bitcast_convert_type3A_1487, %shift_right_arithmetic3A_1582 : vector<16xi32>
        %and3A_1584 = arith.constant 255 : i32
        %and3A_1585 = vector.broadcast %and3A_1584 : i32 to vector<16xi32>
        %and3A_1586 = arith.andi %shift_right_arithmetic3A_1583, %and3A_1585 : vector<16xi32>
        %shift_right_arithmetic3A_1587 = arith.constant 24 : i32
        %shift_right_arithmetic3A_1588 = vector.broadcast %shift_right_arithmetic3A_1587 : i32 to vector<16xi32>
        %shift_right_arithmetic3A_1589 = arith.shrsi %bitcast_convert_type3A_1487, %shift_right_arithmetic3A_1588 : vector<16xi32>
        %eq3A_1590 = vector.broadcast %shift_right_arithmetic3A_788 : i32 to vector<16xi32>
        %eq3A_1591 = arith.cmpi eq, %shift_right_arithmetic3A_1589, %eq3A_1590 : vector<16xi32>
        %mul3A_1592 = arith.constant 16 : i32
        %mul3A_1593 = vector.broadcast %mul3A_1592 : i32 to vector<16xi32>
        %mul3A_1594 = arith.muli %and3A_1586, %mul3A_1593 : vector<16xi32>
        %add3A_1595 = arith.addi %mul3A_1594, %iota3A_629 : vector<16xi32>
        tpu.vector_store_idx %arg12[%add3A_1595], %broadcast_in_dim3A_628 masked %eq3A_1591 {add = true} : memref<4096xi32, #tpu.memory_space<vmem>>[vector<16xi32>], vector<16xi32>, vector<16xi1>
        %shift_right_arithmetic3A_1596 = arith.constant 16 : i32
        %shift_right_arithmetic3A_1597 = vector.broadcast %shift_right_arithmetic3A_1596 : i32 to vector<16xi32>
        %shift_right_arithmetic3A_1598 = arith.shrsi %bitcast_convert_type3A_1497, %shift_right_arithmetic3A_1597 : vector<16xi32>
        %and3A_1599 = arith.constant 255 : i32
        %and3A_1600 = vector.broadcast %and3A_1599 : i32 to vector<16xi32>
        %and3A_1601 = arith.andi %shift_right_arithmetic3A_1598, %and3A_1600 : vector<16xi32>
        %shift_right_arithmetic3A_1602 = arith.constant 24 : i32
        %shift_right_arithmetic3A_1603 = vector.broadcast %shift_right_arithmetic3A_1602 : i32 to vector<16xi32>
        %shift_right_arithmetic3A_1604 = arith.shrsi %bitcast_convert_type3A_1497, %shift_right_arithmetic3A_1603 : vector<16xi32>
        %eq3A_1605 = vector.broadcast %shift_right_arithmetic3A_788 : i32 to vector<16xi32>
        %eq3A_1606 = arith.cmpi eq, %shift_right_arithmetic3A_1604, %eq3A_1605 : vector<16xi32>
        %and3A_1607 = arith.andi %eq3A_1606, %lt3A_1500 : vector<16xi1>
        %mul3A_1608 = arith.constant 16 : i32
        %mul3A_1609 = vector.broadcast %mul3A_1608 : i32 to vector<16xi32>
        %mul3A_1610 = arith.muli %and3A_1601, %mul3A_1609 : vector<16xi32>
        %add3A_1611 = arith.addi %mul3A_1610, %iota3A_629 : vector<16xi32>
        tpu.vector_store_idx %arg12[%add3A_1611], %broadcast_in_dim3A_628 masked %and3A_1607 {add = true} : memref<4096xi32, #tpu.memory_space<vmem>>[vector<16xi32>], vector<16xi32>, vector<16xi1>
        %scan3A_1612 = arith.constant 0 : i32
        scf.yield %scan3A_1612 : i32
      }
      %scan3A_795 = arith.constant 100 : i32
      %broadcast_in_dim3A_796 = arith.constant 0 : i32
      %broadcast_in_dim3A_797 = vector.broadcast %broadcast_in_dim3A_796 : i32 to vector<16xi32>
      %swap3A_798 = arith.constant 4096 : index
      %swap3A_799 = tpu.vector_load %arg13[%swap3A_798] {strides = array<i32>} : memref<4112xi32, #tpu.memory_space<vmem>>, vector<16xi32>,
      tpu.vector_store %arg13[%swap3A_798], %broadcast_in_dim3A_797 {strides = array<i32>} : memref<4112xi32, #tpu.memory_space<vmem>>, vector<16xi32>,
      %broadcast_in_dim3A_800 = arith.constant 0 : i32
      %broadcast_in_dim3A_801 = vector.broadcast %broadcast_in_dim3A_800 : i32 to vector<16xi32>
      %scan3A_802 = arith.constant 0 : i32
      %scan3A_803 = arith.constant 256 : i32
      %scan3A_804 = arith.addi %scan3A_802, %scan3A_803 : i32
      %scan3A_805 = arith.constant 1 : i32
      %scan3A_806 = scf.for %scan3A_1433 = %scan3A_802 to %scan3A_804 step %scan3A_805 iter_args(%scan3A_1434 = %broadcast_in_dim3A_801) -> (vector<16xi32>)  : i32 {
        %sub3A_1435 = arith.constant 255 : i32
        %sub3A_1436 = arith.subi %sub3A_1435, %scan3A_1433 : i32
        %mul3A_1437 = arith.constant 16 : i32
        %mul3A_1438 = arith.muli %sub3A_1436, %mul3A_1437 : i32
        %get3A_1439 = arith.index_cast %mul3A_1438 : i32 to index
        %get3A_1440 = tpu.vector_load %arg12[%get3A_1439] {strides = array<i32>} : memref<4096xi32, #tpu.memory_space<vmem>>, vector<16xi32>,
        %add3A_1441 = arith.addi %scan3A_1434, %get3A_1440 : vector<16xi32>
        %mul3A_1442 = arith.constant 16 : i32
        %mul3A_1443 = arith.muli %sub3A_1436, %mul3A_1442 : i32
        %swap3A_1444 = arith.index_cast %mul3A_1443 : i32 to index
        %swap3A_1445 = tpu.vector_load %arg13[%swap3A_1444] {strides = array<i32>} : memref<4112xi32, #tpu.memory_space<vmem>>, vector<16xi32>,
        tpu.vector_store %arg13[%swap3A_1444], %add3A_1441 {strides = array<i32>} : memref<4112xi32, #tpu.memory_space<vmem>>, vector<16xi32>,
        scf.yield %add3A_1441 : vector<16xi32>
      }
      %scan3A_807 = arith.constant 256 : i32
      %add3A_808 = arith.constant 0 : i32
      %add3A_809 = arith.constant 128 : i32
      %add3A_810 = arith.addi %add3A_808, %add3A_809 : i32
      %mul3A_811 = arith.constant 16 : i32
      %mul3A_812 = arith.muli %add3A_810, %mul3A_811 : i32
      %get3A_813 = arith.index_cast %mul3A_812 : i32 to index
      %get3A_814 = tpu.vector_load %arg13[%get3A_813] {strides = array<i32>} : memref<4112xi32, #tpu.memory_space<vmem>>, vector<16xi32>,
      %reduce_sum3A_815 = arith.constant true
      %reduce_sum3A_816 = vector.broadcast %reduce_sum3A_815 : i1 to vector<16xi1>
      %reduce_sum3A_817 = tpu.scan <sum>, %get3A_814 masked %reduce_sum3A_816 : vector<16xi32>, vector<16xi1> -> vector<16xi32>
      %reduce_sum3A_818 = vector.extract %reduce_sum3A_817[15] : i32 from vector<16xi32>
      %ge3A_819 = arith.cmpi sge, %reduce_sum3A_818, %sub3A_775 : i32
      %jit3A_820 = arith.constant 0 : i32
      %select_n3A_821 = arith.select %ge3A_819, %add3A_810, %jit3A_820 : i32
      %add3A_822 = arith.constant 64 : i32
      %add3A_823 = arith.addi %select_n3A_821, %add3A_822 : i32
      %mul3A_824 = arith.constant 16 : i32
      %mul3A_825 = arith.muli %add3A_823, %mul3A_824 : i32
      %get3A_826 = arith.index_cast %mul3A_825 : i32 to index
      %get3A_827 = tpu.vector_load %arg13[%get3A_826] {strides = array<i32>} : memref<4112xi32, #tpu.memory_space<vmem>>, vector<16xi32>,
      %reduce_sum3A_828 = arith.constant true
      %reduce_sum3A_829 = vector.broadcast %reduce_sum3A_828 : i1 to vector<16xi1>
      %reduce_sum3A_830 = tpu.scan <sum>, %get3A_827 masked %reduce_sum3A_829 : vector<16xi32>, vector<16xi1> -> vector<16xi32>
      %reduce_sum3A_831 = vector.extract %reduce_sum3A_830[15] : i32 from vector<16xi32>
      %ge3A_832 = arith.cmpi sge, %reduce_sum3A_831, %sub3A_775 : i32
      %select_n3A_833 = arith.select %ge3A_832, %add3A_823, %select_n3A_821 : i32
      %add3A_834 = arith.constant 32 : i32
      %add3A_835 = arith.addi %select_n3A_833, %add3A_834 : i32
      %mul3A_836 = arith.constant 16 : i32
      %mul3A_837 = arith.muli %add3A_835, %mul3A_836 : i32
      %get3A_838 = arith.index_cast %mul3A_837 : i32 to index
      %get3A_839 = tpu.vector_load %arg13[%get3A_838] {strides = array<i32>} : memref<4112xi32, #tpu.memory_space<vmem>>, vector<16xi32>,
      %reduce_sum3A_840 = arith.constant true
      %reduce_sum3A_841 = vector.broadcast %reduce_sum3A_840 : i1 to vector<16xi1>
      %reduce_sum3A_842 = tpu.scan <sum>, %get3A_839 masked %reduce_sum3A_841 : vector<16xi32>, vector<16xi1> -> vector<16xi32>
      %reduce_sum3A_843 = vector.extract %reduce_sum3A_842[15] : i32 from vector<16xi32>
      %ge3A_844 = arith.cmpi sge, %reduce_sum3A_843, %sub3A_775 : i32
      %select_n3A_845 = arith.select %ge3A_844, %add3A_835, %select_n3A_833 : i32
      %add3A_846 = arith.constant 16 : i32
      %add3A_847 = arith.addi %select_n3A_845, %add3A_846 : i32
      %mul3A_848 = arith.constant 16 : i32
      %mul3A_849 = arith.muli %add3A_847, %mul3A_848 : i32
      %get3A_850 = arith.index_cast %mul3A_849 : i32 to index
      %get3A_851 = tpu.vector_load %arg13[%get3A_850] {strides = array<i32>} : memref<4112xi32, #tpu.memory_space<vmem>>, vector<16xi32>,
      %reduce_sum3A_852 = arith.constant true
      %reduce_sum3A_853 = vector.broadcast %reduce_sum3A_852 : i1 to vector<16xi1>
      %reduce_sum3A_854 = tpu.scan <sum>, %get3A_851 masked %reduce_sum3A_853 : vector<16xi32>, vector<16xi1> -> vector<16xi32>
      %reduce_sum3A_855 = vector.extract %reduce_sum3A_854[15] : i32 from vector<16xi32>
      %ge3A_856 = arith.cmpi sge, %reduce_sum3A_855, %sub3A_775 : i32
      %select_n3A_857 = arith.select %ge3A_856, %add3A_847, %select_n3A_845 : i32
      %add3A_858 = arith.constant 8 : i32
      %add3A_859 = arith.addi %select_n3A_857, %add3A_858 : i32
      %mul3A_860 = arith.constant 16 : i32
      %mul3A_861 = arith.muli %add3A_859, %mul3A_860 : i32
      %get3A_862 = arith.index_cast %mul3A_861 : i32 to index
      %get3A_863 = tpu.vector_load %arg13[%get3A_862] {strides = array<i32>} : memref<4112xi32, #tpu.memory_space<vmem>>, vector<16xi32>,
      %reduce_sum3A_864 = arith.constant true
      %reduce_sum3A_865 = vector.broadcast %reduce_sum3A_864 : i1 to vector<16xi1>
      %reduce_sum3A_866 = tpu.scan <sum>, %get3A_863 masked %reduce_sum3A_865 : vector<16xi32>, vector<16xi1> -> vector<16xi32>
      %reduce_sum3A_867 = vector.extract %reduce_sum3A_866[15] : i32 from vector<16xi32>
      %ge3A_868 = arith.cmpi sge, %reduce_sum3A_867, %sub3A_775 : i32
      %select_n3A_869 = arith.select %ge3A_868, %add3A_859, %select_n3A_857 : i32
      %add3A_870 = arith.constant 4 : i32
      %add3A_871 = arith.addi %select_n3A_869, %add3A_870 : i32
      %mul3A_872 = arith.constant 16 : i32
      %mul3A_873 = arith.muli %add3A_871, %mul3A_872 : i32
      %get3A_874 = arith.index_cast %mul3A_873 : i32 to index
      %get3A_875 = tpu.vector_load %arg13[%get3A_874] {strides = array<i32>} : memref<4112xi32, #tpu.memory_space<vmem>>, vector<16xi32>,
      %reduce_sum3A_876 = arith.constant true
      %reduce_sum3A_877 = vector.broadcast %reduce_sum3A_876 : i1 to vector<16xi1>
      %reduce_sum3A_878 = tpu.scan <sum>, %get3A_875 masked %reduce_sum3A_877 : vector<16xi32>, vector<16xi1> -> vector<16xi32>
      %reduce_sum3A_879 = vector.extract %reduce_sum3A_878[15] : i32 from vector<16xi32>
      %ge3A_880 = arith.cmpi sge, %reduce_sum3A_879, %sub3A_775 : i32
      %select_n3A_881 = arith.select %ge3A_880, %add3A_871, %select_n3A_869 : i32
      %add3A_882 = arith.constant 2 : i32
      %add3A_883 = arith.addi %select_n3A_881, %add3A_882 : i32
      %mul3A_884 = arith.constant 16 : i32
      %mul3A_885 = arith.muli %add3A_883, %mul3A_884 : i32
      %get3A_886 = arith.index_cast %mul3A_885 : i32 to index
      %get3A_887 = tpu.vector_load %arg13[%get3A_886] {strides = array<i32>} : memref<4112xi32, #tpu.memory_space<vmem>>, vector<16xi32>,
      %reduce_sum3A_888 = arith.constant true
      %reduce_sum3A_889 = vector.broadcast %reduce_sum3A_888 : i1 to vector<16xi1>
      %reduce_sum3A_890 = tpu.scan <sum>, %get3A_887 masked %reduce_sum3A_889 : vector<16xi32>, vector<16xi1> -> vector<16xi32>
      %reduce_sum3A_891 = vector.extract %reduce_sum3A_890[15] : i32 from vector<16xi32>
      %ge3A_892 = arith.cmpi sge, %reduce_sum3A_891, %sub3A_775 : i32
      %select_n3A_893 = arith.select %ge3A_892, %add3A_883, %select_n3A_881 : i32
      %add3A_894 = arith.constant 1 : i32
      %add3A_895 = arith.addi %select_n3A_893, %add3A_894 : i32
      %mul3A_896 = arith.constant 16 : i32
      %mul3A_897 = arith.muli %add3A_895, %mul3A_896 : i32
      %get3A_898 = arith.index_cast %mul3A_897 : i32 to index
      %get3A_899 = tpu.vector_load %arg13[%get3A_898] {strides = array<i32>} : memref<4112xi32, #tpu.memory_space<vmem>>, vector<16xi32>,
      %reduce_sum3A_900 = arith.constant true
      %reduce_sum3A_901 = vector.broadcast %reduce_sum3A_900 : i1 to vector<16xi1>
      %reduce_sum3A_902 = tpu.scan <sum>, %get3A_899 masked %reduce_sum3A_901 : vector<16xi32>, vector<16xi1> -> vector<16xi32>
      %reduce_sum3A_903 = vector.extract %reduce_sum3A_902[15] : i32 from vector<16xi32>
      %ge3A_904 = arith.cmpi sge, %reduce_sum3A_903, %sub3A_775 : i32
      %select_n3A_905 = arith.select %ge3A_904, %add3A_895, %select_n3A_893 : i32
      %add3A_906 = arith.constant 1 : i32
      %add3A_907 = arith.addi %select_n3A_905, %add3A_906 : i32
      %mul3A_908 = arith.constant 16 : i32
      %mul3A_909 = arith.muli %add3A_907, %mul3A_908 : i32
      %get3A_910 = arith.index_cast %mul3A_909 : i32 to index
      %get3A_911 = tpu.vector_load %arg13[%get3A_910] {strides = array<i32>} : memref<4112xi32, #tpu.memory_space<vmem>>, vector<16xi32>,
      %reduce_sum3A_912 = arith.constant true
      %reduce_sum3A_913 = vector.broadcast %reduce_sum3A_912 : i1 to vector<16xi1>
      %reduce_sum3A_914 = tpu.scan <sum>, %get3A_911 masked %reduce_sum3A_913 : vector<16xi32>, vector<16xi1> -> vector<16xi32>
      %reduce_sum3A_915 = vector.extract %reduce_sum3A_914[15] : i32 from vector<16xi32>
      %sub3A_916 = arith.subi %sub3A_775, %reduce_sum3A_915 : i32
      %shift_left3A_917 = arith.constant 16 : i32
      %shift_left3A_918 = arith.shli %select_n3A_905, %shift_left3A_917 : i32
      %or3A_919 = arith.ori %or3A_779, %shift_left3A_918 : i32
      %scan3A_920 = arith.constant 0 : i32
      %scan3A_921 = arith.constant 0 : i32
      %scan3A_922 = arith.constant 256 : i32
      %scan3A_923 = arith.addi %scan3A_921, %scan3A_922 : i32
      %scan3A_924 = arith.constant 1 : i32
      %scan3A_925 = scf.for %scan3A_1433 = %scan3A_921 to %scan3A_923 step %scan3A_924 iter_args(%scan3A_1434 = %scan3A_920) -> (i32)  : i32 {
        %broadcast_in_dim3A_1435 = arith.constant 0 : i32
        %broadcast_in_dim3A_1436 = vector.broadcast %broadcast_in_dim3A_1435 : i32 to vector<16xi32>
        %mul3A_1437 = arith.constant 16 : i32
        %mul3A_1438 = arith.muli %scan3A_1433, %mul3A_1437 : i32
        %swap3A_1439 = arith.index_cast %mul3A_1438 : i32 to index
        %swap3A_1440 = tpu.vector_load %arg12[%swap3A_1439] {strides = array<i32>} : memref<4096xi32, #tpu.memory_space<vmem>>, vector<16xi32>,
        tpu.vector_store %arg12[%swap3A_1439], %broadcast_in_dim3A_1436 {strides = array<i32>} : memref<4096xi32, #tpu.memory_space<vmem>>, vector<16xi32>,
        %scan3A_1441 = arith.constant 0 : i32
        scf.yield %scan3A_1441 : i32
      }
      %scan3A_926 = arith.constant 256 : i32
      %shift_right_arithmetic3A_927 = arith.constant 16 : i32
      %shift_right_arithmetic3A_928 = arith.shrsi %or3A_919, %shift_right_arithmetic3A_927 : i32
      %scan3A_929 = arith.constant 0 : i32
      %scan3A_930 = arith.constant 0 : i32
      %scan3A_931 = arith.constant 100 : i32
      %scan3A_932 = arith.addi %scan3A_930, %scan3A_931 : i32
      %scan3A_933 = arith.constant 1 : i32
      %scan3A_934 = scf.for %scan3A_1433 = %scan3A_930 to %scan3A_932 step %scan3A_933 iter_args(%scan3A_1434 = %scan3A_929) -> (i32)  : i32 {
        %get3A_1435 = arith.index_cast %scan3A_1433 : i32 to index
        %get3A_1436 = arith.constant 0 : index
        %get3A_1437 = tpu.vector_load %arg16[%get3A_1435, %get3A_1436] {strides = array<i32>} : memref<112x128xf32, #tpu.memory_space<vmem>>, vector<16xf32>,
        %bitcast_convert_type3A = tpu.bitcast %get3A_1437 : vector<16xf32> -> vector<16xi32>
        %mul3A_1438 = arith.constant 112 : i32
        %mul3A_1439 = arith.muli %scan3A_1433, %mul3A_1438 : i32
        %add3A_1440 = arith.constant 0 : i32
        %add3A_1441 = arith.addi %mul3A_1439, %add3A_1440 : i32
        %add3A_1442 = vector.broadcast %add3A_1441 : i32 to vector<16xi32>
        %add3A_1443 = arith.addi %add3A_1442, %iota3A : vector<16xi32>
        %get3A_1444 = arith.index_cast %scan3A_1433 : i32 to index
        %get3A_1445 = arith.constant 16 : index
        %get3A_1446 = tpu.vector_load %arg16[%get3A_1444, %get3A_1445] {strides = array<i32>} : memref<112x128xf32, #tpu.memory_space<vmem>>, vector<16xf32>,
        %bitcast_convert_type3A_1447 = tpu.bitcast %get3A_1446 : vector<16xf32> -> vector<16xi32>
        %mul3A_1448 = arith.constant 112 : i32
        %mul3A_1449 = arith.muli %scan3A_1433, %mul3A_1448 : i32
        %add3A_1450 = arith.constant 16 : i32
        %add3A_1451 = arith.addi %mul3A_1449, %add3A_1450 : i32
        %add3A_1452 = vector.broadcast %add3A_1451 : i32 to vector<16xi32>
        %add3A_1453 = arith.addi %add3A_1452, %iota3A : vector<16xi32>
        %get3A_1454 = arith.index_cast %scan3A_1433 : i32 to index
        %get3A_1455 = arith.constant 32 : index
        %get3A_1456 = tpu.vector_load %arg16[%get3A_1454, %get3A_1455] {strides = array<i32>} : memref<112x128xf32, #tpu.memory_space<vmem>>, vector<16xf32>,
        %bitcast_convert_type3A_1457 = tpu.bitcast %get3A_1456 : vector<16xf32> -> vector<16xi32>
        %mul3A_1458 = arith.constant 112 : i32
        %mul3A_1459 = arith.muli %scan3A_1433, %mul3A_1458 : i32
        %add3A_1460 = arith.constant 32 : i32
        %add3A_1461 = arith.addi %mul3A_1459, %add3A_1460 : i32
        %add3A_1462 = vector.broadcast %add3A_1461 : i32 to vector<16xi32>
        %add3A_1463 = arith.addi %add3A_1462, %iota3A : vector<16xi32>
        %get3A_1464 = arith.index_cast %scan3A_1433 : i32 to index
        %get3A_1465 = arith.constant 48 : index
        %get3A_1466 = tpu.vector_load %arg16[%get3A_1464, %get3A_1465] {strides = array<i32>} : memref<112x128xf32, #tpu.memory_space<vmem>>, vector<16xf32>,
        %bitcast_convert_type3A_1467 = tpu.bitcast %get3A_1466 : vector<16xf32> -> vector<16xi32>
        %mul3A_1468 = arith.constant 112 : i32
        %mul3A_1469 = arith.muli %scan3A_1433, %mul3A_1468 : i32
        %add3A_1470 = arith.constant 48 : i32
        %add3A_1471 = arith.addi %mul3A_1469, %add3A_1470 : i32
        %add3A_1472 = vector.broadcast %add3A_1471 : i32 to vector<16xi32>
        %add3A_1473 = arith.addi %add3A_1472, %iota3A : vector<16xi32>
        %get3A_1474 = arith.index_cast %scan3A_1433 : i32 to index
        %get3A_1475 = arith.constant 64 : index
        %get3A_1476 = tpu.vector_load %arg16[%get3A_1474, %get3A_1475] {strides = array<i32>} : memref<112x128xf32, #tpu.memory_space<vmem>>, vector<16xf32>,
        %bitcast_convert_type3A_1477 = tpu.bitcast %get3A_1476 : vector<16xf32> -> vector<16xi32>
        %mul3A_1478 = arith.constant 112 : i32
        %mul3A_1479 = arith.muli %scan3A_1433, %mul3A_1478 : i32
        %add3A_1480 = arith.constant 64 : i32
        %add3A_1481 = arith.addi %mul3A_1479, %add3A_1480 : i32
        %add3A_1482 = vector.broadcast %add3A_1481 : i32 to vector<16xi32>
        %add3A_1483 = arith.addi %add3A_1482, %iota3A : vector<16xi32>
        %get3A_1484 = arith.index_cast %scan3A_1433 : i32 to index
        %get3A_1485 = arith.constant 80 : index
        %get3A_1486 = tpu.vector_load %arg16[%get3A_1484, %get3A_1485] {strides = array<i32>} : memref<112x128xf32, #tpu.memory_space<vmem>>, vector<16xf32>,
        %bitcast_convert_type3A_1487 = tpu.bitcast %get3A_1486 : vector<16xf32> -> vector<16xi32>
        %mul3A_1488 = arith.constant 112 : i32
        %mul3A_1489 = arith.muli %scan3A_1433, %mul3A_1488 : i32
        %add3A_1490 = arith.constant 80 : i32
        %add3A_1491 = arith.addi %mul3A_1489, %add3A_1490 : i32
        %add3A_1492 = vector.broadcast %add3A_1491 : i32 to vector<16xi32>
        %add3A_1493 = arith.addi %add3A_1492, %iota3A : vector<16xi32>
        %get3A_1494 = arith.index_cast %scan3A_1433 : i32 to index
        %get3A_1495 = arith.constant 96 : index
        %get3A_1496 = tpu.vector_load %arg16[%get3A_1494, %get3A_1495] {strides = array<i32>} : memref<112x128xf32, #tpu.memory_space<vmem>>, vector<16xf32>,
        %bitcast_convert_type3A_1497 = tpu.bitcast %get3A_1496 : vector<16xf32> -> vector<16xi32>
        %lt3A_1498 = arith.constant 4 : i32
        %lt3A_1499 = vector.broadcast %lt3A_1498 : i32 to vector<16xi32>
        %lt3A_1500 = arith.cmpi slt, %iota3A, %lt3A_1499 : vector<16xi32>
        %mul3A_1501 = arith.constant 112 : i32
        %mul3A_1502 = arith.muli %scan3A_1433, %mul3A_1501 : i32
        %add3A_1503 = arith.constant 96 : i32
        %add3A_1504 = arith.addi %mul3A_1502, %add3A_1503 : i32
        %add3A_1505 = vector.broadcast %add3A_1504 : i32 to vector<16xi32>
        %add3A_1506 = arith.addi %add3A_1505, %iota3A : vector<16xi32>
        %shift_right_arithmetic3A_1507 = arith.constant 8 : i32
        %shift_right_arithmetic3A_1508 = vector.broadcast %shift_right_arithmetic3A_1507 : i32 to vector<16xi32>
        %shift_right_arithmetic3A_1509 = arith.shrsi %bitcast_convert_type3A, %shift_right_arithmetic3A_1508 : vector<16xi32>
        %and3A = arith.constant 255 : i32
        %and3A_1510 = vector.broadcast %and3A : i32 to vector<16xi32>
        %and3A_1511 = arith.andi %shift_right_arithmetic3A_1509, %and3A_1510 : vector<16xi32>
        %shift_right_arithmetic3A_1512 = arith.constant 16 : i32
        %shift_right_arithmetic3A_1513 = vector.broadcast %shift_right_arithmetic3A_1512 : i32 to vector<16xi32>
        %shift_right_arithmetic3A_1514 = arith.shrsi %bitcast_convert_type3A, %shift_right_arithmetic3A_1513 : vector<16xi32>
        %eq3A_1515 = vector.broadcast %shift_right_arithmetic3A_928 : i32 to vector<16xi32>
        %eq3A_1516 = arith.cmpi eq, %shift_right_arithmetic3A_1514, %eq3A_1515 : vector<16xi32>
        %mul3A_1517 = arith.constant 16 : i32
        %mul3A_1518 = vector.broadcast %mul3A_1517 : i32 to vector<16xi32>
        %mul3A_1519 = arith.muli %and3A_1511, %mul3A_1518 : vector<16xi32>
        %add3A_1520 = arith.addi %mul3A_1519, %iota3A_629 : vector<16xi32>
        tpu.vector_store_idx %arg12[%add3A_1520], %broadcast_in_dim3A_628 masked %eq3A_1516 {add = true} : memref<4096xi32, #tpu.memory_space<vmem>>[vector<16xi32>], vector<16xi32>, vector<16xi1>
        %shift_right_arithmetic3A_1521 = arith.constant 8 : i32
        %shift_right_arithmetic3A_1522 = vector.broadcast %shift_right_arithmetic3A_1521 : i32 to vector<16xi32>
        %shift_right_arithmetic3A_1523 = arith.shrsi %bitcast_convert_type3A_1447, %shift_right_arithmetic3A_1522 : vector<16xi32>
        %and3A_1524 = arith.constant 255 : i32
        %and3A_1525 = vector.broadcast %and3A_1524 : i32 to vector<16xi32>
        %and3A_1526 = arith.andi %shift_right_arithmetic3A_1523, %and3A_1525 : vector<16xi32>
        %shift_right_arithmetic3A_1527 = arith.constant 16 : i32
        %shift_right_arithmetic3A_1528 = vector.broadcast %shift_right_arithmetic3A_1527 : i32 to vector<16xi32>
        %shift_right_arithmetic3A_1529 = arith.shrsi %bitcast_convert_type3A_1447, %shift_right_arithmetic3A_1528 : vector<16xi32>
        %eq3A_1530 = vector.broadcast %shift_right_arithmetic3A_928 : i32 to vector<16xi32>
        %eq3A_1531 = arith.cmpi eq, %shift_right_arithmetic3A_1529, %eq3A_1530 : vector<16xi32>
        %mul3A_1532 = arith.constant 16 : i32
        %mul3A_1533 = vector.broadcast %mul3A_1532 : i32 to vector<16xi32>
        %mul3A_1534 = arith.muli %and3A_1526, %mul3A_1533 : vector<16xi32>
        %add3A_1535 = arith.addi %mul3A_1534, %iota3A_629 : vector<16xi32>
        tpu.vector_store_idx %arg12[%add3A_1535], %broadcast_in_dim3A_628 masked %eq3A_1531 {add = true} : memref<4096xi32, #tpu.memory_space<vmem>>[vector<16xi32>], vector<16xi32>, vector<16xi1>
        %shift_right_arithmetic3A_1536 = arith.constant 8 : i32
        %shift_right_arithmetic3A_1537 = vector.broadcast %shift_right_arithmetic3A_1536 : i32 to vector<16xi32>
        %shift_right_arithmetic3A_1538 = arith.shrsi %bitcast_convert_type3A_1457, %shift_right_arithmetic3A_1537 : vector<16xi32>
        %and3A_1539 = arith.constant 255 : i32
        %and3A_1540 = vector.broadcast %and3A_1539 : i32 to vector<16xi32>
        %and3A_1541 = arith.andi %shift_right_arithmetic3A_1538, %and3A_1540 : vector<16xi32>
        %shift_right_arithmetic3A_1542 = arith.constant 16 : i32
        %shift_right_arithmetic3A_1543 = vector.broadcast %shift_right_arithmetic3A_1542 : i32 to vector<16xi32>
        %shift_right_arithmetic3A_1544 = arith.shrsi %bitcast_convert_type3A_1457, %shift_right_arithmetic3A_1543 : vector<16xi32>
        %eq3A_1545 = vector.broadcast %shift_right_arithmetic3A_928 : i32 to vector<16xi32>
        %eq3A_1546 = arith.cmpi eq, %shift_right_arithmetic3A_1544, %eq3A_1545 : vector<16xi32>
        %mul3A_1547 = arith.constant 16 : i32
        %mul3A_1548 = vector.broadcast %mul3A_1547 : i32 to vector<16xi32>
        %mul3A_1549 = arith.muli %and3A_1541, %mul3A_1548 : vector<16xi32>
        %add3A_1550 = arith.addi %mul3A_1549, %iota3A_629 : vector<16xi32>
        tpu.vector_store_idx %arg12[%add3A_1550], %broadcast_in_dim3A_628 masked %eq3A_1546 {add = true} : memref<4096xi32, #tpu.memory_space<vmem>>[vector<16xi32>], vector<16xi32>, vector<16xi1>
        %shift_right_arithmetic3A_1551 = arith.constant 8 : i32
        %shift_right_arithmetic3A_1552 = vector.broadcast %shift_right_arithmetic3A_1551 : i32 to vector<16xi32>
        %shift_right_arithmetic3A_1553 = arith.shrsi %bitcast_convert_type3A_1467, %shift_right_arithmetic3A_1552 : vector<16xi32>
        %and3A_1554 = arith.constant 255 : i32
        %and3A_1555 = vector.broadcast %and3A_1554 : i32 to vector<16xi32>
        %and3A_1556 = arith.andi %shift_right_arithmetic3A_1553, %and3A_1555 : vector<16xi32>
        %shift_right_arithmetic3A_1557 = arith.constant 16 : i32
        %shift_right_arithmetic3A_1558 = vector.broadcast %shift_right_arithmetic3A_1557 : i32 to vector<16xi32>
        %shift_right_arithmetic3A_1559 = arith.shrsi %bitcast_convert_type3A_1467, %shift_right_arithmetic3A_1558 : vector<16xi32>
        %eq3A_1560 = vector.broadcast %shift_right_arithmetic3A_928 : i32 to vector<16xi32>
        %eq3A_1561 = arith.cmpi eq, %shift_right_arithmetic3A_1559, %eq3A_1560 : vector<16xi32>
        %mul3A_1562 = arith.constant 16 : i32
        %mul3A_1563 = vector.broadcast %mul3A_1562 : i32 to vector<16xi32>
        %mul3A_1564 = arith.muli %and3A_1556, %mul3A_1563 : vector<16xi32>
        %add3A_1565 = arith.addi %mul3A_1564, %iota3A_629 : vector<16xi32>
        tpu.vector_store_idx %arg12[%add3A_1565], %broadcast_in_dim3A_628 masked %eq3A_1561 {add = true} : memref<4096xi32, #tpu.memory_space<vmem>>[vector<16xi32>], vector<16xi32>, vector<16xi1>
        %shift_right_arithmetic3A_1566 = arith.constant 8 : i32
        %shift_right_arithmetic3A_1567 = vector.broadcast %shift_right_arithmetic3A_1566 : i32 to vector<16xi32>
        %shift_right_arithmetic3A_1568 = arith.shrsi %bitcast_convert_type3A_1477, %shift_right_arithmetic3A_1567 : vector<16xi32>
        %and3A_1569 = arith.constant 255 : i32
        %and3A_1570 = vector.broadcast %and3A_1569 : i32 to vector<16xi32>
        %and3A_1571 = arith.andi %shift_right_arithmetic3A_1568, %and3A_1570 : vector<16xi32>
        %shift_right_arithmetic3A_1572 = arith.constant 16 : i32
        %shift_right_arithmetic3A_1573 = vector.broadcast %shift_right_arithmetic3A_1572 : i32 to vector<16xi32>
        %shift_right_arithmetic3A_1574 = arith.shrsi %bitcast_convert_type3A_1477, %shift_right_arithmetic3A_1573 : vector<16xi32>
        %eq3A_1575 = vector.broadcast %shift_right_arithmetic3A_928 : i32 to vector<16xi32>
        %eq3A_1576 = arith.cmpi eq, %shift_right_arithmetic3A_1574, %eq3A_1575 : vector<16xi32>
        %mul3A_1577 = arith.constant 16 : i32
        %mul3A_1578 = vector.broadcast %mul3A_1577 : i32 to vector<16xi32>
        %mul3A_1579 = arith.muli %and3A_1571, %mul3A_1578 : vector<16xi32>
        %add3A_1580 = arith.addi %mul3A_1579, %iota3A_629 : vector<16xi32>
        tpu.vector_store_idx %arg12[%add3A_1580], %broadcast_in_dim3A_628 masked %eq3A_1576 {add = true} : memref<4096xi32, #tpu.memory_space<vmem>>[vector<16xi32>], vector<16xi32>, vector<16xi1>
        %shift_right_arithmetic3A_1581 = arith.constant 8 : i32
        %shift_right_arithmetic3A_1582 = vector.broadcast %shift_right_arithmetic3A_1581 : i32 to vector<16xi32>
        %shift_right_arithmetic3A_1583 = arith.shrsi %bitcast_convert_type3A_1487, %shift_right_arithmetic3A_1582 : vector<16xi32>
        %and3A_1584 = arith.constant 255 : i32
        %and3A_1585 = vector.broadcast %and3A_1584 : i32 to vector<16xi32>
        %and3A_1586 = arith.andi %shift_right_arithmetic3A_1583, %and3A_1585 : vector<16xi32>
        %shift_right_arithmetic3A_1587 = arith.constant 16 : i32
        %shift_right_arithmetic3A_1588 = vector.broadcast %shift_right_arithmetic3A_1587 : i32 to vector<16xi32>
        %shift_right_arithmetic3A_1589 = arith.shrsi %bitcast_convert_type3A_1487, %shift_right_arithmetic3A_1588 : vector<16xi32>
        %eq3A_1590 = vector.broadcast %shift_right_arithmetic3A_928 : i32 to vector<16xi32>
        %eq3A_1591 = arith.cmpi eq, %shift_right_arithmetic3A_1589, %eq3A_1590 : vector<16xi32>
        %mul3A_1592 = arith.constant 16 : i32
        %mul3A_1593 = vector.broadcast %mul3A_1592 : i32 to vector<16xi32>
        %mul3A_1594 = arith.muli %and3A_1586, %mul3A_1593 : vector<16xi32>
        %add3A_1595 = arith.addi %mul3A_1594, %iota3A_629 : vector<16xi32>
        tpu.vector_store_idx %arg12[%add3A_1595], %broadcast_in_dim3A_628 masked %eq3A_1591 {add = true} : memref<4096xi32, #tpu.memory_space<vmem>>[vector<16xi32>], vector<16xi32>, vector<16xi1>
        %shift_right_arithmetic3A_1596 = arith.constant 8 : i32
        %shift_right_arithmetic3A_1597 = vector.broadcast %shift_right_arithmetic3A_1596 : i32 to vector<16xi32>
        %shift_right_arithmetic3A_1598 = arith.shrsi %bitcast_convert_type3A_1497, %shift_right_arithmetic3A_1597 : vector<16xi32>
        %and3A_1599 = arith.constant 255 : i32
        %and3A_1600 = vector.broadcast %and3A_1599 : i32 to vector<16xi32>
        %and3A_1601 = arith.andi %shift_right_arithmetic3A_1598, %and3A_1600 : vector<16xi32>
        %shift_right_arithmetic3A_1602 = arith.constant 16 : i32
        %shift_right_arithmetic3A_1603 = vector.broadcast %shift_right_arithmetic3A_1602 : i32 to vector<16xi32>
        %shift_right_arithmetic3A_1604 = arith.shrsi %bitcast_convert_type3A_1497, %shift_right_arithmetic3A_1603 : vector<16xi32>
        %eq3A_1605 = vector.broadcast %shift_right_arithmetic3A_928 : i32 to vector<16xi32>
        %eq3A_1606 = arith.cmpi eq, %shift_right_arithmetic3A_1604, %eq3A_1605 : vector<16xi32>
        %and3A_1607 = arith.andi %eq3A_1606, %lt3A_1500 : vector<16xi1>
        %mul3A_1608 = arith.constant 16 : i32
        %mul3A_1609 = vector.broadcast %mul3A_1608 : i32 to vector<16xi32>
        %mul3A_1610 = arith.muli %and3A_1601, %mul3A_1609 : vector<16xi32>
        %add3A_1611 = arith.addi %mul3A_1610, %iota3A_629 : vector<16xi32>
        tpu.vector_store_idx %arg12[%add3A_1611], %broadcast_in_dim3A_628 masked %and3A_1607 {add = true} : memref<4096xi32, #tpu.memory_space<vmem>>[vector<16xi32>], vector<16xi32>, vector<16xi1>
        %scan3A_1612 = arith.constant 0 : i32
        scf.yield %scan3A_1612 : i32
      }
      %scan3A_935 = arith.constant 100 : i32
      %broadcast_in_dim3A_936 = arith.constant 0 : i32
      %broadcast_in_dim3A_937 = vector.broadcast %broadcast_in_dim3A_936 : i32 to vector<16xi32>
      %swap3A_938 = arith.constant 4096 : index
      %swap3A_939 = tpu.vector_load %arg13[%swap3A_938] {strides = array<i32>} : memref<4112xi32, #tpu.memory_space<vmem>>, vector<16xi32>,
      tpu.vector_store %arg13[%swap3A_938], %broadcast_in_dim3A_937 {strides = array<i32>} : memref<4112xi32, #tpu.memory_space<vmem>>, vector<16xi32>,
      %broadcast_in_dim3A_940 = arith.constant 0 : i32
      %broadcast_in_dim3A_941 = vector.broadcast %broadcast_in_dim3A_940 : i32 to vector<16xi32>
      %scan3A_942 = arith.constant 0 : i32
      %scan3A_943 = arith.constant 256 : i32
      %scan3A_944 = arith.addi %scan3A_942, %scan3A_943 : i32
      %scan3A_945 = arith.constant 1 : i32
      %scan3A_946 = scf.for %scan3A_1433 = %scan3A_942 to %scan3A_944 step %scan3A_945 iter_args(%scan3A_1434 = %broadcast_in_dim3A_941) -> (vector<16xi32>)  : i32 {
        %sub3A_1435 = arith.constant 255 : i32
        %sub3A_1436 = arith.subi %sub3A_1435, %scan3A_1433 : i32
        %mul3A_1437 = arith.constant 16 : i32
        %mul3A_1438 = arith.muli %sub3A_1436, %mul3A_1437 : i32
        %get3A_1439 = arith.index_cast %mul3A_1438 : i32 to index
        %get3A_1440 = tpu.vector_load %arg12[%get3A_1439] {strides = array<i32>} : memref<4096xi32, #tpu.memory_space<vmem>>, vector<16xi32>,
        %add3A_1441 = arith.addi %scan3A_1434, %get3A_1440 : vector<16xi32>
        %mul3A_1442 = arith.constant 16 : i32
        %mul3A_1443 = arith.muli %sub3A_1436, %mul3A_1442 : i32
        %swap3A_1444 = arith.index_cast %mul3A_1443 : i32 to index
        %swap3A_1445 = tpu.vector_load %arg13[%swap3A_1444] {strides = array<i32>} : memref<4112xi32, #tpu.memory_space<vmem>>, vector<16xi32>,
        tpu.vector_store %arg13[%swap3A_1444], %add3A_1441 {strides = array<i32>} : memref<4112xi32, #tpu.memory_space<vmem>>, vector<16xi32>,
        scf.yield %add3A_1441 : vector<16xi32>
      }
      %scan3A_947 = arith.constant 256 : i32
      %add3A_948 = arith.constant 0 : i32
      %add3A_949 = arith.constant 128 : i32
      %add3A_950 = arith.addi %add3A_948, %add3A_949 : i32
      %mul3A_951 = arith.constant 16 : i32
      %mul3A_952 = arith.muli %add3A_950, %mul3A_951 : i32
      %get3A_953 = arith.index_cast %mul3A_952 : i32 to index
      %get3A_954 = tpu.vector_load %arg13[%get3A_953] {strides = array<i32>} : memref<4112xi32, #tpu.memory_space<vmem>>, vector<16xi32>,
      %reduce_sum3A_955 = arith.constant true
      %reduce_sum3A_956 = vector.broadcast %reduce_sum3A_955 : i1 to vector<16xi1>
      %reduce_sum3A_957 = tpu.scan <sum>, %get3A_954 masked %reduce_sum3A_956 : vector<16xi32>, vector<16xi1> -> vector<16xi32>
      %reduce_sum3A_958 = vector.extract %reduce_sum3A_957[15] : i32 from vector<16xi32>
      %ge3A_959 = arith.cmpi sge, %reduce_sum3A_958, %sub3A_916 : i32
      %jit3A_960 = arith.constant 0 : i32
      %select_n3A_961 = arith.select %ge3A_959, %add3A_950, %jit3A_960 : i32
      %add3A_962 = arith.constant 64 : i32
      %add3A_963 = arith.addi %select_n3A_961, %add3A_962 : i32
      %mul3A_964 = arith.constant 16 : i32
      %mul3A_965 = arith.muli %add3A_963, %mul3A_964 : i32
      %get3A_966 = arith.index_cast %mul3A_965 : i32 to index
      %get3A_967 = tpu.vector_load %arg13[%get3A_966] {strides = array<i32>} : memref<4112xi32, #tpu.memory_space<vmem>>, vector<16xi32>,
      %reduce_sum3A_968 = arith.constant true
      %reduce_sum3A_969 = vector.broadcast %reduce_sum3A_968 : i1 to vector<16xi1>
      %reduce_sum3A_970 = tpu.scan <sum>, %get3A_967 masked %reduce_sum3A_969 : vector<16xi32>, vector<16xi1> -> vector<16xi32>
      %reduce_sum3A_971 = vector.extract %reduce_sum3A_970[15] : i32 from vector<16xi32>
      %ge3A_972 = arith.cmpi sge, %reduce_sum3A_971, %sub3A_916 : i32
      %select_n3A_973 = arith.select %ge3A_972, %add3A_963, %select_n3A_961 : i32
      %add3A_974 = arith.constant 32 : i32
      %add3A_975 = arith.addi %select_n3A_973, %add3A_974 : i32
      %mul3A_976 = arith.constant 16 : i32
      %mul3A_977 = arith.muli %add3A_975, %mul3A_976 : i32
      %get3A_978 = arith.index_cast %mul3A_977 : i32 to index
      %get3A_979 = tpu.vector_load %arg13[%get3A_978] {strides = array<i32>} : memref<4112xi32, #tpu.memory_space<vmem>>, vector<16xi32>,
      %reduce_sum3A_980 = arith.constant true
      %reduce_sum3A_981 = vector.broadcast %reduce_sum3A_980 : i1 to vector<16xi1>
      %reduce_sum3A_982 = tpu.scan <sum>, %get3A_979 masked %reduce_sum3A_981 : vector<16xi32>, vector<16xi1> -> vector<16xi32>
      %reduce_sum3A_983 = vector.extract %reduce_sum3A_982[15] : i32 from vector<16xi32>
      %ge3A_984 = arith.cmpi sge, %reduce_sum3A_983, %sub3A_916 : i32
      %select_n3A_985 = arith.select %ge3A_984, %add3A_975, %select_n3A_973 : i32
      %add3A_986 = arith.constant 16 : i32
      %add3A_987 = arith.addi %select_n3A_985, %add3A_986 : i32
      %mul3A_988 = arith.constant 16 : i32
      %mul3A_989 = arith.muli %add3A_987, %mul3A_988 : i32
      %get3A_990 = arith.index_cast %mul3A_989 : i32 to index
      %get3A_991 = tpu.vector_load %arg13[%get3A_990] {strides = array<i32>} : memref<4112xi32, #tpu.memory_space<vmem>>, vector<16xi32>,
      %reduce_sum3A_992 = arith.constant true
      %reduce_sum3A_993 = vector.broadcast %reduce_sum3A_992 : i1 to vector<16xi1>
      %reduce_sum3A_994 = tpu.scan <sum>, %get3A_991 masked %reduce_sum3A_993 : vector<16xi32>, vector<16xi1> -> vector<16xi32>
      %reduce_sum3A_995 = vector.extract %reduce_sum3A_994[15] : i32 from vector<16xi32>
      %ge3A_996 = arith.cmpi sge, %reduce_sum3A_995, %sub3A_916 : i32
      %select_n3A_997 = arith.select %ge3A_996, %add3A_987, %select_n3A_985 : i32
      %add3A_998 = arith.constant 8 : i32
      %add3A_999 = arith.addi %select_n3A_997, %add3A_998 : i32
      %mul3A_1000 = arith.constant 16 : i32
      %mul3A_1001 = arith.muli %add3A_999, %mul3A_1000 : i32
      %get3A_1002 = arith.index_cast %mul3A_1001 : i32 to index
      %get3A_1003 = tpu.vector_load %arg13[%get3A_1002] {strides = array<i32>} : memref<4112xi32, #tpu.memory_space<vmem>>, vector<16xi32>,
      %reduce_sum3A_1004 = arith.constant true
      %reduce_sum3A_1005 = vector.broadcast %reduce_sum3A_1004 : i1 to vector<16xi1>
      %reduce_sum3A_1006 = tpu.scan <sum>, %get3A_1003 masked %reduce_sum3A_1005 : vector<16xi32>, vector<16xi1> -> vector<16xi32>
      %reduce_sum3A_1007 = vector.extract %reduce_sum3A_1006[15] : i32 from vector<16xi32>
      %ge3A_1008 = arith.cmpi sge, %reduce_sum3A_1007, %sub3A_916 : i32
      %select_n3A_1009 = arith.select %ge3A_1008, %add3A_999, %select_n3A_997 : i32
      %add3A_1010 = arith.constant 4 : i32
      %add3A_1011 = arith.addi %select_n3A_1009, %add3A_1010 : i32
      %mul3A_1012 = arith.constant 16 : i32
      %mul3A_1013 = arith.muli %add3A_1011, %mul3A_1012 : i32
      %get3A_1014 = arith.index_cast %mul3A_1013 : i32 to index
      %get3A_1015 = tpu.vector_load %arg13[%get3A_1014] {strides = array<i32>} : memref<4112xi32, #tpu.memory_space<vmem>>, vector<16xi32>,
      %reduce_sum3A_1016 = arith.constant true
      %reduce_sum3A_1017 = vector.broadcast %reduce_sum3A_1016 : i1 to vector<16xi1>
      %reduce_sum3A_1018 = tpu.scan <sum>, %get3A_1015 masked %reduce_sum3A_1017 : vector<16xi32>, vector<16xi1> -> vector<16xi32>
      %reduce_sum3A_1019 = vector.extract %reduce_sum3A_1018[15] : i32 from vector<16xi32>
      %ge3A_1020 = arith.cmpi sge, %reduce_sum3A_1019, %sub3A_916 : i32
      %select_n3A_1021 = arith.select %ge3A_1020, %add3A_1011, %select_n3A_1009 : i32
      %add3A_1022 = arith.constant 2 : i32
      %add3A_1023 = arith.addi %select_n3A_1021, %add3A_1022 : i32
      %mul3A_1024 = arith.constant 16 : i32
      %mul3A_1025 = arith.muli %add3A_1023, %mul3A_1024 : i32
      %get3A_1026 = arith.index_cast %mul3A_1025 : i32 to index
      %get3A_1027 = tpu.vector_load %arg13[%get3A_1026] {strides = array<i32>} : memref<4112xi32, #tpu.memory_space<vmem>>, vector<16xi32>,
      %reduce_sum3A_1028 = arith.constant true
      %reduce_sum3A_1029 = vector.broadcast %reduce_sum3A_1028 : i1 to vector<16xi1>
      %reduce_sum3A_1030 = tpu.scan <sum>, %get3A_1027 masked %reduce_sum3A_1029 : vector<16xi32>, vector<16xi1> -> vector<16xi32>
      %reduce_sum3A_1031 = vector.extract %reduce_sum3A_1030[15] : i32 from vector<16xi32>
      %ge3A_1032 = arith.cmpi sge, %reduce_sum3A_1031, %sub3A_916 : i32
      %select_n3A_1033 = arith.select %ge3A_1032, %add3A_1023, %select_n3A_1021 : i32
      %add3A_1034 = arith.constant 1 : i32
      %add3A_1035 = arith.addi %select_n3A_1033, %add3A_1034 : i32
      %mul3A_1036 = arith.constant 16 : i32
      %mul3A_1037 = arith.muli %add3A_1035, %mul3A_1036 : i32
      %get3A_1038 = arith.index_cast %mul3A_1037 : i32 to index
      %get3A_1039 = tpu.vector_load %arg13[%get3A_1038] {strides = array<i32>} : memref<4112xi32, #tpu.memory_space<vmem>>, vector<16xi32>,
      %reduce_sum3A_1040 = arith.constant true
      %reduce_sum3A_1041 = vector.broadcast %reduce_sum3A_1040 : i1 to vector<16xi1>
      %reduce_sum3A_1042 = tpu.scan <sum>, %get3A_1039 masked %reduce_sum3A_1041 : vector<16xi32>, vector<16xi1> -> vector<16xi32>
      %reduce_sum3A_1043 = vector.extract %reduce_sum3A_1042[15] : i32 from vector<16xi32>
      %ge3A_1044 = arith.cmpi sge, %reduce_sum3A_1043, %sub3A_916 : i32
      %select_n3A_1045 = arith.select %ge3A_1044, %add3A_1035, %select_n3A_1033 : i32
      %add3A_1046 = arith.constant 1 : i32
      %add3A_1047 = arith.addi %select_n3A_1045, %add3A_1046 : i32
      %mul3A_1048 = arith.constant 16 : i32
      %mul3A_1049 = arith.muli %add3A_1047, %mul3A_1048 : i32
      %get3A_1050 = arith.index_cast %mul3A_1049 : i32 to index
      %get3A_1051 = tpu.vector_load %arg13[%get3A_1050] {strides = array<i32>} : memref<4112xi32, #tpu.memory_space<vmem>>, vector<16xi32>,
      %reduce_sum3A_1052 = arith.constant true
      %reduce_sum3A_1053 = vector.broadcast %reduce_sum3A_1052 : i1 to vector<16xi1>
      %reduce_sum3A_1054 = tpu.scan <sum>, %get3A_1051 masked %reduce_sum3A_1053 : vector<16xi32>, vector<16xi1> -> vector<16xi32>
      %reduce_sum3A_1055 = vector.extract %reduce_sum3A_1054[15] : i32 from vector<16xi32>
      %sub3A_1056 = arith.subi %sub3A_916, %reduce_sum3A_1055 : i32
      %shift_left3A_1057 = arith.constant 8 : i32
      %shift_left3A_1058 = arith.shli %select_n3A_1045, %shift_left3A_1057 : i32
      %or3A_1059 = arith.ori %or3A_919, %shift_left3A_1058 : i32
      %scan3A_1060 = arith.constant 0 : i32
      %scan3A_1061 = arith.constant 0 : i32
      %scan3A_1062 = arith.constant 256 : i32
      %scan3A_1063 = arith.addi %scan3A_1061, %scan3A_1062 : i32
      %scan3A_1064 = arith.constant 1 : i32
      %scan3A_1065 = scf.for %scan3A_1433 = %scan3A_1061 to %scan3A_1063 step %scan3A_1064 iter_args(%scan3A_1434 = %scan3A_1060) -> (i32)  : i32 {
        %broadcast_in_dim3A_1435 = arith.constant 0 : i32
        %broadcast_in_dim3A_1436 = vector.broadcast %broadcast_in_dim3A_1435 : i32 to vector<16xi32>
        %mul3A_1437 = arith.constant 16 : i32
        %mul3A_1438 = arith.muli %scan3A_1433, %mul3A_1437 : i32
        %swap3A_1439 = arith.index_cast %mul3A_1438 : i32 to index
        %swap3A_1440 = tpu.vector_load %arg12[%swap3A_1439] {strides = array<i32>} : memref<4096xi32, #tpu.memory_space<vmem>>, vector<16xi32>,
        tpu.vector_store %arg12[%swap3A_1439], %broadcast_in_dim3A_1436 {strides = array<i32>} : memref<4096xi32, #tpu.memory_space<vmem>>, vector<16xi32>,
        %scan3A_1441 = arith.constant 0 : i32
        scf.yield %scan3A_1441 : i32
      }
      %scan3A_1066 = arith.constant 256 : i32
      %shift_right_arithmetic3A_1067 = arith.constant 8 : i32
      %shift_right_arithmetic3A_1068 = arith.shrsi %or3A_1059, %shift_right_arithmetic3A_1067 : i32
      %scan3A_1069 = arith.constant 0 : i32
      %scan3A_1070 = arith.constant 0 : i32
      %scan3A_1071 = arith.constant 100 : i32
      %scan3A_1072 = arith.addi %scan3A_1070, %scan3A_1071 : i32
      %scan3A_1073 = arith.constant 1 : i32
      %scan3A_1074 = scf.for %scan3A_1433 = %scan3A_1070 to %scan3A_1072 step %scan3A_1073 iter_args(%scan3A_1434 = %scan3A_1069) -> (i32)  : i32 {
        %get3A_1435 = arith.index_cast %scan3A_1433 : i32 to index
        %get3A_1436 = arith.constant 0 : index
        %get3A_1437 = tpu.vector_load %arg16[%get3A_1435, %get3A_1436] {strides = array<i32>} : memref<112x128xf32, #tpu.memory_space<vmem>>, vector<16xf32>,
        %bitcast_convert_type3A = tpu.bitcast %get3A_1437 : vector<16xf32> -> vector<16xi32>
        %mul3A_1438 = arith.constant 112 : i32
        %mul3A_1439 = arith.muli %scan3A_1433, %mul3A_1438 : i32
        %add3A_1440 = arith.constant 0 : i32
        %add3A_1441 = arith.addi %mul3A_1439, %add3A_1440 : i32
        %add3A_1442 = vector.broadcast %add3A_1441 : i32 to vector<16xi32>
        %add3A_1443 = arith.addi %add3A_1442, %iota3A : vector<16xi32>
        %get3A_1444 = arith.index_cast %scan3A_1433 : i32 to index
        %get3A_1445 = arith.constant 16 : index
        %get3A_1446 = tpu.vector_load %arg16[%get3A_1444, %get3A_1445] {strides = array<i32>} : memref<112x128xf32, #tpu.memory_space<vmem>>, vector<16xf32>,
        %bitcast_convert_type3A_1447 = tpu.bitcast %get3A_1446 : vector<16xf32> -> vector<16xi32>
        %mul3A_1448 = arith.constant 112 : i32
        %mul3A_1449 = arith.muli %scan3A_1433, %mul3A_1448 : i32
        %add3A_1450 = arith.constant 16 : i32
        %add3A_1451 = arith.addi %mul3A_1449, %add3A_1450 : i32
        %add3A_1452 = vector.broadcast %add3A_1451 : i32 to vector<16xi32>
        %add3A_1453 = arith.addi %add3A_1452, %iota3A : vector<16xi32>
        %get3A_1454 = arith.index_cast %scan3A_1433 : i32 to index
        %get3A_1455 = arith.constant 32 : index
        %get3A_1456 = tpu.vector_load %arg16[%get3A_1454, %get3A_1455] {strides = array<i32>} : memref<112x128xf32, #tpu.memory_space<vmem>>, vector<16xf32>,
        %bitcast_convert_type3A_1457 = tpu.bitcast %get3A_1456 : vector<16xf32> -> vector<16xi32>
        %mul3A_1458 = arith.constant 112 : i32
        %mul3A_1459 = arith.muli %scan3A_1433, %mul3A_1458 : i32
        %add3A_1460 = arith.constant 32 : i32
        %add3A_1461 = arith.addi %mul3A_1459, %add3A_1460 : i32
        %add3A_1462 = vector.broadcast %add3A_1461 : i32 to vector<16xi32>
        %add3A_1463 = arith.addi %add3A_1462, %iota3A : vector<16xi32>
        %get3A_1464 = arith.index_cast %scan3A_1433 : i32 to index
        %get3A_1465 = arith.constant 48 : index
        %get3A_1466 = tpu.vector_load %arg16[%get3A_1464, %get3A_1465] {strides = array<i32>} : memref<112x128xf32, #tpu.memory_space<vmem>>, vector<16xf32>,
        %bitcast_convert_type3A_1467 = tpu.bitcast %get3A_1466 : vector<16xf32> -> vector<16xi32>
        %mul3A_1468 = arith.constant 112 : i32
        %mul3A_1469 = arith.muli %scan3A_1433, %mul3A_1468 : i32
        %add3A_1470 = arith.constant 48 : i32
        %add3A_1471 = arith.addi %mul3A_1469, %add3A_1470 : i32
        %add3A_1472 = vector.broadcast %add3A_1471 : i32 to vector<16xi32>
        %add3A_1473 = arith.addi %add3A_1472, %iota3A : vector<16xi32>
        %get3A_1474 = arith.index_cast %scan3A_1433 : i32 to index
        %get3A_1475 = arith.constant 64 : index
        %get3A_1476 = tpu.vector_load %arg16[%get3A_1474, %get3A_1475] {strides = array<i32>} : memref<112x128xf32, #tpu.memory_space<vmem>>, vector<16xf32>,
        %bitcast_convert_type3A_1477 = tpu.bitcast %get3A_1476 : vector<16xf32> -> vector<16xi32>
        %mul3A_1478 = arith.constant 112 : i32
        %mul3A_1479 = arith.muli %scan3A_1433, %mul3A_1478 : i32
        %add3A_1480 = arith.constant 64 : i32
        %add3A_1481 = arith.addi %mul3A_1479, %add3A_1480 : i32
        %add3A_1482 = vector.broadcast %add3A_1481 : i32 to vector<16xi32>
        %add3A_1483 = arith.addi %add3A_1482, %iota3A : vector<16xi32>
        %get3A_1484 = arith.index_cast %scan3A_1433 : i32 to index
        %get3A_1485 = arith.constant 80 : index
        %get3A_1486 = tpu.vector_load %arg16[%get3A_1484, %get3A_1485] {strides = array<i32>} : memref<112x128xf32, #tpu.memory_space<vmem>>, vector<16xf32>,
        %bitcast_convert_type3A_1487 = tpu.bitcast %get3A_1486 : vector<16xf32> -> vector<16xi32>
        %mul3A_1488 = arith.constant 112 : i32
        %mul3A_1489 = arith.muli %scan3A_1433, %mul3A_1488 : i32
        %add3A_1490 = arith.constant 80 : i32
        %add3A_1491 = arith.addi %mul3A_1489, %add3A_1490 : i32
        %add3A_1492 = vector.broadcast %add3A_1491 : i32 to vector<16xi32>
        %add3A_1493 = arith.addi %add3A_1492, %iota3A : vector<16xi32>
        %get3A_1494 = arith.index_cast %scan3A_1433 : i32 to index
        %get3A_1495 = arith.constant 96 : index
        %get3A_1496 = tpu.vector_load %arg16[%get3A_1494, %get3A_1495] {strides = array<i32>} : memref<112x128xf32, #tpu.memory_space<vmem>>, vector<16xf32>,
        %bitcast_convert_type3A_1497 = tpu.bitcast %get3A_1496 : vector<16xf32> -> vector<16xi32>
        %lt3A_1498 = arith.constant 4 : i32
        %lt3A_1499 = vector.broadcast %lt3A_1498 : i32 to vector<16xi32>
        %lt3A_1500 = arith.cmpi slt, %iota3A, %lt3A_1499 : vector<16xi32>
        %mul3A_1501 = arith.constant 112 : i32
        %mul3A_1502 = arith.muli %scan3A_1433, %mul3A_1501 : i32
        %add3A_1503 = arith.constant 96 : i32
        %add3A_1504 = arith.addi %mul3A_1502, %add3A_1503 : i32
        %add3A_1505 = vector.broadcast %add3A_1504 : i32 to vector<16xi32>
        %add3A_1506 = arith.addi %add3A_1505, %iota3A : vector<16xi32>
        %shift_right_arithmetic3A_1507 = arith.constant 0 : i32
        %shift_right_arithmetic3A_1508 = vector.broadcast %shift_right_arithmetic3A_1507 : i32 to vector<16xi32>
        %shift_right_arithmetic3A_1509 = arith.shrsi %bitcast_convert_type3A, %shift_right_arithmetic3A_1508 : vector<16xi32>
        %and3A = arith.constant 255 : i32
        %and3A_1510 = vector.broadcast %and3A : i32 to vector<16xi32>
        %and3A_1511 = arith.andi %shift_right_arithmetic3A_1509, %and3A_1510 : vector<16xi32>
        %shift_right_arithmetic3A_1512 = arith.constant 8 : i32
        %shift_right_arithmetic3A_1513 = vector.broadcast %shift_right_arithmetic3A_1512 : i32 to vector<16xi32>
        %shift_right_arithmetic3A_1514 = arith.shrsi %bitcast_convert_type3A, %shift_right_arithmetic3A_1513 : vector<16xi32>
        %eq3A_1515 = vector.broadcast %shift_right_arithmetic3A_1068 : i32 to vector<16xi32>
        %eq3A_1516 = arith.cmpi eq, %shift_right_arithmetic3A_1514, %eq3A_1515 : vector<16xi32>
        %mul3A_1517 = arith.constant 16 : i32
        %mul3A_1518 = vector.broadcast %mul3A_1517 : i32 to vector<16xi32>
        %mul3A_1519 = arith.muli %and3A_1511, %mul3A_1518 : vector<16xi32>
        %add3A_1520 = arith.addi %mul3A_1519, %iota3A_629 : vector<16xi32>
        tpu.vector_store_idx %arg12[%add3A_1520], %broadcast_in_dim3A_628 masked %eq3A_1516 {add = true} : memref<4096xi32, #tpu.memory_space<vmem>>[vector<16xi32>], vector<16xi32>, vector<16xi1>
        %shift_right_arithmetic3A_1521 = arith.constant 0 : i32
        %shift_right_arithmetic3A_1522 = vector.broadcast %shift_right_arithmetic3A_1521 : i32 to vector<16xi32>
        %shift_right_arithmetic3A_1523 = arith.shrsi %bitcast_convert_type3A_1447, %shift_right_arithmetic3A_1522 : vector<16xi32>
        %and3A_1524 = arith.constant 255 : i32
        %and3A_1525 = vector.broadcast %and3A_1524 : i32 to vector<16xi32>
        %and3A_1526 = arith.andi %shift_right_arithmetic3A_1523, %and3A_1525 : vector<16xi32>
        %shift_right_arithmetic3A_1527 = arith.constant 8 : i32
        %shift_right_arithmetic3A_1528 = vector.broadcast %shift_right_arithmetic3A_1527 : i32 to vector<16xi32>
        %shift_right_arithmetic3A_1529 = arith.shrsi %bitcast_convert_type3A_1447, %shift_right_arithmetic3A_1528 : vector<16xi32>
        %eq3A_1530 = vector.broadcast %shift_right_arithmetic3A_1068 : i32 to vector<16xi32>
        %eq3A_1531 = arith.cmpi eq, %shift_right_arithmetic3A_1529, %eq3A_1530 : vector<16xi32>
        %mul3A_1532 = arith.constant 16 : i32
        %mul3A_1533 = vector.broadcast %mul3A_1532 : i32 to vector<16xi32>
        %mul3A_1534 = arith.muli %and3A_1526, %mul3A_1533 : vector<16xi32>
        %add3A_1535 = arith.addi %mul3A_1534, %iota3A_629 : vector<16xi32>
        tpu.vector_store_idx %arg12[%add3A_1535], %broadcast_in_dim3A_628 masked %eq3A_1531 {add = true} : memref<4096xi32, #tpu.memory_space<vmem>>[vector<16xi32>], vector<16xi32>, vector<16xi1>
        %shift_right_arithmetic3A_1536 = arith.constant 0 : i32
        %shift_right_arithmetic3A_1537 = vector.broadcast %shift_right_arithmetic3A_1536 : i32 to vector<16xi32>
        %shift_right_arithmetic3A_1538 = arith.shrsi %bitcast_convert_type3A_1457, %shift_right_arithmetic3A_1537 : vector<16xi32>
        %and3A_1539 = arith.constant 255 : i32
        %and3A_1540 = vector.broadcast %and3A_1539 : i32 to vector<16xi32>
        %and3A_1541 = arith.andi %shift_right_arithmetic3A_1538, %and3A_1540 : vector<16xi32>
        %shift_right_arithmetic3A_1542 = arith.constant 8 : i32
        %shift_right_arithmetic3A_1543 = vector.broadcast %shift_right_arithmetic3A_1542 : i32 to vector<16xi32>
        %shift_right_arithmetic3A_1544 = arith.shrsi %bitcast_convert_type3A_1457, %shift_right_arithmetic3A_1543 : vector<16xi32>
        %eq3A_1545 = vector.broadcast %shift_right_arithmetic3A_1068 : i32 to vector<16xi32>
        %eq3A_1546 = arith.cmpi eq, %shift_right_arithmetic3A_1544, %eq3A_1545 : vector<16xi32>
        %mul3A_1547 = arith.constant 16 : i32
        %mul3A_1548 = vector.broadcast %mul3A_1547 : i32 to vector<16xi32>
        %mul3A_1549 = arith.muli %and3A_1541, %mul3A_1548 : vector<16xi32>
        %add3A_1550 = arith.addi %mul3A_1549, %iota3A_629 : vector<16xi32>
        tpu.vector_store_idx %arg12[%add3A_1550], %broadcast_in_dim3A_628 masked %eq3A_1546 {add = true} : memref<4096xi32, #tpu.memory_space<vmem>>[vector<16xi32>], vector<16xi32>, vector<16xi1>
        %shift_right_arithmetic3A_1551 = arith.constant 0 : i32
        %shift_right_arithmetic3A_1552 = vector.broadcast %shift_right_arithmetic3A_1551 : i32 to vector<16xi32>
        %shift_right_arithmetic3A_1553 = arith.shrsi %bitcast_convert_type3A_1467, %shift_right_arithmetic3A_1552 : vector<16xi32>
        %and3A_1554 = arith.constant 255 : i32
        %and3A_1555 = vector.broadcast %and3A_1554 : i32 to vector<16xi32>
        %and3A_1556 = arith.andi %shift_right_arithmetic3A_1553, %and3A_1555 : vector<16xi32>
        %shift_right_arithmetic3A_1557 = arith.constant 8 : i32
        %shift_right_arithmetic3A_1558 = vector.broadcast %shift_right_arithmetic3A_1557 : i32 to vector<16xi32>
        %shift_right_arithmetic3A_1559 = arith.shrsi %bitcast_convert_type3A_1467, %shift_right_arithmetic3A_1558 : vector<16xi32>
        %eq3A_1560 = vector.broadcast %shift_right_arithmetic3A_1068 : i32 to vector<16xi32>
        %eq3A_1561 = arith.cmpi eq, %shift_right_arithmetic3A_1559, %eq3A_1560 : vector<16xi32>
        %mul3A_1562 = arith.constant 16 : i32
        %mul3A_1563 = vector.broadcast %mul3A_1562 : i32 to vector<16xi32>
        %mul3A_1564 = arith.muli %and3A_1556, %mul3A_1563 : vector<16xi32>
        %add3A_1565 = arith.addi %mul3A_1564, %iota3A_629 : vector<16xi32>
        tpu.vector_store_idx %arg12[%add3A_1565], %broadcast_in_dim3A_628 masked %eq3A_1561 {add = true} : memref<4096xi32, #tpu.memory_space<vmem>>[vector<16xi32>], vector<16xi32>, vector<16xi1>
        %shift_right_arithmetic3A_1566 = arith.constant 0 : i32
        %shift_right_arithmetic3A_1567 = vector.broadcast %shift_right_arithmetic3A_1566 : i32 to vector<16xi32>
        %shift_right_arithmetic3A_1568 = arith.shrsi %bitcast_convert_type3A_1477, %shift_right_arithmetic3A_1567 : vector<16xi32>
        %and3A_1569 = arith.constant 255 : i32
        %and3A_1570 = vector.broadcast %and3A_1569 : i32 to vector<16xi32>
        %and3A_1571 = arith.andi %shift_right_arithmetic3A_1568, %and3A_1570 : vector<16xi32>
        %shift_right_arithmetic3A_1572 = arith.constant 8 : i32
        %shift_right_arithmetic3A_1573 = vector.broadcast %shift_right_arithmetic3A_1572 : i32 to vector<16xi32>
        %shift_right_arithmetic3A_1574 = arith.shrsi %bitcast_convert_type3A_1477, %shift_right_arithmetic3A_1573 : vector<16xi32>
        %eq3A_1575 = vector.broadcast %shift_right_arithmetic3A_1068 : i32 to vector<16xi32>
        %eq3A_1576 = arith.cmpi eq, %shift_right_arithmetic3A_1574, %eq3A_1575 : vector<16xi32>
        %mul3A_1577 = arith.constant 16 : i32
        %mul3A_1578 = vector.broadcast %mul3A_1577 : i32 to vector<16xi32>
        %mul3A_1579 = arith.muli %and3A_1571, %mul3A_1578 : vector<16xi32>
        %add3A_1580 = arith.addi %mul3A_1579, %iota3A_629 : vector<16xi32>
        tpu.vector_store_idx %arg12[%add3A_1580], %broadcast_in_dim3A_628 masked %eq3A_1576 {add = true} : memref<4096xi32, #tpu.memory_space<vmem>>[vector<16xi32>], vector<16xi32>, vector<16xi1>
        %shift_right_arithmetic3A_1581 = arith.constant 0 : i32
        %shift_right_arithmetic3A_1582 = vector.broadcast %shift_right_arithmetic3A_1581 : i32 to vector<16xi32>
        %shift_right_arithmetic3A_1583 = arith.shrsi %bitcast_convert_type3A_1487, %shift_right_arithmetic3A_1582 : vector<16xi32>
        %and3A_1584 = arith.constant 255 : i32
        %and3A_1585 = vector.broadcast %and3A_1584 : i32 to vector<16xi32>
        %and3A_1586 = arith.andi %shift_right_arithmetic3A_1583, %and3A_1585 : vector<16xi32>
        %shift_right_arithmetic3A_1587 = arith.constant 8 : i32
        %shift_right_arithmetic3A_1588 = vector.broadcast %shift_right_arithmetic3A_1587 : i32 to vector<16xi32>
        %shift_right_arithmetic3A_1589 = arith.shrsi %bitcast_convert_type3A_1487, %shift_right_arithmetic3A_1588 : vector<16xi32>
        %eq3A_1590 = vector.broadcast %shift_right_arithmetic3A_1068 : i32 to vector<16xi32>
        %eq3A_1591 = arith.cmpi eq, %shift_right_arithmetic3A_1589, %eq3A_1590 : vector<16xi32>
        %mul3A_1592 = arith.constant 16 : i32
        %mul3A_1593 = vector.broadcast %mul3A_1592 : i32 to vector<16xi32>
        %mul3A_1594 = arith.muli %and3A_1586, %mul3A_1593 : vector<16xi32>
        %add3A_1595 = arith.addi %mul3A_1594, %iota3A_629 : vector<16xi32>
        tpu.vector_store_idx %arg12[%add3A_1595], %broadcast_in_dim3A_628 masked %eq3A_1591 {add = true} : memref<4096xi32, #tpu.memory_space<vmem>>[vector<16xi32>], vector<16xi32>, vector<16xi1>
        %shift_right_arithmetic3A_1596 = arith.constant 0 : i32
        %shift_right_arithmetic3A_1597 = vector.broadcast %shift_right_arithmetic3A_1596 : i32 to vector<16xi32>
        %shift_right_arithmetic3A_1598 = arith.shrsi %bitcast_convert_type3A_1497, %shift_right_arithmetic3A_1597 : vector<16xi32>
        %and3A_1599 = arith.constant 255 : i32
        %and3A_1600 = vector.broadcast %and3A_1599 : i32 to vector<16xi32>
        %and3A_1601 = arith.andi %shift_right_arithmetic3A_1598, %and3A_1600 : vector<16xi32>
        %shift_right_arithmetic3A_1602 = arith.constant 8 : i32
        %shift_right_arithmetic3A_1603 = vector.broadcast %shift_right_arithmetic3A_1602 : i32 to vector<16xi32>
        %shift_right_arithmetic3A_1604 = arith.shrsi %bitcast_convert_type3A_1497, %shift_right_arithmetic3A_1603 : vector<16xi32>
        %eq3A_1605 = vector.broadcast %shift_right_arithmetic3A_1068 : i32 to vector<16xi32>
        %eq3A_1606 = arith.cmpi eq, %shift_right_arithmetic3A_1604, %eq3A_1605 : vector<16xi32>
        %and3A_1607 = arith.andi %eq3A_1606, %lt3A_1500 : vector<16xi1>
        %mul3A_1608 = arith.constant 16 : i32
        %mul3A_1609 = vector.broadcast %mul3A_1608 : i32 to vector<16xi32>
        %mul3A_1610 = arith.muli %and3A_1601, %mul3A_1609 : vector<16xi32>
        %add3A_1611 = arith.addi %mul3A_1610, %iota3A_629 : vector<16xi32>
        tpu.vector_store_idx %arg12[%add3A_1611], %broadcast_in_dim3A_628 masked %and3A_1607 {add = true} : memref<4096xi32, #tpu.memory_space<vmem>>[vector<16xi32>], vector<16xi32>, vector<16xi1>
        %scan3A_1612 = arith.constant 0 : i32
        scf.yield %scan3A_1612 : i32
      }
      %scan3A_1075 = arith.constant 100 : i32
      %broadcast_in_dim3A_1076 = arith.constant 0 : i32
      %broadcast_in_dim3A_1077 = vector.broadcast %broadcast_in_dim3A_1076 : i32 to vector<16xi32>
      %swap3A_1078 = arith.constant 4096 : index
      %swap3A_1079 = tpu.vector_load %arg13[%swap3A_1078] {strides = array<i32>} : memref<4112xi32, #tpu.memory_space<vmem>>, vector<16xi32>,
      tpu.vector_store %arg13[%swap3A_1078], %broadcast_in_dim3A_1077 {strides = array<i32>} : memref<4112xi32, #tpu.memory_space<vmem>>, vector<16xi32>,
      %broadcast_in_dim3A_1080 = arith.constant 0 : i32
      %broadcast_in_dim3A_1081 = vector.broadcast %broadcast_in_dim3A_1080 : i32 to vector<16xi32>
      %scan3A_1082 = arith.constant 0 : i32
      %scan3A_1083 = arith.constant 256 : i32
      %scan3A_1084 = arith.addi %scan3A_1082, %scan3A_1083 : i32
      %scan3A_1085 = arith.constant 1 : i32
      %scan3A_1086 = scf.for %scan3A_1433 = %scan3A_1082 to %scan3A_1084 step %scan3A_1085 iter_args(%scan3A_1434 = %broadcast_in_dim3A_1081) -> (vector<16xi32>)  : i32 {
        %sub3A_1435 = arith.constant 255 : i32
        %sub3A_1436 = arith.subi %sub3A_1435, %scan3A_1433 : i32
        %mul3A_1437 = arith.constant 16 : i32
        %mul3A_1438 = arith.muli %sub3A_1436, %mul3A_1437 : i32
        %get3A_1439 = arith.index_cast %mul3A_1438 : i32 to index
        %get3A_1440 = tpu.vector_load %arg12[%get3A_1439] {strides = array<i32>} : memref<4096xi32, #tpu.memory_space<vmem>>, vector<16xi32>,
        %add3A_1441 = arith.addi %scan3A_1434, %get3A_1440 : vector<16xi32>
        %mul3A_1442 = arith.constant 16 : i32
        %mul3A_1443 = arith.muli %sub3A_1436, %mul3A_1442 : i32
        %swap3A_1444 = arith.index_cast %mul3A_1443 : i32 to index
        %swap3A_1445 = tpu.vector_load %arg13[%swap3A_1444] {strides = array<i32>} : memref<4112xi32, #tpu.memory_space<vmem>>, vector<16xi32>,
        tpu.vector_store %arg13[%swap3A_1444], %add3A_1441 {strides = array<i32>} : memref<4112xi32, #tpu.memory_space<vmem>>, vector<16xi32>,
        scf.yield %add3A_1441 : vector<16xi32>
      }
      %scan3A_1087 = arith.constant 256 : i32
      %add3A_1088 = arith.constant 0 : i32
      %add3A_1089 = arith.constant 128 : i32
      %add3A_1090 = arith.addi %add3A_1088, %add3A_1089 : i32
      %mul3A_1091 = arith.constant 16 : i32
      %mul3A_1092 = arith.muli %add3A_1090, %mul3A_1091 : i32
      %get3A_1093 = arith.index_cast %mul3A_1092 : i32 to index
      %get3A_1094 = tpu.vector_load %arg13[%get3A_1093] {strides = array<i32>} : memref<4112xi32, #tpu.memory_space<vmem>>, vector<16xi32>,
      %reduce_sum3A_1095 = arith.constant true
      %reduce_sum3A_1096 = vector.broadcast %reduce_sum3A_1095 : i1 to vector<16xi1>
      %reduce_sum3A_1097 = tpu.scan <sum>, %get3A_1094 masked %reduce_sum3A_1096 : vector<16xi32>, vector<16xi1> -> vector<16xi32>
      %reduce_sum3A_1098 = vector.extract %reduce_sum3A_1097[15] : i32 from vector<16xi32>
      %ge3A_1099 = arith.cmpi sge, %reduce_sum3A_1098, %sub3A_1056 : i32
      %jit3A_1100 = arith.constant 0 : i32
      %select_n3A_1101 = arith.select %ge3A_1099, %add3A_1090, %jit3A_1100 : i32
      %add3A_1102 = arith.constant 64 : i32
      %add3A_1103 = arith.addi %select_n3A_1101, %add3A_1102 : i32
      %mul3A_1104 = arith.constant 16 : i32
      %mul3A_1105 = arith.muli %add3A_1103, %mul3A_1104 : i32
      %get3A_1106 = arith.index_cast %mul3A_1105 : i32 to index
      %get3A_1107 = tpu.vector_load %arg13[%get3A_1106] {strides = array<i32>} : memref<4112xi32, #tpu.memory_space<vmem>>, vector<16xi32>,
      %reduce_sum3A_1108 = arith.constant true
      %reduce_sum3A_1109 = vector.broadcast %reduce_sum3A_1108 : i1 to vector<16xi1>
      %reduce_sum3A_1110 = tpu.scan <sum>, %get3A_1107 masked %reduce_sum3A_1109 : vector<16xi32>, vector<16xi1> -> vector<16xi32>
      %reduce_sum3A_1111 = vector.extract %reduce_sum3A_1110[15] : i32 from vector<16xi32>
      %ge3A_1112 = arith.cmpi sge, %reduce_sum3A_1111, %sub3A_1056 : i32
      %select_n3A_1113 = arith.select %ge3A_1112, %add3A_1103, %select_n3A_1101 : i32
      %add3A_1114 = arith.constant 32 : i32
      %add3A_1115 = arith.addi %select_n3A_1113, %add3A_1114 : i32
      %mul3A_1116 = arith.constant 16 : i32
      %mul3A_1117 = arith.muli %add3A_1115, %mul3A_1116 : i32
      %get3A_1118 = arith.index_cast %mul3A_1117 : i32 to index
      %get3A_1119 = tpu.vector_load %arg13[%get3A_1118] {strides = array<i32>} : memref<4112xi32, #tpu.memory_space<vmem>>, vector<16xi32>,
      %reduce_sum3A_1120 = arith.constant true
      %reduce_sum3A_1121 = vector.broadcast %reduce_sum3A_1120 : i1 to vector<16xi1>
      %reduce_sum3A_1122 = tpu.scan <sum>, %get3A_1119 masked %reduce_sum3A_1121 : vector<16xi32>, vector<16xi1> -> vector<16xi32>
      %reduce_sum3A_1123 = vector.extract %reduce_sum3A_1122[15] : i32 from vector<16xi32>
      %ge3A_1124 = arith.cmpi sge, %reduce_sum3A_1123, %sub3A_1056 : i32
      %select_n3A_1125 = arith.select %ge3A_1124, %add3A_1115, %select_n3A_1113 : i32
      %add3A_1126 = arith.constant 16 : i32
      %add3A_1127 = arith.addi %select_n3A_1125, %add3A_1126 : i32
      %mul3A_1128 = arith.constant 16 : i32
      %mul3A_1129 = arith.muli %add3A_1127, %mul3A_1128 : i32
      %get3A_1130 = arith.index_cast %mul3A_1129 : i32 to index
      %get3A_1131 = tpu.vector_load %arg13[%get3A_1130] {strides = array<i32>} : memref<4112xi32, #tpu.memory_space<vmem>>, vector<16xi32>,
      %reduce_sum3A_1132 = arith.constant true
      %reduce_sum3A_1133 = vector.broadcast %reduce_sum3A_1132 : i1 to vector<16xi1>
      %reduce_sum3A_1134 = tpu.scan <sum>, %get3A_1131 masked %reduce_sum3A_1133 : vector<16xi32>, vector<16xi1> -> vector<16xi32>
      %reduce_sum3A_1135 = vector.extract %reduce_sum3A_1134[15] : i32 from vector<16xi32>
      %ge3A_1136 = arith.cmpi sge, %reduce_sum3A_1135, %sub3A_1056 : i32
      %select_n3A_1137 = arith.select %ge3A_1136, %add3A_1127, %select_n3A_1125 : i32
      %add3A_1138 = arith.constant 8 : i32
      %add3A_1139 = arith.addi %select_n3A_1137, %add3A_1138 : i32
      %mul3A_1140 = arith.constant 16 : i32
      %mul3A_1141 = arith.muli %add3A_1139, %mul3A_1140 : i32
      %get3A_1142 = arith.index_cast %mul3A_1141 : i32 to index
      %get3A_1143 = tpu.vector_load %arg13[%get3A_1142] {strides = array<i32>} : memref<4112xi32, #tpu.memory_space<vmem>>, vector<16xi32>,
      %reduce_sum3A_1144 = arith.constant true
      %reduce_sum3A_1145 = vector.broadcast %reduce_sum3A_1144 : i1 to vector<16xi1>
      %reduce_sum3A_1146 = tpu.scan <sum>, %get3A_1143 masked %reduce_sum3A_1145 : vector<16xi32>, vector<16xi1> -> vector<16xi32>
      %reduce_sum3A_1147 = vector.extract %reduce_sum3A_1146[15] : i32 from vector<16xi32>
      %ge3A_1148 = arith.cmpi sge, %reduce_sum3A_1147, %sub3A_1056 : i32
      %select_n3A_1149 = arith.select %ge3A_1148, %add3A_1139, %select_n3A_1137 : i32
      %add3A_1150 = arith.constant 4 : i32
      %add3A_1151 = arith.addi %select_n3A_1149, %add3A_1150 : i32
      %mul3A_1152 = arith.constant 16 : i32
      %mul3A_1153 = arith.muli %add3A_1151, %mul3A_1152 : i32
      %get3A_1154 = arith.index_cast %mul3A_1153 : i32 to index
      %get3A_1155 = tpu.vector_load %arg13[%get3A_1154] {strides = array<i32>} : memref<4112xi32, #tpu.memory_space<vmem>>, vector<16xi32>,
      %reduce_sum3A_1156 = arith.constant true
      %reduce_sum3A_1157 = vector.broadcast %reduce_sum3A_1156 : i1 to vector<16xi1>
      %reduce_sum3A_1158 = tpu.scan <sum>, %get3A_1155 masked %reduce_sum3A_1157 : vector<16xi32>, vector<16xi1> -> vector<16xi32>
      %reduce_sum3A_1159 = vector.extract %reduce_sum3A_1158[15] : i32 from vector<16xi32>
      %ge3A_1160 = arith.cmpi sge, %reduce_sum3A_1159, %sub3A_1056 : i32
      %select_n3A_1161 = arith.select %ge3A_1160, %add3A_1151, %select_n3A_1149 : i32
      %add3A_1162 = arith.constant 2 : i32
      %add3A_1163 = arith.addi %select_n3A_1161, %add3A_1162 : i32
      %mul3A_1164 = arith.constant 16 : i32
      %mul3A_1165 = arith.muli %add3A_1163, %mul3A_1164 : i32
      %get3A_1166 = arith.index_cast %mul3A_1165 : i32 to index
      %get3A_1167 = tpu.vector_load %arg13[%get3A_1166] {strides = array<i32>} : memref<4112xi32, #tpu.memory_space<vmem>>, vector<16xi32>,
      %reduce_sum3A_1168 = arith.constant true
      %reduce_sum3A_1169 = vector.broadcast %reduce_sum3A_1168 : i1 to vector<16xi1>
      %reduce_sum3A_1170 = tpu.scan <sum>, %get3A_1167 masked %reduce_sum3A_1169 : vector<16xi32>, vector<16xi1> -> vector<16xi32>
      %reduce_sum3A_1171 = vector.extract %reduce_sum3A_1170[15] : i32 from vector<16xi32>
      %ge3A_1172 = arith.cmpi sge, %reduce_sum3A_1171, %sub3A_1056 : i32
      %select_n3A_1173 = arith.select %ge3A_1172, %add3A_1163, %select_n3A_1161 : i32
      %add3A_1174 = arith.constant 1 : i32
      %add3A_1175 = arith.addi %select_n3A_1173, %add3A_1174 : i32
      %mul3A_1176 = arith.constant 16 : i32
      %mul3A_1177 = arith.muli %add3A_1175, %mul3A_1176 : i32
      %get3A_1178 = arith.index_cast %mul3A_1177 : i32 to index
      %get3A_1179 = tpu.vector_load %arg13[%get3A_1178] {strides = array<i32>} : memref<4112xi32, #tpu.memory_space<vmem>>, vector<16xi32>,
      %reduce_sum3A_1180 = arith.constant true
      %reduce_sum3A_1181 = vector.broadcast %reduce_sum3A_1180 : i1 to vector<16xi1>
      %reduce_sum3A_1182 = tpu.scan <sum>, %get3A_1179 masked %reduce_sum3A_1181 : vector<16xi32>, vector<16xi1> -> vector<16xi32>
      %reduce_sum3A_1183 = vector.extract %reduce_sum3A_1182[15] : i32 from vector<16xi32>
      %ge3A_1184 = arith.cmpi sge, %reduce_sum3A_1183, %sub3A_1056 : i32
      %select_n3A_1185 = arith.select %ge3A_1184, %add3A_1175, %select_n3A_1173 : i32
      %add3A_1186 = arith.constant 1 : i32
      %add3A_1187 = arith.addi %select_n3A_1185, %add3A_1186 : i32
      %mul3A_1188 = arith.constant 16 : i32
      %mul3A_1189 = arith.muli %add3A_1187, %mul3A_1188 : i32
      %get3A_1190 = arith.index_cast %mul3A_1189 : i32 to index
      %get3A_1191 = tpu.vector_load %arg13[%get3A_1190] {strides = array<i32>} : memref<4112xi32, #tpu.memory_space<vmem>>, vector<16xi32>,
      %reduce_sum3A_1192 = arith.constant true
      %reduce_sum3A_1193 = vector.broadcast %reduce_sum3A_1192 : i1 to vector<16xi1>
      %reduce_sum3A_1194 = tpu.scan <sum>, %get3A_1191 masked %reduce_sum3A_1193 : vector<16xi32>, vector<16xi1> -> vector<16xi32>
      %reduce_sum3A_1195 = vector.extract %reduce_sum3A_1194[15] : i32 from vector<16xi32>
      %sub3A_1196 = arith.subi %sub3A_1056, %reduce_sum3A_1195 : i32
      %shift_left3A_1197 = arith.constant 0 : i32
      %shift_left3A_1198 = arith.shli %select_n3A_1185, %shift_left3A_1197 : i32
      %or3A_1199 = arith.ori %or3A_1059, %shift_left3A_1198 : i32
      %broadcast_in_dim3A_1200 = arith.constant -1.000000e+00 : f32
      %broadcast_in_dim3A_1201 = vector.broadcast %broadcast_in_dim3A_1200 : f32 to vector<16xf32>
      %broadcast_in_dim3A_1202 = arith.constant 0 : i32
      %broadcast_in_dim3A_1203 = vector.broadcast %broadcast_in_dim3A_1202 : i32 to vector<16xi32>
      %swap3A_1204 = arith.constant 0 : index
      %swap3A_1205 = tpu.vector_load %arg17[%swap3A_1204] {strides = array<i32>} : memref<128xf32, #tpu.memory_space<vmem>>, vector<16xf32>,
      tpu.vector_store %arg17[%swap3A_1204], %broadcast_in_dim3A_1201 {strides = array<i32>} : memref<128xf32, #tpu.memory_space<vmem>>, vector<16xf32>,
      %swap3A_1206 = arith.constant 0 : index
      %swap3A_1207 = tpu.vector_load %arg22[%swap3A_1206] {strides = array<i32>} : memref<112xi32, #tpu.memory_space<vmem>>, vector<16xi32>,
      tpu.vector_store %arg22[%swap3A_1206], %broadcast_in_dim3A_1203 {strides = array<i32>} : memref<112xi32, #tpu.memory_space<vmem>>, vector<16xi32>,
      %swap3A_1208 = arith.constant 16 : index
      %swap3A_1209 = tpu.vector_load %arg17[%swap3A_1208] {strides = array<i32>} : memref<128xf32, #tpu.memory_space<vmem>>, vector<16xf32>,
      tpu.vector_store %arg17[%swap3A_1208], %broadcast_in_dim3A_1201 {strides = array<i32>} : memref<128xf32, #tpu.memory_space<vmem>>, vector<16xf32>,
      %swap3A_1210 = arith.constant 16 : index
      %swap3A_1211 = tpu.vector_load %arg22[%swap3A_1210] {strides = array<i32>} : memref<112xi32, #tpu.memory_space<vmem>>, vector<16xi32>,
      tpu.vector_store %arg22[%swap3A_1210], %broadcast_in_dim3A_1203 {strides = array<i32>} : memref<112xi32, #tpu.memory_space<vmem>>, vector<16xi32>,
      %swap3A_1212 = arith.constant 32 : index
      %swap3A_1213 = tpu.vector_load %arg17[%swap3A_1212] {strides = array<i32>} : memref<128xf32, #tpu.memory_space<vmem>>, vector<16xf32>,
      tpu.vector_store %arg17[%swap3A_1212], %broadcast_in_dim3A_1201 {strides = array<i32>} : memref<128xf32, #tpu.memory_space<vmem>>, vector<16xf32>,
      %swap3A_1214 = arith.constant 32 : index
      %swap3A_1215 = tpu.vector_load %arg22[%swap3A_1214] {strides = array<i32>} : memref<112xi32, #tpu.memory_space<vmem>>, vector<16xi32>,
      tpu.vector_store %arg22[%swap3A_1214], %broadcast_in_dim3A_1203 {strides = array<i32>} : memref<112xi32, #tpu.memory_space<vmem>>, vector<16xi32>,
      %swap3A_1216 = arith.constant 48 : index
      %swap3A_1217 = tpu.vector_load %arg17[%swap3A_1216] {strides = array<i32>} : memref<128xf32, #tpu.memory_space<vmem>>, vector<16xf32>,
      tpu.vector_store %arg17[%swap3A_1216], %broadcast_in_dim3A_1201 {strides = array<i32>} : memref<128xf32, #tpu.memory_space<vmem>>, vector<16xf32>,
      %swap3A_1218 = arith.constant 48 : index
      %swap3A_1219 = tpu.vector_load %arg22[%swap3A_1218] {strides = array<i32>} : memref<112xi32, #tpu.memory_space<vmem>>, vector<16xi32>,
      tpu.vector_store %arg22[%swap3A_1218], %broadcast_in_dim3A_1203 {strides = array<i32>} : memref<112xi32, #tpu.memory_space<vmem>>, vector<16xi32>,
      %swap3A_1220 = arith.constant 64 : index
      %swap3A_1221 = tpu.vector_load %arg17[%swap3A_1220] {strides = array<i32>} : memref<128xf32, #tpu.memory_space<vmem>>, vector<16xf32>,
      tpu.vector_store %arg17[%swap3A_1220], %broadcast_in_dim3A_1201 {strides = array<i32>} : memref<128xf32, #tpu.memory_space<vmem>>, vector<16xf32>,
      %swap3A_1222 = arith.constant 64 : index
      %swap3A_1223 = tpu.vector_load %arg22[%swap3A_1222] {strides = array<i32>} : memref<112xi32, #tpu.memory_space<vmem>>, vector<16xi32>,
      tpu.vector_store %arg22[%swap3A_1222], %broadcast_in_dim3A_1203 {strides = array<i32>} : memref<112xi32, #tpu.memory_space<vmem>>, vector<16xi32>,
      %swap3A_1224 = arith.constant 80 : index
      %swap3A_1225 = tpu.vector_load %arg17[%swap3A_1224] {strides = array<i32>} : memref<128xf32, #tpu.memory_space<vmem>>, vector<16xf32>,
      tpu.vector_store %arg17[%swap3A_1224], %broadcast_in_dim3A_1201 {strides = array<i32>} : memref<128xf32, #tpu.memory_space<vmem>>, vector<16xf32>,
      %swap3A_1226 = arith.constant 80 : index
      %swap3A_1227 = tpu.vector_load %arg22[%swap3A_1226] {strides = array<i32>} : memref<112xi32, #tpu.memory_space<vmem>>, vector<16xi32>,
      tpu.vector_store %arg22[%swap3A_1226], %broadcast_in_dim3A_1203 {strides = array<i32>} : memref<112xi32, #tpu.memory_space<vmem>>, vector<16xi32>,
      %swap3A_1228 = arith.constant 96 : index
      %swap3A_1229 = tpu.vector_load %arg17[%swap3A_1228] {strides = array<i32>} : memref<128xf32, #tpu.memory_space<vmem>>, vector<16xf32>,
      tpu.vector_store %arg17[%swap3A_1228], %broadcast_in_dim3A_1201 {strides = array<i32>} : memref<128xf32, #tpu.memory_space<vmem>>, vector<16xf32>,
      %swap3A_1230 = arith.constant 96 : index
      %swap3A_1231 = tpu.vector_load %arg22[%swap3A_1230] {strides = array<i32>} : memref<112xi32, #tpu.memory_space<vmem>>, vector<16xi32>,
      tpu.vector_store %arg22[%swap3A_1230], %broadcast_in_dim3A_1203 {strides = array<i32>} : memref<112xi32, #tpu.memory_space<vmem>>, vector<16xi32>,
      %scan3A_1232 = arith.constant 0 : i32
      %scan3A_1233 = arith.constant 0 : i32
      %scan3A_1234 = arith.constant 100 : i32
      %scan3A_1235 = arith.addi %scan3A_1233, %scan3A_1234 : i32
      %scan3A_1236 = arith.constant 1 : i32
      %scan3A_1237:2 = scf.for %scan3A_1433 = %scan3A_1233 to %scan3A_1235 step %scan3A_1236 iter_args(%scan3A_1434 = %scan3A_1232, %scan3A_1435 = %sub3A_1196) -> (i32, i32)  : i32 {
        %get3A_1436 = arith.index_cast %scan3A_1433 : i32 to index
        %get3A_1437 = arith.constant 0 : index
        %get3A_1438 = tpu.vector_load %arg16[%get3A_1436, %get3A_1437] {strides = array<i32>} : memref<112x128xf32, #tpu.memory_space<vmem>>, vector<16xf32>,
        %bitcast_convert_type3A = tpu.bitcast %get3A_1438 : vector<16xf32> -> vector<16xi32>
        %mul3A_1439 = arith.constant 112 : i32
        %mul3A_1440 = arith.muli %scan3A_1433, %mul3A_1439 : i32
        %add3A_1441 = arith.constant 0 : i32
        %add3A_1442 = arith.addi %mul3A_1440, %add3A_1441 : i32
        %add3A_1443 = vector.broadcast %add3A_1442 : i32 to vector<16xi32>
        %add3A_1444 = arith.addi %add3A_1443, %iota3A : vector<16xi32>
        %get3A_1445 = arith.index_cast %scan3A_1433 : i32 to index
        %get3A_1446 = arith.constant 16 : index
        %get3A_1447 = tpu.vector_load %arg16[%get3A_1445, %get3A_1446] {strides = array<i32>} : memref<112x128xf32, #tpu.memory_space<vmem>>, vector<16xf32>,
        %bitcast_convert_type3A_1448 = tpu.bitcast %get3A_1447 : vector<16xf32> -> vector<16xi32>
        %mul3A_1449 = arith.constant 112 : i32
        %mul3A_1450 = arith.muli %scan3A_1433, %mul3A_1449 : i32
        %add3A_1451 = arith.constant 16 : i32
        %add3A_1452 = arith.addi %mul3A_1450, %add3A_1451 : i32
        %add3A_1453 = vector.broadcast %add3A_1452 : i32 to vector<16xi32>
        %add3A_1454 = arith.addi %add3A_1453, %iota3A : vector<16xi32>
        %get3A_1455 = arith.index_cast %scan3A_1433 : i32 to index
        %get3A_1456 = arith.constant 32 : index
        %get3A_1457 = tpu.vector_load %arg16[%get3A_1455, %get3A_1456] {strides = array<i32>} : memref<112x128xf32, #tpu.memory_space<vmem>>, vector<16xf32>,
        %bitcast_convert_type3A_1458 = tpu.bitcast %get3A_1457 : vector<16xf32> -> vector<16xi32>
        %mul3A_1459 = arith.constant 112 : i32
        %mul3A_1460 = arith.muli %scan3A_1433, %mul3A_1459 : i32
        %add3A_1461 = arith.constant 32 : i32
        %add3A_1462 = arith.addi %mul3A_1460, %add3A_1461 : i32
        %add3A_1463 = vector.broadcast %add3A_1462 : i32 to vector<16xi32>
        %add3A_1464 = arith.addi %add3A_1463, %iota3A : vector<16xi32>
        %get3A_1465 = arith.index_cast %scan3A_1433 : i32 to index
        %get3A_1466 = arith.constant 48 : index
        %get3A_1467 = tpu.vector_load %arg16[%get3A_1465, %get3A_1466] {strides = array<i32>} : memref<112x128xf32, #tpu.memory_space<vmem>>, vector<16xf32>,
        %bitcast_convert_type3A_1468 = tpu.bitcast %get3A_1467 : vector<16xf32> -> vector<16xi32>
        %mul3A_1469 = arith.constant 112 : i32
        %mul3A_1470 = arith.muli %scan3A_1433, %mul3A_1469 : i32
        %add3A_1471 = arith.constant 48 : i32
        %add3A_1472 = arith.addi %mul3A_1470, %add3A_1471 : i32
        %add3A_1473 = vector.broadcast %add3A_1472 : i32 to vector<16xi32>
        %add3A_1474 = arith.addi %add3A_1473, %iota3A : vector<16xi32>
        %get3A_1475 = arith.index_cast %scan3A_1433 : i32 to index
        %get3A_1476 = arith.constant 64 : index
        %get3A_1477 = tpu.vector_load %arg16[%get3A_1475, %get3A_1476] {strides = array<i32>} : memref<112x128xf32, #tpu.memory_space<vmem>>, vector<16xf32>,
        %bitcast_convert_type3A_1478 = tpu.bitcast %get3A_1477 : vector<16xf32> -> vector<16xi32>
        %mul3A_1479 = arith.constant 112 : i32
        %mul3A_1480 = arith.muli %scan3A_1433, %mul3A_1479 : i32
        %add3A_1481 = arith.constant 64 : i32
        %add3A_1482 = arith.addi %mul3A_1480, %add3A_1481 : i32
        %add3A_1483 = vector.broadcast %add3A_1482 : i32 to vector<16xi32>
        %add3A_1484 = arith.addi %add3A_1483, %iota3A : vector<16xi32>
        %get3A_1485 = arith.index_cast %scan3A_1433 : i32 to index
        %get3A_1486 = arith.constant 80 : index
        %get3A_1487 = tpu.vector_load %arg16[%get3A_1485, %get3A_1486] {strides = array<i32>} : memref<112x128xf32, #tpu.memory_space<vmem>>, vector<16xf32>,
        %bitcast_convert_type3A_1488 = tpu.bitcast %get3A_1487 : vector<16xf32> -> vector<16xi32>
        %mul3A_1489 = arith.constant 112 : i32
        %mul3A_1490 = arith.muli %scan3A_1433, %mul3A_1489 : i32
        %add3A_1491 = arith.constant 80 : i32
        %add3A_1492 = arith.addi %mul3A_1490, %add3A_1491 : i32
        %add3A_1493 = vector.broadcast %add3A_1492 : i32 to vector<16xi32>
        %add3A_1494 = arith.addi %add3A_1493, %iota3A : vector<16xi32>
        %get3A_1495 = arith.index_cast %scan3A_1433 : i32 to index
        %get3A_1496 = arith.constant 96 : index
        %get3A_1497 = tpu.vector_load %arg16[%get3A_1495, %get3A_1496] {strides = array<i32>} : memref<112x128xf32, #tpu.memory_space<vmem>>, vector<16xf32>,
        %bitcast_convert_type3A_1498 = tpu.bitcast %get3A_1497 : vector<16xf32> -> vector<16xi32>
        %lt3A_1499 = arith.constant 4 : i32
        %lt3A_1500 = vector.broadcast %lt3A_1499 : i32 to vector<16xi32>
        %lt3A_1501 = arith.cmpi slt, %iota3A, %lt3A_1500 : vector<16xi32>
        %mul3A_1502 = arith.constant 112 : i32
        %mul3A_1503 = arith.muli %scan3A_1433, %mul3A_1502 : i32
        %add3A_1504 = arith.constant 96 : i32
        %add3A_1505 = arith.addi %mul3A_1503, %add3A_1504 : i32
        %add3A_1506 = vector.broadcast %add3A_1505 : i32 to vector<16xi32>
        %add3A_1507 = arith.addi %add3A_1506, %iota3A : vector<16xi32>
        %gt3A = vector.broadcast %or3A_1199 : i32 to vector<16xi32>
        %gt3A_1508 = arith.cmpi sgt, %bitcast_convert_type3A, %gt3A : vector<16xi32>
        %eq3A_1509 = vector.broadcast %or3A_1199 : i32 to vector<16xi32>
        %eq3A_1510 = arith.cmpi eq, %bitcast_convert_type3A, %eq3A_1509 : vector<16xi32>
        %convert_element_type3A_1511 = arith.extui %eq3A_1510 : vector<16xi1> to vector<16xi32>
        %cumsum3A = arith.constant true
        %cumsum3A_1512 = vector.broadcast %cumsum3A : i1 to vector<16xi1>
        %cumsum3A_1513 = tpu.scan <sum>, %convert_element_type3A_1511 masked %cumsum3A_1512 : vector<16xi32>, vector<16xi1> -> vector<16xi32>
        %le3A = vector.broadcast %scan3A_1435 : i32 to vector<16xi32>
        %le3A_1514 = arith.cmpi sle, %cumsum3A_1513, %le3A : vector<16xi32>
        %and3A = arith.andi %eq3A_1510, %le3A_1514 : vector<16xi1>
        %or3A_1515 = arith.ori %gt3A_1508, %and3A : vector<16xi1>
        %swap3A_1516 = arith.index_cast %scan3A_1434 : i32 to index
        %swap3A_1517 = tpu.vector_load %arg18[%swap3A_1516] masked %or3A_1515 {strides = array<i32>} : memref<128xi32, #tpu.memory_space<vmem>>, vector<16xi32>, vector<16xi1>
        tpu.vector_store %arg18[%swap3A_1516], %add3A_1444 masked %or3A_1515 {strides = array<i32>} : memref<128xi32, #tpu.memory_space<vmem>>, vector<16xi32>, vector<16xi1>
        %bitcast_convert_type3A_1518 = tpu.bitcast %bitcast_convert_type3A : vector<16xi32> -> vector<16xf32>
        %swap3A_1519 = arith.index_cast %scan3A_1434 : i32 to index
        %swap3A_1520 = tpu.vector_load %arg17[%swap3A_1519] masked %or3A_1515 {strides = array<i32>} : memref<128xf32, #tpu.memory_space<vmem>>, vector<16xf32>, vector<16xi1>
        tpu.vector_store %arg17[%swap3A_1519], %bitcast_convert_type3A_1518 masked %or3A_1515 {strides = array<i32>} : memref<128xf32, #tpu.memory_space<vmem>>, vector<16xf32>, vector<16xi1>
        %convert_element_type3A_1521 = arith.extui %or3A_1515 : vector<16xi1> to vector<16xi32>
        %reduce_sum3A_1522 = arith.constant true
        %reduce_sum3A_1523 = vector.broadcast %reduce_sum3A_1522 : i1 to vector<16xi1>
        %reduce_sum3A_1524 = tpu.scan <sum>, %convert_element_type3A_1521 masked %reduce_sum3A_1523 : vector<16xi32>, vector<16xi1> -> vector<16xi32>
        %reduce_sum3A_1525 = vector.extract %reduce_sum3A_1524[15] : i32 from vector<16xi32>
        %add3A_1526 = arith.addi %scan3A_1434, %reduce_sum3A_1525 : i32
        %convert_element_type3A_1527 = arith.extui %and3A : vector<16xi1> to vector<16xi32>
        %reduce_sum3A_1528 = arith.constant true
        %reduce_sum3A_1529 = vector.broadcast %reduce_sum3A_1528 : i1 to vector<16xi1>
        %reduce_sum3A_1530 = tpu.scan <sum>, %convert_element_type3A_1527 masked %reduce_sum3A_1529 : vector<16xi32>, vector<16xi1> -> vector<16xi32>
        %reduce_sum3A_1531 = vector.extract %reduce_sum3A_1530[15] : i32 from vector<16xi32>
        %sub3A_1532 = arith.subi %scan3A_1435, %reduce_sum3A_1531 : i32
        %gt3A_1533 = vector.broadcast %or3A_1199 : i32 to vector<16xi32>
        %gt3A_1534 = arith.cmpi sgt, %bitcast_convert_type3A_1448, %gt3A_1533 : vector<16xi32>
        %eq3A_1535 = vector.broadcast %or3A_1199 : i32 to vector<16xi32>
        %eq3A_1536 = arith.cmpi eq, %bitcast_convert_type3A_1448, %eq3A_1535 : vector<16xi32>
        %convert_element_type3A_1537 = arith.extui %eq3A_1536 : vector<16xi1> to vector<16xi32>
        %cumsum3A_1538 = arith.constant true
        %cumsum3A_1539 = vector.broadcast %cumsum3A_1538 : i1 to vector<16xi1>
        %cumsum3A_1540 = tpu.scan <sum>, %convert_element_type3A_1537 masked %cumsum3A_1539 : vector<16xi32>, vector<16xi1> -> vector<16xi32>
        %le3A_1541 = vector.broadcast %sub3A_1532 : i32 to vector<16xi32>
        %le3A_1542 = arith.cmpi sle, %cumsum3A_1540, %le3A_1541 : vector<16xi32>
        %and3A_1543 = arith.andi %eq3A_1536, %le3A_1542 : vector<16xi1>
        %or3A_1544 = arith.ori %gt3A_1534, %and3A_1543 : vector<16xi1>
        %swap3A_1545 = arith.index_cast %add3A_1526 : i32 to index
        %swap3A_1546 = tpu.vector_load %arg18[%swap3A_1545] masked %or3A_1544 {strides = array<i32>} : memref<128xi32, #tpu.memory_space<vmem>>, vector<16xi32>, vector<16xi1>
        tpu.vector_store %arg18[%swap3A_1545], %add3A_1454 masked %or3A_1544 {strides = array<i32>} : memref<128xi32, #tpu.memory_space<vmem>>, vector<16xi32>, vector<16xi1>
        %bitcast_convert_type3A_1547 = tpu.bitcast %bitcast_convert_type3A_1448 : vector<16xi32> -> vector<16xf32>
        %swap3A_1548 = arith.index_cast %add3A_1526 : i32 to index
        %swap3A_1549 = tpu.vector_load %arg17[%swap3A_1548] masked %or3A_1544 {strides = array<i32>} : memref<128xf32, #tpu.memory_space<vmem>>, vector<16xf32>, vector<16xi1>
        tpu.vector_store %arg17[%swap3A_1548], %bitcast_convert_type3A_1547 masked %or3A_1544 {strides = array<i32>} : memref<128xf32, #tpu.memory_space<vmem>>, vector<16xf32>, vector<16xi1>
        %convert_element_type3A_1550 = arith.extui %or3A_1544 : vector<16xi1> to vector<16xi32>
        %reduce_sum3A_1551 = arith.constant true
        %reduce_sum3A_1552 = vector.broadcast %reduce_sum3A_1551 : i1 to vector<16xi1>
        %reduce_sum3A_1553 = tpu.scan <sum>, %convert_element_type3A_1550 masked %reduce_sum3A_1552 : vector<16xi32>, vector<16xi1> -> vector<16xi32>
        %reduce_sum3A_1554 = vector.extract %reduce_sum3A_1553[15] : i32 from vector<16xi32>
        %add3A_1555 = arith.addi %add3A_1526, %reduce_sum3A_1554 : i32
        %convert_element_type3A_1556 = arith.extui %and3A_1543 : vector<16xi1> to vector<16xi32>
        %reduce_sum3A_1557 = arith.constant true
        %reduce_sum3A_1558 = vector.broadcast %reduce_sum3A_1557 : i1 to vector<16xi1>
        %reduce_sum3A_1559 = tpu.scan <sum>, %convert_element_type3A_1556 masked %reduce_sum3A_1558 : vector<16xi32>, vector<16xi1> -> vector<16xi32>
        %reduce_sum3A_1560 = vector.extract %reduce_sum3A_1559[15] : i32 from vector<16xi32>
        %sub3A_1561 = arith.subi %sub3A_1532, %reduce_sum3A_1560 : i32
        %gt3A_1562 = vector.broadcast %or3A_1199 : i32 to vector<16xi32>
        %gt3A_1563 = arith.cmpi sgt, %bitcast_convert_type3A_1458, %gt3A_1562 : vector<16xi32>
        %eq3A_1564 = vector.broadcast %or3A_1199 : i32 to vector<16xi32>
        %eq3A_1565 = arith.cmpi eq, %bitcast_convert_type3A_1458, %eq3A_1564 : vector<16xi32>
        %convert_element_type3A_1566 = arith.extui %eq3A_1565 : vector<16xi1> to vector<16xi32>
        %cumsum3A_1567 = arith.constant true
        %cumsum3A_1568 = vector.broadcast %cumsum3A_1567 : i1 to vector<16xi1>
        %cumsum3A_1569 = tpu.scan <sum>, %convert_element_type3A_1566 masked %cumsum3A_1568 : vector<16xi32>, vector<16xi1> -> vector<16xi32>
        %le3A_1570 = vector.broadcast %sub3A_1561 : i32 to vector<16xi32>
        %le3A_1571 = arith.cmpi sle, %cumsum3A_1569, %le3A_1570 : vector<16xi32>
        %and3A_1572 = arith.andi %eq3A_1565, %le3A_1571 : vector<16xi1>
        %or3A_1573 = arith.ori %gt3A_1563, %and3A_1572 : vector<16xi1>
        %swap3A_1574 = arith.index_cast %add3A_1555 : i32 to index
        %swap3A_1575 = tpu.vector_load %arg18[%swap3A_1574] masked %or3A_1573 {strides = array<i32>} : memref<128xi32, #tpu.memory_space<vmem>>, vector<16xi32>, vector<16xi1>
        tpu.vector_store %arg18[%swap3A_1574], %add3A_1464 masked %or3A_1573 {strides = array<i32>} : memref<128xi32, #tpu.memory_space<vmem>>, vector<16xi32>, vector<16xi1>
        %bitcast_convert_type3A_1576 = tpu.bitcast %bitcast_convert_type3A_1458 : vector<16xi32> -> vector<16xf32>
        %swap3A_1577 = arith.index_cast %add3A_1555 : i32 to index
        %swap3A_1578 = tpu.vector_load %arg17[%swap3A_1577] masked %or3A_1573 {strides = array<i32>} : memref<128xf32, #tpu.memory_space<vmem>>, vector<16xf32>, vector<16xi1>
        tpu.vector_store %arg17[%swap3A_1577], %bitcast_convert_type3A_1576 masked %or3A_1573 {strides = array<i32>} : memref<128xf32, #tpu.memory_space<vmem>>, vector<16xf32>, vector<16xi1>
        %convert_element_type3A_1579 = arith.extui %or3A_1573 : vector<16xi1> to vector<16xi32>
        %reduce_sum3A_1580 = arith.constant true
        %reduce_sum3A_1581 = vector.broadcast %reduce_sum3A_1580 : i1 to vector<16xi1>
        %reduce_sum3A_1582 = tpu.scan <sum>, %convert_element_type3A_1579 masked %reduce_sum3A_1581 : vector<16xi32>, vector<16xi1> -> vector<16xi32>
        %reduce_sum3A_1583 = vector.extract %reduce_sum3A_1582[15] : i32 from vector<16xi32>
        %add3A_1584 = arith.addi %add3A_1555, %reduce_sum3A_1583 : i32
        %convert_element_type3A_1585 = arith.extui %and3A_1572 : vector<16xi1> to vector<16xi32>
        %reduce_sum3A_1586 = arith.constant true
        %reduce_sum3A_1587 = vector.broadcast %reduce_sum3A_1586 : i1 to vector<16xi1>
        %reduce_sum3A_1588 = tpu.scan <sum>, %convert_element_type3A_1585 masked %reduce_sum3A_1587 : vector<16xi32>, vector<16xi1> -> vector<16xi32>
        %reduce_sum3A_1589 = vector.extract %reduce_sum3A_1588[15] : i32 from vector<16xi32>
        %sub3A_1590 = arith.subi %sub3A_1561, %reduce_sum3A_1589 : i32
        %gt3A_1591 = vector.broadcast %or3A_1199 : i32 to vector<16xi32>
        %gt3A_1592 = arith.cmpi sgt, %bitcast_convert_type3A_1468, %gt3A_1591 : vector<16xi32>
        %eq3A_1593 = vector.broadcast %or3A_1199 : i32 to vector<16xi32>
        %eq3A_1594 = arith.cmpi eq, %bitcast_convert_type3A_1468, %eq3A_1593 : vector<16xi32>
        %convert_element_type3A_1595 = arith.extui %eq3A_1594 : vector<16xi1> to vector<16xi32>
        %cumsum3A_1596 = arith.constant true
        %cumsum3A_1597 = vector.broadcast %cumsum3A_1596 : i1 to vector<16xi1>
        %cumsum3A_1598 = tpu.scan <sum>, %convert_element_type3A_1595 masked %cumsum3A_1597 : vector<16xi32>, vector<16xi1> -> vector<16xi32>
        %le3A_1599 = vector.broadcast %sub3A_1590 : i32 to vector<16xi32>
        %le3A_1600 = arith.cmpi sle, %cumsum3A_1598, %le3A_1599 : vector<16xi32>
        %and3A_1601 = arith.andi %eq3A_1594, %le3A_1600 : vector<16xi1>
        %or3A_1602 = arith.ori %gt3A_1592, %and3A_1601 : vector<16xi1>
        %swap3A_1603 = arith.index_cast %add3A_1584 : i32 to index
        %swap3A_1604 = tpu.vector_load %arg18[%swap3A_1603] masked %or3A_1602 {strides = array<i32>} : memref<128xi32, #tpu.memory_space<vmem>>, vector<16xi32>, vector<16xi1>
        tpu.vector_store %arg18[%swap3A_1603], %add3A_1474 masked %or3A_1602 {strides = array<i32>} : memref<128xi32, #tpu.memory_space<vmem>>, vector<16xi32>, vector<16xi1>
        %bitcast_convert_type3A_1605 = tpu.bitcast %bitcast_convert_type3A_1468 : vector<16xi32> -> vector<16xf32>
        %swap3A_1606 = arith.index_cast %add3A_1584 : i32 to index
        %swap3A_1607 = tpu.vector_load %arg17[%swap3A_1606] masked %or3A_1602 {strides = array<i32>} : memref<128xf32, #tpu.memory_space<vmem>>, vector<16xf32>, vector<16xi1>
        tpu.vector_store %arg17[%swap3A_1606], %bitcast_convert_type3A_1605 masked %or3A_1602 {strides = array<i32>} : memref<128xf32, #tpu.memory_space<vmem>>, vector<16xf32>, vector<16xi1>
        %convert_element_type3A_1608 = arith.extui %or3A_1602 : vector<16xi1> to vector<16xi32>
        %reduce_sum3A_1609 = arith.constant true
        %reduce_sum3A_1610 = vector.broadcast %reduce_sum3A_1609 : i1 to vector<16xi1>
        %reduce_sum3A_1611 = tpu.scan <sum>, %convert_element_type3A_1608 masked %reduce_sum3A_1610 : vector<16xi32>, vector<16xi1> -> vector<16xi32>
        %reduce_sum3A_1612 = vector.extract %reduce_sum3A_1611[15] : i32 from vector<16xi32>
        %add3A_1613 = arith.addi %add3A_1584, %reduce_sum3A_1612 : i32
        %convert_element_type3A_1614 = arith.extui %and3A_1601 : vector<16xi1> to vector<16xi32>
        %reduce_sum3A_1615 = arith.constant true
        %reduce_sum3A_1616 = vector.broadcast %reduce_sum3A_1615 : i1 to vector<16xi1>
        %reduce_sum3A_1617 = tpu.scan <sum>, %convert_element_type3A_1614 masked %reduce_sum3A_1616 : vector<16xi32>, vector<16xi1> -> vector<16xi32>
        %reduce_sum3A_1618 = vector.extract %reduce_sum3A_1617[15] : i32 from vector<16xi32>
        %sub3A_1619 = arith.subi %sub3A_1590, %reduce_sum3A_1618 : i32
        %gt3A_1620 = vector.broadcast %or3A_1199 : i32 to vector<16xi32>
        %gt3A_1621 = arith.cmpi sgt, %bitcast_convert_type3A_1478, %gt3A_1620 : vector<16xi32>
        %eq3A_1622 = vector.broadcast %or3A_1199 : i32 to vector<16xi32>
        %eq3A_1623 = arith.cmpi eq, %bitcast_convert_type3A_1478, %eq3A_1622 : vector<16xi32>
        %convert_element_type3A_1624 = arith.extui %eq3A_1623 : vector<16xi1> to vector<16xi32>
        %cumsum3A_1625 = arith.constant true
        %cumsum3A_1626 = vector.broadcast %cumsum3A_1625 : i1 to vector<16xi1>
        %cumsum3A_1627 = tpu.scan <sum>, %convert_element_type3A_1624 masked %cumsum3A_1626 : vector<16xi32>, vector<16xi1> -> vector<16xi32>
        %le3A_1628 = vector.broadcast %sub3A_1619 : i32 to vector<16xi32>
        %le3A_1629 = arith.cmpi sle, %cumsum3A_1627, %le3A_1628 : vector<16xi32>
        %and3A_1630 = arith.andi %eq3A_1623, %le3A_1629 : vector<16xi1>
        %or3A_1631 = arith.ori %gt3A_1621, %and3A_1630 : vector<16xi1>
        %swap3A_1632 = arith.index_cast %add3A_1613 : i32 to index
        %swap3A_1633 = tpu.vector_load %arg18[%swap3A_1632] masked %or3A_1631 {strides = array<i32>} : memref<128xi32, #tpu.memory_space<vmem>>, vector<16xi32>, vector<16xi1>
        tpu.vector_store %arg18[%swap3A_1632], %add3A_1484 masked %or3A_1631 {strides = array<i32>} : memref<128xi32, #tpu.memory_space<vmem>>, vector<16xi32>, vector<16xi1>
        %bitcast_convert_type3A_1634 = tpu.bitcast %bitcast_convert_type3A_1478 : vector<16xi32> -> vector<16xf32>
        %swap3A_1635 = arith.index_cast %add3A_1613 : i32 to index
        %swap3A_1636 = tpu.vector_load %arg17[%swap3A_1635] masked %or3A_1631 {strides = array<i32>} : memref<128xf32, #tpu.memory_space<vmem>>, vector<16xf32>, vector<16xi1>
        tpu.vector_store %arg17[%swap3A_1635], %bitcast_convert_type3A_1634 masked %or3A_1631 {strides = array<i32>} : memref<128xf32, #tpu.memory_space<vmem>>, vector<16xf32>, vector<16xi1>
        %convert_element_type3A_1637 = arith.extui %or3A_1631 : vector<16xi1> to vector<16xi32>
        %reduce_sum3A_1638 = arith.constant true
        %reduce_sum3A_1639 = vector.broadcast %reduce_sum3A_1638 : i1 to vector<16xi1>
        %reduce_sum3A_1640 = tpu.scan <sum>, %convert_element_type3A_1637 masked %reduce_sum3A_1639 : vector<16xi32>, vector<16xi1> -> vector<16xi32>
        %reduce_sum3A_1641 = vector.extract %reduce_sum3A_1640[15] : i32 from vector<16xi32>
        %add3A_1642 = arith.addi %add3A_1613, %reduce_sum3A_1641 : i32
        %convert_element_type3A_1643 = arith.extui %and3A_1630 : vector<16xi1> to vector<16xi32>
        %reduce_sum3A_1644 = arith.constant true
        %reduce_sum3A_1645 = vector.broadcast %reduce_sum3A_1644 : i1 to vector<16xi1>
        %reduce_sum3A_1646 = tpu.scan <sum>, %convert_element_type3A_1643 masked %reduce_sum3A_1645 : vector<16xi32>, vector<16xi1> -> vector<16xi32>
        %reduce_sum3A_1647 = vector.extract %reduce_sum3A_1646[15] : i32 from vector<16xi32>
        %sub3A_1648 = arith.subi %sub3A_1619, %reduce_sum3A_1647 : i32
        %gt3A_1649 = vector.broadcast %or3A_1199 : i32 to vector<16xi32>
        %gt3A_1650 = arith.cmpi sgt, %bitcast_convert_type3A_1488, %gt3A_1649 : vector<16xi32>
        %eq3A_1651 = vector.broadcast %or3A_1199 : i32 to vector<16xi32>
        %eq3A_1652 = arith.cmpi eq, %bitcast_convert_type3A_1488, %eq3A_1651 : vector<16xi32>
        %convert_element_type3A_1653 = arith.extui %eq3A_1652 : vector<16xi1> to vector<16xi32>
        %cumsum3A_1654 = arith.constant true
        %cumsum3A_1655 = vector.broadcast %cumsum3A_1654 : i1 to vector<16xi1>
        %cumsum3A_1656 = tpu.scan <sum>, %convert_element_type3A_1653 masked %cumsum3A_1655 : vector<16xi32>, vector<16xi1> -> vector<16xi32>
        %le3A_1657 = vector.broadcast %sub3A_1648 : i32 to vector<16xi32>
        %le3A_1658 = arith.cmpi sle, %cumsum3A_1656, %le3A_1657 : vector<16xi32>
        %and3A_1659 = arith.andi %eq3A_1652, %le3A_1658 : vector<16xi1>
        %or3A_1660 = arith.ori %gt3A_1650, %and3A_1659 : vector<16xi1>
        %swap3A_1661 = arith.index_cast %add3A_1642 : i32 to index
        %swap3A_1662 = tpu.vector_load %arg18[%swap3A_1661] masked %or3A_1660 {strides = array<i32>} : memref<128xi32, #tpu.memory_space<vmem>>, vector<16xi32>, vector<16xi1>
        tpu.vector_store %arg18[%swap3A_1661], %add3A_1494 masked %or3A_1660 {strides = array<i32>} : memref<128xi32, #tpu.memory_space<vmem>>, vector<16xi32>, vector<16xi1>
        %bitcast_convert_type3A_1663 = tpu.bitcast %bitcast_convert_type3A_1488 : vector<16xi32> -> vector<16xf32>
        %swap3A_1664 = arith.index_cast %add3A_1642 : i32 to index
        %swap3A_1665 = tpu.vector_load %arg17[%swap3A_1664] masked %or3A_1660 {strides = array<i32>} : memref<128xf32, #tpu.memory_space<vmem>>, vector<16xf32>, vector<16xi1>
        tpu.vector_store %arg17[%swap3A_1664], %bitcast_convert_type3A_1663 masked %or3A_1660 {strides = array<i32>} : memref<128xf32, #tpu.memory_space<vmem>>, vector<16xf32>, vector<16xi1>
        %convert_element_type3A_1666 = arith.extui %or3A_1660 : vector<16xi1> to vector<16xi32>
        %reduce_sum3A_1667 = arith.constant true
        %reduce_sum3A_1668 = vector.broadcast %reduce_sum3A_1667 : i1 to vector<16xi1>
        %reduce_sum3A_1669 = tpu.scan <sum>, %convert_element_type3A_1666 masked %reduce_sum3A_1668 : vector<16xi32>, vector<16xi1> -> vector<16xi32>
        %reduce_sum3A_1670 = vector.extract %reduce_sum3A_1669[15] : i32 from vector<16xi32>
        %add3A_1671 = arith.addi %add3A_1642, %reduce_sum3A_1670 : i32
        %convert_element_type3A_1672 = arith.extui %and3A_1659 : vector<16xi1> to vector<16xi32>
        %reduce_sum3A_1673 = arith.constant true
        %reduce_sum3A_1674 = vector.broadcast %reduce_sum3A_1673 : i1 to vector<16xi1>
        %reduce_sum3A_1675 = tpu.scan <sum>, %convert_element_type3A_1672 masked %reduce_sum3A_1674 : vector<16xi32>, vector<16xi1> -> vector<16xi32>
        %reduce_sum3A_1676 = vector.extract %reduce_sum3A_1675[15] : i32 from vector<16xi32>
        %sub3A_1677 = arith.subi %sub3A_1648, %reduce_sum3A_1676 : i32
        %gt3A_1678 = vector.broadcast %or3A_1199 : i32 to vector<16xi32>
        %gt3A_1679 = arith.cmpi sgt, %bitcast_convert_type3A_1498, %gt3A_1678 : vector<16xi32>
        %eq3A_1680 = vector.broadcast %or3A_1199 : i32 to vector<16xi32>
        %eq3A_1681 = arith.cmpi eq, %bitcast_convert_type3A_1498, %eq3A_1680 : vector<16xi32>
        %and3A_1682 = arith.andi %gt3A_1679, %lt3A_1501 : vector<16xi1>
        %and3A_1683 = arith.andi %eq3A_1681, %lt3A_1501 : vector<16xi1>
        %convert_element_type3A_1684 = arith.extui %and3A_1683 : vector<16xi1> to vector<16xi32>
        %cumsum3A_1685 = arith.constant true
        %cumsum3A_1686 = vector.broadcast %cumsum3A_1685 : i1 to vector<16xi1>
        %cumsum3A_1687 = tpu.scan <sum>, %convert_element_type3A_1684 masked %cumsum3A_1686 : vector<16xi32>, vector<16xi1> -> vector<16xi32>
        %le3A_1688 = vector.broadcast %sub3A_1677 : i32 to vector<16xi32>
        %le3A_1689 = arith.cmpi sle, %cumsum3A_1687, %le3A_1688 : vector<16xi32>
        %and3A_1690 = arith.andi %and3A_1683, %le3A_1689 : vector<16xi1>
        %or3A_1691 = arith.ori %and3A_1682, %and3A_1690 : vector<16xi1>
        %swap3A_1692 = arith.index_cast %add3A_1671 : i32 to index
        %swap3A_1693 = tpu.vector_load %arg18[%swap3A_1692] masked %or3A_1691 {strides = array<i32>} : memref<128xi32, #tpu.memory_space<vmem>>, vector<16xi32>, vector<16xi1>
        tpu.vector_store %arg18[%swap3A_1692], %add3A_1507 masked %or3A_1691 {strides = array<i32>} : memref<128xi32, #tpu.memory_space<vmem>>, vector<16xi32>, vector<16xi1>
        %bitcast_convert_type3A_1694 = tpu.bitcast %bitcast_convert_type3A_1498 : vector<16xi32> -> vector<16xf32>
        %swap3A_1695 = arith.index_cast %add3A_1671 : i32 to index
        %swap3A_1696 = tpu.vector_load %arg17[%swap3A_1695] masked %or3A_1691 {strides = array<i32>} : memref<128xf32, #tpu.memory_space<vmem>>, vector<16xf32>, vector<16xi1>
        tpu.vector_store %arg17[%swap3A_1695], %bitcast_convert_type3A_1694 masked %or3A_1691 {strides = array<i32>} : memref<128xf32, #tpu.memory_space<vmem>>, vector<16xf32>, vector<16xi1>
        %convert_element_type3A_1697 = arith.extui %or3A_1691 : vector<16xi1> to vector<16xi32>
        %reduce_sum3A_1698 = arith.constant true
        %reduce_sum3A_1699 = vector.broadcast %reduce_sum3A_1698 : i1 to vector<16xi1>
        %reduce_sum3A_1700 = tpu.scan <sum>, %convert_element_type3A_1697 masked %reduce_sum3A_1699 : vector<16xi32>, vector<16xi1> -> vector<16xi32>
        %reduce_sum3A_1701 = vector.extract %reduce_sum3A_1700[15] : i32 from vector<16xi32>
        %add3A_1702 = arith.addi %add3A_1671, %reduce_sum3A_1701 : i32
        %convert_element_type3A_1703 = arith.extui %and3A_1690 : vector<16xi1> to vector<16xi32>
        %reduce_sum3A_1704 = arith.constant true
        %reduce_sum3A_1705 = vector.broadcast %reduce_sum3A_1704 : i1 to vector<16xi1>
        %reduce_sum3A_1706 = tpu.scan <sum>, %convert_element_type3A_1703 masked %reduce_sum3A_1705 : vector<16xi32>, vector<16xi1> -> vector<16xi32>
        %reduce_sum3A_1707 = vector.extract %reduce_sum3A_1706[15] : i32 from vector<16xi32>
        %sub3A_1708 = arith.subi %sub3A_1677, %reduce_sum3A_1707 : i32
        scf.yield %add3A_1702, %sub3A_1708 : i32, i32
      }
      %scan3A_1238 = arith.constant 100 : i32
      %eq3A = arith.constant 0 : i32
      %eq3A_1239 = vector.broadcast %eq3A : i32 to vector<16xi32>
      %eq3A_1240 = arith.cmpi eq, %iota3A, %eq3A_1239 : vector<16xi32>
      %scan3A_1241 = arith.constant 0 : i32
      %scan3A_1242 = arith.constant 0 : i32
      %scan3A_1243 = arith.constant 100 : i32
      %scan3A_1244 = arith.addi %scan3A_1242, %scan3A_1243 : i32
      %scan3A_1245 = arith.constant 1 : i32
      %scan3A_1246 = scf.for %scan3A_1433 = %scan3A_1242 to %scan3A_1244 step %scan3A_1245 iter_args(%scan3A_1434 = %scan3A_1241) -> (i32)  : i32 {
        %get3A_1435 = arith.index_cast %scan3A_1433 : i32 to index
        %get3A_1436 = tpu.vector_load %arg17[%get3A_1435] {strides = array<i32>} : memref<128xf32, #tpu.memory_space<vmem>>, vector<16xf32>,
        %slice3A = vector.extract_strided_slice %get3A_1436 {offsets = [0], sizes = [1], strides = [1]} : vector<16xf32> to vector<1xf32>
        %squeeze3A = vector.extract %slice3A[0] : f32 from vector<1xf32>
        %get3A_1437 = arith.index_cast %scan3A_1433 : i32 to index
        %get3A_1438 = tpu.vector_load %arg18[%get3A_1437] {strides = array<i32>} : memref<128xi32, #tpu.memory_space<vmem>>, vector<16xi32>,
        %slice3A_1439 = vector.extract_strided_slice %get3A_1438 {offsets = [0], sizes = [1], strides = [1]} : vector<16xi32> to vector<1xi32>
        %squeeze3A_1440 = vector.extract %slice3A_1439[0] : i32 from vector<1xi32>
        %broadcast_in_dim3A_1441 = vector.broadcast %squeeze3A : f32 to vector<16xf32>
        %broadcast_in_dim3A_1442 = arith.constant 0 : i32
        %broadcast_in_dim3A_1443 = vector.broadcast %broadcast_in_dim3A_1442 : i32 to vector<16xi32>
        %get3A_1444 = arith.constant 0 : index
        %get3A_1445 = tpu.vector_load %arg17[%get3A_1444] {strides = array<i32>} : memref<128xf32, #tpu.memory_space<vmem>>, vector<16xf32>,
        %add3A_1446 = arith.constant 0 : i32
        %add3A_1447 = vector.broadcast %add3A_1446 : i32 to vector<16xi32>
        %add3A_1448 = arith.addi %add3A_1447, %iota3A : vector<16xi32>
        %gt3A = arith.cmpf ogt, %get3A_1445, %broadcast_in_dim3A_1441 : vector<16xf32>
        %eq3A_1449 = arith.cmpf oeq, %get3A_1445, %broadcast_in_dim3A_1441 : vector<16xf32>
        %lt3A_1450 = vector.broadcast %scan3A_1433 : i32 to vector<16xi32>
        %lt3A_1451 = arith.cmpi slt, %add3A_1448, %lt3A_1450 : vector<16xi32>
        %and3A = arith.andi %eq3A_1449, %lt3A_1451 : vector<16xi1>
        %convert_element_type3A_1452 = arith.extui %gt3A : vector<16xi1> to vector<16xi32>
        %add3A_1453 = arith.addi %broadcast_in_dim3A_1443, %convert_element_type3A_1452 : vector<16xi32>
        %convert_element_type3A_1454 = arith.extui %and3A : vector<16xi1> to vector<16xi32>
        %add3A_1455 = arith.addi %add3A_1453, %convert_element_type3A_1454 : vector<16xi32>
        %get3A_1456 = arith.constant 16 : index
        %get3A_1457 = tpu.vector_load %arg17[%get3A_1456] {strides = array<i32>} : memref<128xf32, #tpu.memory_space<vmem>>, vector<16xf32>,
        %add3A_1458 = arith.constant 16 : i32
        %add3A_1459 = vector.broadcast %add3A_1458 : i32 to vector<16xi32>
        %add3A_1460 = arith.addi %add3A_1459, %iota3A : vector<16xi32>
        %gt3A_1461 = arith.cmpf ogt, %get3A_1457, %broadcast_in_dim3A_1441 : vector<16xf32>
        %eq3A_1462 = arith.cmpf oeq, %get3A_1457, %broadcast_in_dim3A_1441 : vector<16xf32>
        %lt3A_1463 = vector.broadcast %scan3A_1433 : i32 to vector<16xi32>
        %lt3A_1464 = arith.cmpi slt, %add3A_1460, %lt3A_1463 : vector<16xi32>
        %and3A_1465 = arith.andi %eq3A_1462, %lt3A_1464 : vector<16xi1>
        %convert_element_type3A_1466 = arith.extui %gt3A_1461 : vector<16xi1> to vector<16xi32>
        %add3A_1467 = arith.addi %add3A_1455, %convert_element_type3A_1466 : vector<16xi32>
        %convert_element_type3A_1468 = arith.extui %and3A_1465 : vector<16xi1> to vector<16xi32>
        %add3A_1469 = arith.addi %add3A_1467, %convert_element_type3A_1468 : vector<16xi32>
        %get3A_1470 = arith.constant 32 : index
        %get3A_1471 = tpu.vector_load %arg17[%get3A_1470] {strides = array<i32>} : memref<128xf32, #tpu.memory_space<vmem>>, vector<16xf32>,
        %add3A_1472 = arith.constant 32 : i32
        %add3A_1473 = vector.broadcast %add3A_1472 : i32 to vector<16xi32>
        %add3A_1474 = arith.addi %add3A_1473, %iota3A : vector<16xi32>
        %gt3A_1475 = arith.cmpf ogt, %get3A_1471, %broadcast_in_dim3A_1441 : vector<16xf32>
        %eq3A_1476 = arith.cmpf oeq, %get3A_1471, %broadcast_in_dim3A_1441 : vector<16xf32>
        %lt3A_1477 = vector.broadcast %scan3A_1433 : i32 to vector<16xi32>
        %lt3A_1478 = arith.cmpi slt, %add3A_1474, %lt3A_1477 : vector<16xi32>
        %and3A_1479 = arith.andi %eq3A_1476, %lt3A_1478 : vector<16xi1>
        %convert_element_type3A_1480 = arith.extui %gt3A_1475 : vector<16xi1> to vector<16xi32>
        %add3A_1481 = arith.addi %add3A_1469, %convert_element_type3A_1480 : vector<16xi32>
        %convert_element_type3A_1482 = arith.extui %and3A_1479 : vector<16xi1> to vector<16xi32>
        %add3A_1483 = arith.addi %add3A_1481, %convert_element_type3A_1482 : vector<16xi32>
        %get3A_1484 = arith.constant 48 : index
        %get3A_1485 = tpu.vector_load %arg17[%get3A_1484] {strides = array<i32>} : memref<128xf32, #tpu.memory_space<vmem>>, vector<16xf32>,
        %add3A_1486 = arith.constant 48 : i32
        %add3A_1487 = vector.broadcast %add3A_1486 : i32 to vector<16xi32>
        %add3A_1488 = arith.addi %add3A_1487, %iota3A : vector<16xi32>
        %gt3A_1489 = arith.cmpf ogt, %get3A_1485, %broadcast_in_dim3A_1441 : vector<16xf32>
        %eq3A_1490 = arith.cmpf oeq, %get3A_1485, %broadcast_in_dim3A_1441 : vector<16xf32>
        %lt3A_1491 = vector.broadcast %scan3A_1433 : i32 to vector<16xi32>
        %lt3A_1492 = arith.cmpi slt, %add3A_1488, %lt3A_1491 : vector<16xi32>
        %and3A_1493 = arith.andi %eq3A_1490, %lt3A_1492 : vector<16xi1>
        %convert_element_type3A_1494 = arith.extui %gt3A_1489 : vector<16xi1> to vector<16xi32>
        %add3A_1495 = arith.addi %add3A_1483, %convert_element_type3A_1494 : vector<16xi32>
        %convert_element_type3A_1496 = arith.extui %and3A_1493 : vector<16xi1> to vector<16xi32>
        %add3A_1497 = arith.addi %add3A_1495, %convert_element_type3A_1496 : vector<16xi32>
        %get3A_1498 = arith.constant 64 : index
        %get3A_1499 = tpu.vector_load %arg17[%get3A_1498] {strides = array<i32>} : memref<128xf32, #tpu.memory_space<vmem>>, vector<16xf32>,
        %add3A_1500 = arith.constant 64 : i32
        %add3A_1501 = vector.broadcast %add3A_1500 : i32 to vector<16xi32>
        %add3A_1502 = arith.addi %add3A_1501, %iota3A : vector<16xi32>
        %gt3A_1503 = arith.cmpf ogt, %get3A_1499, %broadcast_in_dim3A_1441 : vector<16xf32>
        %eq3A_1504 = arith.cmpf oeq, %get3A_1499, %broadcast_in_dim3A_1441 : vector<16xf32>
        %lt3A_1505 = vector.broadcast %scan3A_1433 : i32 to vector<16xi32>
        %lt3A_1506 = arith.cmpi slt, %add3A_1502, %lt3A_1505 : vector<16xi32>
        %and3A_1507 = arith.andi %eq3A_1504, %lt3A_1506 : vector<16xi1>
        %convert_element_type3A_1508 = arith.extui %gt3A_1503 : vector<16xi1> to vector<16xi32>
        %add3A_1509 = arith.addi %add3A_1497, %convert_element_type3A_1508 : vector<16xi32>
        %convert_element_type3A_1510 = arith.extui %and3A_1507 : vector<16xi1> to vector<16xi32>
        %add3A_1511 = arith.addi %add3A_1509, %convert_element_type3A_1510 : vector<16xi32>
        %get3A_1512 = arith.constant 80 : index
        %get3A_1513 = tpu.vector_load %arg17[%get3A_1512] {strides = array<i32>} : memref<128xf32, #tpu.memory_space<vmem>>, vector<16xf32>,
        %add3A_1514 = arith.constant 80 : i32
        %add3A_1515 = vector.broadcast %add3A_1514 : i32 to vector<16xi32>
        %add3A_1516 = arith.addi %add3A_1515, %iota3A : vector<16xi32>
        %gt3A_1517 = arith.cmpf ogt, %get3A_1513, %broadcast_in_dim3A_1441 : vector<16xf32>
        %eq3A_1518 = arith.cmpf oeq, %get3A_1513, %broadcast_in_dim3A_1441 : vector<16xf32>
        %lt3A_1519 = vector.broadcast %scan3A_1433 : i32 to vector<16xi32>
        %lt3A_1520 = arith.cmpi slt, %add3A_1516, %lt3A_1519 : vector<16xi32>
        %and3A_1521 = arith.andi %eq3A_1518, %lt3A_1520 : vector<16xi1>
        %convert_element_type3A_1522 = arith.extui %gt3A_1517 : vector<16xi1> to vector<16xi32>
        %add3A_1523 = arith.addi %add3A_1511, %convert_element_type3A_1522 : vector<16xi32>
        %convert_element_type3A_1524 = arith.extui %and3A_1521 : vector<16xi1> to vector<16xi32>
        %add3A_1525 = arith.addi %add3A_1523, %convert_element_type3A_1524 : vector<16xi32>
        %get3A_1526 = arith.constant 96 : index
        %get3A_1527 = tpu.vector_load %arg17[%get3A_1526] {strides = array<i32>} : memref<128xf32, #tpu.memory_space<vmem>>, vector<16xf32>,
        %add3A_1528 = arith.constant 96 : i32
        %add3A_1529 = vector.broadcast %add3A_1528 : i32 to vector<16xi32>
        %add3A_1530 = arith.addi %add3A_1529, %iota3A : vector<16xi32>
        %gt3A_1531 = arith.cmpf ogt, %get3A_1527, %broadcast_in_dim3A_1441 : vector<16xf32>
        %eq3A_1532 = arith.cmpf oeq, %get3A_1527, %broadcast_in_dim3A_1441 : vector<16xf32>
        %lt3A_1533 = vector.broadcast %scan3A_1433 : i32 to vector<16xi32>
        %lt3A_1534 = arith.cmpi slt, %add3A_1530, %lt3A_1533 : vector<16xi32>
        %and3A_1535 = arith.andi %eq3A_1532, %lt3A_1534 : vector<16xi1>
        %convert_element_type3A_1536 = arith.extui %gt3A_1531 : vector<16xi1> to vector<16xi32>
        %add3A_1537 = arith.addi %add3A_1525, %convert_element_type3A_1536 : vector<16xi32>
        %convert_element_type3A_1538 = arith.extui %and3A_1535 : vector<16xi1> to vector<16xi32>
        %add3A_1539 = arith.addi %add3A_1537, %convert_element_type3A_1538 : vector<16xi32>
        %reduce_sum3A_1540 = arith.constant true
        %reduce_sum3A_1541 = vector.broadcast %reduce_sum3A_1540 : i1 to vector<16xi1>
        %reduce_sum3A_1542 = tpu.scan <sum>, %add3A_1539 masked %reduce_sum3A_1541 : vector<16xi32>, vector<16xi1> -> vector<16xi32>
        %reduce_sum3A_1543 = vector.extract %reduce_sum3A_1542[15] : i32 from vector<16xi32>
        %jit3A_1544 = arith.constant 112 : i32
        %div3A = arith.divsi %squeeze3A_1440, %jit3A_1544 : i32
        %sign3A = arith.constant 0 : i32
        %sign3A_1545 = arith.cmpi sgt, %squeeze3A_1440, %sign3A : i32
        %sign3A_1546 = arith.extui %sign3A_1545 : i1 to i32
        %sign3A_1547 = arith.constant 0 : i32
        %sign3A_1548 = arith.cmpi slt, %squeeze3A_1440, %sign3A_1547 : i32
        %sign3A_1549 = arith.extui %sign3A_1548 : i1 to i32
        %sign3A_1550 = arith.subi %sign3A_1546, %sign3A_1549 : i32
        %sign3A_1551 = arith.constant 0 : i32
        %sign3A_1552 = arith.cmpi sgt, %jit3A_1544, %sign3A_1551 : i32
        %sign3A_1553 = arith.extui %sign3A_1552 : i1 to i32
        %sign3A_1554 = arith.constant 0 : i32
        %sign3A_1555 = arith.cmpi slt, %jit3A_1544, %sign3A_1554 : i32
        %sign3A_1556 = arith.extui %sign3A_1555 : i1 to i32
        %sign3A_1557 = arith.subi %sign3A_1553, %sign3A_1556 : i32
        %ne3A = arith.cmpi ne, %sign3A_1550, %sign3A_1557 : i32
        %rem3A = arith.remsi %squeeze3A_1440, %jit3A_1544 : i32
        %ne3A_1558 = arith.constant 0 : i32
        %ne3A_1559 = arith.cmpi ne, %rem3A, %ne3A_1558 : i32
        %and3A_1560 = arith.andi %ne3A, %ne3A_1559 : i1
        %sub3A_1561 = arith.constant 1 : i32
        %sub3A_1562 = arith.subi %div3A, %sub3A_1561 : i32
        %select_n3A_1563 = arith.select %and3A_1560, %sub3A_1562, %div3A : i32
        %mul3A_1564 = arith.constant 112 : i32
        %mul3A_1565 = arith.muli %select_n3A_1563, %mul3A_1564 : i32
        %sub3A_1566 = arith.subi %squeeze3A_1440, %mul3A_1565 : i32
        %get3A_1567 = arith.index_cast %select_n3A_1563 : i32 to index
        %get3A_1568 = tpu.vector_load %arg14[%get3A_1567] {strides = array<i32>} : memref<128xi32, #tpu.memory_space<vmem>>, vector<16xi32>,
        %slice3A_1569 = vector.extract_strided_slice %get3A_1568 {offsets = [0], sizes = [1], strides = [1]} : vector<16xi32> to vector<1xi32>
        %squeeze3A_1570 = vector.extract %slice3A_1569[0] : i32 from vector<1xi32>
        %broadcast_in_dim3A_1571 = vector.broadcast %reduce_sum3A_1543 : i32 to vector<16xi32>
        tpu.vector_store_idx %arg19[%broadcast_in_dim3A_1571], %broadcast_in_dim3A_1441 masked %eq3A_1240 : memref<112xf32, #tpu.memory_space<vmem>>[vector<16xi32>], vector<16xf32>, vector<16xi1>
        %broadcast_in_dim3A_1572 = vector.broadcast %sub3A_1566 : i32 to vector<16xi32>
        tpu.vector_store_idx %arg20[%broadcast_in_dim3A_1571], %broadcast_in_dim3A_1572 masked %eq3A_1240 : memref<112xi32, #tpu.memory_space<vmem>>[vector<16xi32>], vector<16xi32>, vector<16xi1>
        %broadcast_in_dim3A_1573 = vector.broadcast %squeeze3A_1570 : i32 to vector<16xi32>
        tpu.vector_store_idx %arg21[%broadcast_in_dim3A_1571], %broadcast_in_dim3A_1573 masked %eq3A_1240 : memref<112xi32, #tpu.memory_space<vmem>>[vector<16xi32>], vector<16xi32>, vector<16xi1>
        %add3A_1574 = arith.addi %squeeze3A_1570, %mul3A_580 : i32
        %broadcast_in_dim3A_1575 = vector.broadcast %add3A_1574 : i32 to vector<16xi32>
        tpu.vector_store_idx %arg22[%broadcast_in_dim3A_1571], %broadcast_in_dim3A_1575 masked %eq3A_1240 : memref<112xi32, #tpu.memory_space<vmem>>[vector<16xi32>], vector<16xi32>, vector<16xi1>
        %scan3A_1576 = arith.constant 0 : i32
        scf.yield %scan3A_1576 : i32
      }
      %scan3A_1247 = arith.constant 100 : i32
      %dma_start3A_1248 = arith.constant 0 : i32
      %dma_start3A_1249 = tpu.memref_slice %arg4[%dma_start3A_1248] : memref<320000xf32, #tpu.memory_space<hbm>> -> memref<320000xf32, #tpu.memory_space<hbm>>
      tpu.enqueue_indirect_dma source(%dma_start3A_1249 : memref<320000xf32, #tpu.memory_space<hbm>>) target(%arg24 : memref<112xf32, #tpu.memory_space<vmem>>) offsets(%arg22 : memref<112xi32, #tpu.memory_space<vmem>>) semaphore(%arg27 : memref<!tpu.dma_semaphore, #tpu.memory_space<semaphore_mem>>)
      %dma_start3A_1250 = arith.constant 0 : i32
      %dma_start3A_1251 = tpu.memref_slice %arg5[%dma_start3A_1250] : memref<320000xf32, #tpu.memory_space<hbm>> -> memref<320000xf32, #tpu.memory_space<hbm>>
      tpu.enqueue_indirect_dma source(%dma_start3A_1251 : memref<320000xf32, #tpu.memory_space<hbm>>) target(%arg25 : memref<112xf32, #tpu.memory_space<vmem>>) offsets(%arg22 : memref<112xi32, #tpu.memory_space<vmem>>) semaphore(%arg27 : memref<!tpu.dma_semaphore, #tpu.memory_space<semaphore_mem>>)
      %dma_wait3A_1252 = arith.constant 0 : i32
      %dma_wait3A_1253 = tpu.memref_slice %arg4[%dma_wait3A_1252] : memref<320000xf32, #tpu.memory_space<hbm>> -> memref<320000xf32, #tpu.memory_space<hbm>>
      tpu.wait_indirect_dma semaphore(%arg27 : memref<!tpu.dma_semaphore, #tpu.memory_space<semaphore_mem>>) src(%dma_wait3A_1253 : memref<320000xf32, #tpu.memory_space<hbm>>) dst(%arg24 : memref<112xf32, #tpu.memory_space<vmem>>)
      %dma_wait3A_1254 = arith.constant 0 : i32
      %dma_wait3A_1255 = tpu.memref_slice %arg5[%dma_wait3A_1254] : memref<320000xf32, #tpu.memory_space<hbm>> -> memref<320000xf32, #tpu.memory_space<hbm>>
      tpu.wait_indirect_dma semaphore(%arg27 : memref<!tpu.dma_semaphore, #tpu.memory_space<semaphore_mem>>) src(%dma_wait3A_1255 : memref<320000xf32, #tpu.memory_space<hbm>>) dst(%arg25 : memref<112xf32, #tpu.memory_space<vmem>>)
      %get3A_1256 = arith.constant 0 : index
      %get3A_1257 = tpu.vector_load %arg26[%get3A_1256] {strides = array<i32>} : memref<16xf32, #tpu.memory_space<vmem>>, vector<16xf32>,
      %get3A_1258 = arith.constant 0 : index
      %get3A_1259 = tpu.vector_load %arg24[%get3A_1258] {strides = array<i32>} : memref<112xf32, #tpu.memory_space<vmem>>, vector<16xf32>,
      %get3A_1260 = arith.constant 0 : index
      %get3A_1261 = tpu.vector_load %arg25[%get3A_1260] {strides = array<i32>} : memref<112xf32, #tpu.memory_space<vmem>>, vector<16xf32>,
      %mul3A_1262 = arith.constant 5.000000e-01 : f32
      %mul3A_1263 = vector.broadcast %mul3A_1262 : f32 to vector<16xf32>
      %mul3A_1264 = arith.mulf %mul3A_1263, %get3A_1261 : vector<16xf32>
      %sub3A_1265 = arith.subf %get3A_1259, %mul3A_1264 : vector<16xf32>
      %mul3A_1266 = arith.mulf %sub3A_1265, %get3A_1257 : vector<16xf32>
      %mul3A_1267 = arith.constant 5.000000e-01 : f32
      %mul3A_1268 = vector.broadcast %mul3A_1267 : f32 to vector<16xf32>
      %mul3A_1269 = arith.mulf %mul3A_1268, %get3A_1261 : vector<16xf32>
      %add3A_1270 = arith.addf %get3A_1259, %mul3A_1269 : vector<16xf32>
      %mul3A_1271 = arith.mulf %add3A_1270, %get3A_1257 : vector<16xf32>
      %add3A_1272 = arith.constant 0 : i32
      %add3A_1273 = vector.broadcast %add3A_1272 : i32 to vector<16xi32>
      %add3A_1274 = arith.addi %add3A_1273, %iota3A : vector<16xi32>
      %mul3A_1275 = arith.constant 2 : i32
      %mul3A_1276 = vector.broadcast %mul3A_1275 : i32 to vector<16xi32>
      %mul3A_1277 = arith.muli %add3A_1274, %mul3A_1276 : vector<16xi32>
      %broadcast_in_dim3A_1278 = arith.constant true
      %broadcast_in_dim3A_1279 = vector.broadcast %broadcast_in_dim3A_1278 : i1 to vector<16xi1>
      tpu.vector_store_idx %arg23[%mul3A_1277], %mul3A_1266 masked %broadcast_in_dim3A_1279 : memref<224xf32, #tpu.memory_space<vmem>>[vector<16xi32>], vector<16xf32>, vector<16xi1>
      %add3A_1280 = arith.constant 1 : i32
      %add3A_1281 = vector.broadcast %add3A_1280 : i32 to vector<16xi32>
      %add3A_1282 = arith.addi %mul3A_1277, %add3A_1281 : vector<16xi32>
      tpu.vector_store_idx %arg23[%add3A_1282], %mul3A_1271 masked %broadcast_in_dim3A_1279 : memref<224xf32, #tpu.memory_space<vmem>>[vector<16xi32>], vector<16xf32>, vector<16xi1>
      %get3A_1283 = arith.constant 16 : index
      %get3A_1284 = tpu.vector_load %arg24[%get3A_1283] {strides = array<i32>} : memref<112xf32, #tpu.memory_space<vmem>>, vector<16xf32>,
      %get3A_1285 = arith.constant 16 : index
      %get3A_1286 = tpu.vector_load %arg25[%get3A_1285] {strides = array<i32>} : memref<112xf32, #tpu.memory_space<vmem>>, vector<16xf32>,
      %mul3A_1287 = arith.constant 5.000000e-01 : f32
      %mul3A_1288 = vector.broadcast %mul3A_1287 : f32 to vector<16xf32>
      %mul3A_1289 = arith.mulf %mul3A_1288, %get3A_1286 : vector<16xf32>
      %sub3A_1290 = arith.subf %get3A_1284, %mul3A_1289 : vector<16xf32>
      %mul3A_1291 = arith.mulf %sub3A_1290, %get3A_1257 : vector<16xf32>
      %mul3A_1292 = arith.constant 5.000000e-01 : f32
      %mul3A_1293 = vector.broadcast %mul3A_1292 : f32 to vector<16xf32>
      %mul3A_1294 = arith.mulf %mul3A_1293, %get3A_1286 : vector<16xf32>
      %add3A_1295 = arith.addf %get3A_1284, %mul3A_1294 : vector<16xf32>
      %mul3A_1296 = arith.mulf %add3A_1295, %get3A_1257 : vector<16xf32>
      %add3A_1297 = arith.constant 16 : i32
      %add3A_1298 = vector.broadcast %add3A_1297 : i32 to vector<16xi32>
      %add3A_1299 = arith.addi %add3A_1298, %iota3A : vector<16xi32>
      %mul3A_1300 = arith.constant 2 : i32
      %mul3A_1301 = vector.broadcast %mul3A_1300 : i32 to vector<16xi32>
      %mul3A_1302 = arith.muli %add3A_1299, %mul3A_1301 : vector<16xi32>
      %broadcast_in_dim3A_1303 = arith.constant true
      %broadcast_in_dim3A_1304 = vector.broadcast %broadcast_in_dim3A_1303 : i1 to vector<16xi1>
      tpu.vector_store_idx %arg23[%mul3A_1302], %mul3A_1291 masked %broadcast_in_dim3A_1304 : memref<224xf32, #tpu.memory_space<vmem>>[vector<16xi32>], vector<16xf32>, vector<16xi1>
      %add3A_1305 = arith.constant 1 : i32
      %add3A_1306 = vector.broadcast %add3A_1305 : i32 to vector<16xi32>
      %add3A_1307 = arith.addi %mul3A_1302, %add3A_1306 : vector<16xi32>
      tpu.vector_store_idx %arg23[%add3A_1307], %mul3A_1296 masked %broadcast_in_dim3A_1304 : memref<224xf32, #tpu.memory_space<vmem>>[vector<16xi32>], vector<16xf32>, vector<16xi1>
      %get3A_1308 = arith.constant 32 : index
      %get3A_1309 = tpu.vector_load %arg24[%get3A_1308] {strides = array<i32>} : memref<112xf32, #tpu.memory_space<vmem>>, vector<16xf32>,
      %get3A_1310 = arith.constant 32 : index
      %get3A_1311 = tpu.vector_load %arg25[%get3A_1310] {strides = array<i32>} : memref<112xf32, #tpu.memory_space<vmem>>, vector<16xf32>,
      %mul3A_1312 = arith.constant 5.000000e-01 : f32
      %mul3A_1313 = vector.broadcast %mul3A_1312 : f32 to vector<16xf32>
      %mul3A_1314 = arith.mulf %mul3A_1313, %get3A_1311 : vector<16xf32>
      %sub3A_1315 = arith.subf %get3A_1309, %mul3A_1314 : vector<16xf32>
      %mul3A_1316 = arith.mulf %sub3A_1315, %get3A_1257 : vector<16xf32>
      %mul3A_1317 = arith.constant 5.000000e-01 : f32
      %mul3A_1318 = vector.broadcast %mul3A_1317 : f32 to vector<16xf32>
      %mul3A_1319 = arith.mulf %mul3A_1318, %get3A_1311 : vector<16xf32>
      %add3A_1320 = arith.addf %get3A_1309, %mul3A_1319 : vector<16xf32>
      %mul3A_1321 = arith.mulf %add3A_1320, %get3A_1257 : vector<16xf32>
      %add3A_1322 = arith.constant 32 : i32
      %add3A_1323 = vector.broadcast %add3A_1322 : i32 to vector<16xi32>
      %add3A_1324 = arith.addi %add3A_1323, %iota3A : vector<16xi32>
      %mul3A_1325 = arith.constant 2 : i32
      %mul3A_1326 = vector.broadcast %mul3A_1325 : i32 to vector<16xi32>
      %mul3A_1327 = arith.muli %add3A_1324, %mul3A_1326 : vector<16xi32>
      %broadcast_in_dim3A_1328 = arith.constant true
      %broadcast_in_dim3A_1329 = vector.broadcast %broadcast_in_dim3A_1328 : i1 to vector<16xi1>
      tpu.vector_store_idx %arg23[%mul3A_1327], %mul3A_1316 masked %broadcast_in_dim3A_1329 : memref<224xf32, #tpu.memory_space<vmem>>[vector<16xi32>], vector<16xf32>, vector<16xi1>
      %add3A_1330 = arith.constant 1 : i32
      %add3A_1331 = vector.broadcast %add3A_1330 : i32 to vector<16xi32>
      %add3A_1332 = arith.addi %mul3A_1327, %add3A_1331 : vector<16xi32>
      tpu.vector_store_idx %arg23[%add3A_1332], %mul3A_1321 masked %broadcast_in_dim3A_1329 : memref<224xf32, #tpu.memory_space<vmem>>[vector<16xi32>], vector<16xf32>, vector<16xi1>
      %get3A_1333 = arith.constant 48 : index
      %get3A_1334 = tpu.vector_load %arg24[%get3A_1333] {strides = array<i32>} : memref<112xf32, #tpu.memory_space<vmem>>, vector<16xf32>,
      %get3A_1335 = arith.constant 48 : index
      %get3A_1336 = tpu.vector_load %arg25[%get3A_1335] {strides = array<i32>} : memref<112xf32, #tpu.memory_space<vmem>>, vector<16xf32>,
      %mul3A_1337 = arith.constant 5.000000e-01 : f32
      %mul3A_1338 = vector.broadcast %mul3A_1337 : f32 to vector<16xf32>
      %mul3A_1339 = arith.mulf %mul3A_1338, %get3A_1336 : vector<16xf32>
      %sub3A_1340 = arith.subf %get3A_1334, %mul3A_1339 : vector<16xf32>
      %mul3A_1341 = arith.mulf %sub3A_1340, %get3A_1257 : vector<16xf32>
      %mul3A_1342 = arith.constant 5.000000e-01 : f32
      %mul3A_1343 = vector.broadcast %mul3A_1342 : f32 to vector<16xf32>
      %mul3A_1344 = arith.mulf %mul3A_1343, %get3A_1336 : vector<16xf32>
      %add3A_1345 = arith.addf %get3A_1334, %mul3A_1344 : vector<16xf32>
      %mul3A_1346 = arith.mulf %add3A_1345, %get3A_1257 : vector<16xf32>
      %add3A_1347 = arith.constant 48 : i32
      %add3A_1348 = vector.broadcast %add3A_1347 : i32 to vector<16xi32>
      %add3A_1349 = arith.addi %add3A_1348, %iota3A : vector<16xi32>
      %mul3A_1350 = arith.constant 2 : i32
      %mul3A_1351 = vector.broadcast %mul3A_1350 : i32 to vector<16xi32>
      %mul3A_1352 = arith.muli %add3A_1349, %mul3A_1351 : vector<16xi32>
      %broadcast_in_dim3A_1353 = arith.constant true
      %broadcast_in_dim3A_1354 = vector.broadcast %broadcast_in_dim3A_1353 : i1 to vector<16xi1>
      tpu.vector_store_idx %arg23[%mul3A_1352], %mul3A_1341 masked %broadcast_in_dim3A_1354 : memref<224xf32, #tpu.memory_space<vmem>>[vector<16xi32>], vector<16xf32>, vector<16xi1>
      %add3A_1355 = arith.constant 1 : i32
      %add3A_1356 = vector.broadcast %add3A_1355 : i32 to vector<16xi32>
      %add3A_1357 = arith.addi %mul3A_1352, %add3A_1356 : vector<16xi32>
      tpu.vector_store_idx %arg23[%add3A_1357], %mul3A_1346 masked %broadcast_in_dim3A_1354 : memref<224xf32, #tpu.memory_space<vmem>>[vector<16xi32>], vector<16xf32>, vector<16xi1>
      %get3A_1358 = arith.constant 64 : index
      %get3A_1359 = tpu.vector_load %arg24[%get3A_1358] {strides = array<i32>} : memref<112xf32, #tpu.memory_space<vmem>>, vector<16xf32>,
      %get3A_1360 = arith.constant 64 : index
      %get3A_1361 = tpu.vector_load %arg25[%get3A_1360] {strides = array<i32>} : memref<112xf32, #tpu.memory_space<vmem>>, vector<16xf32>,
      %mul3A_1362 = arith.constant 5.000000e-01 : f32
      %mul3A_1363 = vector.broadcast %mul3A_1362 : f32 to vector<16xf32>
      %mul3A_1364 = arith.mulf %mul3A_1363, %get3A_1361 : vector<16xf32>
      %sub3A_1365 = arith.subf %get3A_1359, %mul3A_1364 : vector<16xf32>
      %mul3A_1366 = arith.mulf %sub3A_1365, %get3A_1257 : vector<16xf32>
      %mul3A_1367 = arith.constant 5.000000e-01 : f32
      %mul3A_1368 = vector.broadcast %mul3A_1367 : f32 to vector<16xf32>
      %mul3A_1369 = arith.mulf %mul3A_1368, %get3A_1361 : vector<16xf32>
      %add3A_1370 = arith.addf %get3A_1359, %mul3A_1369 : vector<16xf32>
      %mul3A_1371 = arith.mulf %add3A_1370, %get3A_1257 : vector<16xf32>
      %add3A_1372 = arith.constant 64 : i32
      %add3A_1373 = vector.broadcast %add3A_1372 : i32 to vector<16xi32>
      %add3A_1374 = arith.addi %add3A_1373, %iota3A : vector<16xi32>
      %mul3A_1375 = arith.constant 2 : i32
      %mul3A_1376 = vector.broadcast %mul3A_1375 : i32 to vector<16xi32>
      %mul3A_1377 = arith.muli %add3A_1374, %mul3A_1376 : vector<16xi32>
      %broadcast_in_dim3A_1378 = arith.constant true
      %broadcast_in_dim3A_1379 = vector.broadcast %broadcast_in_dim3A_1378 : i1 to vector<16xi1>
      tpu.vector_store_idx %arg23[%mul3A_1377], %mul3A_1366 masked %broadcast_in_dim3A_1379 : memref<224xf32, #tpu.memory_space<vmem>>[vector<16xi32>], vector<16xf32>, vector<16xi1>
      %add3A_1380 = arith.constant 1 : i32
      %add3A_1381 = vector.broadcast %add3A_1380 : i32 to vector<16xi32>
      %add3A_1382 = arith.addi %mul3A_1377, %add3A_1381 : vector<16xi32>
      tpu.vector_store_idx %arg23[%add3A_1382], %mul3A_1371 masked %broadcast_in_dim3A_1379 : memref<224xf32, #tpu.memory_space<vmem>>[vector<16xi32>], vector<16xf32>, vector<16xi1>
      %get3A_1383 = arith.constant 80 : index
      %get3A_1384 = tpu.vector_load %arg24[%get3A_1383] {strides = array<i32>} : memref<112xf32, #tpu.memory_space<vmem>>, vector<16xf32>,
      %get3A_1385 = arith.constant 80 : index
      %get3A_1386 = tpu.vector_load %arg25[%get3A_1385] {strides = array<i32>} : memref<112xf32, #tpu.memory_space<vmem>>, vector<16xf32>,
      %mul3A_1387 = arith.constant 5.000000e-01 : f32
      %mul3A_1388 = vector.broadcast %mul3A_1387 : f32 to vector<16xf32>
      %mul3A_1389 = arith.mulf %mul3A_1388, %get3A_1386 : vector<16xf32>
      %sub3A_1390 = arith.subf %get3A_1384, %mul3A_1389 : vector<16xf32>
      %mul3A_1391 = arith.mulf %sub3A_1390, %get3A_1257 : vector<16xf32>
      %mul3A_1392 = arith.constant 5.000000e-01 : f32
      %mul3A_1393 = vector.broadcast %mul3A_1392 : f32 to vector<16xf32>
      %mul3A_1394 = arith.mulf %mul3A_1393, %get3A_1386 : vector<16xf32>
      %add3A_1395 = arith.addf %get3A_1384, %mul3A_1394 : vector<16xf32>
      %mul3A_1396 = arith.mulf %add3A_1395, %get3A_1257 : vector<16xf32>
      %add3A_1397 = arith.constant 80 : i32
      %add3A_1398 = vector.broadcast %add3A_1397 : i32 to vector<16xi32>
      %add3A_1399 = arith.addi %add3A_1398, %iota3A : vector<16xi32>
      %mul3A_1400 = arith.constant 2 : i32
      %mul3A_1401 = vector.broadcast %mul3A_1400 : i32 to vector<16xi32>
      %mul3A_1402 = arith.muli %add3A_1399, %mul3A_1401 : vector<16xi32>
      %broadcast_in_dim3A_1403 = arith.constant true
      %broadcast_in_dim3A_1404 = vector.broadcast %broadcast_in_dim3A_1403 : i1 to vector<16xi1>
      tpu.vector_store_idx %arg23[%mul3A_1402], %mul3A_1391 masked %broadcast_in_dim3A_1404 : memref<224xf32, #tpu.memory_space<vmem>>[vector<16xi32>], vector<16xf32>, vector<16xi1>
      %add3A_1405 = arith.constant 1 : i32
      %add3A_1406 = vector.broadcast %add3A_1405 : i32 to vector<16xi32>
      %add3A_1407 = arith.addi %mul3A_1402, %add3A_1406 : vector<16xi32>
      tpu.vector_store_idx %arg23[%add3A_1407], %mul3A_1396 masked %broadcast_in_dim3A_1404 : memref<224xf32, #tpu.memory_space<vmem>>[vector<16xi32>], vector<16xf32>, vector<16xi1>
      %get3A_1408 = arith.constant 96 : index
      %get3A_1409 = tpu.vector_load %arg24[%get3A_1408] {strides = array<i32>} : memref<112xf32, #tpu.memory_space<vmem>>, vector<16xf32>,
      %get3A_1410 = arith.constant 96 : index
      %get3A_1411 = tpu.vector_load %arg25[%get3A_1410] {strides = array<i32>} : memref<112xf32, #tpu.memory_space<vmem>>, vector<16xf32>,
      %mul3A_1412 = arith.constant 5.000000e-01 : f32
      %mul3A_1413 = vector.broadcast %mul3A_1412 : f32 to vector<16xf32>
      %mul3A_1414 = arith.mulf %mul3A_1413, %get3A_1411 : vector<16xf32>
      %sub3A_1415 = arith.subf %get3A_1409, %mul3A_1414 : vector<16xf32>
      %mul3A_1416 = arith.mulf %sub3A_1415, %get3A_1257 : vector<16xf32>
      %mul3A_1417 = arith.constant 5.000000e-01 : f32
      %mul3A_1418 = vector.broadcast %mul3A_1417 : f32 to vector<16xf32>
      %mul3A_1419 = arith.mulf %mul3A_1418, %get3A_1411 : vector<16xf32>
      %add3A_1420 = arith.addf %get3A_1409, %mul3A_1419 : vector<16xf32>
      %mul3A_1421 = arith.mulf %add3A_1420, %get3A_1257 : vector<16xf32>
      %add3A_1422 = arith.constant 96 : i32
      %add3A_1423 = vector.broadcast %add3A_1422 : i32 to vector<16xi32>
      %add3A_1424 = arith.addi %add3A_1423, %iota3A : vector<16xi32>
      %mul3A_1425 = arith.constant 2 : i32
      %mul3A_1426 = vector.broadcast %mul3A_1425 : i32 to vector<16xi32>
      %mul3A_1427 = arith.muli %add3A_1424, %mul3A_1426 : vector<16xi32>
      %broadcast_in_dim3A_1428 = arith.constant true
      %broadcast_in_dim3A_1429 = vector.broadcast %broadcast_in_dim3A_1428 : i1 to vector<16xi1>
      tpu.vector_store_idx %arg23[%mul3A_1427], %mul3A_1416 masked %broadcast_in_dim3A_1429 : memref<224xf32, #tpu.memory_space<vmem>>[vector<16xi32>], vector<16xf32>, vector<16xi1>
      %add3A_1430 = arith.constant 1 : i32
      %add3A_1431 = vector.broadcast %add3A_1430 : i32 to vector<16xi32>
      %add3A_1432 = arith.addi %mul3A_1427, %add3A_1431 : vector<16xi32>
      tpu.vector_store_idx %arg23[%add3A_1432], %mul3A_1421 masked %broadcast_in_dim3A_1429 : memref<224xf32, #tpu.memory_space<vmem>>[vector<16xi32>], vector<16xf32>, vector<16xi1>
      "tpu.region"() ({
        %run_scoped3A = tpu.sem_alloc : memref<!tpu.dma_semaphore, #tpu.memory_space<semaphore_mem>>
        %dma_start3A_1433 = arith.constant 0 : i32
        %dma_start3A_1434 = tpu.memref_slice %arg7[%add3A, %dma_start3A_1433] : memref<16x112xf32, #tpu.memory_space<hbm>> -> memref<1x112xf32, #tpu.memory_space<hbm>>
        %dma_start3A_1435 = tpu.memref_squeeze %dma_start3A_1434 : memref<1x112xf32, #tpu.memory_space<hbm>> -> memref<112xf32, #tpu.memory_space<hbm>>
        %dma_start3A_1436 = arith.constant 0 : i32
        %dma_start3A_1437 = tpu.memref_slice %arg7[%add3A, %dma_start3A_1436] : memref<16x112xf32, #tpu.memory_space<hbm>> -> memref<1x112xf32, #tpu.memory_space<hbm>>
        %dma_start3A_1438 = tpu.memref_squeeze %dma_start3A_1437 : memref<1x112xf32, #tpu.memory_space<hbm>> -> memref<112xf32, #tpu.memory_space<hbm>>
        tpu.enqueue_dma source(%arg19 : memref<112xf32, #tpu.memory_space<vmem>>) target(%dma_start3A_1438 : memref<112xf32, #tpu.memory_space<hbm>>) target_semaphore(%run_scoped3A : memref<!tpu.dma_semaphore, #tpu.memory_space<semaphore_mem>>)
        %dma_wait3A_1439 = arith.constant 0 : i32
        %dma_wait3A_1440 = tpu.memref_slice %arg7[%add3A, %dma_wait3A_1439] : memref<16x112xf32, #tpu.memory_space<hbm>> -> memref<1x112xf32, #tpu.memory_space<hbm>>
        %dma_wait3A_1441 = tpu.memref_squeeze %dma_wait3A_1440 : memref<1x112xf32, #tpu.memory_space<hbm>> -> memref<112xf32, #tpu.memory_space<hbm>>
        %dma_wait3A_1442 = arith.constant 0 : i32
        %dma_wait3A_1443 = tpu.memref_slice %arg7[%add3A, %dma_wait3A_1442] : memref<16x112xf32, #tpu.memory_space<hbm>> -> memref<1x112xf32, #tpu.memory_space<hbm>>
        %dma_wait3A_1444 = tpu.memref_squeeze %dma_wait3A_1443 : memref<1x112xf32, #tpu.memory_space<hbm>> -> memref<112xf32, #tpu.memory_space<hbm>>
        tpu.wait_dma2 semaphore(%run_scoped3A : memref<!tpu.dma_semaphore, #tpu.memory_space<semaphore_mem>>) src(%arg19 : memref<112xf32, #tpu.memory_space<vmem>>) dst(%dma_wait3A_1444 : memref<112xf32, #tpu.memory_space<hbm>>)
        tpu.yield
      }) : () -> ()
      "tpu.region"() ({
        %run_scoped3A = tpu.sem_alloc : memref<!tpu.dma_semaphore, #tpu.memory_space<semaphore_mem>>
        %dma_start3A_1433 = arith.constant 0 : i32
        %dma_start3A_1434 = tpu.memref_slice %arg8[%add3A, %dma_start3A_1433] : memref<16x112xi32, #tpu.memory_space<hbm>> -> memref<1x112xi32, #tpu.memory_space<hbm>>
        %dma_start3A_1435 = tpu.memref_squeeze %dma_start3A_1434 : memref<1x112xi32, #tpu.memory_space<hbm>> -> memref<112xi32, #tpu.memory_space<hbm>>
        %dma_start3A_1436 = arith.constant 0 : i32
        %dma_start3A_1437 = tpu.memref_slice %arg8[%add3A, %dma_start3A_1436] : memref<16x112xi32, #tpu.memory_space<hbm>> -> memref<1x112xi32, #tpu.memory_space<hbm>>
        %dma_start3A_1438 = tpu.memref_squeeze %dma_start3A_1437 : memref<1x112xi32, #tpu.memory_space<hbm>> -> memref<112xi32, #tpu.memory_space<hbm>>
        tpu.enqueue_dma source(%arg20 : memref<112xi32, #tpu.memory_space<vmem>>) target(%dma_start3A_1438 : memref<112xi32, #tpu.memory_space<hbm>>) target_semaphore(%run_scoped3A : memref<!tpu.dma_semaphore, #tpu.memory_space<semaphore_mem>>)
        %dma_wait3A_1439 = arith.constant 0 : i32
        %dma_wait3A_1440 = tpu.memref_slice %arg8[%add3A, %dma_wait3A_1439] : memref<16x112xi32, #tpu.memory_space<hbm>> -> memref<1x112xi32, #tpu.memory_space<hbm>>
        %dma_wait3A_1441 = tpu.memref_squeeze %dma_wait3A_1440 : memref<1x112xi32, #tpu.memory_space<hbm>> -> memref<112xi32, #tpu.memory_space<hbm>>
        %dma_wait3A_1442 = arith.constant 0 : i32
        %dma_wait3A_1443 = tpu.memref_slice %arg8[%add3A, %dma_wait3A_1442] : memref<16x112xi32, #tpu.memory_space<hbm>> -> memref<1x112xi32, #tpu.memory_space<hbm>>
        %dma_wait3A_1444 = tpu.memref_squeeze %dma_wait3A_1443 : memref<1x112xi32, #tpu.memory_space<hbm>> -> memref<112xi32, #tpu.memory_space<hbm>>
        tpu.wait_dma2 semaphore(%run_scoped3A : memref<!tpu.dma_semaphore, #tpu.memory_space<semaphore_mem>>) src(%arg20 : memref<112xi32, #tpu.memory_space<vmem>>) dst(%dma_wait3A_1444 : memref<112xi32, #tpu.memory_space<hbm>>)
        tpu.yield
      }) : () -> ()
      "tpu.region"() ({
        %run_scoped3A = tpu.sem_alloc : memref<!tpu.dma_semaphore, #tpu.memory_space<semaphore_mem>>
        %dma_start3A_1433 = arith.constant 0 : i32
        %dma_start3A_1434 = tpu.memref_slice %arg9[%add3A, %dma_start3A_1433] : memref<16x112xi32, #tpu.memory_space<hbm>> -> memref<1x112xi32, #tpu.memory_space<hbm>>
        %dma_start3A_1435 = tpu.memref_squeeze %dma_start3A_1434 : memref<1x112xi32, #tpu.memory_space<hbm>> -> memref<112xi32, #tpu.memory_space<hbm>>
        %dma_start3A_1436 = arith.constant 0 : i32
        %dma_start3A_1437 = tpu.memref_slice %arg9[%add3A, %dma_start3A_1436] : memref<16x112xi32, #tpu.memory_space<hbm>> -> memref<1x112xi32, #tpu.memory_space<hbm>>
        %dma_start3A_1438 = tpu.memref_squeeze %dma_start3A_1437 : memref<1x112xi32, #tpu.memory_space<hbm>> -> memref<112xi32, #tpu.memory_space<hbm>>
        tpu.enqueue_dma source(%arg21 : memref<112xi32, #tpu.memory_space<vmem>>) target(%dma_start3A_1438 : memref<112xi32, #tpu.memory_space<hbm>>) target_semaphore(%run_scoped3A : memref<!tpu.dma_semaphore, #tpu.memory_space<semaphore_mem>>)
        %dma_wait3A_1439 = arith.constant 0 : i32
        %dma_wait3A_1440 = tpu.memref_slice %arg9[%add3A, %dma_wait3A_1439] : memref<16x112xi32, #tpu.memory_space<hbm>> -> memref<1x112xi32, #tpu.memory_space<hbm>>
        %dma_wait3A_1441 = tpu.memref_squeeze %dma_wait3A_1440 : memref<1x112xi32, #tpu.memory_space<hbm>> -> memref<112xi32, #tpu.memory_space<hbm>>
        %dma_wait3A_1442 = arith.constant 0 : i32
        %dma_wait3A_1443 = tpu.memref_slice %arg9[%add3A, %dma_wait3A_1442] : memref<16x112xi32, #tpu.memory_space<hbm>> -> memref<1x112xi32, #tpu.memory_space<hbm>>
        %dma_wait3A_1444 = tpu.memref_squeeze %dma_wait3A_1443 : memref<1x112xi32, #tpu.memory_space<hbm>> -> memref<112xi32, #tpu.memory_space<hbm>>
        tpu.wait_dma2 semaphore(%run_scoped3A : memref<!tpu.dma_semaphore, #tpu.memory_space<semaphore_mem>>) src(%arg21 : memref<112xi32, #tpu.memory_space<vmem>>) dst(%dma_wait3A_1444 : memref<112xi32, #tpu.memory_space<hbm>>)
        tpu.yield
      }) : () -> ()
      "tpu.region"() ({
        %run_scoped3A = tpu.sem_alloc : memref<!tpu.dma_semaphore, #tpu.memory_space<semaphore_mem>>
        %dma_start3A_1433 = arith.constant 0 : i32
        %dma_start3A_1434 = tpu.memref_slice %arg10[%add3A, %dma_start3A_1433] : memref<16x224xf32, #tpu.memory_space<hbm>> -> memref<1x224xf32, #tpu.memory_space<hbm>>
        %dma_start3A_1435 = tpu.memref_squeeze %dma_start3A_1434 : memref<1x224xf32, #tpu.memory_space<hbm>> -> memref<224xf32, #tpu.memory_space<hbm>>
        %dma_start3A_1436 = arith.constant 0 : i32
        %dma_start3A_1437 = tpu.memref_slice %arg10[%add3A, %dma_start3A_1436] : memref<16x224xf32, #tpu.memory_space<hbm>> -> memref<1x224xf32, #tpu.memory_space<hbm>>
        %dma_start3A_1438 = tpu.memref_squeeze %dma_start3A_1437 : memref<1x224xf32, #tpu.memory_space<hbm>> -> memref<224xf32, #tpu.memory_space<hbm>>
        tpu.enqueue_dma source(%arg23 : memref<224xf32, #tpu.memory_space<vmem>>) target(%dma_start3A_1438 : memref<224xf32, #tpu.memory_space<hbm>>) target_semaphore(%run_scoped3A : memref<!tpu.dma_semaphore, #tpu.memory_space<semaphore_mem>>)
        %dma_wait3A_1439 = arith.constant 0 : i32
        %dma_wait3A_1440 = tpu.memref_slice %arg10[%add3A, %dma_wait3A_1439] : memref<16x224xf32, #tpu.memory_space<hbm>> -> memref<1x224xf32, #tpu.memory_space<hbm>>
        %dma_wait3A_1441 = tpu.memref_squeeze %dma_wait3A_1440 : memref<1x224xf32, #tpu.memory_space<hbm>> -> memref<224xf32, #tpu.memory_space<hbm>>
        %dma_wait3A_1442 = arith.constant 0 : i32
        %dma_wait3A_1443 = tpu.memref_slice %arg10[%add3A, %dma_wait3A_1442] : memref<16x224xf32, #tpu.memory_space<hbm>> -> memref<1x224xf32, #tpu.memory_space<hbm>>
        %dma_wait3A_1444 = tpu.memref_squeeze %dma_wait3A_1443 : memref<1x224xf32, #tpu.memory_space<hbm>> -> memref<224xf32, #tpu.memory_space<hbm>>
        tpu.wait_dma2 semaphore(%run_scoped3A : memref<!tpu.dma_semaphore, #tpu.memory_space<semaphore_mem>>) src(%arg23 : memref<224xf32, #tpu.memory_space<vmem>>) dst(%dma_wait3A_1444 : memref<224xf32, #tpu.memory_space<hbm>>)
        tpu.yield
      }) : () -> ()
    } else {
    }
    return
  }
}

module attributes {stable_mosaic.version = 14 : i64} {
  func.func @_prob_body(%arg0: i32, %arg1: i32, %arg2: memref<1x1000x100xf32, #tpu.memory_space<vmem>>, %arg3: memref<1x1000x100xf32, #tpu.memory_space<vmem>>, %arg4: memref<1x1000x100xf32, #tpu.memory_space<vmem>>, %arg5: memref<1x1000x100xf32, #tpu.memory_space<vmem>>, %arg6: memref<1x4000x1xf32, #tpu.memory_space<vmem>>, %arg7: memref<1x4000x128xf32, #tpu.memory_space<vmem>>, %arg8: memref<1x1x4000xf32, #tpu.memory_space<vmem>>) attributes {dimension_semantics = [#tpu.dimension_semantics<arbitrary>, #tpu.dimension_semantics<arbitrary>], iteration_bounds = array<i64: 16, 5>, scalar_prefetch = 0 : i64, scratch_operands = 0 : i64, tpu.core_type = #tpu.core_type<tc>, window_params = [{transform_indices = @transform_0, window_bounds = array<i64: 1, 1000, 100>}, {transform_indices = @transform_1, window_bounds = array<i64: 1, 1000, 100>}, {transform_indices = @transform_2, window_bounds = array<i64: 1, 1000, 100>}, {transform_indices = @transform_3, window_bounds = array<i64: 1, 1000, 100>}, {transform_indices = @transform_4, window_bounds = array<i64: 1, 4000, 1>}, {transform_indices = @transform_5, window_bounds = array<i64: 1, 4000, 128>}, {transform_indices = @transform_6, window_bounds = array<i64: 1, 1, 4000>}]} {
    %get3A = arith.constant 0 : index
    %get3A_0 = arith.constant 0 : index
    %get3A_1 = arith.constant 0 : index
    %get3A_2 = vector.load %arg6[%get3A, %get3A_0, %get3A_1] : memref<1x4000x1xf32, #tpu.memory_space<vmem>>, vector<1x4000x1xf32>
    %get3A_3 = arith.constant 0 : index
    %get3A_4 = arith.constant 0 : index
    %get3A_5 = arith.constant 0 : index
    %get3A_6 = vector.load %arg2[%get3A_3, %get3A_4, %get3A_5] : memref<1x1000x100xf32, #tpu.memory_space<vmem>>, vector<1x1000x100xf32>
    %slice3A = vector.extract_strided_slice %get3A_2 {offsets = [0, 0, 0], sizes = [1, 1000, 1], strides = [1, 1, 1]} : vector<1x4000x1xf32> to vector<1x1000x1xf32>
    %logistic3A = arith.negf %get3A_6 : vector<1x1000x100xf32>
    %logistic3A_7 = math.exp %logistic3A : vector<1x1000x100xf32>
    %logistic3A_8 = arith.constant 1.000000e+00 : f32
    %logistic3A_9 = vector.broadcast %logistic3A_8 : f32 to vector<1x1000x100xf32>
    %logistic3A_10 = arith.addf %logistic3A_9, %logistic3A_7 : vector<1x1000x100xf32>
    %logistic3A_11 = arith.divf %logistic3A_9, %logistic3A_10 : vector<1x1000x100xf32>
    %mul3A = vector.broadcast %slice3A : vector<1x1000x1xf32> to vector<1x1000x100xf32>
    %mul3A_12 = arith.mulf %logistic3A_11, %mul3A : vector<1x1000x100xf32>
    %squeeze3A = vector.shape_cast %mul3A_12 : vector<1x1000x100xf32> to vector<1000x100xf32>
    %swap3A = arith.constant 0 : index
    %swap3A_13 = arith.constant 0 : index
    %swap3A_14 = arith.constant 0 : index
    %swap3A_15 = vector.load %arg7[%swap3A, %swap3A_13, %swap3A_14] : memref<1x4000x128xf32, #tpu.memory_space<vmem>>, vector<1x1000x100xf32>
    %swap3A_16 = vector.shape_cast %swap3A_15 : vector<1x1000x100xf32> to vector<1000x100xf32>
    %swap3A_17 = vector.shape_cast %squeeze3A : vector<1000x100xf32> to vector<1x1000x100xf32>
    tpu.vector_store %arg7[%swap3A, %swap3A_13, %swap3A_14], %swap3A_17 {strides = array<i32>} : memref<1x4000x128xf32, #tpu.memory_space<vmem>>, vector<1x1000x100xf32>,
    %reduce_max3A = arith.constant dense<0xFF800000> : vector<1x1000xf32>
    %reduce_max3A_18 = vector.multi_reduction <maximumf>, %mul3A_12, %reduce_max3A [2] : vector<1x1000x100xf32> to vector<1x1000xf32>
    %squeeze3A_19 = vector.shape_cast %reduce_max3A_18 : vector<1x1000xf32> to vector<1000xf32>
    %swap3A_20 = arith.constant 0 : index
    %swap3A_21 = arith.constant 0 : index
    %swap3A_22 = arith.constant 0 : index
    %swap3A_23 = vector.load %arg8[%swap3A_20, %swap3A_21, %swap3A_22] : memref<1x1x4000xf32, #tpu.memory_space<vmem>>, vector<1x1x1000xf32>
    %swap3A_24 = vector.shape_cast %swap3A_23 : vector<1x1x1000xf32> to vector<1000xf32>
    %swap3A_25 = vector.shape_cast %squeeze3A_19 : vector<1000xf32> to vector<1x1x1000xf32>
    tpu.vector_store %arg8[%swap3A_20, %swap3A_21, %swap3A_22], %swap3A_25 {strides = array<i32>} : memref<1x1x4000xf32, #tpu.memory_space<vmem>>, vector<1x1x1000xf32>,
    %get3A_26 = arith.constant 0 : index
    %get3A_27 = arith.constant 0 : index
    %get3A_28 = arith.constant 0 : index
    %get3A_29 = vector.load %arg3[%get3A_26, %get3A_27, %get3A_28] : memref<1x1000x100xf32, #tpu.memory_space<vmem>>, vector<1x1000x100xf32>
    %slice3A_30 = vector.extract_strided_slice %get3A_2 {offsets = [0, 1000, 0], sizes = [1, 1000, 1], strides = [1, 1, 1]} : vector<1x4000x1xf32> to vector<1x1000x1xf32>
    %logistic3A_31 = arith.negf %get3A_29 : vector<1x1000x100xf32>
    %logistic3A_32 = math.exp %logistic3A_31 : vector<1x1000x100xf32>
    %logistic3A_33 = arith.constant 1.000000e+00 : f32
    %logistic3A_34 = vector.broadcast %logistic3A_33 : f32 to vector<1x1000x100xf32>
    %logistic3A_35 = arith.addf %logistic3A_34, %logistic3A_32 : vector<1x1000x100xf32>
    %logistic3A_36 = arith.divf %logistic3A_34, %logistic3A_35 : vector<1x1000x100xf32>
    %mul3A_37 = vector.broadcast %slice3A_30 : vector<1x1000x1xf32> to vector<1x1000x100xf32>
    %mul3A_38 = arith.mulf %logistic3A_36, %mul3A_37 : vector<1x1000x100xf32>
    %squeeze3A_39 = vector.shape_cast %mul3A_38 : vector<1x1000x100xf32> to vector<1000x100xf32>
    %swap3A_40 = arith.constant 0 : index
    %swap3A_41 = arith.constant 1000 : index
    %swap3A_42 = arith.constant 0 : index
    %swap3A_43 = vector.load %arg7[%swap3A_40, %swap3A_41, %swap3A_42] : memref<1x4000x128xf32, #tpu.memory_space<vmem>>, vector<1x1000x100xf32>
    %swap3A_44 = vector.shape_cast %swap3A_43 : vector<1x1000x100xf32> to vector<1000x100xf32>
    %swap3A_45 = vector.shape_cast %squeeze3A_39 : vector<1000x100xf32> to vector<1x1000x100xf32>
    tpu.vector_store %arg7[%swap3A_40, %swap3A_41, %swap3A_42], %swap3A_45 {strides = array<i32>} : memref<1x4000x128xf32, #tpu.memory_space<vmem>>, vector<1x1000x100xf32>,
    %reduce_max3A_46 = arith.constant dense<0xFF800000> : vector<1x1000xf32>
    %reduce_max3A_47 = vector.multi_reduction <maximumf>, %mul3A_38, %reduce_max3A_46 [2] : vector<1x1000x100xf32> to vector<1x1000xf32>
    %squeeze3A_48 = vector.shape_cast %reduce_max3A_47 : vector<1x1000xf32> to vector<1000xf32>
    %swap3A_49 = arith.constant 0 : index
    %swap3A_50 = arith.constant 0 : index
    %swap3A_51 = arith.constant 1000 : index
    %swap3A_52 = vector.load %arg8[%swap3A_49, %swap3A_50, %swap3A_51] : memref<1x1x4000xf32, #tpu.memory_space<vmem>>, vector<1x1x1000xf32>
    %swap3A_53 = vector.shape_cast %swap3A_52 : vector<1x1x1000xf32> to vector<1000xf32>
    %swap3A_54 = vector.shape_cast %squeeze3A_48 : vector<1000xf32> to vector<1x1x1000xf32>
    tpu.vector_store %arg8[%swap3A_49, %swap3A_50, %swap3A_51], %swap3A_54 {strides = array<i32>} : memref<1x1x4000xf32, #tpu.memory_space<vmem>>, vector<1x1x1000xf32>,
    %get3A_55 = arith.constant 0 : index
    %get3A_56 = arith.constant 0 : index
    %get3A_57 = arith.constant 0 : index
    %get3A_58 = vector.load %arg4[%get3A_55, %get3A_56, %get3A_57] : memref<1x1000x100xf32, #tpu.memory_space<vmem>>, vector<1x1000x100xf32>
    %slice3A_59 = vector.extract_strided_slice %get3A_2 {offsets = [0, 2000, 0], sizes = [1, 1000, 1], strides = [1, 1, 1]} : vector<1x4000x1xf32> to vector<1x1000x1xf32>
    %logistic3A_60 = arith.negf %get3A_58 : vector<1x1000x100xf32>
    %logistic3A_61 = math.exp %logistic3A_60 : vector<1x1000x100xf32>
    %logistic3A_62 = arith.constant 1.000000e+00 : f32
    %logistic3A_63 = vector.broadcast %logistic3A_62 : f32 to vector<1x1000x100xf32>
    %logistic3A_64 = arith.addf %logistic3A_63, %logistic3A_61 : vector<1x1000x100xf32>
    %logistic3A_65 = arith.divf %logistic3A_63, %logistic3A_64 : vector<1x1000x100xf32>
    %mul3A_66 = vector.broadcast %slice3A_59 : vector<1x1000x1xf32> to vector<1x1000x100xf32>
    %mul3A_67 = arith.mulf %logistic3A_65, %mul3A_66 : vector<1x1000x100xf32>
    %squeeze3A_68 = vector.shape_cast %mul3A_67 : vector<1x1000x100xf32> to vector<1000x100xf32>
    %swap3A_69 = arith.constant 0 : index
    %swap3A_70 = arith.constant 2000 : index
    %swap3A_71 = arith.constant 0 : index
    %swap3A_72 = vector.load %arg7[%swap3A_69, %swap3A_70, %swap3A_71] : memref<1x4000x128xf32, #tpu.memory_space<vmem>>, vector<1x1000x100xf32>
    %swap3A_73 = vector.shape_cast %swap3A_72 : vector<1x1000x100xf32> to vector<1000x100xf32>
    %swap3A_74 = vector.shape_cast %squeeze3A_68 : vector<1000x100xf32> to vector<1x1000x100xf32>
    tpu.vector_store %arg7[%swap3A_69, %swap3A_70, %swap3A_71], %swap3A_74 {strides = array<i32>} : memref<1x4000x128xf32, #tpu.memory_space<vmem>>, vector<1x1000x100xf32>,
    %reduce_max3A_75 = arith.constant dense<0xFF800000> : vector<1x1000xf32>
    %reduce_max3A_76 = vector.multi_reduction <maximumf>, %mul3A_67, %reduce_max3A_75 [2] : vector<1x1000x100xf32> to vector<1x1000xf32>
    %squeeze3A_77 = vector.shape_cast %reduce_max3A_76 : vector<1x1000xf32> to vector<1000xf32>
    %swap3A_78 = arith.constant 0 : index
    %swap3A_79 = arith.constant 0 : index
    %swap3A_80 = arith.constant 2000 : index
    %swap3A_81 = vector.load %arg8[%swap3A_78, %swap3A_79, %swap3A_80] : memref<1x1x4000xf32, #tpu.memory_space<vmem>>, vector<1x1x1000xf32>
    %swap3A_82 = vector.shape_cast %swap3A_81 : vector<1x1x1000xf32> to vector<1000xf32>
    %swap3A_83 = vector.shape_cast %squeeze3A_77 : vector<1000xf32> to vector<1x1x1000xf32>
    tpu.vector_store %arg8[%swap3A_78, %swap3A_79, %swap3A_80], %swap3A_83 {strides = array<i32>} : memref<1x1x4000xf32, #tpu.memory_space<vmem>>, vector<1x1x1000xf32>,
    %get3A_84 = arith.constant 0 : index
    %get3A_85 = arith.constant 0 : index
    %get3A_86 = arith.constant 0 : index
    %get3A_87 = vector.load %arg5[%get3A_84, %get3A_85, %get3A_86] : memref<1x1000x100xf32, #tpu.memory_space<vmem>>, vector<1x1000x100xf32>
    %slice3A_88 = vector.extract_strided_slice %get3A_2 {offsets = [0, 3000, 0], sizes = [1, 1000, 1], strides = [1, 1, 1]} : vector<1x4000x1xf32> to vector<1x1000x1xf32>
    %logistic3A_89 = arith.negf %get3A_87 : vector<1x1000x100xf32>
    %logistic3A_90 = math.exp %logistic3A_89 : vector<1x1000x100xf32>
    %logistic3A_91 = arith.constant 1.000000e+00 : f32
    %logistic3A_92 = vector.broadcast %logistic3A_91 : f32 to vector<1x1000x100xf32>
    %logistic3A_93 = arith.addf %logistic3A_92, %logistic3A_90 : vector<1x1000x100xf32>
    %logistic3A_94 = arith.divf %logistic3A_92, %logistic3A_93 : vector<1x1000x100xf32>
    %mul3A_95 = vector.broadcast %slice3A_88 : vector<1x1000x1xf32> to vector<1x1000x100xf32>
    %mul3A_96 = arith.mulf %logistic3A_94, %mul3A_95 : vector<1x1000x100xf32>
    %squeeze3A_97 = vector.shape_cast %mul3A_96 : vector<1x1000x100xf32> to vector<1000x100xf32>
    %swap3A_98 = arith.constant 0 : index
    %swap3A_99 = arith.constant 3000 : index
    %swap3A_100 = arith.constant 0 : index
    %swap3A_101 = vector.load %arg7[%swap3A_98, %swap3A_99, %swap3A_100] : memref<1x4000x128xf32, #tpu.memory_space<vmem>>, vector<1x1000x100xf32>
    %swap3A_102 = vector.shape_cast %swap3A_101 : vector<1x1000x100xf32> to vector<1000x100xf32>
    %swap3A_103 = vector.shape_cast %squeeze3A_97 : vector<1000x100xf32> to vector<1x1000x100xf32>
    tpu.vector_store %arg7[%swap3A_98, %swap3A_99, %swap3A_100], %swap3A_103 {strides = array<i32>} : memref<1x4000x128xf32, #tpu.memory_space<vmem>>, vector<1x1000x100xf32>,
    %reduce_max3A_104 = arith.constant dense<0xFF800000> : vector<1x1000xf32>
    %reduce_max3A_105 = vector.multi_reduction <maximumf>, %mul3A_96, %reduce_max3A_104 [2] : vector<1x1000x100xf32> to vector<1x1000xf32>
    %squeeze3A_106 = vector.shape_cast %reduce_max3A_105 : vector<1x1000xf32> to vector<1000xf32>
    %swap3A_107 = arith.constant 0 : index
    %swap3A_108 = arith.constant 0 : index
    %swap3A_109 = arith.constant 3000 : index
    %swap3A_110 = vector.load %arg8[%swap3A_107, %swap3A_108, %swap3A_109] : memref<1x1x4000xf32, #tpu.memory_space<vmem>>, vector<1x1x1000xf32>
    %swap3A_111 = vector.shape_cast %swap3A_110 : vector<1x1x1000xf32> to vector<1000xf32>
    %swap3A_112 = vector.shape_cast %squeeze3A_106 : vector<1000xf32> to vector<1x1x1000xf32>
    tpu.vector_store %arg8[%swap3A_107, %swap3A_108, %swap3A_109], %swap3A_112 {strides = array<i32>} : memref<1x1x4000xf32, #tpu.memory_space<vmem>>, vector<1x1x1000xf32>,
    return
  }
  func.func @transform_0(%arg0: i32, %arg1: i32) -> (i32, i32, i32) {
    %mul3A = arith.constant 4 : i32
    %mul3A_0 = arith.muli %mul3A, %arg1 : i32
    %add3A = arith.constant 0 : i32
    %add3A_1 = arith.addi %mul3A_0, %add3A : i32
    %c0_i32 = arith.constant 0 : i32
    %c0_i32_2 = arith.constant 0 : i32
    return %arg0, %add3A_1, %c0_i32 : i32, i32, i32
  }
  func.func @transform_1(%arg0: i32, %arg1: i32) -> (i32, i32, i32) {
    %mul3A = arith.constant 4 : i32
    %mul3A_0 = arith.muli %mul3A, %arg1 : i32
    %add3A = arith.constant 1 : i32
    %add3A_1 = arith.addi %mul3A_0, %add3A : i32
    %c0_i32 = arith.constant 0 : i32
    %c0_i32_2 = arith.constant 0 : i32
    return %arg0, %add3A_1, %c0_i32 : i32, i32, i32
  }
  func.func @transform_2(%arg0: i32, %arg1: i32) -> (i32, i32, i32) {
    %mul3A = arith.constant 4 : i32
    %mul3A_0 = arith.muli %mul3A, %arg1 : i32
    %add3A = arith.constant 2 : i32
    %add3A_1 = arith.addi %mul3A_0, %add3A : i32
    %c0_i32 = arith.constant 0 : i32
    %c0_i32_2 = arith.constant 0 : i32
    return %arg0, %add3A_1, %c0_i32 : i32, i32, i32
  }
  func.func @transform_3(%arg0: i32, %arg1: i32) -> (i32, i32, i32) {
    %mul3A = arith.constant 4 : i32
    %mul3A_0 = arith.muli %mul3A, %arg1 : i32
    %add3A = arith.constant 3 : i32
    %add3A_1 = arith.addi %mul3A_0, %add3A : i32
    %c0_i32 = arith.constant 0 : i32
    %c0_i32_2 = arith.constant 0 : i32
    return %arg0, %add3A_1, %c0_i32 : i32, i32, i32
  }
  func.func @transform_4(%arg0: i32, %arg1: i32) -> (i32, i32, i32) {
    %c0_i32 = arith.constant 0 : i32
    %c0_i32_0 = arith.constant 0 : i32
    return %arg0, %arg1, %c0_i32 : i32, i32, i32
  }
  func.func @transform_5(%arg0: i32, %arg1: i32) -> (i32, i32, i32) {
    %c0_i32 = arith.constant 0 : i32
    %c0_i32_0 = arith.constant 0 : i32
    return %arg0, %arg1, %c0_i32 : i32, i32, i32
  }
  func.func @transform_6(%arg0: i32, %arg1: i32) -> (i32, i32, i32) {
    %mul3A = arith.constant 5 : i32
    %mul3A_0 = arith.muli %arg0, %mul3A : i32
    %add3A = arith.addi %mul3A_0, %arg1 : i32
    %c0_i32 = arith.constant 0 : i32
    %c0_i32_1 = arith.constant 0 : i32
    %c0_i32_2 = arith.constant 0 : i32
    return %add3A, %c0_i32, %c0_i32_1 : i32, i32, i32
  }
}

</mosaic_0001>

<sc_bundles>
// kernel: kernel.4.cloned.1.call-start
scs
__scs_entry_jumppad:
0x0: {  	(pc) =	sbr.rel $0x88, $3  }
0x1: {  	(tag) =	ssettag $0x0;
	lr =	simm.s32 $0x1  }
0x2: {  	[smem:$0x3F9D] =	sst lr;
	_ =	strace $0xD0000000  }
0x3: {  	_ = 	snop  }
0x4: {  	_ = 	snop  }
0x5: {  	_ = 	snop  }
0x6: {  	_ = 	snop  }
0x7: {  	_ = 	snop  }
__scs_overlays_trampoline_lowered:
0x8: {  	[smem:$0x3FAC] =	sst s0  }
0x9: {  	[smem:$0x3FAD] =	sst s1  }
0xa: {  	[smem:$0x3FAE] =	sst s2  }
0xb: {  	[smem:$0x3FAF] =	sst s3  }
0xc: {  	[smem:$0x3FB0] =	sst s4  }
0xd: {  	[smem:$0x3FB1] =	sst s5  }
0xe: {  	[smem:$0x3FB2] =	sst s6  }
0xf: {  	[smem:$0x3FB3] =	sst s7  }
0x10: {  	[smem:$0x3FB4] =	sst s8  }
0x11: {  	[smem:$0x3FB5] =	sst s9;
	s0 =	simm.s32 @!p0 $0x0  }
0x12: {  	s1 =	sld [smem:$0x3F9B];
	s0 =	simm.s32 @p0 $0x1  }
0x13: {  	[smem:$0x3FB6] =	sst s0;
	s0 =	simm.s32 @!p1 $0x0  }
0x14: {  	s2 =	sld [smem:$0x3F9A];
	s0 =	simm.s32 @p1 $0x1  }
0x15: {  	[smem:$0x3FB7] =	sst s0;
	s0 =	simm.s32 @!p2 $0x0  }
0x16: {  	s3 =	sld [smem:$0x3FDB];
	s0 =	simm.s32 @p2 $0x1  }
0x17: {  	s4 =	simm.s32 $0x1BF5;
	[smem:$0x3FB9] =	sst s0  }
0x18: {  	s0 =	sld [smem:$0x3F9C];
	_ =	swait.ge [sflag:s4], $0x0  }
0x19: {  	s7 =	sld [smem:$0x3F9D]  }
0x1a: {  	s8 =	sadd.s32 $0xFFFFE003, lr  }
0x1b: {  	s9 =	sadd.s32 $0xFFFFFEF7, lr;
	s5 =	simm.s32 $0xFFFFFFFF;
	p2 =	slt.u32 s8, $0xFFFFF086  }
0x1c: {  	p1 =	slt.u32 s9, $0xF7A;
	s5 =	simm.s32 @!p2 $0x0  }
0x1d: {  	s5 =	simm.s32 @p1 $0x1;
	p0 =	seq.s32 s7, s2  }
0x1e: {  	s7 =	smul.u32 @!p0 $0xF7A, s2;
	p2 =	seq.s32 @!p0 s5, $0x0  }
0x1f: {  	s9 =	smul.u32 $0xF7A, s1;
	s8 =	simm.s32 @!p0 $0x1BF5;
	p2 =	por !p2, p0  }
0x20: {  	[sflag:s8] =	ssyncset.s32 @!p0 $0xFFFFF086;
	s6 =	sadd.s32 @!p0 s3, s7;
	s7 =	simm.s32 @!p0 $0x108  }
0x21: {  	s3 =	sadd.s32 s3, s9;
	s6 =	sadd.s32 @!p0 $0x88, s6;
	s7 =	simm.s32 @p2 $0x1082  }
0x22: {  	[simem:s7], [sflag:s8] =	dma.local @!p0 [hbm:s6], $0xF7A  }
0x23: {  	s9 =	sor.u32 $0xD0000000, s2;
	s6 =	simm.s32 $0x108;
	_ =	swait.ge @!p0 [sflag:s8], $0x0  }
0x24: {  	s3 =	sadd.s32 $0x88, s3;
	s6 =	simm.s32 @!p1 $0x1082;
	[sflag:s4] =	ssyncset.s32 $0xFFFFF086  }
0x25: {  	[simem:s6], [sflag:s4] =	dma.local [hbm:s3], $0xF7A  }
0x26: {  	[smem:$0x3F9D] =	sst s1;
	(tag) =	ssettag s2;
	_ =	strace s9  }
0x27: {  	s1 =	sld [smem:$0x3FAD]  }
0x28: {  	s2 =	sld [smem:$0x3FAE]  }
0x29: {  	s4 =	sld [smem:$0x3FB0]  }
0x2a: {  	p0 =	seq.s32 s5, $0x0;
	s5 =	sld [smem:$0x3FB1]  }
0x2b: {  	s6 =	sld [smem:$0x3FB2]  }
0x2c: {  	s7 =	sld [smem:$0x3FB3]  }
0x2d: {  	s3 =	simm.s32 $0x108;
	s8 =	sld [smem:$0x3FB4]  }
0x2e: {  	s3 =	simm.s32 @!p0 $0x1082;
	s9 =	sld [smem:$0x3FB5]  }
0x2f: {  	lr =	sadd.s32 s0, s3;
	s0 =	sld [smem:$0x3FAC]  }
0x30: {  	s3 =	sld [smem:$0x3FAF]  }
0x31: {  	[smem:$0x3FB8] =	sst s10  }
0x32: {  	s10 =	sld [smem:$0x3FB6];
	_ =	sdelay $0x3  }
0x33: {  	p0 =	seq.s32 s10, $0x1;
	s10 =	sld [smem:$0x3FB8];
	_ =	sdelay $0x3  }
0x34: {  	[smem:$0x3FB8] =	sst s10  }
0x35: {  	s10 =	sld [smem:$0x3FB7];
	_ =	sdelay $0x3  }
0x36: {  	p1 =	seq.s32 s10, $0x1;
	s10 =	sld [smem:$0x3FB8];
	_ =	sdelay $0x3  }
0x37: {  	[smem:$0x3FB8] =	sst s10  }
0x38: {  	s10 =	sld [smem:$0x3FB9]  }
0x39: {  	_ = 	snop;
	(pc) =	sbr.ind lr, $3  }
0x3a: {  	_ = 	snop  }
0x3b: {  	_ = 	snop  }
0x3c: {  	p2 =	seq.s32 s10, $0x1;
	s10 =	sld [smem:$0x3FB8]  }
0x3d: {  	_ =	shalt  }
0x3e: {  	_ =	shalt  }
0x3f: {  	_ =	shalt  }
0x40: {  	_ =	shalt  }
0x41: {  	_ =	shalt  }
0x42: {  	_ =	shalt  }
0x43: {  	_ =	shalt  }
0x44: {  	_ =	shalt  }
0x45: {  	_ =	shalt  }
0x46: {  	_ =	shalt  }
0x47: {  	_ =	shalt  }
0x48: {  	_ =	shalt  }
0x49: {  	_ =	shalt  }
0x4a: {  	_ =	shalt  }
0x4b: {  	_ =	shalt  }
0x4c: {  	_ =	shalt  }
0x4d: {  	_ =	shalt  }
0x4e: {  	_ =	shalt  }
0x4f: {  	_ =	shalt  }
0x50: {  	_ =	shalt  }
0x51: {  	_ =	shalt  }
0x52: {  	_ =	shalt  }
0x53: {  	_ =	shalt  }
0x54: {  	_ =	shalt  }
0x55: {  	_ =	shalt  }
0x56: {  	_ =	shalt  }
0x57: {  	_ =	shalt  }
0x58: {  	_ =	shalt  }
0x59: {  	_ =	shalt  }
0x5a: {  	_ =	shalt  }
0x5b: {  	_ =	shalt  }
0x5c: {  	_ =	shalt  }
0x5d: {  	_ =	shalt  }
0x5e: {  	_ =	shalt  }
0x5f: {  	_ =	shalt  }
0x60: {  	_ =	shalt  }
0x61: {  	_ =	shalt  }
0x62: {  	_ =	shalt  }
0x63: {  	_ =	shalt  }
0x64: {  	_ =	shalt  }
0x65: {  	_ =	shalt  }
0x66: {  	_ =	shalt  }
0x67: {  	_ =	shalt  }
0x68: {  	_ =	shalt  }
0x69: {  	_ =	shalt  }
0x6a: {  	_ =	shalt  }
0x6b: {  	_ =	shalt  }
0x6c: {  	_ =	shalt  }
0x6d: {  	_ =	shalt  }
0x6e: {  	_ =	shalt  }
0x6f: {  	_ =	shalt  }
0x70: {  	_ =	shalt  }
0x71: {  	_ =	shalt  }
0x72: {  	_ =	shalt  }
0x73: {  	_ =	shalt  }
0x74: {  	_ =	shalt  }
0x75: {  	_ =	shalt  }
0x76: {  	_ =	shalt  }
0x77: {  	_ =	shalt  }
0x78: {  	_ =	shalt  }
0x79: {  	_ =	shalt  }
0x7a: {  	_ =	shalt  }
0x7b: {  	_ =	shalt  }
0x7c: {  	_ =	shalt  }
0x7d: {  	_ =	shalt  }
0x7e: {  	_ =	shalt  }
0x7f: {  	_ =	shalt  }
0x80: {  	_ =	shalt  }
0x81: {  	_ =	shalt  }
0x82: {  	_ =	shalt  }
0x83: {  	_ =	shalt  }
0x84: {  	_ =	shalt  }
0x85: {  	_ =	shalt  }
0x86: {  	_ =	shalt  }
0x87: {  	_ =	shalt  }
.Lfunc_end0:
.L_simem_size_0:
called_computation_lowered:
.L_overlay_start_0:
0x88: {  	s2 =	sld [smem:$0x3FD9]  }
0x89: {  	s3 =	sld [smem:$0x3FFE];
	_ =	sdelay $0x1  }
0x8a: {  	s1 =	srdreg.scid  }
0x8b: {  	s0 =	sand.u32 $0x1, s1  }
0x8c: {  	s14 =	sshll.u32 s0, $0xA;
	s2 =	sadd.s32 s3, s2  }
0x8d: {  	s2 =	sadd.s32 s2, s14  }
0x8e: {  	[smem:$0x3FC4] =	sst s2  }
0x8f: {  	_ = 	snop  }
0x90: {  	s2 =	sld [smem:$0x3FD0];
	_ =	sdelay $0x2  }
0x91: {  	s15 =	simm.s32 $0xA;
	s4 =	simm.s32 $0x10  }
0x92: {  	[smem:s4], [sflag:s15] =	dma.local [hbm:s2], $0x1  }
0x93: {  	_ =	swait.eq [sflag:s15], $0x1  }
0x94: {  	s16 =	sld [smem:$0x10]  }
0x95: {  	s17 =	sld [smem:$0x11];
	[sflag:s15] =	ssyncset.done $0x0  }
0x96: {  	s5 =	sld [smem:$0x12];
	[sflag:s15] =	ssyncadd.s32 $0xFFFFFFFF  }
0x97: {  	s18 =	sld [smem:$0x13];
	(tm) =	ssettm $0x1  }
0x98: {  	s6 =	sld [smem:$0x3FFB];
	_ =	sdelay $0x3  }
0x99: {  	_ =	strace s6  }
0x9a: {  	s6 =	sld [smem:$0x3FFC];
	_ =	sdelay $0x3  }
0x9b: {  	_ =	strace s6  }
0x9c: {  	s6 =	sld [smem:$0x3FFD];
	_ =	sdelay $0x3  }
0x9d: {  	_ =	strace s6  }
0x9e: {  	_ =	strace $0x8FFFFFFF  }
0x9f: {  	s19 =	sld [smem:$0x3FDB];
	_ =	sdelay $0x1  }
0xa0: {  	s7 =	simm.s32 $_scs_section_size  }
0xa1: {  	s8 =	simm.s32 $_size__tile_overlayer_lowered;
	s9 =	simm.s32 $_tile_overlayer_lowered  }
0xa2: {  	s22 =	simm.s32 $0x1BFF;
	s21 =	sshll.u32 s9, $0x1;
	s6 =	sadd.s32 s7, s19  }
0xa3: {  	s10 =	simm.s32 $0x0;
	s20 =	sshll.u32 s8, $0x1;
	s8 =	sadd.s32 s21, s6  }
0xa4: {  	[timem:s10], [sflag:s22] =	dma.local [hbm:s8], s20  }
0xa5: {  	_ =	swait.ge [sflag:s22], s20  }
0xa6: {  	s7 =	ssub.s32 $0x0, s20;
	[sflag:s22] =	ssyncset.done $0x0  }
0xa7: {  	[sflag:s22] =	ssyncadd.s32 s7;
	_ =	sdelay $0x1  }
0xa8: {  	s23 =	simm.s32 $0x1B8B  }
0xa9: {  	_ =	swait.ge [sflag:s23], $0x1  }
0xaa: {  	[sflag:s23] =	ssyncset.done $0x0  }
0xab: {  	s25 =	simm.s32 $0x1B8E;
	s24 =	sld [smem:$0x3FFE];
	[sflag:s23] =	ssyncadd.s32 $0xFFFFFFFF  }
0xac: {  	s26 =	simm.s32 $execute0_lowered;
	[smem:$0x3FD2] =	sst s25  }
0xad: {  	s8 =	sshll.u32 s26, $0x1;
	_ =	strace $0x80000046;
	[dreg:$0x1] =	wrdreg $0xFFFFFFFF  }
0xae: {  	s28 =	simm.s32 $_size_execute0_lowered;
	s6 =	sadd.s32 s6, s8;
	[dreg:$0x0] =	wrdreg $0x0  }
0xaf: {  	s8 =	sshll.u32 s28, $0x1;
	[dreg:$0x2] =	wrdreg s6  }
0xb0: {  	[dreg:$0x3] =	wrdreg s8  }
0xb1: {  	[dreg:$0x4] =	wrdreg $0xC0  }
0xb2: {  	_ =	task [dreg:s10], $0x5FFFF  }
0xb3: {  	[dreg:$0x1] =	wrdreg $0xFFFFFFFF  }
0xb4: {  	[dreg:$0x0] =	wrdreg $0x60  }
0xb5: {  	[dreg:$0x2] =	wrdreg s24  }
0xb6: {  	[dreg:$0x3] =	wrdreg s16  }
0xb7: {  	[dreg:$0x4] =	wrdreg s17  }
0xb8: {  	[dreg:$0x5] =	wrdreg s18  }
0xb9: {  	[dreg:$0x6] =	wrdreg s5  }
0xba: {  	[dreg:$0x7] =	wrdreg $0x9  }
0xbb: {  	_ =	task.clear_ibuf [dreg:s10], $0x8FFFF;
	_ =	strace $0x90000046  }
0xbc: {  	s29 =	simm.s32 $0x9;
	_ =	strace $0x80000048  }
0xbd: {  	_ =	swait.ge [sflag:s29], $0x1  }
0xbe: {  	[sflag:s29] =	ssyncadd.s32 $0xFFFFFFFF  }
0xbf: {  	_ =	strace $0x90000048  }
0xc0: {  	_ =	sfence  }
0xc1: {  	s30 =	sld [smem:$0x0];
	_ =	sdelay $0x2  }
0xc2: {  	s31 =	sshll.u32 s1, $0xD;
	s1 =	sshrl.u32 s1, $0x2  }
0xc3: {  	s3 =	sand.u32 $0x4000, s31;
	s1 =	sadd.s32 s1, s30  }
0xc4: {  	s0 =	sor.u32 s3, s0;
	s1 =	sshll.u32 s1, $0x11  }
0xc5: {  	s0 =	sor.u32 s1, s0  }
0xc6: {  	s0 =	sadd.s32 $0x8F2B, s0  }
0xc7: {  	[sflag:s0] =	ssyncadd.remote.s32 $0x1  }
0xc8: {  	_ =	sfence.sel $0xFFFF  }
0xc9: {  	[dreg:$0x0] =	wrdreg $0xFFFFFFFF;
	(pc) =	sbr.abs _section_cstart, $3  }
0xca: {  	[dreg:$0x1] =	wrdreg $0xFFFFFFFF  }
0xcb: {  	_ =	task.clear_ibuf [dreg:s10], $0x2FFFF;
	_ =	strace $0x9FFFFFFF  }
0xcc: {  	(tm) =	ssettm $0x7FFFFFFF  }
0xcd: {  	_ =	shalt  }
tec
execute0_lowered:
.L_overlay_start_1:
0x0: {  	(tag) =	ssettag $0x1  }
0x1: {  	s5 =	stileid.u32  }
0x2: {  	s0 =	rddreg [dreg:$0x0];
	p0 =	sgt.u32 s5, $0x7  }
.Ltmp0:
0x3: {  	s8 =	rddreg [dreg:$0x1];
	(pc) =	sbr.rel @p0 .LBB2_57-.Ltmp0, $4  }
0x4: {  	s3 =	rddreg [dreg:$0x2]  }
0x5: {  	s4 =	rddreg [dreg:$0x3];
	s2 =	simm.s32 $0x0  }
0x6: {  	[smem:$0x7FF] =	sst s2  }
0x7: {  	s1 =	rddreg [dreg:$0x4];
	_ =	strace $0x80000047  }
0x8: {  	s5 =	srdreg.scid;
	s7 =	stileid.u32;
	s19 =	sadd.s32 $0x9C4000, s0  }
0x9: {  	s20 =	sadd.s32 $0x9E00, s0;
	s21 =	sadd.s32 $0x13C00, s0;
	s16 =	simm.s32 $0x2  }
0xa: {  	s30 =	simm.s32 $0xAB00;
	s31 =	simm.s32 $0x0;
	[dreg:$0x6] =	wrdreg s19  }
0xb: {  	s11 =	sand.u32 $0x1, s5;
	s17 =	sshll.u32 s7, $0x1;
	[dreg:$0x7] =	wrdreg s20  }
0xc: {  	s12 =	sshrl.u32 s7, $0x2;
	[dreg:$0x8] =	wrdreg s21;
	s19 =	simm.s32 $0x70  }
0xd: {  	s6 =	sor.u32 s11, s17;
	s18 =	sshll.u32 s12, $0xA;
	s14 =	smul.u32 $0x27400, s12  }
0xe: {  	s24 =	sshll.u32 s12, $0xB;
	s25 =	ssub.s32 $0x2, s11;
	s5 =	sshll.u32 s6, $0x7  }
0xf: {  	s6 =	smul.u32 $0x4E20, s6;
	s28 =	sshrl.u32 s25, $0x1;
	s13 =	sand.u32 $0x380, s5  }
0x10: {  	s29 =	ssub.s32 s25, s28;
	s25 =	simm.s32 $0xAA00;
	s5 =	sor.u32 s18, s13  }
0x11: {  	s26 =	sor.u32 s14, s13;
	s18 =	simm.s32 $0x4E80;
	s10 =	sshrl.u32 s5, $0x3  }
0x12: {  	s22 =	sadd.s32 s10, s0;
	s8 =	sadd.s32 s8, s10;
	s9 =	sadd.s32 s3, s10  }
0x13: {  	s10 =	sadd.s32 s4, s10;
	s3 =	sor.u32 s24, s13;
	s13 =	sshrl.u32 s26, $0x3  }
0x14: {  	s24 =	simm.s32 $0xA980;
	s26 =	simm.s32 $0xAA80;
	s23 =	sadd.s32 $0x1DA00, s22  }
0x15: {  	s3 =	sshrl.u32 s3, $0x3;
	s12 =	sadd.s32 s0, s13;
	s13 =	smax.u32 s29, $0x1  }
0x16: {  	v1 =	vimm.s32 $0x0;
	v2 =	vlaneseq.u32;
	s22 =	simm.s32 $0x1;
	[dreg:$0x9] =	wrdreg s23;
	s11 =	sadd.s32 s1, s3  }
0x17: {  	v3 =	vimm.s32 $0x1;
	v4 =	vimm.f32 $-1.000000000e+00;
	v0 =	vmov s6;
	s1 =	simm.s32 $0x80;
	s3 =	simm.s32 $0x400;
	s23 =	simm.s32 $0xA900  }
.LBB2_2:
0x18: {  	s0 =	simm.s32 $0x0  }
0x19: {  	[tilespmem:s0], [sflag:$0x2] =	stream.strided.gather [hbm4b:s12+s1], $0x4E80, s3, s1, $0x38;
	[tilespmem:$0xAD80] =	vst v63  }
0x1a: {  	_ =	swait.ge [sflag:s16], $0x4E80  }
0x1b: {  	[sflag:s16] =	ssyncset.done $0x0  }
0x1c: {  	s29 =	simm.s32 $0xAD00;
	s28 =	rddreg [dreg:$0x9];
	[sflag:s16] =	ssyncadd.s32 $0xFFFFB180  }
0x1d: {  	[tilespmem:s29], [sflag:$0x2] =	stream.linear.gather [hbm4b:s28+s0], $0x80, $0x38;
	[tilespmem:$0xAD80] =	vst v63  }
0x1e: {  	_ =	swait.ge [sflag:s16], $0x80  }
0x1f: {  	[sflag:s16] =	ssyncset.done $0x0  }
0x20: {  	s1 =	simm.s32 $0x0;
	s0 =	simm.s32 $0x40;
	[sflag:s16] =	ssyncadd.s32 $0xFFFFFF80  }
.LBB2_3:
0x21: {  	p0 =	sne.s32 s0, $0x3FC0;
	[tilespmem:s1+$0x4E80] =	vst v1;
	s1 =	smov.u32 s0;
	s0 =	sadd.s32 $0x40, s0  }
.Ltmp1:
0x22: {  	(pc) =	sbr.rel @p0 .LBB2_3-.Ltmp1, $2  }
0x23: {  	_ =	sdelay $0x2  }
0x24: {  	s1 =	sshra.s32 s1, $0x2  }
0x25: {  	[tilespmem:s1+$0x4E80] =	vst v1;
	s1 =	simm.s32 $0x0;
	s0 =	simm.s32 $0x40  }
.LBB2_5:
0x26: {  	p0 =	sne.s32 s0, $0x13840;
	v5 =	vld [tilespmem:s1+$0x0];
	_ =	sdelay $0x4  }
0x27: {  	v5 =	vshrl.u32 v5, $0x14  }
0x28: {  	v5 =	vand.u32 $0xFF0, v5  }
0x29: {  	v5 =	vor.u32 v2, v5  }
.Ltmp2:
0x2a: {  	(pc) =	sbr.rel @p0 .LBB2_5-.Ltmp2, $2  }
0x2b: {  	_ =	sdelay $0x2  }
0x2c: {  	s1 =	sshra.s32 s0, $0x2;
	s0 =	sadd.s32 $0x40, s0;
	[tilespmem:v5+s18+$0x0] =	vst.idx.add.s32.msk $0xffff, v3  }
0x2d: {  	v5 =	vld [tilespmem:s1+$0x0];
	_ =	sdelay $0x4  }
0x2e: {  	v5 =	vshrl.u32 v5, $0x14  }
0x2f: {  	v5 =	vand.u32 $0xFF0, v5  }
0x30: {  	v5 =	vor.u32 v2, v5;
	_ =	sdelay $0x4  }
0x31: {  	[tilespmem:v5+s18+$0x0] =	vst.idx.add.s32.msk $0xffff, v3;
	v5 =	vimm.s32 $0x0  }
0x32: {  	s0 =	simm.s32 $0xFF0;
	[tilespmem:$0x6E80] =	vst v5  }
0x33: {  	s1 =	simm.s32 $0x3F80;
	v6 =	vld [tilespmem:s0+$0x4E80]  }
.LBB2_7:
0x34: {  	p0 =	sne.s32 s1, $0x0  }
.Ltmp3:
0x35: {  	_ = 	snop;
	(pc) =	sbr.rel @p0 .LBB2_7-.Ltmp3, $3  }
0x36: {  	_ =	sdelay $0x1  }
0x37: {  	s3 =	sshra.s32 s1, $0x2;
	s1 =	sadd.s32 $0xFFFFFFC0, s1;
	v5 =	vadd.s32 v5, v6  }
0x38: {  	v6 =	vld [tilespmem:s3+$0x4E80];
	[tilespmem:s0+$0x5E80] =	vst v5;
	s0 =	smov.u32 s3  }
0x39: {  	_ =	sdelay $0x3  }
0x3a: {  	v5 =	vadd.s32 v5, v6  }
0x3b: {  	[tilespmem:s0+$0x5E80] =	vst v5  }
0x3c: {  	v5 =	vld [tilespmem:$0x6680];
	_ =	sdelay $0x4  }
0x3d: {  	(xrf0) =	vadd.scan.msk.s32 $0xffff, v5;
	_ =	sdelay $0x5  }
0x3e: {  	v5, _, _ =	vpop (xrf0)  }
0x3f: {  	(v2sf) =	vpush v5, $0xF;
	_ =	sdelay $0xe  }
0x40: {  	s20 =	spop (v2sf)  }
0x41: {  	s0 =	simm.s32 $0x80;
	p0 =	sgt.s32 s20, $0x63  }
0x42: {  	s0 =	simm.s32 @!p0 $0x0  }
0x43: {  	s1 =	sor.u32 $0x40, s0  }
0x44: {  	s3 =	sshll.u32 s1, $0x4  }
0x45: {  	v5 =	vld [tilespmem:s3+$0x5E80];
	_ =	sdelay $0x4  }
0x46: {  	(xrf0) =	vadd.scan.msk.s32 $0xffff, v5;
	_ =	sdelay $0x5  }
0x47: {  	v5, _, _ =	vpop (xrf0)  }
0x48: {  	(v2sf) =	vpush v5, $0xF;
	_ =	sdelay $0xe  }
0x49: {  	s21 =	spop (v2sf)  }
0x4a: {  	p0 =	sgt.s32 s21, $0x63  }
0x4b: {  	s0 =	smov.u32 @p0 s1  }
0x4c: {  	s1 =	sor.u32 $0x20, s0  }
0x4d: {  	s28 =	sshll.u32 s1, $0x4  }
0x4e: {  	v5 =	vld [tilespmem:s28+$0x5E80];
	_ =	sdelay $0x4  }
0x4f: {  	(xrf0) =	vadd.scan.msk.s32 $0xffff, v5;
	_ =	sdelay $0x5  }
0x50: {  	v5, _, _ =	vpop (xrf0)  }
0x51: {  	(v2sf) =	vpush v5, $0xF;
	_ =	sdelay $0xe  }
0x52: {  	s29 =	spop (v2sf)  }
0x53: {  	p0 =	sgt.s32 s29, $0x63  }
0x54: {  	s0 =	smov.u32 @p0 s1  }
0x55: {  	s1 =	sor.u32 $0x10, s0  }
0x56: {  	s4 =	sshll.u32 s1, $0x4  }
0x57: {  	s3 =	sand.u32 $0x3FFFFFF0, s4  }
0x58: {  	v5 =	vld [tilespmem:s3+$0x5E80];
	_ =	sdelay $0x4  }
0x59: {  	(xrf0) =	vadd.scan.msk.s32 $0xffff, v5;
	_ =	sdelay $0x5  }
0x5a: {  	v5, _, _ =	vpop (xrf0)  }
0x5b: {  	(v2sf) =	vpush v5, $0xF;
	_ =	sdelay $0xe  }
0x5c: {  	s5 =	spop (v2sf)  }
0x5d: {  	p0 =	sgt.s32 s5, $0x63  }
0x5e: {  	s0 =	smov.u32 @p0 s1  }
0x5f: {  	s1 =	sadd.s32 $0x8, s0  }
0x60: {  	s7 =	sshll.u32 s1, $0x4  }
0x61: {  	s3 =	sand.u32 $0x3FFFFFF0, s7  }
0x62: {  	v5 =	vld [tilespmem:s3+$0x5E80];
	_ =	sdelay $0x4  }
0x63: {  	(xrf0) =	vadd.scan.msk.s32 $0xffff, v5;
	_ =	sdelay $0x5  }
0x64: {  	v5, _, _ =	vpop (xrf0)  }
0x65: {  	(v2sf) =	vpush v5, $0xF;
	_ =	sdelay $0xe  }
0x66: {  	s14 =	spop (v2sf)  }
0x67: {  	p0 =	sgt.s32 s14, $0x63  }
0x68: {  	s0 =	smov.u32 @p0 s1  }
0x69: {  	s1 =	sadd.s32 $0x4, s0  }
0x6a: {  	s15 =	sshll.u32 s1, $0x4  }
0x6b: {  	s3 =	sand.u32 $0x3FFFFFF0, s15  }
0x6c: {  	v5 =	vld [tilespmem:s3+$0x5E80];
	_ =	sdelay $0x4  }
0x6d: {  	(xrf0) =	vadd.scan.msk.s32 $0xffff, v5;
	_ =	sdelay $0x5  }
0x6e: {  	v5, _, _ =	vpop (xrf0)  }
0x6f: {  	(v2sf) =	vpush v5, $0xF;
	_ =	sdelay $0xe  }
0x70: {  	s17 =	spop (v2sf)  }
0x71: {  	p0 =	sgt.s32 s17, $0x63  }
0x72: {  	s0 =	smov.u32 @p0 s1  }
0x73: {  	s1 =	sadd.s32 $0x2, s0  }
0x74: {  	s20 =	sshll.u32 s1, $0x4  }
0x75: {  	s3 =	sand.u32 $0x3FFFFFF0, s20  }
0x76: {  	v5 =	vld [tilespmem:s3+$0x5E80];
	_ =	sdelay $0x4  }
0x77: {  	(xrf0) =	vadd.scan.msk.s32 $0xffff, v5;
	_ =	sdelay $0x5  }
0x78: {  	v5, _, _ =	vpop (xrf0)  }
0x79: {  	(v2sf) =	vpush v5, $0xF;
	_ =	sdelay $0xe  }
0x7a: {  	s21 =	spop (v2sf)  }
0x7b: {  	p0 =	sgt.s32 s21, $0x63  }
0x7c: {  	s0 =	smov.u32 @p0 s1  }
0x7d: {  	s1 =	sadd.s32 $0x1, s0  }
0x7e: {  	s28 =	sshll.u32 s1, $0x4  }
0x7f: {  	s3 =	sand.u32 $0x3FFFFFF0, s28  }
0x80: {  	v5 =	vld [tilespmem:s3+$0x5E80];
	_ =	sdelay $0x4  }
0x81: {  	(xrf0) =	vadd.scan.msk.s32 $0xffff, v5;
	_ =	sdelay $0x5  }
0x82: {  	v5, _, _ =	vpop (xrf0)  }
0x83: {  	(v2sf) =	vpush v5, $0xF;
	_ =	sdelay $0xe  }
0x84: {  	s29 =	spop (v2sf)  }
0x85: {  	p0 =	sgt.s32 s29, $0x63  }
0x86: {  	s0 =	smov.u32 @p0 s1  }
0x87: {  	s1 =	sshll.u32 s0, $0x4  }
0x88: {  	s1 =	sand.u32 $0x3FFFFFF0, s1  }
0x89: {  	s3 =	simm.s32 $0x0;
	v5 =	vld [tilespmem:s1+$0x5E90];
	s1 =	simm.s32 $0x40  }
.LBB2_9:
0x8a: {  	p0 =	sne.s32 s1, $0x3FC0;
	[tilespmem:s3+$0x4E80] =	vst v1;
	s3 =	smov.u32 s1;
	s1 =	sadd.s32 $0x40, s1  }
.Ltmp4:
0x8b: {  	(pc) =	sbr.rel @p0 .LBB2_9-.Ltmp4, $2  }
0x8c: {  	_ =	sdelay $0x2  }
0x8d: {  	s3 =	sshra.s32 s3, $0x2  }
0x8e: {  	s0 =	sshll.u32 s0, $0x18  }
0x8f: {  	s1 =	sshra.s32 s0, $0x18  }
0x90: {  	[tilespmem:s3+$0x4E80] =	vst v1;
	s3 =	simm.s32 $0x0;
	v6 =	vmov s1;
	s1 =	simm.s32 $0x40  }
.LBB2_11:
0x91: {  	p0 =	sne.s32 s1, $0x13840;
	v7 =	vld [tilespmem:s3+$0x0];
	_ =	sdelay $0x4  }
0x92: {  	v8 =	vshra.s32 v7, $0x18;
	v7 =	vshrl.u32 v7, $0xC  }
0x93: {  	vm0 =	veq.s32 v8, v6;
	v7 =	vand.u32 $0xFF0, v7  }
0x94: {  	v7 =	vor.u32 v2, v7  }
.Ltmp5:
0x95: {  	(pc) =	sbr.rel @p0 .LBB2_11-.Ltmp5, $2  }
0x96: {  	_ =	sdelay $0x2  }
0x97: {  	s3 =	sshra.s32 s1, $0x2;
	s1 =	sadd.s32 $0x40, s1;
	[tilespmem:v7+s18+$0x0] =	vst.idx.add.s32.msk vm0, v3  }
0x98: {  	v7 =	vld [tilespmem:s3+$0x0];
	_ =	sdelay $0x4  }
0x99: {  	v8 =	vshra.s32 v7, $0x18;
	v7 =	vshrl.u32 v7, $0xC  }
0x9a: {  	vm0 =	veq.s32 v8, v6;
	v6 =	vand.u32 $0xFF0, v7  }
0x9b: {  	v6 =	vor.u32 v2, v6;
	_ =	sdelay $0x4  }
0x9c: {  	[tilespmem:v6+s18+$0x0] =	vst.idx.add.s32.msk vm0, v3;
	v6 =	vimm.s32 $0x0  }
0x9d: {  	s1 =	simm.s32 $0xFF0;
	[tilespmem:$0x6E80] =	vst v6  }
0x9e: {  	s3 =	simm.s32 $0x3F80;
	v7 =	vld [tilespmem:s1+$0x4E80]  }
.LBB2_13:
0x9f: {  	p0 =	sne.s32 s3, $0x0  }
.Ltmp6:
0xa0: {  	_ = 	snop;
	(pc) =	sbr.rel @p0 .LBB2_13-.Ltmp6, $3  }
0xa1: {  	_ =	sdelay $0x1  }
0xa2: {  	s4 =	sshra.s32 s3, $0x2;
	s3 =	sadd.s32 $0xFFFFFFC0, s3;
	v6 =	vadd.s32 v6, v7  }
0xa3: {  	v7 =	vld [tilespmem:s4+$0x4E80];
	[tilespmem:s1+$0x5E80] =	vst v6;
	s1 =	smov.u32 s4  }
0xa4: {  	_ =	sdelay $0x3  }
0xa5: {  	v6 =	vadd.s32 v6, v7  }
0xa6: {  	[tilespmem:s1+$0x5E80] =	vst v6  }
0xa7: {  	v6 =	vld [tilespmem:$0x6680];
	_ =	sdelay $0x3  }
0xa8: {  	(xrf0) =	vadd.scan.msk.s32 $0xffff, v5  }
0xa9: {  	(xrf0) =	vadd.scan.msk.s32 $0xffff, v6;
	_ =	sdelay $0x4  }
0xaa: {  	v5, _, _ =	vpop (xrf0)  }
0xab: {  	(v2sf) =	vpush v5, $0xF;
	v5, _, _ =	vpop (xrf0)  }
0xac: {  	(v2sf) =	vpush v5, $0xF;
	_ =	sdelay $0xd  }
0xad: {  	s14 =	spop (v2sf)  }
0xae: {  	s1 =	ssub.s32 $0x64, s14;
	s3 =	spop (v2sf)  }
0xaf: {  	p0 =	slt.s32 s3, s1;
	s3 =	simm.s32 $0x0  }
0xb0: {  	s3 =	simm.s32 @!p0 $0x80  }
0xb1: {  	s4 =	sor.u32 $0x40, s3  }
0xb2: {  	s14 =	sshll.u32 s4, $0x4  }
0xb3: {  	v5 =	vld [tilespmem:s14+$0x5E80];
	_ =	sdelay $0x4  }
0xb4: {  	(xrf0) =	vadd.scan.msk.s32 $0xffff, v5;
	_ =	sdelay $0x5  }
0xb5: {  	v5, _, _ =	vpop (xrf0)  }
0xb6: {  	(v2sf) =	vpush v5, $0xF;
	_ =	sdelay $0xe  }
0xb7: {  	s15 =	spop (v2sf)  }
0xb8: {  	p0 =	slt.s32 s15, s1  }
0xb9: {  	s4 =	smov.u32 @p0 s3  }
0xba: {  	s3 =	sor.u32 $0x20, s4  }
0xbb: {  	s17 =	sshll.u32 s3, $0x4  }
0xbc: {  	v5 =	vld [tilespmem:s17+$0x5E80];
	_ =	sdelay $0x4  }
0xbd: {  	(xrf0) =	vadd.scan.msk.s32 $0xffff, v5;
	_ =	sdelay $0x5  }
0xbe: {  	v5, _, _ =	vpop (xrf0)  }
0xbf: {  	(v2sf) =	vpush v5, $0xF;
	_ =	sdelay $0xe  }
0xc0: {  	s20 =	spop (v2sf)  }
0xc1: {  	p0 =	slt.s32 s20, s1  }
0xc2: {  	s3 =	smov.u32 @p0 s4  }
0xc3: {  	s4 =	sor.u32 $0x10, s3  }
0xc4: {  	s21 =	sshll.u32 s4, $0x4  }
0xc5: {  	s14 =	sand.u32 $0x3FFFFFF0, s21  }
0xc6: {  	v5 =	vld [tilespmem:s14+$0x5E80];
	_ =	sdelay $0x4  }
0xc7: {  	(xrf0) =	vadd.scan.msk.s32 $0xffff, v5;
	_ =	sdelay $0x5  }
0xc8: {  	v5, _, _ =	vpop (xrf0)  }
0xc9: {  	(v2sf) =	vpush v5, $0xF;
	_ =	sdelay $0xe  }
0xca: {  	s28 =	spop (v2sf)  }
0xcb: {  	p0 =	slt.s32 s28, s1  }
0xcc: {  	s4 =	smov.u32 @p0 s3  }
0xcd: {  	s3 =	sadd.s32 $0x8, s4  }
0xce: {  	s29 =	sshll.u32 s3, $0x4  }
0xcf: {  	s14 =	sand.u32 $0x3FFFFFF0, s29  }
0xd0: {  	v5 =	vld [tilespmem:s14+$0x5E80];
	_ =	sdelay $0x4  }
0xd1: {  	(xrf0) =	vadd.scan.msk.s32 $0xffff, v5;
	_ =	sdelay $0x5  }
0xd2: {  	v5, _, _ =	vpop (xrf0)  }
0xd3: {  	(v2sf) =	vpush v5, $0xF;
	_ =	sdelay $0xe  }
0xd4: {  	s5 =	spop (v2sf)  }
0xd5: {  	p0 =	slt.s32 s5, s1  }
0xd6: {  	s3 =	smov.u32 @p0 s4  }
0xd7: {  	s4 =	sadd.s32 $0x4, s3  }
0xd8: {  	s7 =	sshll.u32 s4, $0x4  }
0xd9: {  	s14 =	sand.u32 $0x3FFFFFF0, s7  }
0xda: {  	v5 =	vld [tilespmem:s14+$0x5E80];
	_ =	sdelay $0x4  }
0xdb: {  	(xrf0) =	vadd.scan.msk.s32 $0xffff, v5;
	_ =	sdelay $0x5  }
0xdc: {  	v5, _, _ =	vpop (xrf0)  }
0xdd: {  	(v2sf) =	vpush v5, $0xF;
	_ =	sdelay $0xe  }
0xde: {  	s15 =	spop (v2sf)  }
0xdf: {  	p0 =	slt.s32 s15, s1  }
0xe0: {  	s4 =	smov.u32 @p0 s3  }
0xe1: {  	s14 =	sadd.s32 $0x2, s4  }
0xe2: {  	s17 =	sshll.u32 s14, $0x4  }
0xe3: {  	s3 =	sand.u32 $0x3FFFFFF0, s17  }
0xe4: {  	v5 =	vld [tilespmem:s3+$0x5E80];
	_ =	sdelay $0x4  }
0xe5: {  	(xrf0) =	vadd.scan.msk.s32 $0xffff, v5;
	_ =	sdelay $0x5  }
0xe6: {  	v5, _, _ =	vpop (xrf0)  }
0xe7: {  	(v2sf) =	vpush v5, $0xF;
	_ =	sdelay $0xe  }
0xe8: {  	s20 =	spop (v2sf)  }
0xe9: {  	p0 =	slt.s32 s20, s1  }
0xea: {  	s14 =	smov.u32 @p0 s4  }
0xeb: {  	s3 =	sadd.s32 $0x1, s14  }
0xec: {  	s21 =	sshll.u32 s3, $0x4  }
0xed: {  	s4 =	sand.u32 $0x3FFFFFF0, s21  }
0xee: {  	v5 =	vld [tilespmem:s4+$0x5E80];
	_ =	sdelay $0x4  }
0xef: {  	(xrf0) =	vadd.scan.msk.s32 $0xffff, v5;
	_ =	sdelay $0x5  }
0xf0: {  	v5, _, _ =	vpop (xrf0)  }
0xf1: {  	(v2sf) =	vpush v5, $0xF;
	_ =	sdelay $0xe  }
0xf2: {  	s28 =	spop (v2sf)  }
0xf3: {  	p0 =	slt.s32 s28, s1  }
0xf4: {  	s3 =	smov.u32 @p0 s14  }
0xf5: {  	s29 =	sshll.u32 s3, $0x4  }
0xf6: {  	s4 =	sand.u32 $0x3FFFFFF0, s29  }
0xf7: {  	s14 =	simm.s32 $0x0;
	v5 =	vld [tilespmem:s4+$0x5E90];
	s4 =	simm.s32 $0x40  }
.LBB2_15:
0xf8: {  	p0 =	sne.s32 s4, $0x3FC0;
	[tilespmem:s14+$0x4E80] =	vst v1;
	s14 =	smov.u32 s4;
	s4 =	sadd.s32 $0x40, s4  }
.Ltmp7:
0xf9: {  	(pc) =	sbr.rel @p0 .LBB2_15-.Ltmp7, $2  }
0xfa: {  	_ =	sdelay $0x2  }
0xfb: {  	s14 =	sshra.s32 s14, $0x2  }
0xfc: {  	s3 =	sshll.u32 s3, $0x10  }
0xfd: {  	s0 =	sor.u32 s0, s3  }
0xfe: {  	s3 =	sshra.s32 s0, $0x10  }
0xff: {  	[tilespmem:s14+$0x4E80] =	vst v1;
	s4 =	simm.s32 $0x0;
	v6 =	vmov s3;
	s3 =	simm.s32 $0x40  }
.LBB2_17:
0x100: {  	p0 =	sne.s32 s3, $0x13840;
	v7 =	vld [tilespmem:s4+$0x0];
	_ =	sdelay $0x4  }
0x101: {  	v8 =	vshra.s32 v7, $0x10;
	v7 =	vshrl.u32 v7, $0x4  }
0x102: {  	vm0 =	veq.s32 v8, v6;
	v7 =	vand.u32 $0xFF0, v7  }
0x103: {  	v7 =	vor.u32 v2, v7  }
.Ltmp8:
0x104: {  	(pc) =	sbr.rel @p0 .LBB2_17-.Ltmp8, $2  }
0x105: {  	_ =	sdelay $0x2  }
0x106: {  	s4 =	sshra.s32 s3, $0x2;
	s3 =	sadd.s32 $0x40, s3;
	[tilespmem:v7+s18+$0x0] =	vst.idx.add.s32.msk vm0, v3  }
0x107: {  	v7 =	vld [tilespmem:s4+$0x0];
	_ =	sdelay $0x4  }
0x108: {  	v8 =	vshra.s32 v7, $0x10;
	v7 =	vshrl.u32 v7, $0x4  }
0x109: {  	vm0 =	veq.s32 v8, v6;
	v6 =	vand.u32 $0xFF0, v7  }
0x10a: {  	v6 =	vor.u32 v2, v6;
	_ =	sdelay $0x4  }
0x10b: {  	[tilespmem:v6+s18+$0x0] =	vst.idx.add.s32.msk vm0, v3;
	v6 =	vimm.s32 $0x0  }
0x10c: {  	s3 =	simm.s32 $0xFF0;
	[tilespmem:$0x6E80] =	vst v6  }
0x10d: {  	s4 =	simm.s32 $0x3F80;
	v7 =	vld [tilespmem:s3+$0x4E80]  }
.LBB2_19:
0x10e: {  	p0 =	sne.s32 s4, $0x0  }
.Ltmp9:
0x10f: {  	_ = 	snop;
	(pc) =	sbr.rel @p0 .LBB2_19-.Ltmp9, $3  }
0x110: {  	_ =	sdelay $0x1  }
0x111: {  	s14 =	sshra.s32 s4, $0x2;
	s4 =	sadd.s32 $0xFFFFFFC0, s4;
	v6 =	vadd.s32 v6, v7  }
0x112: {  	v7 =	vld [tilespmem:s14+$0x4E80];
	[tilespmem:s3+$0x5E80] =	vst v6;
	s3 =	smov.u32 s14  }
0x113: {  	_ =	sdelay $0x3  }
0x114: {  	v6 =	vadd.s32 v6, v7  }
0x115: {  	[tilespmem:s3+$0x5E80] =	vst v6  }
0x116: {  	v6 =	vld [tilespmem:$0x6680];
	_ =	sdelay $0x3  }
0x117: {  	(xrf0) =	vadd.scan.msk.s32 $0xffff, v5  }
0x118: {  	(xrf0) =	vadd.scan.msk.s32 $0xffff, v6;
	_ =	sdelay $0x4  }
0x119: {  	v5, _, _ =	vpop (xrf0)  }
0x11a: {  	(v2sf) =	vpush v5, $0xF;
	v5, _, _ =	vpop (xrf0)  }
0x11b: {  	(v2sf) =	vpush v5, $0xF;
	_ =	sdelay $0xd  }
0x11c: {  	s7 =	spop (v2sf)  }
0x11d: {  	s1 =	ssub.s32 s1, s7;
	s14 =	spop (v2sf)  }
0x11e: {  	s3 =	simm.s32 $0x0;
	p0 =	slt.s32 s14, s1  }
0x11f: {  	s3 =	simm.s32 @!p0 $0x80  }
0x120: {  	s4 =	sor.u32 $0x40, s3  }
0x121: {  	s14 =	sshll.u32 s4, $0x4  }
0x122: {  	v5 =	vld [tilespmem:s14+$0x5E80];
	_ =	sdelay $0x4  }
0x123: {  	(xrf0) =	vadd.scan.msk.s32 $0xffff, v5;
	_ =	sdelay $0x5  }
0x124: {  	v5, _, _ =	vpop (xrf0)  }
0x125: {  	(v2sf) =	vpush v5, $0xF;
	_ =	sdelay $0xe  }
0x126: {  	s15 =	spop (v2sf)  }
0x127: {  	p0 =	slt.s32 s15, s1  }
0x128: {  	s4 =	smov.u32 @p0 s3  }
0x129: {  	s3 =	sor.u32 $0x20, s4  }
0x12a: {  	s17 =	sshll.u32 s3, $0x4  }
0x12b: {  	v5 =	vld [tilespmem:s17+$0x5E80];
	_ =	sdelay $0x4  }
0x12c: {  	(xrf0) =	vadd.scan.msk.s32 $0xffff, v5;
	_ =	sdelay $0x5  }
0x12d: {  	v5, _, _ =	vpop (xrf0)  }
0x12e: {  	(v2sf) =	vpush v5, $0xF;
	_ =	sdelay $0xe  }
0x12f: {  	s20 =	spop (v2sf)  }
0x130: {  	p0 =	slt.s32 s20, s1  }
0x131: {  	s3 =	smov.u32 @p0 s4  }
0x132: {  	s4 =	sor.u32 $0x10, s3  }
0x133: {  	s21 =	sshll.u32 s4, $0x4  }
0x134: {  	s14 =	sand.u32 $0x3FFFFFF0, s21  }
0x135: {  	v5 =	vld [tilespmem:s14+$0x5E80];
	_ =	sdelay $0x4  }
0x136: {  	(xrf0) =	vadd.scan.msk.s32 $0xffff, v5;
	_ =	sdelay $0x5  }
0x137: {  	v5, _, _ =	vpop (xrf0)  }
0x138: {  	(v2sf) =	vpush v5, $0xF;
	_ =	sdelay $0xe  }
0x139: {  	s28 =	spop (v2sf)  }
0x13a: {  	p0 =	slt.s32 s28, s1  }
0x13b: {  	s4 =	smov.u32 @p0 s3  }
0x13c: {  	s3 =	sadd.s32 $0x8, s4  }
0x13d: {  	s29 =	sshll.u32 s3, $0x4  }
0x13e: {  	s14 =	sand.u32 $0x3FFFFFF0, s29  }
0x13f: {  	v5 =	vld [tilespmem:s14+$0x5E80];
	_ =	sdelay $0x4  }
0x140: {  	(xrf0) =	vadd.scan.msk.s32 $0xffff, v5;
	_ =	sdelay $0x5  }
0x141: {  	v5, _, _ =	vpop (xrf0)  }
0x142: {  	(v2sf) =	vpush v5, $0xF;
	_ =	sdelay $0xe  }
0x143: {  	s5 =	spop (v2sf)  }
0x144: {  	p0 =	slt.s32 s5, s1  }
0x145: {  	s3 =	smov.u32 @p0 s4  }
0x146: {  	s4 =	sadd.s32 $0x4, s3  }
0x147: {  	s7 =	sshll.u32 s4, $0x4  }
0x148: {  	s14 =	sand.u32 $0x3FFFFFF0, s7  }
0x149: {  	v5 =	vld [tilespmem:s14+$0x5E80];
	_ =	sdelay $0x4  }
0x14a: {  	(xrf0) =	vadd.scan.msk.s32 $0xffff, v5;
	_ =	sdelay $0x5  }
0x14b: {  	v5, _, _ =	vpop (xrf0)  }
0x14c: {  	(v2sf) =	vpush v5, $0xF;
	_ =	sdelay $0xe  }
0x14d: {  	s15 =	spop (v2sf)  }
0x14e: {  	p0 =	slt.s32 s15, s1  }
0x14f: {  	s4 =	smov.u32 @p0 s3  }
0x150: {  	s14 =	sadd.s32 $0x2, s4  }
0x151: {  	s17 =	sshll.u32 s14, $0x4  }
0x152: {  	s3 =	sand.u32 $0x3FFFFFF0, s17  }
0x153: {  	v5 =	vld [tilespmem:s3+$0x5E80];
	_ =	sdelay $0x4  }
0x154: {  	(xrf0) =	vadd.scan.msk.s32 $0xffff, v5;
	_ =	sdelay $0x5  }
0x155: {  	v5, _, _ =	vpop (xrf0)  }
0x156: {  	(v2sf) =	vpush v5, $0xF;
	_ =	sdelay $0xe  }
0x157: {  	s20 =	spop (v2sf)  }
0x158: {  	p0 =	slt.s32 s20, s1  }
0x159: {  	s14 =	smov.u32 @p0 s4  }
0x15a: {  	s3 =	sadd.s32 $0x1, s14  }
0x15b: {  	s21 =	sshll.u32 s3, $0x4  }
0x15c: {  	s4 =	sand.u32 $0x3FFFFFF0, s21  }
0x15d: {  	v5 =	vld [tilespmem:s4+$0x5E80];
	_ =	sdelay $0x4  }
0x15e: {  	(xrf0) =	vadd.scan.msk.s32 $0xffff, v5;
	_ =	sdelay $0x5  }
0x15f: {  	v5, _, _ =	vpop (xrf0)  }
0x160: {  	(v2sf) =	vpush v5, $0xF;
	_ =	sdelay $0xe  }
0x161: {  	s28 =	spop (v2sf)  }
0x162: {  	p0 =	slt.s32 s28, s1  }
0x163: {  	s3 =	smov.u32 @p0 s14  }
0x164: {  	s29 =	sshll.u32 s3, $0x4  }
0x165: {  	s4 =	sand.u32 $0x3FFFFFF0, s29  }
0x166: {  	s14 =	simm.s32 $0x0;
	v5 =	vld [tilespmem:s4+$0x5E90];
	s4 =	simm.s32 $0x40  }
.LBB2_21:
0x167: {  	p0 =	sne.s32 s4, $0x3FC0;
	[tilespmem:s14+$0x4E80] =	vst v1;
	s14 =	smov.u32 s4;
	s4 =	sadd.s32 $0x40, s4  }
.Ltmp10:
0x168: {  	(pc) =	sbr.rel @p0 .LBB2_21-.Ltmp10, $2  }
0x169: {  	_ =	sdelay $0x2  }
0x16a: {  	s14 =	sshra.s32 s14, $0x2  }
0x16b: {  	s3 =	sshll.u32 s3, $0x8  }
0x16c: {  	s0 =	sor.u32 s0, s3  }
0x16d: {  	s3 =	sshra.s32 s0, $0x8  }
0x16e: {  	[tilespmem:s14+$0x4E80] =	vst v1;
	s4 =	simm.s32 $0x0;
	v6 =	vmov s3;
	s3 =	simm.s32 $0x40  }
.LBB2_23:
0x16f: {  	p0 =	sne.s32 s3, $0x13840;
	v7 =	vld [tilespmem:s4+$0x0];
	_ =	sdelay $0x4  }
0x170: {  	v8 =	vshra.s32 v7, $0x8;
	v7 =	vshll.u32 v7, $0x4  }
0x171: {  	vm0 =	veq.s32 v8, v6;
	v7 =	vor.u32 v2, v7  }
0x172: {  	v7 =	vand.u32 $0xFFF, v7  }
.Ltmp11:
0x173: {  	(pc) =	sbr.rel @p0 .LBB2_23-.Ltmp11, $2  }
0x174: {  	_ =	sdelay $0x2  }
0x175: {  	s4 =	sshra.s32 s3, $0x2;
	s3 =	sadd.s32 $0x40, s3;
	[tilespmem:v7+s18+$0x0] =	vst.idx.add.s32.msk vm0, v3  }
0x176: {  	v7 =	vld [tilespmem:s4+$0x0];
	_ =	sdelay $0x4  }
0x177: {  	v8 =	vshra.s32 v7, $0x8;
	v7 =	vshll.u32 v7, $0x4  }
0x178: {  	vm0 =	veq.s32 v8, v6;
	v6 =	vor.u32 v2, v7  }
0x179: {  	v6 =	vand.u32 $0xFFF, v6;
	_ =	sdelay $0x4  }
0x17a: {  	[tilespmem:v6+s18+$0x0] =	vst.idx.add.s32.msk vm0, v3;
	v6 =	vimm.s32 $0x0  }
0x17b: {  	s3 =	simm.s32 $0xFF0;
	[tilespmem:$0x6E80] =	vst v6  }
0x17c: {  	s4 =	simm.s32 $0x3F80;
	v7 =	vld [tilespmem:s3+$0x4E80]  }
.LBB2_25:
0x17d: {  	p0 =	sne.s32 s4, $0x0  }
.Ltmp12:
0x17e: {  	_ = 	snop;
	(pc) =	sbr.rel @p0 .LBB2_25-.Ltmp12, $3  }
0x17f: {  	_ =	sdelay $0x1  }
0x180: {  	s14 =	sshra.s32 s4, $0x2;
	s4 =	sadd.s32 $0xFFFFFFC0, s4;
	v6 =	vadd.s32 v6, v7  }
0x181: {  	v7 =	vld [tilespmem:s14+$0x4E80];
	[tilespmem:s3+$0x5E80] =	vst v6;
	s3 =	smov.u32 s14  }
0x182: {  	_ =	sdelay $0x3  }
0x183: {  	v6 =	vadd.s32 v6, v7  }
0x184: {  	[tilespmem:s3+$0x5E80] =	vst v6  }
0x185: {  	v6 =	vld [tilespmem:$0x6680];
	_ =	sdelay $0x3  }
0x186: {  	(xrf0) =	vadd.scan.msk.s32 $0xffff, v5  }
0x187: {  	(xrf0) =	vadd.scan.msk.s32 $0xffff, v6;
	_ =	sdelay $0x4  }
0x188: {  	v5, _, _ =	vpop (xrf0)  }
0x189: {  	(v2sf) =	vpush v5, $0xF;
	v5, _, _ =	vpop (xrf0)  }
0x18a: {  	(v2sf) =	vpush v5, $0xF;
	_ =	sdelay $0xd  }
0x18b: {  	s5 =	spop (v2sf)  }
0x18c: {  	s14 =	ssub.s32 s1, s5;
	s7 =	spop (v2sf)  }
0x18d: {  	s1 =	simm.s32 $0x0;
	p0 =	slt.s32 s7, s14  }
0x18e: {  	s1 =	simm.s32 @!p0 $0x80  }
0x18f: {  	s3 =	sor.u32 $0x40, s1  }
0x190: {  	s4 =	sshll.u32 s3, $0x4  }
0x191: {  	v5 =	vld [tilespmem:s4+$0x5E80];
	_ =	sdelay $0x4  }
0x192: {  	(xrf0) =	vadd.scan.msk.s32 $0xffff, v5;
	_ =	sdelay $0x5  }
0x193: {  	v5, _, _ =	vpop (xrf0)  }
0x194: {  	(v2sf) =	vpush v5, $0xF;
	_ =	sdelay $0xe  }
0x195: {  	s15 =	spop (v2sf)  }
0x196: {  	p0 =	slt.s32 s15, s14  }
0x197: {  	s3 =	smov.u32 @p0 s1  }
0x198: {  	s1 =	sor.u32 $0x20, s3  }
0x199: {  	s17 =	sshll.u32 s1, $0x4  }
0x19a: {  	v5 =	vld [tilespmem:s17+$0x5E80];
	_ =	sdelay $0x4  }
0x19b: {  	(xrf0) =	vadd.scan.msk.s32 $0xffff, v5;
	_ =	sdelay $0x5  }
0x19c: {  	v5, _, _ =	vpop (xrf0)  }
0x19d: {  	(v2sf) =	vpush v5, $0xF;
	_ =	sdelay $0xe  }
0x19e: {  	s20 =	spop (v2sf)  }
0x19f: {  	p0 =	slt.s32 s20, s14  }
0x1a0: {  	s1 =	smov.u32 @p0 s3  }
0x1a1: {  	s3 =	sor.u32 $0x10, s1  }
0x1a2: {  	s21 =	sshll.u32 s3, $0x4  }
0x1a3: {  	s4 =	sand.u32 $0x3FFFFFF0, s21  }
0x1a4: {  	v5 =	vld [tilespmem:s4+$0x5E80];
	_ =	sdelay $0x4  }
0x1a5: {  	(xrf0) =	vadd.scan.msk.s32 $0xffff, v5;
	_ =	sdelay $0x5  }
0x1a6: {  	v5, _, _ =	vpop (xrf0)  }
0x1a7: {  	(v2sf) =	vpush v5, $0xF;
	_ =	sdelay $0xe  }
0x1a8: {  	s28 =	spop (v2sf)  }
0x1a9: {  	p0 =	slt.s32 s28, s14  }
0x1aa: {  	s3 =	smov.u32 @p0 s1  }
0x1ab: {  	s1 =	sadd.s32 $0x8, s3  }
0x1ac: {  	s29 =	sshll.u32 s1, $0x4  }
0x1ad: {  	s4 =	sand.u32 $0x3FFFFFF0, s29  }
0x1ae: {  	v5 =	vld [tilespmem:s4+$0x5E80];
	_ =	sdelay $0x4  }
0x1af: {  	(xrf0) =	vadd.scan.msk.s32 $0xffff, v5;
	_ =	sdelay $0x5  }
0x1b0: {  	v5, _, _ =	vpop (xrf0)  }
0x1b1: {  	(v2sf) =	vpush v5, $0xF;
	_ =	sdelay $0xe  }
0x1b2: {  	s5 =	spop (v2sf)  }
0x1b3: {  	p0 =	slt.s32 s5, s14  }
0x1b4: {  	s1 =	smov.u32 @p0 s3  }
0x1b5: {  	s3 =	sadd.s32 $0x4, s1  }
0x1b6: {  	s7 =	sshll.u32 s3, $0x4  }
0x1b7: {  	s4 =	sand.u32 $0x3FFFFFF0, s7  }
0x1b8: {  	v5 =	vld [tilespmem:s4+$0x5E80];
	_ =	sdelay $0x4  }
0x1b9: {  	(xrf0) =	vadd.scan.msk.s32 $0xffff, v5;
	_ =	sdelay $0x5  }
0x1ba: {  	v5, _, _ =	vpop (xrf0)  }
0x1bb: {  	(v2sf) =	vpush v5, $0xF;
	_ =	sdelay $0xe  }
0x1bc: {  	s15 =	spop (v2sf)  }
0x1bd: {  	p0 =	slt.s32 s15, s14  }
0x1be: {  	s3 =	smov.u32 @p0 s1  }
0x1bf: {  	s1 =	sadd.s32 $0x2, s3  }
0x1c0: {  	s17 =	sshll.u32 s1, $0x4  }
0x1c1: {  	s4 =	sand.u32 $0x3FFFFFF0, s17  }
0x1c2: {  	v5 =	vld [tilespmem:s4+$0x5E80];
	_ =	sdelay $0x4  }
0x1c3: {  	(xrf0) =	vadd.scan.msk.s32 $0xffff, v5;
	_ =	sdelay $0x5  }
0x1c4: {  	v5, _, _ =	vpop (xrf0)  }
0x1c5: {  	(v2sf) =	vpush v5, $0xF;
	_ =	sdelay $0xe  }
0x1c6: {  	s20 =	spop (v2sf)  }
0x1c7: {  	p0 =	slt.s32 s20, s14  }
0x1c8: {  	s1 =	smov.u32 @p0 s3  }
0x1c9: {  	s3 =	sadd.s32 $0x1, s1  }
0x1ca: {  	s21 =	sshll.u32 s3, $0x4  }
0x1cb: {  	s4 =	sand.u32 $0x3FFFFFF0, s21  }
0x1cc: {  	v5 =	vld [tilespmem:s4+$0x5E80];
	_ =	sdelay $0x4  }
0x1cd: {  	(xrf0) =	vadd.scan.msk.s32 $0xffff, v5;
	_ =	sdelay $0x5  }
0x1ce: {  	v5, _, _ =	vpop (xrf0)  }
0x1cf: {  	(v2sf) =	vpush v5, $0xF;
	_ =	sdelay $0xe  }
0x1d0: {  	s28 =	spop (v2sf)  }
0x1d1: {  	p0 =	slt.s32 s28, s14  }
0x1d2: {  	s3 =	smov.u32 @p0 s1  }
0x1d3: {  	s1 =	sshll.u32 s3, $0x4  }
0x1d4: {  	s1 =	sand.u32 $0x3FFFFFF0, s1  }
0x1d5: {  	v5 =	vld [tilespmem:s1+$0x5E90];
	_ =	sdelay $0x4  }
0x1d6: {  	(xrf0) =	vadd.scan.msk.s32 $0xffff, v5;
	_ =	sdelay $0x5  }
0x1d7: {  	v5, _, _ =	vpop (xrf0)  }
0x1d8: {  	(v2sf) =	vpush v5, $0xF  }
0x1d9: {  	[tilespmem:$0x6F60] =	vst v1  }
0x1da: {  	s1 =	simm.s32 $0x0;
	[tilespmem:$0x6F70] =	vst v1  }
0x1db: {  	v6 =	vld [tilespmem:s1+$0x0];
	_ =	sdelay $0x2  }
0x1dc: {  	s0 =	sor.u32 s0, s3  }
0x1dd: {  	v5 =	vmov s0  }
0x1de: {  	vm0 =	veq.s32 v6, v5  }
0x1df: {  	v7 =	vsel vm0, $0x1, v1  }
0x1e0: {  	(xrf0) =	vadd.scan.msk.s32 $0xffff, v7;
	_ =	sdelay $0x4  }
0x1e1: {  	s29 =	spop (v2sf)  }
0x1e2: {  	v7, _, _ =	vpop (xrf0);
	s14 =	ssub.s32 s14, s29  }
0x1e3: {  	vm1 =	vle.s32 v7, s14  }
0x1e4: {  	vm2 =	vgt.s32 v6, v5;
	vm0 =	vmand vm0, vm1  }
0x1e5: {  	vm1 =	vmor vm2, vm0;
	v6 =	vsel vm0, $0x1, v1  }
0x1e6: {  	v7 =	vsel vm1, $0x1, v1;
	(xrf0) =	vadd.scan.msk.s32 $0xffff, v6  }
0x1e7: {  	(xrf0) =	vadd.scan.msk.s32 $0xffff, v7;
	_ =	sdelay $0x2  }
0x1e8: {  	v6 =	vor.u32 s1, v2;
	_ =	sdelay $0x1  }
0x1e9: {  	v7, _, _ =	vpop (xrf0)  }
0x1ea: {  	[tilespmem:s1+$0x6F00] =	vst.msk vm1, v6;
	v6, _, _ =	vpop (xrf0);
	(v2sf) =	vpush v7, $0xF  }
0x1eb: {  	(v2sf) =	vpush v6, $0xF  }
0x1ec: {  	s0 =	simm.s32 $0x10  }
0x1ed: {  	s4 =	simm.s32 $0x10;
	s3 =	simm.s32 $0x20;
	v6 =	vld [tilespmem:s0+$0x0]  }
.LBB2_27:
0x1ee: {  	p0 =	sne.s32 s3, $0x4E10;
	_ =	sdelay $0x3  }
0x1ef: {  	vm0 =	veq.s32 v6, v5  }
0x1f0: {  	v7 =	vsel vm0, $0x1, v1  }
0x1f1: {  	(xrf0) =	vadd.scan.msk.s32 $0xffff, v7;
	_ =	sdelay $0x4  }
0x1f2: {  	s15 =	spop (v2sf)  }
0x1f3: {  	v7, _, _ =	vpop (xrf0);
	s14 =	ssub.s32 s14, s15;
	s15 =	spop (v2sf)  }
0x1f4: {  	vm1 =	vle.s32 v7, s14;
	s1 =	sadd.s32 s1, s15  }
0x1f5: {  	vm2 =	vgt.s32 v6, v5;
	vm0 =	vmand vm0, vm1  }
0x1f6: {  	v6 =	vor.u32 s0, v2;
	s0 =	smov.u32 s3;
	vm1 =	vmor vm2, vm0;
	v7 =	vsel vm0, $0x1, v1  }
0x1f7: {  	[tilespmem:s1+$0x6F00] =	vst.msk vm1, v6;
	v6 =	vsel vm1, $0x1, v1;
	(xrf0) =	vadd.scan.msk.s32 $0xffff, v7  }
0x1f8: {  	(xrf0) =	vadd.scan.msk.s32 $0xffff, v6;
	_ =	sdelay $0x4  }
.Ltmp13:
0x1f9: {  	v6, _, _ =	vpop (xrf0);
	(pc) =	sbr.rel @p0 .LBB2_27-.Ltmp13, $4  }
0x1fa: {  	v7, _, _ =	vpop (xrf0);
	(v2sf) =	vpush v6, $0xF  }
0x1fb: {  	(v2sf) =	vpush v7, $0xF  }
0x1fc: {  	s4 =	sadd.s32 $0x10, s4  }
0x1fd: {  	s3 =	sadd.s32 $0x10, s3;
	v6 =	vld [tilespmem:s4+$0x0]  }
0x1fe: {  	_ =	sdelay $0x3  }
0x1ff: {  	vm0 =	veq.s32 v6, v5  }
0x200: {  	v7 =	vsel vm0, $0x1, v1  }
0x201: {  	(xrf0) =	vadd.scan.msk.s32 $0xffff, v7;
	_ =	sdelay $0x4  }
0x202: {  	s3 =	spop (v2sf)  }
0x203: {  	v7, _, _ =	vpop (xrf0);
	s3 =	ssub.s32 s14, s3  }
0x204: {  	vm1 =	vle.s32 v7, s3  }
0x205: {  	vm0 =	vmand vm0, vm1  }
0x206: {  	vm2 =	vgt.s32 v6, v5;
	v5 =	vsel vm0, $0x1, v1  }
0x207: {  	vm1 =	vmor vm2, vm0;
	(xrf0) =	vadd.scan.msk.s32 $0xffff, v5  }
0x208: {  	v6 =	vsel vm1, $0x1, v1  }
0x209: {  	(xrf0) =	vadd.scan.msk.s32 $0xffff, v6;
	_ =	sdelay $0x3  }
0x20a: {  	v5, _, _ =	vpop (xrf0)  }
0x20b: {  	s17 =	spop (v2sf);
	(v2sf) =	vpush v5, $0xF  }
0x20c: {  	s1 =	sadd.s32 s1, s17;
	v6, _, _ =	vpop (xrf0);
	v5 =	vor.u32 s0, v2  }
0x20d: {  	(v2sf) =	vpush v6, $0xF;
	[tilespmem:s1+$0x6F00] =	vst.msk vm1, v5  }
0x20e: {  	v5 =	vld [tilespmem:$0x6F00]  }
0x20f: {  	v6 =	vld [tilespmem:$0x6F10]  }
0x210: {  	v7 =	vld [tilespmem:$0x6F20]  }
0x211: {  	v8 =	vld [tilespmem:$0x6F30]  }
0x212: {  	v9 =	vld [tilespmem:$0x6F40]  }
0x213: {  	v10 =	vld [tilespmem:$0x6F50];
	v5 =	vadd.s32 v0, v5  }
0x214: {  	[tilespmem:$0x6F80] =	vst v5;
	v5 =	vadd.s32 v0, v6;
	v6 =	vld [tilespmem:$0x6F60]  }
0x215: {  	[tilespmem:$0x6F90] =	vst v5;
	v5 =	vadd.s32 v0, v7  }
0x216: {  	[tilespmem:$0x6FA0] =	vst v5;
	v5 =	vadd.s32 v0, v8  }
0x217: {  	[tilespmem:$0x6FB0] =	vst v5;
	v5 =	vadd.s32 v0, v9  }
0x218: {  	[tilespmem:$0x6FC0] =	vst v5;
	v5 =	vadd.s32 v0, v10  }
0x219: {  	s28 =	simm.s32 $0x6F80;
	[tilespmem:$0x6FD0] =	vst v5;
	v5 =	vadd.s32 v0, v6  }
0x21a: {  	s29 =	simm.s32 $0x7000;
	s0 =	rddreg [dreg:$0x6];
	[tilespmem:$0x6FE0] =	vst v5;
	s20 =	spop (v2sf)  }
0x21b: {  	[tilespmem:s29], [sflag:$0x1] =	stream.indirect.gather [hbm4b:s0+s19], $0x80, s28, s19, $0xb8;
	[tilespmem:$0xAD80] =	vst v63  }
0x21c: {  	s21 =	spop (v2sf)  }
0x21d: {  	_ =	swait.ge [sflag:s22], $0x3800  }
0x21e: {  	[sflag:s22] =	ssyncset.done $0x0  }
0x21f: {  	s1 =	simm.s32 $0x0;
	s0 =	simm.s32 $0x40;
	[sflag:s22] =	ssyncadd.s32 $0xFFFFC800  }
.LBB2_29:
0x220: {  	p0 =	sne.s32 s0, $0x3FC0;
	[tilespmem:s1+$0x4E80] =	vst v1;
	s1 =	smov.u32 s0;
	s0 =	sadd.s32 $0x40, s0  }
.Ltmp14:
0x221: {  	(pc) =	sbr.rel @p0 .LBB2_29-.Ltmp14, $2  }
0x222: {  	_ =	sdelay $0x2  }
0x223: {  	s1 =	sshra.s32 s1, $0x2  }
0x224: {  	[tilespmem:s1+$0x4E80] =	vst v1;
	s0 =	simm.s32 $0x0  }
0x225: {  	v5 =	vld [tilespmem:s0+$0x7000]  }
0x226: {  	v6 =	vld [tilespmem:s0+$0x7010]  }
0x227: {  	v7 =	vld [tilespmem:s0+$0x7020]  }
0x228: {  	v8 =	vld [tilespmem:s0+$0x7030]  }
0x229: {  	v9 =	vld [tilespmem:s0+$0x7040]  }
0x22a: {  	v10 =	vld [tilespmem:s0+$0x7050];
	v5 =	vshrl.u32 v5, $0x14  }
0x22b: {  	v6 =	vshrl.u32 v6, $0x14;
	v5 =	vand.u32 $0xFF0, v5  }
0x22c: {  	v11 =	vld [tilespmem:s0+$0x7060];
	v7 =	vshrl.u32 v7, $0x14;
	v6 =	vand.u32 $0xFF0, v6;
	v5 =	vor.u32 v2, v5  }
0x22d: {  	v8 =	vshrl.u32 v8, $0x14;
	v7 =	vand.u32 $0xFF0, v7;
	v6 =	vor.u32 v2, v6  }
0x22e: {  	v9 =	vshrl.u32 v9, $0x14;
	v8 =	vand.u32 $0xFF0, v8;
	v7 =	vor.u32 v2, v7  }
0x22f: {  	v10 =	vshrl.u32 v10, $0x14;
	v9 =	vand.u32 $0xFF0, v9;
	v8 =	vor.u32 v2, v8  }
0x230: {  	v10 =	vand.u32 $0xFF0, v10;
	v9 =	vor.u32 v2, v9  }
0x231: {  	v10 =	vor.u32 v2, v10;
	[tilespmem:v5+s18+$0x0] =	vst.idx.add.s32.msk $0xffff, v3;
	v5 =	vshrl.u32 v11, $0x14  }
0x232: {  	[tilespmem:v6+s18+$0x0] =	vst.idx.add.s32.msk $0xffff, v3;
	v5 =	vand.u32 $0xFF0, v5  }
0x233: {  	[tilespmem:v7+s18+$0x0] =	vst.idx.add.s32.msk $0xffff, v3;
	v5 =	vor.u32 v2, v5  }
0x234: {  	[tilespmem:v8+s18+$0x0] =	vst.idx.add.s32.msk $0xffff, v3  }
0x235: {  	[tilespmem:v9+s18+$0x0] =	vst.idx.add.s32.msk $0xffff, v3  }
0x236: {  	s1 =	simm.s32 $0x400;
	s0 =	simm.s32 $0x200;
	[tilespmem:v10+s18+$0x0] =	vst.idx.add.s32.msk $0xffff, v3  }
.LBB2_31:
0x237: {  	p0 =	sne.s32 s1, $0xC600  }
0x238: {  	s3 =	sshra.s32 s0, $0x2;
	[tilespmem:v5+s18+$0x0] =	vst.idx.add.s32.msk $0xf, v3;
	s0 =	smov.u32 s1;
	s1 =	sadd.s32 $0x200, s1  }
0x239: {  	v5 =	vld [tilespmem:s3+$0x7000]  }
0x23a: {  	v6 =	vld [tilespmem:s3+$0x7010]  }
0x23b: {  	v7 =	vld [tilespmem:s3+$0x7020]  }
0x23c: {  	v8 =	vld [tilespmem:s3+$0x7030]  }
0x23d: {  	v9 =	vld [tilespmem:s3+$0x7040]  }
0x23e: {  	v10 =	vld [tilespmem:s3+$0x7050];
	v5 =	vshrl.u32 v5, $0x14  }
0x23f: {  	v11 =	vld [tilespmem:s3+$0x7060];
	v5 =	vand.u32 $0xFF0, v5;
	v6 =	vshrl.u32 v6, $0x14  }
0x240: {  	v5 =	vor.u32 v2, v5;
	v6 =	vand.u32 $0xFF0, v6;
	v7 =	vshrl.u32 v7, $0x14  }
0x241: {  	v6 =	vor.u32 v2, v6;
	v7 =	vand.u32 $0xFF0, v7;
	v8 =	vshrl.u32 v8, $0x14  }
0x242: {  	v7 =	vor.u32 v2, v7;
	v8 =	vand.u32 $0xFF0, v8;
	v9 =	vshrl.u32 v9, $0x14  }
0x243: {  	v8 =	vor.u32 v2, v8;
	v9 =	vand.u32 $0xFF0, v9;
	v10 =	vshrl.u32 v10, $0x14  }
0x244: {  	v9 =	vor.u32 v2, v9;
	v10 =	vand.u32 $0xFF0, v10;
	v11 =	vshrl.u32 v11, $0x14  }
0x245: {  	[tilespmem:v5+s18+$0x0] =	vst.idx.add.s32.msk $0xffff, v3;
	v10 =	vor.u32 v2, v10;
	v5 =	vand.u32 $0xFF0, v11  }
.Ltmp15:
0x246: {  	[tilespmem:v6+s18+$0x0] =	vst.idx.add.s32.msk $0xffff, v3;
	v5 =	vor.u32 v2, v5;
	(pc) =	sbr.rel @p0 .LBB2_31-.Ltmp15, $4  }
0x247: {  	[tilespmem:v7+s18+$0x0] =	vst.idx.add.s32.msk $0xffff, v3  }
0x248: {  	[tilespmem:v8+s18+$0x0] =	vst.idx.add.s32.msk $0xffff, v3  }
0x249: {  	[tilespmem:v9+s18+$0x0] =	vst.idx.add.s32.msk $0xffff, v3  }
0x24a: {  	[tilespmem:v10+s18+$0x0] =	vst.idx.add.s32.msk $0xffff, v3  }
0x24b: {  	_ =	sdelay $0x3  }
0x24c: {  	s0 =	sshra.s32 s0, $0x2;
	[tilespmem:v5+s18+$0x0] =	vst.idx.add.s32.msk $0xf, v3  }
0x24d: {  	v5 =	vld [tilespmem:s0+$0x7000]  }
0x24e: {  	v6 =	vld [tilespmem:s0+$0x7010]  }
0x24f: {  	v7 =	vld [tilespmem:s0+$0x7020]  }
0x250: {  	v8 =	vld [tilespmem:s0+$0x7030]  }
0x251: {  	v9 =	vld [tilespmem:s0+$0x7040]  }
0x252: {  	v10 =	vld [tilespmem:s0+$0x7050];
	v5 =	vshrl.u32 v5, $0x14  }
0x253: {  	v11 =	vld [tilespmem:s0+$0x7060];
	v6 =	vshrl.u32 v6, $0x14;
	v5 =	vand.u32 $0xFF0, v5  }
0x254: {  	v7 =	vshrl.u32 v7, $0x14;
	v6 =	vand.u32 $0xFF0, v6;
	v5 =	vor.u32 v2, v5  }
0x255: {  	v8 =	vshrl.u32 v8, $0x14;
	v7 =	vand.u32 $0xFF0, v7;
	v6 =	vor.u32 v2, v6  }
0x256: {  	v9 =	vshrl.u32 v9, $0x14;
	v8 =	vand.u32 $0xFF0, v8;
	v7 =	vor.u32 v2, v7  }
0x257: {  	v10 =	vshrl.u32 v10, $0x14;
	v9 =	vand.u32 $0xFF0, v9;
	v8 =	vor.u32 v2, v8  }
0x258: {  	v11 =	vshrl.u32 v11, $0x14;
	v10 =	vand.u32 $0xFF0, v10;
	v9 =	vor.u32 v2, v9  }
0x259: {  	v63 =	vand.u32 $0xFF0, v11;
	[tilespmem:v5+s18+$0x0] =	vst.idx.add.s32.msk $0xffff, v3;
	v5 =	vor.u32 v2, v10  }
0x25a: {  	[tilespmem:v6+s18+$0x0] =	vst.idx.add.s32.msk $0xffff, v3;
	v6 =	vor.u32 v2, v63  }
0x25b: {  	[tilespmem:v7+s18+$0x0] =	vst.idx.add.s32.msk $0xffff, v3  }
0x25c: {  	[tilespmem:v8+s18+$0x0] =	vst.idx.add.s32.msk $0xffff, v3  }
0x25d: {  	[tilespmem:v9+s18+$0x0] =	vst.idx.add.s32.msk $0xffff, v3  }
0x25e: {  	[tilespmem:v5+s18+$0x0] =	vst.idx.add.s32.msk $0xffff, v3  }
0x25f: {  	v5 =	vimm.s32 $0x0;
	[tilespmem:v6+s18+$0x0] =	vst.idx.add.s32.msk $0xf, v3  }
0x260: {  	s0 =	simm.s32 $0xFF0;
	[tilespmem:$0x6E80] =	vst v5  }
0x261: {  	s1 =	simm.s32 $0x3F80;
	v6 =	vld [tilespmem:s0+$0x4E80]  }
.LBB2_33:
0x262: {  	p0 =	sne.s32 s1, $0x0  }
.Ltmp16:
0x263: {  	_ = 	snop;
	(pc) =	sbr.rel @p0 .LBB2_33-.Ltmp16, $3  }
0x264: {  	_ =	sdelay $0x1  }
0x265: {  	s3 =	sshra.s32 s1, $0x2;
	s1 =	sadd.s32 $0xFFFFFFC0, s1;
	v5 =	vadd.s32 v5, v6  }
0x266: {  	v6 =	vld [tilespmem:s3+$0x4E80];
	[tilespmem:s0+$0x5E80] =	vst v5;
	s0 =	smov.u32 s3  }
0x267: {  	_ =	sdelay $0x3  }
0x268: {  	v5 =	vadd.s32 v5, v6  }
0x269: {  	[tilespmem:s0+$0x5E80] =	vst v5  }
0x26a: {  	v5 =	vld [tilespmem:$0x6680];
	_ =	sdelay $0x4  }
0x26b: {  	(xrf0) =	vadd.scan.msk.s32 $0xffff, v5;
	_ =	sdelay $0x5  }
0x26c: {  	v5, _, _ =	vpop (xrf0)  }
0x26d: {  	(v2sf) =	vpush v5, $0xF;
	_ =	sdelay $0xe  }
0x26e: {  	s20 =	spop (v2sf)  }
0x26f: {  	s0 =	simm.s32 $0x80;
	p0 =	sgt.s32 s20, $0x63  }
0x270: {  	s0 =	simm.s32 @!p0 $0x0  }
0x271: {  	s1 =	sor.u32 $0x40, s0  }
0x272: {  	s3 =	sshll.u32 s1, $0x4  }
0x273: {  	v5 =	vld [tilespmem:s3+$0x5E80];
	_ =	sdelay $0x4  }
0x274: {  	(xrf0) =	vadd.scan.msk.s32 $0xffff, v5;
	_ =	sdelay $0x5  }
0x275: {  	v5, _, _ =	vpop (xrf0)  }
0x276: {  	(v2sf) =	vpush v5, $0xF;
	_ =	sdelay $0xe  }
0x277: {  	s21 =	spop (v2sf)  }
0x278: {  	p0 =	sgt.s32 s21, $0x63  }
0x279: {  	s0 =	smov.u32 @p0 s1  }
0x27a: {  	s1 =	sor.u32 $0x20, s0  }
0x27b: {  	s28 =	sshll.u32 s1, $0x4  }
0x27c: {  	v5 =	vld [tilespmem:s28+$0x5E80];
	_ =	sdelay $0x4  }
0x27d: {  	(xrf0) =	vadd.scan.msk.s32 $0xffff, v5;
	_ =	sdelay $0x5  }
0x27e: {  	v5, _, _ =	vpop (xrf0)  }
0x27f: {  	(v2sf) =	vpush v5, $0xF;
	_ =	sdelay $0xe  }
0x280: {  	s29 =	spop (v2sf)  }
0x281: {  	p0 =	sgt.s32 s29, $0x63  }
0x282: {  	s0 =	smov.u32 @p0 s1  }
0x283: {  	s1 =	sor.u32 $0x10, s0  }
0x284: {  	s4 =	sshll.u32 s1, $0x4  }
0x285: {  	s3 =	sand.u32 $0x3FFFFFF0, s4  }
0x286: {  	v5 =	vld [tilespmem:s3+$0x5E80];
	_ =	sdelay $0x4  }
0x287: {  	(xrf0) =	vadd.scan.msk.s32 $0xffff, v5;
	_ =	sdelay $0x5  }
0x288: {  	v5, _, _ =	vpop (xrf0)  }
0x289: {  	(v2sf) =	vpush v5, $0xF;
	_ =	sdelay $0xe  }
0x28a: {  	s5 =	spop (v2sf)  }
0x28b: {  	p0 =	sgt.s32 s5, $0x63  }
0x28c: {  	s0 =	smov.u32 @p0 s1  }
0x28d: {  	s1 =	sadd.s32 $0x8, s0  }
0x28e: {  	s7 =	sshll.u32 s1, $0x4  }
0x28f: {  	s3 =	sand.u32 $0x3FFFFFF0, s7  }
0x290: {  	v5 =	vld [tilespmem:s3+$0x5E80];
	_ =	sdelay $0x4  }
0x291: {  	(xrf0) =	vadd.scan.msk.s32 $0xffff, v5;
	_ =	sdelay $0x5  }
0x292: {  	v5, _, _ =	vpop (xrf0)  }
0x293: {  	(v2sf) =	vpush v5, $0xF;
	_ =	sdelay $0xe  }
0x294: {  	s14 =	spop (v2sf)  }
0x295: {  	p0 =	sgt.s32 s14, $0x63  }
0x296: {  	s0 =	smov.u32 @p0 s1  }
0x297: {  	s1 =	sadd.s32 $0x4, s0  }
0x298: {  	s15 =	sshll.u32 s1, $0x4  }
0x299: {  	s3 =	sand.u32 $0x3FFFFFF0, s15  }
0x29a: {  	v5 =	vld [tilespmem:s3+$0x5E80];
	_ =	sdelay $0x4  }
0x29b: {  	(xrf0) =	vadd.scan.msk.s32 $0xffff, v5;
	_ =	sdelay $0x5  }
0x29c: {  	v5, _, _ =	vpop (xrf0)  }
0x29d: {  	(v2sf) =	vpush v5, $0xF;
	_ =	sdelay $0xe  }
0x29e: {  	s17 =	spop (v2sf)  }
0x29f: {  	p0 =	sgt.s32 s17, $0x63  }
0x2a0: {  	s0 =	smov.u32 @p0 s1  }
0x2a1: {  	s1 =	sadd.s32 $0x2, s0  }
0x2a2: {  	s20 =	sshll.u32 s1, $0x4  }
0x2a3: {  	s3 =	sand.u32 $0x3FFFFFF0, s20  }
0x2a4: {  	v5 =	vld [tilespmem:s3+$0x5E80];
	_ =	sdelay $0x4  }
0x2a5: {  	(xrf0) =	vadd.scan.msk.s32 $0xffff, v5;
	_ =	sdelay $0x5  }
0x2a6: {  	v5, _, _ =	vpop (xrf0)  }
0x2a7: {  	(v2sf) =	vpush v5, $0xF;
	_ =	sdelay $0xe  }
0x2a8: {  	s21 =	spop (v2sf)  }
0x2a9: {  	p0 =	sgt.s32 s21, $0x63  }
0x2aa: {  	s0 =	smov.u32 @p0 s1  }
0x2ab: {  	s1 =	sadd.s32 $0x1, s0  }
0x2ac: {  	s28 =	sshll.u32 s1, $0x4  }
0x2ad: {  	s3 =	sand.u32 $0x3FFFFFF0, s28  }
0x2ae: {  	v5 =	vld [tilespmem:s3+$0x5E80];
	_ =	sdelay $0x4  }
0x2af: {  	(xrf0) =	vadd.scan.msk.s32 $0xffff, v5;
	_ =	sdelay $0x5  }
0x2b0: {  	v5, _, _ =	vpop (xrf0)  }
0x2b1: {  	(v2sf) =	vpush v5, $0xF;
	_ =	sdelay $0xe  }
0x2b2: {  	s29 =	spop (v2sf)  }
0x2b3: {  	p0 =	sgt.s32 s29, $0x63  }
0x2b4: {  	s0 =	smov.u32 @p0 s1  }
0x2b5: {  	s1 =	sshll.u32 s0, $0x4  }
0x2b6: {  	s1 =	sand.u32 $0x3FFFFFF0, s1  }
0x2b7: {  	s3 =	simm.s32 $0x0;
	v5 =	vld [tilespmem:s1+$0x5E90];
	s1 =	simm.s32 $0x40  }
.LBB2_35:
0x2b8: {  	p0 =	sne.s32 s1, $0x3FC0;
	[tilespmem:s3+$0x4E80] =	vst v1;
	s3 =	smov.u32 s1;
	s1 =	sadd.s32 $0x40, s1  }
.Ltmp17:
0x2b9: {  	(pc) =	sbr.rel @p0 .LBB2_35-.Ltmp17, $2  }
0x2ba: {  	_ =	sdelay $0x2  }
0x2bb: {  	s3 =	sshra.s32 s3, $0x2  }
0x2bc: {  	[tilespmem:s3+$0x4E80] =	vst v1;
	s14 =	simm.s32 $0x0  }
0x2bd: {  	v10 =	vld [tilespmem:s14+$0x7050]  }
0x2be: {  	s0 =	sshll.u32 s0, $0x18;
	v9 =	vld [tilespmem:s14+$0x7000]  }
0x2bf: {  	s1 =	sshra.s32 s0, $0x18;
	v7 =	vld [tilespmem:s14+$0x7010]  }
0x2c0: {  	s15 =	simm.s32 $0x400;
	v8 =	vld [tilespmem:s14+$0x7020];
	v6 =	vmov s1;
	s1 =	simm.s32 $0x80  }
.LBB2_37:
0x2c1: {  	p0 =	sne.s32 s15, $0xC600;
	s3 =	smov.u32 s15;
	s15 =	sadd.s32 $0x200, s15  }
0x2c2: {  	vm0 =	vmmov $0xf;
	v11 =	vld [tilespmem:s14+$0x7030];
	v12 =	vshra.s32 v10, $0x18;
	v10 =	vshrl.u32 v10, $0xC  }
0x2c3: {  	v13 =	vshra.s32 v9, $0x18;
	v9 =	vshrl.u32 v9, $0xC;
	v10 =	vand.u32 $0xFF0, v10  }
0x2c4: {  	vm2 =	veq.s32 v13, v6;
	v9 =	vand.u32 $0xFF0, v9;
	v13 =	vshra.s32 v7, $0x18  }
0x2c5: {  	s3 =	sshra.s32 s3, $0x2;
	v14 =	vld [tilespmem:s14+$0x7040];
	v9 =	vor.u32 v2, v9;
	vm1 =	veq.s32 v13, v6;
	v13 =	vshrl.u32 v8, $0xC  }
0x2c6: {  	v7 =	vshrl.u32 v7, $0xC;
	v8 =	vshra.s32 v8, $0x18;
	v15 =	vld [tilespmem:s14+$0x7060];
	v13 =	vand.u32 $0xFF0, v13;
	s14 =	smov.u32 s1;
	s1 =	smov.u32 s3  }
0x2c7: {  	vm3 =	veq.s32 v8, v6;
	v8 =	vshra.s32 v11, $0x18;
	v11 =	vshrl.u32 v11, $0xC  }
0x2c8: {  	v7 =	vand.u32 $0xFF0, v7;
	vm4 =	veq.s32 v8, v6;
	v8 =	vand.u32 $0xFF0, v11  }
0x2c9: {  	vm5 =	veq.s32 v12, v6;
	v7 =	vor.u32 v2, v7;
	v8 =	vor.u32 v2, v8  }
0x2ca: {  	[tilespmem:v9+s18+$0x0] =	vst.idx.add.s32.msk vm2, v3;
	v9 =	vor.u32 v2, v13;
	v11 =	vshra.s32 v14, $0x18;
	v12 =	vshrl.u32 v14, $0xC  }
0x2cb: {  	vm2 =	veq.s32 v11, v6;
	v11 =	vand.u32 $0xFF0, v12;
	v12 =	vshra.s32 v15, $0x18  }
0x2cc: {  	v11 =	vor.u32 v2, v11;
	vm6 =	veq.s32 v12, v6;
	v12 =	vshrl.u32 v15, $0xC  }
0x2cd: {  	v10 =	vor.u32 v2, v10;
	vm6 =	vmand vm6, vm0;
	v12 =	vand.u32 $0xFF0, v12  }
0x2ce: {  	[tilespmem:v7+s18+$0x0] =	vst.idx.add.s32.msk vm1, v3;
	v7 =	vor.u32 v2, v12  }
0x2cf: {  	[tilespmem:v9+s18+$0x0] =	vst.idx.add.s32.msk vm3, v3  }
0x2d0: {  	[tilespmem:v8+s18+$0x0] =	vst.idx.add.s32.msk vm4, v3  }
0x2d1: {  	[tilespmem:v11+s18+$0x0] =	vst.idx.add.s32.msk vm2, v3  }
0x2d2: {  	[tilespmem:v10+s18+$0x0] =	vst.idx.add.s32.msk vm5, v3  }
.Ltmp18:
0x2d3: {  	[tilespmem:v7+s18+$0x0] =	vst.idx.add.s32.msk vm6, v3;
	(pc) =	sbr.rel @p0 .LBB2_37-.Ltmp18, $4  }
0x2d4: {  	v10 =	vld [tilespmem:s14+$0x7050]  }
0x2d5: {  	v9 =	vld [tilespmem:s14+$0x7000]  }
0x2d6: {  	v7 =	vld [tilespmem:s14+$0x7010]  }
0x2d7: {  	v8 =	vld [tilespmem:s14+$0x7020]  }
0x2d8: {  	_ = 	snop  }
0x2d9: {  	v11 =	vld [tilespmem:s14+$0x7030];
	v12 =	vshra.s32 v10, $0x18;
	v39 =	vshrl.u32 v10, $0xC  }
0x2da: {  	v14 =	vld [tilespmem:s14+$0x7040];
	v13 =	vshra.s32 v9, $0x18;
	v40 =	vshrl.u32 v9, $0xC;
	v10 =	vand.u32 $0xFF0, v39  }
0x2db: {  	v15 =	vld [tilespmem:s14+$0x7060];
	vm5 =	veq.s32 v12, v6;
	vm1 =	veq.s32 v13, v6;
	v9 =	vand.u32 $0xFF0, v40  }
0x2dc: {  	v41 =	vshra.s32 v7, $0x18;
	v7 =	vshrl.u32 v7, $0xC;
	v9 =	vor.u32 v2, v9  }
0x2dd: {  	vm2 =	veq.s32 v41, v6;
	v42 =	vshrl.u32 v8, $0xC;
	v8 =	vshra.s32 v8, $0x18  }
0x2de: {  	v7 =	vand.u32 $0xFF0, v7;
	v13 =	vand.u32 $0xFF0, v42;
	vm3 =	veq.s32 v8, v6  }
0x2df: {  	v8 =	vshra.s32 v11, $0x18;
	v11 =	vshrl.u32 v11, $0xC;
	v7 =	vor.u32 v2, v7  }
0x2e0: {  	v44 =	vshra.s32 v14, $0x18;
	v45 =	vshrl.u32 v14, $0xC;
	v47 =	vshra.s32 v15, $0x18  }
0x2e1: {  	vm4 =	veq.s32 v8, v6;
	v8 =	vand.u32 $0xFF0, v11;
	v43 =	vor.u32 v2, v13  }
0x2e2: {  	vm6 =	veq.s32 v44, v6;
	v46 =	vand.u32 $0xFF0, v45;
	v8 =	vor.u32 v2, v8  }
0x2e3: {  	v48 =	vshrl.u32 v15, $0xC;
	vm7 =	veq.s32 v47, v6;
	v12 =	vor.u32 v2, v46  }
0x2e4: {  	v49 =	vor.u32 v2, v10;
	v50 =	vand.u32 $0xFF0, v48;
	[tilespmem:v9+s18+$0x0] =	vst.idx.add.s32.msk vm1, v3;
	vm1 =	vmand vm7, vm0  }
0x2e5: {  	[tilespmem:v7+s18+$0x0] =	vst.idx.add.s32.msk vm2, v3;
	v7 =	vor.u32 v2, v50  }
0x2e6: {  	[tilespmem:v43+s18+$0x0] =	vst.idx.add.s32.msk vm3, v3  }
0x2e7: {  	[tilespmem:v8+s18+$0x0] =	vst.idx.add.s32.msk vm4, v3  }
0x2e8: {  	[tilespmem:v12+s18+$0x0] =	vst.idx.add.s32.msk vm6, v3  }
0x2e9: {  	[tilespmem:v49+s18+$0x0] =	vst.idx.add.s32.msk vm5, v3  }
0x2ea: {  	[tilespmem:v7+s18+$0x0] =	vst.idx.add.s32.msk vm1, v3  }
0x2eb: {  	v7 =	vld [tilespmem:s1+$0x7050]  }
0x2ec: {  	v8 =	vld [tilespmem:s1+$0x7000]  }
0x2ed: {  	v9 =	vld [tilespmem:s1+$0x7010]  }
0x2ee: {  	v51 =	vld [tilespmem:s1+$0x7020]  }
0x2ef: {  	v11 =	vld [tilespmem:s1+$0x7030]  }
0x2f0: {  	v12 =	vld [tilespmem:s1+$0x7040]  }
0x2f1: {  	v52 =	vld [tilespmem:s1+$0x7060];
	_ =	sdelay $0x2  }
0x2f2: {  	v53 =	vshra.s32 v8, $0x18;
	v54 =	vshra.s32 v9, $0x18  }
0x2f3: {  	v55 =	vshra.s32 v51, $0x18;
	v56 =	vshra.s32 v7, $0x18;
	v57 =	vshra.s32 v11, $0x18  }
0x2f4: {  	v8 =	vshrl.u32 v8, $0xC;
	v58 =	vshra.s32 v12, $0x18;
	v59 =	vshra.s32 v52, $0x18  }
0x2f5: {  	vm2 =	veq.s32 v53, v6;
	vm1 =	veq.s32 v54, v6;
	vm3 =	veq.s32 v55, v6  }
0x2f6: {  	vm12 =	veq.s32 v57, v6;
	vm13 =	veq.s32 v56, v6;
	vm14 =	veq.s32 v58, v6  }
0x2f7: {  	vm15 =	veq.s32 v59, v6;
	v6 =	vand.u32 $0xFF0, v8;
	v8 =	vshrl.u32 v9, $0xC  }
0x2f8: {  	v60 =	vshrl.u32 v51, $0xC;
	v6 =	vor.u32 v2, v6;
	v8 =	vand.u32 $0xFF0, v8  }
0x2f9: {  	v61 =	vshrl.u32 v11, $0xC;
	v9 =	vand.u32 $0xFF0, v60;
	v8 =	vor.u32 v2, v8  }
0x2fa: {  	v62 =	vshrl.u32 v12, $0xC;
	v10 =	vand.u32 $0xFF0, v61;
	v9 =	vor.u32 v2, v9  }
0x2fb: {  	v7 =	vshrl.u32 v7, $0xC;
	v11 =	vand.u32 $0xFF0, v62;
	v10 =	vor.u32 v2, v10  }
0x2fc: {  	v63 =	vshrl.u32 v52, $0xC;
	v7 =	vand.u32 $0xFF0, v7;
	v11 =	vor.u32 v2, v11  }
0x2fd: {  	[tilespmem:v6+s18+$0x0] =	vst.idx.add.s32.msk vm2, v3;
	v6 =	vor.u32 v2, v7;
	vm2 =	vmand vm15, vm0;
	v7 =	vand.u32 $0xFF0, v63  }
0x2fe: {  	[tilespmem:v8+s18+$0x0] =	vst.idx.add.s32.msk vm1, v3;
	v7 =	vor.u32 v2, v7  }
0x2ff: {  	[tilespmem:v9+s18+$0x0] =	vst.idx.add.s32.msk vm3, v3  }
0x300: {  	[tilespmem:v10+s18+$0x0] =	vst.idx.add.s32.msk vm12, v3  }
0x301: {  	[tilespmem:v11+s18+$0x0] =	vst.idx.add.s32.msk vm14, v3  }
0x302: {  	[tilespmem:v6+s18+$0x0] =	vst.idx.add.s32.msk vm13, v3  }
0x303: {  	v6 =	vimm.s32 $0x0;
	[tilespmem:v7+s18+$0x0] =	vst.idx.add.s32.msk vm2, v3  }
0x304: {  	s1 =	simm.s32 $0xFF0;
	[tilespmem:$0x6E80] =	vst v6  }
0x305: {  	s3 =	simm.s32 $0x3F80;
	v7 =	vld [tilespmem:s1+$0x4E80]  }
.LBB2_39:
0x306: {  	p0 =	sne.s32 s3, $0x0  }
.Ltmp19:
0x307: {  	_ = 	snop;
	(pc) =	sbr.rel @p0 .LBB2_39-.Ltmp19, $3  }
0x308: {  	_ =	sdelay $0x1  }
0x309: {  	s4 =	sshra.s32 s3, $0x2;
	s3 =	sadd.s32 $0xFFFFFFC0, s3;
	v6 =	vadd.s32 v6, v7  }
0x30a: {  	v7 =	vld [tilespmem:s4+$0x4E80];
	[tilespmem:s1+$0x5E80] =	vst v6;
	s1 =	smov.u32 s4  }
0x30b: {  	_ =	sdelay $0x3  }
0x30c: {  	v6 =	vadd.s32 v6, v7  }
0x30d: {  	[tilespmem:s1+$0x5E80] =	vst v6  }
0x30e: {  	v6 =	vld [tilespmem:$0x6680];
	_ =	sdelay $0x3  }
0x30f: {  	(xrf0) =	vadd.scan.msk.s32 $0xffff, v5  }
0x310: {  	(xrf0) =	vadd.scan.msk.s32 $0xffff, v6;
	_ =	sdelay $0x4  }
0x311: {  	v5, _, _ =	vpop (xrf0)  }
0x312: {  	(v2sf) =	vpush v5, $0xF;
	v5, _, _ =	vpop (xrf0)  }
0x313: {  	(v2sf) =	vpush v5, $0xF;
	_ =	sdelay $0xd  }
0x314: {  	s14 =	spop (v2sf)  }
0x315: {  	s1 =	ssub.s32 $0x64, s14;
	s3 =	spop (v2sf)  }
0x316: {  	p0 =	slt.s32 s3, s1;
	s3 =	simm.s32 $0x0  }
0x317: {  	s3 =	simm.s32 @!p0 $0x80  }
0x318: {  	s4 =	sor.u32 $0x40, s3  }
0x319: {  	s14 =	sshll.u32 s4, $0x4  }
0x31a: {  	v5 =	vld [tilespmem:s14+$0x5E80];
	_ =	sdelay $0x4  }
0x31b: {  	(xrf0) =	vadd.scan.msk.s32 $0xffff, v5;
	_ =	sdelay $0x5  }
0x31c: {  	v5, _, _ =	vpop (xrf0)  }
0x31d: {  	(v2sf) =	vpush v5, $0xF;
	_ =	sdelay $0xe  }
0x31e: {  	s15 =	spop (v2sf)  }
0x31f: {  	p0 =	slt.s32 s15, s1  }
0x320: {  	s4 =	smov.u32 @p0 s3  }
0x321: {  	s3 =	sor.u32 $0x20, s4  }
0x322: {  	s17 =	sshll.u32 s3, $0x4  }
0x323: {  	v5 =	vld [tilespmem:s17+$0x5E80];
	_ =	sdelay $0x4  }
0x324: {  	(xrf0) =	vadd.scan.msk.s32 $0xffff, v5;
	_ =	sdelay $0x5  }
0x325: {  	v5, _, _ =	vpop (xrf0)  }
0x326: {  	(v2sf) =	vpush v5, $0xF;
	_ =	sdelay $0xe  }
0x327: {  	s20 =	spop (v2sf)  }
0x328: {  	p0 =	slt.s32 s20, s1  }
0x329: {  	s3 =	smov.u32 @p0 s4  }
0x32a: {  	s4 =	sor.u32 $0x10, s3  }
0x32b: {  	s21 =	sshll.u32 s4, $0x4  }
0x32c: {  	s14 =	sand.u32 $0x3FFFFFF0, s21  }
0x32d: {  	v5 =	vld [tilespmem:s14+$0x5E80];
	_ =	sdelay $0x4  }
0x32e: {  	(xrf0) =	vadd.scan.msk.s32 $0xffff, v5;
	_ =	sdelay $0x5  }
0x32f: {  	v5, _, _ =	vpop (xrf0)  }
0x330: {  	(v2sf) =	vpush v5, $0xF;
	_ =	sdelay $0xe  }
0x331: {  	s28 =	spop (v2sf)  }
0x332: {  	p0 =	slt.s32 s28, s1  }
0x333: {  	s4 =	smov.u32 @p0 s3  }
0x334: {  	s3 =	sadd.s32 $0x8, s4  }
0x335: {  	s29 =	sshll.u32 s3, $0x4  }
0x336: {  	s14 =	sand.u32 $0x3FFFFFF0, s29  }
0x337: {  	v5 =	vld [tilespmem:s14+$0x5E80];
	_ =	sdelay $0x4  }
0x338: {  	(xrf0) =	vadd.scan.msk.s32 $0xffff, v5;
	_ =	sdelay $0x5  }
0x339: {  	v5, _, _ =	vpop (xrf0)  }
0x33a: {  	(v2sf) =	vpush v5, $0xF;
	_ =	sdelay $0xe  }
0x33b: {  	s5 =	spop (v2sf)  }
0x33c: {  	p0 =	slt.s32 s5, s1  }
0x33d: {  	s3 =	smov.u32 @p0 s4  }
0x33e: {  	s4 =	sadd.s32 $0x4, s3  }
0x33f: {  	s7 =	sshll.u32 s4, $0x4  }
0x340: {  	s14 =	sand.u32 $0x3FFFFFF0, s7  }
0x341: {  	v5 =	vld [tilespmem:s14+$0x5E80];
	_ =	sdelay $0x4  }
0x342: {  	(xrf0) =	vadd.scan.msk.s32 $0xffff, v5;
	_ =	sdelay $0x5  }
0x343: {  	v5, _, _ =	vpop (xrf0)  }
0x344: {  	(v2sf) =	vpush v5, $0xF;
	_ =	sdelay $0xe  }
0x345: {  	s15 =	spop (v2sf)  }
0x346: {  	p0 =	slt.s32 s15, s1  }
0x347: {  	s4 =	smov.u32 @p0 s3  }
0x348: {  	s14 =	sadd.s32 $0x2, s4  }
0x349: {  	s17 =	sshll.u32 s14, $0x4  }
0x34a: {  	s3 =	sand.u32 $0x3FFFFFF0, s17  }
0x34b: {  	v5 =	vld [tilespmem:s3+$0x5E80];
	_ =	sdelay $0x4  }
0x34c: {  	(xrf0) =	vadd.scan.msk.s32 $0xffff, v5;
	_ =	sdelay $0x5  }
0x34d: {  	v5, _, _ =	vpop (xrf0)  }
0x34e: {  	(v2sf) =	vpush v5, $0xF;
	_ =	sdelay $0xe  }
0x34f: {  	s20 =	spop (v2sf)  }
0x350: {  	p0 =	slt.s32 s20, s1  }
0x351: {  	s14 =	smov.u32 @p0 s4  }
0x352: {  	s3 =	sadd.s32 $0x1, s14  }
0x353: {  	s21 =	sshll.u32 s3, $0x4  }
0x354: {  	s4 =	sand.u32 $0x3FFFFFF0, s21  }
0x355: {  	v5 =	vld [tilespmem:s4+$0x5E80];
	_ =	sdelay $0x4  }
0x356: {  	(xrf0) =	vadd.scan.msk.s32 $0xffff, v5;
	_ =	sdelay $0x5  }
0x357: {  	v5, _, _ =	vpop (xrf0)  }
0x358: {  	(v2sf) =	vpush v5, $0xF;
	_ =	sdelay $0xe  }
0x359: {  	s28 =	spop (v2sf)  }
0x35a: {  	p0 =	slt.s32 s28, s1  }
0x35b: {  	s3 =	smov.u32 @p0 s14  }
0x35c: {  	s29 =	sshll.u32 s3, $0x4  }
0x35d: {  	s4 =	sand.u32 $0x3FFFFFF0, s29  }
0x35e: {  	s14 =	simm.s32 $0x0;
	v5 =	vld [tilespmem:s4+$0x5E90];
	s4 =	simm.s32 $0x40  }
.LBB2_41:
0x35f: {  	p0 =	sne.s32 s4, $0x3FC0;
	[tilespmem:s14+$0x4E80] =	vst v1;
	s14 =	smov.u32 s4;
	s4 =	sadd.s32 $0x40, s4  }
.Ltmp20:
0x360: {  	(pc) =	sbr.rel @p0 .LBB2_41-.Ltmp20, $2  }
0x361: {  	_ =	sdelay $0x2  }
0x362: {  	s14 =	sshra.s32 s14, $0x2  }
0x363: {  	s3 =	sshll.u32 s3, $0x10  }
0x364: {  	s0 =	sor.u32 s0, s3  }
0x365: {  	[tilespmem:s14+$0x4E80] =	vst v1;
	s14 =	simm.s32 $0x0;
	s3 =	sshra.s32 s0, $0x10  }
0x366: {  	s15 =	simm.s32 $0x200;
	v7 =	vld [tilespmem:s14+$0x7010];
	v6 =	vmov s3  }
.LBB2_43:
0x367: {  	p0 =	sne.s32 s15, $0xC600;
	v8 =	vld [tilespmem:s14+$0x7020];
	s3 =	smov.u32 s15;
	s15 =	sadd.s32 $0x200, s15  }
0x368: {  	v9 =	vld [tilespmem:s14+$0x7000]  }
0x369: {  	v10 =	vld [tilespmem:s14+$0x7030];
	_ =	sdelay $0x1  }
0x36a: {  	s3 =	sshra.s32 s3, $0x2;
	v11 =	vld [tilespmem:s14+$0x7040];
	v12 =	vshra.s32 v7, $0x10;
	v7 =	vshrl.u32 v7, $0x4  }
0x36b: {  	v7 =	vand.u32 $0xFF0, v7;
	v13 =	vshra.s32 v8, $0x10;
	v8 =	vshrl.u32 v8, $0x4  }
0x36c: {  	vm2 =	veq.s32 v12, v6;
	v14 =	vshra.s32 v9, $0x10;
	v9 =	vshrl.u32 v9, $0x4  }
0x36d: {  	vm1 =	veq.s32 v13, v6;
	v12 =	vld [tilespmem:s14+$0x7060];
	vm3 =	veq.s32 v14, v6;
	v9 =	vand.u32 $0xFF0, v9  }
0x36e: {  	v7 =	vor.u32 v2, v7;
	v14 =	vshra.s32 v10, $0x10;
	v13 =	vld [tilespmem:s14+$0x7050];
	v9 =	vor.u32 v2, v9;
	s14 =	smov.u32 s3  }
0x36f: {  	v10 =	vshrl.u32 v10, $0x4;
	v15 =	vshra.s32 v11, $0x10;
	v11 =	vshrl.u32 v11, $0x4  }
0x370: {  	vm4 =	veq.s32 v14, v6;
	v10 =	vand.u32 $0xFF0, v10;
	v11 =	vand.u32 $0xFF0, v11  }
0x371: {  	v8 =	vand.u32 $0xFF0, v8;
	v10 =	vor.u32 v2, v10;
	vm5 =	veq.s32 v15, v6  }
0x372: {  	v8 =	vor.u32 v2, v8;
	v11 =	vor.u32 v2, v11;
	v14 =	vshra.s32 v12, $0x10  }
0x373: {  	[tilespmem:v9+s18+$0x0] =	vst.idx.add.s32.msk vm3, v3;
	v9 =	vshra.s32 v13, $0x10;
	v13 =	vshrl.u32 v13, $0x4;
	vm3 =	veq.s32 v14, v6  }
0x374: {  	[tilespmem:v7+s18+$0x0] =	vst.idx.add.s32.msk vm2, v3;
	vm2 =	veq.s32 v9, v6;
	v7 =	vand.u32 $0xFF0, v13;
	v9 =	vshrl.u32 v12, $0x4  }
0x375: {  	vm3 =	vmand vm3, vm0;
	v7 =	vor.u32 v2, v7;
	v9 =	vand.u32 $0xFF0, v9  }
0x376: {  	v9 =	vor.u32 v2, v9  }
0x377: {  	[tilespmem:v8+s18+$0x0] =	vst.idx.add.s32.msk vm1, v3  }
.Ltmp21:
0x378: {  	[tilespmem:v10+s18+$0x0] =	vst.idx.add.s32.msk vm4, v3;
	(pc) =	sbr.rel @p0 .LBB2_43-.Ltmp21, $4  }
0x379: {  	[tilespmem:v11+s18+$0x0] =	vst.idx.add.s32.msk vm5, v3  }
0x37a: {  	[tilespmem:v7+s18+$0x0] =	vst.idx.add.s32.msk vm2, v3  }
0x37b: {  	[tilespmem:v9+s18+$0x0] =	vst.idx.add.s32.msk vm3, v3  }
0x37c: {  	v7 =	vld [tilespmem:s14+$0x7010]  }
0x37d: {  	v8 =	vld [tilespmem:s14+$0x7020]  }
0x37e: {  	v9 =	vld [tilespmem:s14+$0x7000]  }
0x37f: {  	v10 =	vld [tilespmem:s14+$0x7030]  }
0x380: {  	v11 =	vld [tilespmem:s14+$0x7040]  }
0x381: {  	v12 =	vld [tilespmem:s14+$0x7060]  }
0x382: {  	v13 =	vld [tilespmem:s14+$0x7050];
	_ =	sdelay $0x1  }
0x383: {  	v14 =	vshra.s32 v7, $0x10;
	v15 =	vshra.s32 v8, $0x10  }
0x384: {  	vm1 =	veq.s32 v14, v6;
	v55 =	vshra.s32 v9, $0x10;
	v9 =	vshrl.u32 v9, $0x4  }
0x385: {  	v56 =	vshra.s32 v10, $0x10;
	v57 =	vshra.s32 v11, $0x10;
	v58 =	vshra.s32 v12, $0x10  }
0x386: {  	v59 =	vshra.s32 v13, $0x10;
	vm2 =	veq.s32 v55, v6;
	vm3 =	veq.s32 v15, v6  }
0x387: {  	vm4 =	veq.s32 v56, v6;
	vm5 =	veq.s32 v57, v6;
	vm6 =	veq.s32 v58, v6  }
0x388: {  	vm7 =	veq.s32 v59, v6;
	v6 =	vshrl.u32 v7, $0x4;
	v7 =	vand.u32 $0xFF0, v9  }
0x389: {  	v8 =	vshrl.u32 v8, $0x4;
	v6 =	vand.u32 $0xFF0, v6;
	v7 =	vor.u32 v2, v7  }
0x38a: {  	v60 =	vshrl.u32 v10, $0x4;
	v8 =	vand.u32 $0xFF0, v8;
	v6 =	vor.u32 v2, v6  }
0x38b: {  	v61 =	vshrl.u32 v11, $0x4;
	v9 =	vand.u32 $0xFF0, v60;
	v8 =	vor.u32 v2, v8  }
0x38c: {  	v62 =	vshrl.u32 v13, $0x4;
	v10 =	vand.u32 $0xFF0, v61;
	v9 =	vor.u32 v2, v9  }
0x38d: {  	v12 =	vshrl.u32 v12, $0x4;
	v11 =	vand.u32 $0xFF0, v62;
	v10 =	vor.u32 v2, v10  }
0x38e: {  	v63 =	vand.u32 $0xFF0, v12;
	[tilespmem:v7+s18+$0x0] =	vst.idx.add.s32.msk vm2, v3;
	v7 =	vor.u32 v2, v11;
	vm2 =	vmand vm6, vm0  }
0x38f: {  	[tilespmem:v6+s18+$0x0] =	vst.idx.add.s32.msk vm1, v3;
	v6 =	vor.u32 v2, v63  }
0x390: {  	[tilespmem:v8+s18+$0x0] =	vst.idx.add.s32.msk vm3, v3  }
0x391: {  	[tilespmem:v9+s18+$0x0] =	vst.idx.add.s32.msk vm4, v3  }
0x392: {  	[tilespmem:v10+s18+$0x0] =	vst.idx.add.s32.msk vm5, v3  }
0x393: {  	[tilespmem:v7+s18+$0x0] =	vst.idx.add.s32.msk vm7, v3  }
0x394: {  	[tilespmem:v6+s18+$0x0] =	vst.idx.add.s32.msk vm2, v3;
	v6 =	vimm.s32 $0x0  }
0x395: {  	s3 =	simm.s32 $0xFF0;
	[tilespmem:$0x6E80] =	vst v6  }
0x396: {  	s4 =	simm.s32 $0x3F80;
	v7 =	vld [tilespmem:s3+$0x4E80]  }
.LBB2_45:
0x397: {  	p0 =	sne.s32 s4, $0x0  }
.Ltmp22:
0x398: {  	_ = 	snop;
	(pc) =	sbr.rel @p0 .LBB2_45-.Ltmp22, $3  }
0x399: {  	_ =	sdelay $0x1  }
0x39a: {  	s14 =	sshra.s32 s4, $0x2;
	s4 =	sadd.s32 $0xFFFFFFC0, s4;
	v6 =	vadd.s32 v6, v7  }
0x39b: {  	v7 =	vld [tilespmem:s14+$0x4E80];
	[tilespmem:s3+$0x5E80] =	vst v6;
	s3 =	smov.u32 s14  }
0x39c: {  	_ =	sdelay $0x3  }
0x39d: {  	v6 =	vadd.s32 v6, v7  }
0x39e: {  	[tilespmem:s3+$0x5E80] =	vst v6  }
0x39f: {  	v6 =	vld [tilespmem:$0x6680];
	_ =	sdelay $0x3  }
0x3a0: {  	(xrf0) =	vadd.scan.msk.s32 $0xffff, v5  }
0x3a1: {  	(xrf0) =	vadd.scan.msk.s32 $0xffff, v6;
	_ =	sdelay $0x4  }
0x3a2: {  	v5, _, _ =	vpop (xrf0)  }
0x3a3: {  	(v2sf) =	vpush v5, $0xF;
	v5, _, _ =	vpop (xrf0)  }
0x3a4: {  	(v2sf) =	vpush v5, $0xF;
	_ =	sdelay $0xd  }
0x3a5: {  	s7 =	spop (v2sf)  }
0x3a6: {  	s1 =	ssub.s32 s1, s7;
	s14 =	spop (v2sf)  }
0x3a7: {  	s3 =	simm.s32 $0x0;
	p0 =	slt.s32 s14, s1  }
0x3a8: {  	s3 =	simm.s32 @!p0 $0x80  }
0x3a9: {  	s4 =	sor.u32 $0x40, s3  }
0x3aa: {  	s14 =	sshll.u32 s4, $0x4  }
0x3ab: {  	v5 =	vld [tilespmem:s14+$0x5E80];
	_ =	sdelay $0x4  }
0x3ac: {  	(xrf0) =	vadd.scan.msk.s32 $0xffff, v5;
	_ =	sdelay $0x5  }
0x3ad: {  	v5, _, _ =	vpop (xrf0)  }
0x3ae: {  	(v2sf) =	vpush v5, $0xF;
	_ =	sdelay $0xe  }
0x3af: {  	s15 =	spop (v2sf)  }
0x3b0: {  	p0 =	slt.s32 s15, s1  }
0x3b1: {  	s4 =	smov.u32 @p0 s3  }
0x3b2: {  	s3 =	sor.u32 $0x20, s4  }
0x3b3: {  	s17 =	sshll.u32 s3, $0x4  }
0x3b4: {  	v5 =	vld [tilespmem:s17+$0x5E80];
	_ =	sdelay $0x4  }
0x3b5: {  	(xrf0) =	vadd.scan.msk.s32 $0xffff, v5;
	_ =	sdelay $0x5  }
0x3b6: {  	v5, _, _ =	vpop (xrf0)  }
0x3b7: {  	(v2sf) =	vpush v5, $0xF;
	_ =	sdelay $0xe  }
0x3b8: {  	s20 =	spop (v2sf)  }
0x3b9: {  	p0 =	slt.s32 s20, s1  }
0x3ba: {  	s3 =	smov.u32 @p0 s4  }
0x3bb: {  	s4 =	sor.u32 $0x10, s3  }
0x3bc: {  	s21 =	sshll.u32 s4, $0x4  }
0x3bd: {  	s14 =	sand.u32 $0x3FFFFFF0, s21  }
0x3be: {  	v5 =	vld [tilespmem:s14+$0x5E80];
	_ =	sdelay $0x4  }
0x3bf: {  	(xrf0) =	vadd.scan.msk.s32 $0xffff, v5;
	_ =	sdelay $0x5  }
0x3c0: {  	v5, _, _ =	vpop (xrf0)  }
0x3c1: {  	(v2sf) =	vpush v5, $0xF;
	_ =	sdelay $0xe  }
0x3c2: {  	s28 =	spop (v2sf)  }
0x3c3: {  	p0 =	slt.s32 s28, s1  }
0x3c4: {  	s4 =	smov.u32 @p0 s3  }
0x3c5: {  	s3 =	sadd.s32 $0x8, s4  }
0x3c6: {  	s29 =	sshll.u32 s3, $0x4  }
0x3c7: {  	s14 =	sand.u32 $0x3FFFFFF0, s29  }
0x3c8: {  	v5 =	vld [tilespmem:s14+$0x5E80];
	_ =	sdelay $0x4  }
0x3c9: {  	(xrf0) =	vadd.scan.msk.s32 $0xffff, v5;
	_ =	sdelay $0x5  }
0x3ca: {  	v5, _, _ =	vpop (xrf0)  }
0x3cb: {  	(v2sf) =	vpush v5, $0xF;
	_ =	sdelay $0xe  }
0x3cc: {  	s5 =	spop (v2sf)  }
0x3cd: {  	p0 =	slt.s32 s5, s1  }
0x3ce: {  	s3 =	smov.u32 @p0 s4  }
0x3cf: {  	s4 =	sadd.s32 $0x4, s3  }
0x3d0: {  	s7 =	sshll.u32 s4, $0x4  }
0x3d1: {  	s14 =	sand.u32 $0x3FFFFFF0, s7  }
0x3d2: {  	v5 =	vld [tilespmem:s14+$0x5E80];
	_ =	sdelay $0x4  }
0x3d3: {  	(xrf0) =	vadd.scan.msk.s32 $0xffff, v5;
	_ =	sdelay $0x5  }
0x3d4: {  	v5, _, _ =	vpop (xrf0)  }
0x3d5: {  	(v2sf) =	vpush v5, $0xF;
	_ =	sdelay $0xe  }
0x3d6: {  	s15 =	spop (v2sf)  }
0x3d7: {  	p0 =	slt.s32 s15, s1  }
0x3d8: {  	s4 =	smov.u32 @p0 s3  }
0x3d9: {  	s14 =	sadd.s32 $0x2, s4  }
0x3da: {  	s17 =	sshll.u32 s14, $0x4  }
0x3db: {  	s3 =	sand.u32 $0x3FFFFFF0, s17  }
0x3dc: {  	v5 =	vld [tilespmem:s3+$0x5E80];
	_ =	sdelay $0x4  }
0x3dd: {  	(xrf0) =	vadd.scan.msk.s32 $0xffff, v5;
	_ =	sdelay $0x5  }
0x3de: {  	v5, _, _ =	vpop (xrf0)  }
0x3df: {  	(v2sf) =	vpush v5, $0xF;
	_ =	sdelay $0xe  }
0x3e0: {  	s20 =	spop (v2sf)  }
0x3e1: {  	p0 =	slt.s32 s20, s1  }
0x3e2: {  	s14 =	smov.u32 @p0 s4  }
0x3e3: {  	s3 =	sadd.s32 $0x1, s14  }
0x3e4: {  	s21 =	sshll.u32 s3, $0x4  }
0x3e5: {  	s4 =	sand.u32 $0x3FFFFFF0, s21  }
0x3e6: {  	v5 =	vld [tilespmem:s4+$0x5E80];
	_ =	sdelay $0x4  }
0x3e7: {  	(xrf0) =	vadd.scan.msk.s32 $0xffff, v5;
	_ =	sdelay $0x5  }
0x3e8: {  	v5, _, _ =	vpop (xrf0)  }
0x3e9: {  	(v2sf) =	vpush v5, $0xF;
	_ =	sdelay $0xe  }
0x3ea: {  	s28 =	spop (v2sf)  }
0x3eb: {  	p0 =	slt.s32 s28, s1  }
0x3ec: {  	s3 =	smov.u32 @p0 s14  }
0x3ed: {  	s29 =	sshll.u32 s3, $0x4  }
0x3ee: {  	s4 =	sand.u32 $0x3FFFFFF0, s29  }
0x3ef: {  	s14 =	simm.s32 $0x0;
	v5 =	vld [tilespmem:s4+$0x5E90];
	s4 =	simm.s32 $0x40  }
.LBB2_47:
0x3f0: {  	p0 =	sne.s32 s4, $0x3FC0;
	[tilespmem:s14+$0x4E80] =	vst v1;
	s14 =	smov.u32 s4;
	s4 =	sadd.s32 $0x40, s4  }
.Ltmp23:
0x3f1: {  	(pc) =	sbr.rel @p0 .LBB2_47-.Ltmp23, $2  }
0x3f2: {  	_ =	sdelay $0x2  }
0x3f3: {  	s14 =	sshra.s32 s14, $0x2  }
0x3f4: {  	[tilespmem:s14+$0x4E80] =	vst v1;
	s4 =	simm.s32 $0x0  }
0x3f5: {  	v7 =	vld [tilespmem:s4+$0x7000]  }
0x3f6: {  	v8 =	vld [tilespmem:s4+$0x7010]  }
0x3f7: {  	s3 =	sshll.u32 s3, $0x8  }
0x3f8: {  	s0 =	sor.u32 s0, s3;
	v9 =	vld [tilespmem:s4+$0x7020]  }
0x3f9: {  	v10 =	vld [tilespmem:s4+$0x7030];
	s3 =	sshra.s32 s0, $0x8  }
0x3fa: {  	v12 =	vld [tilespmem:s4+$0x7040];
	v6 =	vmov s3;
	v11 =	vshra.s32 v7, $0x8;
	v7 =	vshll.u32 v7, $0x4  }
0x3fb: {  	vm2 =	veq.s32 v11, v6;
	v7 =	vor.u32 v2, v7;
	v11 =	vshra.s32 v8, $0x8  }
0x3fc: {  	v13 =	vld [tilespmem:s4+$0x7050];
	v8 =	vshll.u32 v8, $0x4;
	v14 =	vand.u32 $0xFFF, v7;
	vm3 =	veq.s32 v11, v6  }
0x3fd: {  	v7 =	vor.u32 v2, v8;
	v11 =	vld [tilespmem:s4+$0x7060];
	v8 =	vshra.s32 v9, $0x8;
	v9 =	vshll.u32 v9, $0x4  }
0x3fe: {  	v15 =	vand.u32 $0xFFF, v7;
	vm4 =	veq.s32 v8, v6;
	v7 =	vshll.u32 v10, $0x4  }
0x3ff: {  	v8 =	vor.u32 v2, v9;
	v9 =	vshra.s32 v10, $0x8;
	v10 =	vshll.u32 v12, $0x4  }
0x400: {  	v16 =	vand.u32 $0xFFF, v8;
	vm1 =	veq.s32 v9, v6;
	v8 =	vor.u32 v2, v10  }
0x401: {  	v7 =	vor.u32 v2, v7;
	v9 =	vshra.s32 v12, $0x8;
	v10 =	vshra.s32 v13, $0x8  }
0x402: {  	v7 =	vand.u32 $0xFFF, v7;
	v8 =	vand.u32 $0xFFF, v8;
	[tilespmem:v14+s18+$0x0] =	vst.idx.add.s32.msk vm2, v3;
	v63 =	vshra.s32 v11, $0x8  }
0x403: {  	vm2 =	veq.s32 v9, v6;
	v9 =	vshll.u32 v13, $0x4;
	[tilespmem:v15+s18+$0x0] =	vst.idx.add.s32.msk vm3, v3;
	vm3 =	veq.s32 v10, v6  }
0x404: {  	v10 =	vshll.u32 v11, $0x4;
	v9 =	vor.u32 v2, v9;
	vm5 =	veq.s32 v63, v6  }
0x405: {  	v10 =	vor.u32 v2, v10;
	[tilespmem:v16+s18+$0x0] =	vst.idx.add.s32.msk vm4, v3;
	v9 =	vand.u32 $0xFFF, v9;
	vm4 =	vmand vm5, vm0  }
0x406: {  	s14 =	simm.s32 $0x200;
	v10 =	vand.u32 $0xFFF, v10  }
.LBB2_49:
0x407: {  	p0 =	sne.s32 s14, $0xC600;
	s3 =	smov.u32 s14;
	s14 =	sadd.s32 $0x200, s14  }
0x408: {  	[tilespmem:v7+s18+$0x0] =	vst.idx.add.s32.msk vm1, v3  }
0x409: {  	[tilespmem:v8+s18+$0x0] =	vst.idx.add.s32.msk vm2, v3  }
0x40a: {  	[tilespmem:v9+s18+$0x0] =	vst.idx.add.s32.msk vm3, v3  }
0x40b: {  	s3 =	sshra.s32 s3, $0x2;
	[tilespmem:v10+s18+$0x0] =	vst.idx.add.s32.msk vm4, v3  }
0x40c: {  	v7 =	vld [tilespmem:s3+$0x7000]  }
0x40d: {  	v8 =	vld [tilespmem:s3+$0x7010]  }
0x40e: {  	v9 =	vld [tilespmem:s3+$0x7020];
	_ =	sdelay $0x1  }
0x40f: {  	v10 =	vld [tilespmem:s3+$0x7030]  }
0x410: {  	v11 =	vld [tilespmem:s3+$0x7040];
	v12 =	vshra.s32 v7, $0x8;
	v7 =	vshll.u32 v7, $0x4  }
0x411: {  	vm2 =	veq.s32 v12, v6;
	v7 =	vor.u32 v2, v7;
	v12 =	vshra.s32 v8, $0x8  }
0x412: {  	v8 =	vshll.u32 v8, $0x4;
	v13 =	vld [tilespmem:s3+$0x7050];
	v7 =	vand.u32 $0xFFF, v7;
	vm3 =	veq.s32 v12, v6  }
0x413: {  	v8 =	vor.u32 v2, v8;
	v14 =	vshra.s32 v9, $0x8;
	v9 =	vshll.u32 v9, $0x4;
	v12 =	vld [tilespmem:s3+$0x7060]  }
0x414: {  	v15 =	vand.u32 $0xFFF, v8;
	vm4 =	veq.s32 v14, v6;
	v8 =	vshll.u32 v10, $0x4  }
0x415: {  	v9 =	vor.u32 v2, v9;
	v10 =	vshra.s32 v10, $0x8;
	v14 =	vshll.u32 v11, $0x4  }
0x416: {  	v9 =	vand.u32 $0xFFF, v9;
	vm1 =	veq.s32 v10, v6;
	v10 =	vor.u32 v2, v14  }
0x417: {  	v8 =	vor.u32 v2, v8;
	v11 =	vshra.s32 v11, $0x8;
	v14 =	vshra.s32 v13, $0x8  }
.Ltmp24:
0x418: {  	[tilespmem:v7+s18+$0x0] =	vst.idx.add.s32.msk vm2, v3;
	v7 =	vand.u32 $0xFFF, v8;
	v8 =	vand.u32 $0xFFF, v10;
	v10 =	vshra.s32 v12, $0x8;
	(pc) =	sbr.rel @p0 .LBB2_49-.Ltmp24, $4  }
0x419: {  	vm2 =	veq.s32 v11, v6;
	v11 =	vshll.u32 v13, $0x4;
	[tilespmem:v15+s18+$0x0] =	vst.idx.add.s32.msk vm3, v3;
	vm3 =	veq.s32 v14, v6  }
0x41a: {  	v11 =	vor.u32 v2, v11;
	vm5 =	veq.s32 v10, v6;
	v10 =	vshll.u32 v12, $0x4  }
0x41b: {  	v10 =	vor.u32 v2, v10;
	[tilespmem:v9+s18+$0x0] =	vst.idx.add.s32.msk vm4, v3;
	v9 =	vand.u32 $0xFFF, v11;
	vm4 =	vmand vm5, vm0  }
0x41c: {  	v10 =	vand.u32 $0xFFF, v10  }
0x41d: {  	_ =	sdelay $0x4  }
0x41e: {  	[tilespmem:v7+s18+$0x0] =	vst.idx.add.s32.msk vm1, v3  }
0x41f: {  	[tilespmem:v8+s18+$0x0] =	vst.idx.add.s32.msk vm2, v3  }
0x420: {  	[tilespmem:v9+s18+$0x0] =	vst.idx.add.s32.msk vm3, v3  }
0x421: {  	v6 =	vimm.s32 $0x0;
	[tilespmem:v10+s18+$0x0] =	vst.idx.add.s32.msk vm4, v3  }
0x422: {  	s3 =	simm.s32 $0xFF0;
	[tilespmem:$0x6E80] =	vst v6  }
0x423: {  	s4 =	simm.s32 $0x3F80;
	v7 =	vld [tilespmem:s3+$0x4E80]  }
.LBB2_51:
0x424: {  	p0 =	sne.s32 s4, $0x0  }
.Ltmp25:
0x425: {  	_ = 	snop;
	(pc) =	sbr.rel @p0 .LBB2_51-.Ltmp25, $3  }
0x426: {  	_ =	sdelay $0x1  }
0x427: {  	s14 =	sshra.s32 s4, $0x2;
	s4 =	sadd.s32 $0xFFFFFFC0, s4;
	v6 =	vadd.s32 v6, v7  }
0x428: {  	v7 =	vld [tilespmem:s14+$0x4E80];
	[tilespmem:s3+$0x5E80] =	vst v6;
	s3 =	smov.u32 s14  }
0x429: {  	_ =	sdelay $0x3  }
0x42a: {  	v6 =	vadd.s32 v6, v7  }
0x42b: {  	[tilespmem:s3+$0x5E80] =	vst v6  }
0x42c: {  	v6 =	vld [tilespmem:$0x6680];
	_ =	sdelay $0x3  }
0x42d: {  	(xrf0) =	vadd.scan.msk.s32 $0xffff, v5  }
0x42e: {  	(xrf0) =	vadd.scan.msk.s32 $0xffff, v6;
	_ =	sdelay $0x4  }
0x42f: {  	v5, _, _ =	vpop (xrf0)  }
0x430: {  	(v2sf) =	vpush v5, $0xF;
	v5, _, _ =	vpop (xrf0)  }
0x431: {  	(v2sf) =	vpush v5, $0xF;
	_ =	sdelay $0xd  }
0x432: {  	s15 =	spop (v2sf)  }
0x433: {  	s14 =	ssub.s32 s1, s15;
	s17 =	spop (v2sf)  }
0x434: {  	s1 =	simm.s32 $0x0;
	p0 =	slt.s32 s17, s14  }
0x435: {  	s1 =	simm.s32 @!p0 $0x80  }
0x436: {  	s3 =	sor.u32 $0x40, s1  }
0x437: {  	s4 =	sshll.u32 s3, $0x4  }
0x438: {  	v5 =	vld [tilespmem:s4+$0x5E80];
	_ =	sdelay $0x4  }
0x439: {  	(xrf0) =	vadd.scan.msk.s32 $0xffff, v5;
	_ =	sdelay $0x5  }
0x43a: {  	v5, _, _ =	vpop (xrf0)  }
0x43b: {  	(v2sf) =	vpush v5, $0xF;
	_ =	sdelay $0xe  }
0x43c: {  	s20 =	spop (v2sf)  }
0x43d: {  	p0 =	slt.s32 s20, s14  }
0x43e: {  	s3 =	smov.u32 @p0 s1  }
0x43f: {  	s1 =	sor.u32 $0x20, s3  }
0x440: {  	s21 =	sshll.u32 s1, $0x4  }
0x441: {  	v5 =	vld [tilespmem:s21+$0x5E80];
	_ =	sdelay $0x4  }
0x442: {  	(xrf0) =	vadd.scan.msk.s32 $0xffff, v5;
	_ =	sdelay $0x5  }
0x443: {  	v5, _, _ =	vpop (xrf0)  }
0x444: {  	(v2sf) =	vpush v5, $0xF;
	_ =	sdelay $0xe  }
0x445: {  	s29 =	spop (v2sf)  }
0x446: {  	p0 =	slt.s32 s29, s14  }
0x447: {  	s1 =	smov.u32 @p0 s3  }
0x448: {  	s3 =	sor.u32 $0x10, s1  }
0x449: {  	s5 =	sshll.u32 s3, $0x4  }
0x44a: {  	s4 =	sand.u32 $0x3FFFFFF0, s5  }
0x44b: {  	v5 =	vld [tilespmem:s4+$0x5E80];
	_ =	sdelay $0x4  }
0x44c: {  	(xrf0) =	vadd.scan.msk.s32 $0xffff, v5;
	_ =	sdelay $0x5  }
0x44d: {  	v5, _, _ =	vpop (xrf0)  }
0x44e: {  	(v2sf) =	vpush v5, $0xF;
	_ =	sdelay $0xe  }
0x44f: {  	s7 =	spop (v2sf)  }
0x450: {  	p0 =	slt.s32 s7, s14  }
0x451: {  	s3 =	smov.u32 @p0 s1  }
0x452: {  	s1 =	sadd.s32 $0x8, s3  }
0x453: {  	s15 =	sshll.u32 s1, $0x4  }
0x454: {  	s4 =	sand.u32 $0x3FFFFFF0, s15  }
0x455: {  	v5 =	vld [tilespmem:s4+$0x5E80];
	_ =	sdelay $0x4  }
0x456: {  	(xrf0) =	vadd.scan.msk.s32 $0xffff, v5;
	_ =	sdelay $0x5  }
0x457: {  	v5, _, _ =	vpop (xrf0)  }
0x458: {  	(v2sf) =	vpush v5, $0xF;
	_ =	sdelay $0xe  }
0x459: {  	s17 =	spop (v2sf)  }
0x45a: {  	p0 =	slt.s32 s17, s14  }
0x45b: {  	s1 =	smov.u32 @p0 s3  }
0x45c: {  	s3 =	sadd.s32 $0x4, s1  }
0x45d: {  	s20 =	sshll.u32 s3, $0x4  }
0x45e: {  	s4 =	sand.u32 $0x3FFFFFF0, s20  }
0x45f: {  	v5 =	vld [tilespmem:s4+$0x5E80];
	_ =	sdelay $0x4  }
0x460: {  	(xrf0) =	vadd.scan.msk.s32 $0xffff, v5;
	_ =	sdelay $0x5  }
0x461: {  	v5, _, _ =	vpop (xrf0)  }
0x462: {  	(v2sf) =	vpush v5, $0xF;
	_ =	sdelay $0xe  }
0x463: {  	s21 =	spop (v2sf)  }
0x464: {  	p0 =	slt.s32 s21, s14  }
0x465: {  	s3 =	smov.u32 @p0 s1  }
0x466: {  	s1 =	sadd.s32 $0x2, s3  }
0x467: {  	s29 =	sshll.u32 s1, $0x4  }
0x468: {  	s4 =	sand.u32 $0x3FFFFFF0, s29  }
0x469: {  	v5 =	vld [tilespmem:s4+$0x5E80];
	_ =	sdelay $0x4  }
0x46a: {  	(xrf0) =	vadd.scan.msk.s32 $0xffff, v5;
	_ =	sdelay $0x5  }
0x46b: {  	v5, _, _ =	vpop (xrf0)  }
0x46c: {  	(v2sf) =	vpush v5, $0xF;
	_ =	sdelay $0xe  }
0x46d: {  	s5 =	spop (v2sf)  }
0x46e: {  	p0 =	slt.s32 s5, s14  }
0x46f: {  	s1 =	smov.u32 @p0 s3  }
0x470: {  	s3 =	sadd.s32 $0x1, s1  }
0x471: {  	s7 =	sshll.u32 s3, $0x4  }
0x472: {  	s4 =	sand.u32 $0x3FFFFFF0, s7  }
0x473: {  	v5 =	vld [tilespmem:s4+$0x5E80];
	_ =	sdelay $0x4  }
0x474: {  	(xrf0) =	vadd.scan.msk.s32 $0xffff, v5;
	_ =	sdelay $0x5  }
0x475: {  	v5, _, _ =	vpop (xrf0)  }
0x476: {  	(v2sf) =	vpush v5, $0xF;
	_ =	sdelay $0xe  }
0x477: {  	s15 =	spop (v2sf)  }
0x478: {  	p0 =	slt.s32 s15, s14  }
0x479: {  	s3 =	smov.u32 @p0 s1  }
0x47a: {  	s1 =	sshll.u32 s3, $0x4  }
0x47b: {  	s1 =	sand.u32 $0x3FFFFFF0, s1  }
0x47c: {  	v5 =	vld [tilespmem:s1+$0x5E90]  }
0x47d: {  	[tilespmem:$0xA800] =	vst v4  }
0x47e: {  	[tilespmem:$0xAA80] =	vst v1  }
0x47f: {  	[tilespmem:$0xA810] =	vst v4  }
0x480: {  	[tilespmem:$0xAA90] =	vst v1  }
0x481: {  	[tilespmem:$0xA820] =	vst v4;
	(xrf0) =	vadd.scan.msk.s32 $0xffff, v5  }
0x482: {  	[tilespmem:$0xAAA0] =	vst v1  }
0x483: {  	[tilespmem:$0xA830] =	vst v4  }
0x484: {  	[tilespmem:$0xAAB0] =	vst v1  }
0x485: {  	[tilespmem:$0xA840] =	vst v4  }
0x486: {  	[tilespmem:$0xAAC0] =	vst v1  }
0x487: {  	[tilespmem:$0xA850] =	vst v4;
	v5, _, _ =	vpop (xrf0)  }
0x488: {  	[tilespmem:$0xAAD0] =	vst v1;
	(v2sf) =	vpush v5, $0xF  }
0x489: {  	[tilespmem:$0xA860] =	vst v4  }
0x48a: {  	s17 =	simm.s32 $0x7030;
	[tilespmem:$0xAAE0] =	vst v1  }
0x48b: {  	v6 =	vld [tilespmem:s17+$0xFFFFFFD0];
	_ =	sdelay $0x2  }
0x48c: {  	s0 =	sor.u32 s0, s3  }
0x48d: {  	v5 =	vmov s0  }
0x48e: {  	vm1 =	veq.s32 v5, v6  }
0x48f: {  	v7 =	vsel vm1, $0x1, v1  }
0x490: {  	(xrf0) =	vadd.scan.msk.s32 $0xffff, v7;
	_ =	sdelay $0x4  }
0x491: {  	s20 =	spop (v2sf)  }
0x492: {  	v7, _, _ =	vpop (xrf0);
	s0 =	ssub.s32 s14, s20  }
0x493: {  	vm2 =	vle.s32 v7, s0  }
0x494: {  	vm3 =	vmand vm1, vm2  }
0x495: {  	v7 =	vsel vm3, $0x1, v1  }
0x496: {  	(xrf0) =	vadd.scan.msk.s32 $0xffff, v7;
	_ =	sdelay $0x5  }
0x497: {  	v7, _, _ =	vpop (xrf0)  }
0x498: {  	(v2sf) =	vpush v7, $0xF;
	_ =	sdelay $0x2  }
0x499: {  	v7 =	vld [tilespmem:s17+$0xFFFFFFE0];
	_ =	sdelay $0x4  }
0x49a: {  	vm1 =	veq.s32 v5, v7  }
0x49b: {  	v8 =	vsel vm1, $0x1, v1  }
0x49c: {  	(xrf0) =	vadd.scan.msk.s32 $0xffff, v8;
	_ =	sdelay $0x4  }
0x49d: {  	s21 =	spop (v2sf)  }
0x49e: {  	v8, _, _ =	vpop (xrf0);
	s0 =	ssub.s32 s0, s21  }
0x49f: {  	vm2 =	vle.s32 v8, s0  }
0x4a0: {  	vm1 =	vmand vm1, vm2  }
0x4a1: {  	v8 =	vsel vm1, $0x1, v1  }
0x4a2: {  	(xrf0) =	vadd.scan.msk.s32 $0xffff, v8;
	_ =	sdelay $0x5  }
0x4a3: {  	v8, _, _ =	vpop (xrf0)  }
0x4a4: {  	(v2sf) =	vpush v8, $0xF;
	_ =	sdelay $0x2  }
0x4a5: {  	v8 =	vld [tilespmem:s17+$0xFFFFFFF0];
	_ =	sdelay $0x2  }
0x4a6: {  	vm2 =	vlt.s32 v5, v7  }
0x4a7: {  	vm1 =	vmor vm2, vm1  }
0x4a8: {  	v9 =	vsel vm1, $0x1, v1;
	vm2 =	veq.s32 v5, v8  }
0x4a9: {  	(xrf0) =	vadd.scan.msk.s32 $0xffff, v9;
	v35 =	vsel vm2, $0x1, v1  }
0x4aa: {  	(xrf0) =	vadd.scan.msk.s32 $0xffff, v35;
	_ =	sdelay $0x4  }
0x4ab: {  	v36, _, _ =	vpop (xrf0);
	s29 =	spop (v2sf)  }
0x4ac: {  	v10, _, _ =	vpop (xrf0);
	s0 =	ssub.s32 s0, s29  }
0x4ad: {  	vm4 =	vle.s32 v10, s0  }
0x4ae: {  	vm2 =	vmand vm2, vm4  }
0x4af: {  	v37 =	vsel vm2, $0x1, v1  }
0x4b0: {  	(xrf0) =	vadd.scan.msk.s32 $0xffff, v37;
	_ =	sdelay $0x5  }
0x4b1: {  	(v2sf) =	vpush v36, $0xF;
	v38, _, _ =	vpop (xrf0)  }
0x4b2: {  	(v2sf) =	vpush v38, $0xF;
	_ =	sdelay $0x2  }
0x4b3: {  	v39 =	vld [tilespmem:s17+$0x0];
	_ =	sdelay $0x2  }
0x4b4: {  	vm15 =	vlt.s32 v5, v8  }
0x4b5: {  	vm2 =	vmor vm15, vm2  }
0x4b6: {  	vm8 =	veq.s32 v5, v39;
	v40 =	vsel vm2, $0x1, v1  }
0x4b7: {  	v41 =	vsel vm8, $0x1, v1;
	(xrf0) =	vadd.scan.msk.s32 $0xffff, v40  }
0x4b8: {  	(xrf0) =	vadd.scan.msk.s32 $0xffff, v41;
	_ =	sdelay $0x3  }
0x4b9: {  	s14 =	spop (v2sf)  }
0x4ba: {  	v42, _, _ =	vpop (xrf0);
	s4 =	spop (v2sf)  }
0x4bb: {  	v11, _, _ =	vpop (xrf0);
	s0 =	ssub.s32 s0, s4  }
0x4bc: {  	vm5 =	vle.s32 v11, s0  }
0x4bd: {  	vm4 =	vmand vm8, vm5  }
0x4be: {  	v43 =	vsel vm4, $0x1, v1  }
0x4bf: {  	(xrf0) =	vadd.scan.msk.s32 $0xffff, v43;
	_ =	sdelay $0x5  }
0x4c0: {  	(v2sf) =	vpush v42, $0xF;
	v44, _, _ =	vpop (xrf0)  }
0x4c1: {  	(v2sf) =	vpush v44, $0xF;
	_ =	sdelay $0x2  }
0x4c2: {  	v45 =	vld [tilespmem:s17+$0x10];
	_ =	sdelay $0x2  }
0x4c3: {  	vm9 =	vlt.s32 v5, v39  }
0x4c4: {  	vm4 =	vmor vm9, vm4  }
0x4c5: {  	vm10 =	veq.s32 v5, v45;
	v46 =	vsel vm4, $0x1, v1  }
0x4c6: {  	v47 =	vsel vm10, $0x1, v1;
	(xrf0) =	vadd.scan.msk.s32 $0xffff, v46  }
0x4c7: {  	(xrf0) =	vadd.scan.msk.s32 $0xffff, v47;
	_ =	sdelay $0x3  }
0x4c8: {  	s3 =	spop (v2sf)  }
0x4c9: {  	v48, _, _ =	vpop (xrf0);
	s5 =	spop (v2sf)  }
0x4ca: {  	v12, _, _ =	vpop (xrf0);
	s0 =	ssub.s32 s0, s5  }
0x4cb: {  	vm6 =	vle.s32 v12, s0  }
0x4cc: {  	vm5 =	vmand vm10, vm6  }
0x4cd: {  	v49 =	vsel vm5, $0x1, v1  }
0x4ce: {  	(xrf0) =	vadd.scan.msk.s32 $0xffff, v49;
	_ =	sdelay $0x5  }
0x4cf: {  	(v2sf) =	vpush v48, $0xF;
	v50, _, _ =	vpop (xrf0)  }
0x4d0: {  	(v2sf) =	vpush v50, $0xF;
	_ =	sdelay $0x2  }
0x4d1: {  	v51 =	vld [tilespmem:s17+$0x20];
	_ =	sdelay $0x2  }
0x4d2: {  	vm11 =	vlt.s32 v5, v45  }
0x4d3: {  	vm5 =	vmor vm11, vm5  }
0x4d4: {  	vm7 =	veq.s32 v5, v51;
	v52 =	vsel vm5, $0x1, v1  }
0x4d5: {  	v53 =	vsel vm7, $0x1, v1;
	(xrf0) =	vadd.scan.msk.s32 $0xffff, v52  }
0x4d6: {  	(xrf0) =	vadd.scan.msk.s32 $0xffff, v53;
	_ =	sdelay $0x3  }
0x4d7: {  	s4 =	spop (v2sf)  }
0x4d8: {  	v54, _, _ =	vpop (xrf0);
	s15 =	spop (v2sf)  }
0x4d9: {  	vm12 =	vlt.s32 v5, v6;
	v13, _, _ =	vpop (xrf0);
	s15 =	ssub.s32 s0, s15  }
0x4da: {  	vm6 =	vmor vm12, vm3;
	vm3 =	vle.s32 v13, s15  }
0x4db: {  	v55 =	vsel vm6, $0x1, v1;
	vm3 =	vmand vm7, vm3  }
0x4dc: {  	(xrf0) =	vadd.scan.msk.s32 $0xffff, v55;
	v56 =	vsel vm3, $0x1, v1  }
0x4dd: {  	(xrf0) =	vadd.scan.msk.s32 $0xffff, v56;
	_ =	sdelay $0x4  }
0x4de: {  	(v2sf) =	vpush v54, $0xF;
	v57, _, _ =	vpop (xrf0)  }
0x4df: {  	(v2sf) =	vpush v57, $0xF;
	v58, _, _ =	vpop (xrf0)  }
0x4e0: {  	(v2sf) =	vpush v58, $0xF  }
0x4e1: {  	vm13 =	vlt.s32 v5, v51  }
0x4e2: {  	v59 =	vld [tilespmem:s17+$0x30];
	vm3 =	vmor vm13, vm3  }
0x4e3: {  	v60 =	vsel vm3, $0x1, v1  }
0x4e4: {  	(xrf0) =	vadd.scan.msk.s32 $0xffff, v60;
	_ =	sdelay $0x2  }
0x4e5: {  	vm14 =	veq.s32 v5, v59  }
0x4e6: {  	vm7 =	vmand vm14, vm0  }
0x4e7: {  	v61 =	vsel vm7, $0x1, v1  }
0x4e8: {  	v14, _, _ =	vpop (xrf0);
	(xrf0) =	vadd.scan.msk.s32 $0xffff, v61  }
0x4e9: {  	(v2sf) =	vpush v14, $0xF;
	_ =	sdelay $0x1  }
0x4ea: {  	s17 =	simm.s32 $0x0;
	s1 =	spop (v2sf)  }
0x4eb: {  	v62 =	vor.u32 s17, v2;
	s0 =	simm.s32 $0x0;
	s20 =	spop (v2sf)  }
0x4ec: {  	s21 =	simm.s32 $0x10;
	[tilespmem:s0+$0xA880] =	vst.msk vm6, v62;
	s7 =	spop (v2sf)  }
0x4ed: {  	[tilespmem:s0+$0xA800] =	vst.msk vm6, v6;
	v6 =	vor.u32 s21, v2;
	s21 =	sadd.s32 $0x0, s20;
	v63, _, _ =	vpop (xrf0);
	s15 =	ssub.s32 s15, s7  }
0x4ee: {  	s29 =	simm.s32 $0x20;
	vm8 =	vlt.s32 v5, v59;
	[tilespmem:s21+$0xA880] =	vst.msk vm1, v6;
	vm15 =	vle.s32 v63, s15  }
0x4ef: {  	vm8 =	vmand vm8, vm0;
	v6 =	vor.u32 s29, v2;
	s14 =	sadd.s32 s21, s14;
	[tilespmem:s21+$0xA800] =	vst.msk vm1, v7;
	vm6 =	vmand vm7, vm15  }
0x4f0: {  	s5 =	simm.s32 $0x30;
	[tilespmem:s14+$0xA880] =	vst.msk vm2, v6;
	vm1 =	vmor vm8, vm6;
	v7 =	vsel vm6, $0x1, v1  }
0x4f1: {  	s3 =	sadd.s32 s14, s3;
	[tilespmem:s14+$0xA800] =	vst.msk vm2, v8;
	v6 =	vsel vm1, $0x1, v1;
	(xrf0) =	vadd.scan.msk.s32 $0xffff, v7;
	v7 =	vor.u32 s5, v2  }
0x4f2: {  	s7 =	simm.s32 $0x40;
	(xrf0) =	vadd.scan.msk.s32 $0xffff, v6;
	[tilespmem:s3+$0xA880] =	vst.msk vm4, v7  }
0x4f3: {  	s17 =	simm.s32 $0x50;
	v6 =	vor.u32 s7, v2;
	[tilespmem:s3+$0xA800] =	vst.msk vm4, v39;
	s3 =	sadd.s32 s3, s4  }
0x4f4: {  	[tilespmem:s3+$0xA880] =	vst.msk vm5, v6;
	v6 =	vor.u32 s17, v2;
	_ =	sdelay $0x1  }
0x4f5: {  	s1 =	sadd.s32 s3, s1;
	[tilespmem:s3+$0xA800] =	vst.msk vm5, v45  }
0x4f6: {  	s20 =	simm.s32 $0x60;
	s21 =	spop (v2sf);
	[tilespmem:s1+$0xA880] =	vst.msk vm3, v6;
	v6, _, _ =	vpop (xrf0)  }
0x4f7: {  	v7 =	vor.u32 s20, v2;
	s28 =	sadd.s32 s1, s21;
	[tilespmem:s1+$0xA800] =	vst.msk vm3, v51;
	v8, _, _ =	vpop (xrf0);
	(v2sf) =	vpush v6, $0xF  }
0x4f8: {  	[tilespmem:s28+$0xA880] =	vst.msk vm1, v7;
	(v2sf) =	vpush v8, $0xF  }
0x4f9: {  	s17 =	simm.s32 $0x70B0;
	[tilespmem:s28+$0xA800] =	vst.msk vm1, v59  }
0x4fa: {  	v6 =	vld [tilespmem:s17+$0xFFFFFFD0];
	_ =	sdelay $0x4  }
0x4fb: {  	vm1 =	veq.s32 v5, v6  }
0x4fc: {  	v7 =	vsel vm1, $0x1, v1  }
0x4fd: {  	(xrf0) =	vadd.scan.msk.s32 $0xffff, v7;
	_ =	sdelay $0x4  }
0x4fe: {  	s20 =	simm.s32 $0x140;
	s29 =	spop (v2sf)  }
0x4ff: {  	s1 =	simm.s32 $0xD0;
	v7, _, _ =	vpop (xrf0);
	s3 =	ssub.s32 s15, s29;
	s14 =	spop (v2sf)  }
.LBB2_53:
0x500: {  	p0 =	sne.s32 s20, $0x2BB0  }
0x501: {  	vm2 =	vle.s32 v7, s3;
	s28 =	sadd.s32 s28, s14;
	s21 =	smov.u32 s20;
	s20 =	sadd.s32 $0x70, s20  }
0x502: {  	vm2 =	vmand vm1, vm2  }
0x503: {  	v7 =	vsel vm2, $0x1, v1  }
0x504: {  	(xrf0) =	vadd.scan.msk.s32 $0xffff, v7;
	_ =	sdelay $0x5  }
0x505: {  	v7, _, _ =	vpop (xrf0)  }
0x506: {  	(v2sf) =	vpush v7, $0xF;
	_ =	sdelay $0x2  }
0x507: {  	v7 =	vld [tilespmem:s17+$0xFFFFFFE0];
	_ =	sdelay $0x4  }
0x508: {  	vm1 =	veq.s32 v5, v7  }
0x509: {  	v8 =	vsel vm1, $0x1, v1  }
0x50a: {  	(xrf0) =	vadd.scan.msk.s32 $0xffff, v8;
	_ =	sdelay $0x4  }
0x50b: {  	s4 =	spop (v2sf)  }
0x50c: {  	s3 =	ssub.s32 s3, s4;
	v8, _, _ =	vpop (xrf0)  }
0x50d: {  	vm3 =	vle.s32 v8, s3  }
0x50e: {  	vm4 =	vlt.s32 v5, v7;
	vm3 =	vmand vm1, vm3  }
0x50f: {  	vm1 =	vmor vm4, vm3;
	v8 =	vsel vm3, $0x1, v1  }
0x510: {  	v9 =	vsel vm1, $0x1, v1;
	(xrf0) =	vadd.scan.msk.s32 $0xffff, v8  }
0x511: {  	(xrf0) =	vadd.scan.msk.s32 $0xffff, v9;
	_ =	sdelay $0x4  }
0x512: {  	v8, _, _ =	vpop (xrf0)  }
0x513: {  	v9, _, _ =	vpop (xrf0);
	(v2sf) =	vpush v8, $0xF  }
0x514: {  	(v2sf) =	vpush v9, $0xF;
	_ =	sdelay $0x1  }
0x515: {  	v8 =	vld [tilespmem:s17+$0xFFFFFFF0];
	_ =	sdelay $0x4  }
0x516: {  	vm3 =	veq.s32 v5, v8  }
0x517: {  	v9 =	vsel vm3, $0x1, v1  }
0x518: {  	(xrf0) =	vadd.scan.msk.s32 $0xffff, v9;
	_ =	sdelay $0x4  }
0x519: {  	s4 =	spop (v2sf)  }
0x51a: {  	s3 =	ssub.s32 s3, s4;
	s29 =	spop (v2sf);
	v9, _, _ =	vpop (xrf0)  }
0x51b: {  	vm4 =	vle.s32 v9, s3  }
0x51c: {  	vm5 =	vlt.s32 v5, v8;
	vm4 =	vmand vm3, vm4  }
0x51d: {  	vm3 =	vmor vm5, vm4;
	v9 =	vsel vm4, $0x1, v1  }
0x51e: {  	v10 =	vsel vm3, $0x1, v1;
	(xrf0) =	vadd.scan.msk.s32 $0xffff, v9  }
0x51f: {  	(xrf0) =	vadd.scan.msk.s32 $0xffff, v10;
	_ =	sdelay $0x4  }
0x520: {  	v9, _, _ =	vpop (xrf0)  }
0x521: {  	v10, _, _ =	vpop (xrf0);
	(v2sf) =	vpush v9, $0xF  }
0x522: {  	(v2sf) =	vpush v10, $0xF;
	_ =	sdelay $0x1  }
0x523: {  	v9 =	vld [tilespmem:s17+$0x0];
	_ =	sdelay $0x4  }
0x524: {  	vm4 =	veq.s32 v5, v9  }
0x525: {  	v10 =	vsel vm4, $0x1, v1  }
0x526: {  	(xrf0) =	vadd.scan.msk.s32 $0xffff, v10;
	_ =	sdelay $0x4  }
0x527: {  	s4 =	spop (v2sf)  }
0x528: {  	s3 =	ssub.s32 s3, s4;
	s14 =	spop (v2sf);
	v10, _, _ =	vpop (xrf0)  }
0x529: {  	vm5 =	vle.s32 v10, s3  }
0x52a: {  	vm6 =	vlt.s32 v5, v9;
	vm5 =	vmand vm4, vm5  }
0x52b: {  	vm4 =	vmor vm6, vm5;
	v10 =	vsel vm5, $0x1, v1  }
0x52c: {  	v11 =	vsel vm4, $0x1, v1;
	(xrf0) =	vadd.scan.msk.s32 $0xffff, v10  }
0x52d: {  	(xrf0) =	vadd.scan.msk.s32 $0xffff, v11;
	_ =	sdelay $0x4  }
0x52e: {  	v10, _, _ =	vpop (xrf0)  }
0x52f: {  	v11, _, _ =	vpop (xrf0);
	(v2sf) =	vpush v10, $0xF  }
0x530: {  	(v2sf) =	vpush v11, $0xF;
	_ =	sdelay $0x1  }
0x531: {  	v10 =	vld [tilespmem:s17+$0x10];
	_ =	sdelay $0x4  }
0x532: {  	vm5 =	veq.s32 v5, v10  }
0x533: {  	v11 =	vsel vm5, $0x1, v1  }
0x534: {  	(xrf0) =	vadd.scan.msk.s32 $0xffff, v11;
	_ =	sdelay $0x4  }
0x535: {  	s4 =	spop (v2sf)  }
0x536: {  	s3 =	ssub.s32 s3, s4;
	s15 =	spop (v2sf);
	v11, _, _ =	vpop (xrf0)  }
0x537: {  	vm6 =	vle.s32 v11, s3  }
0x538: {  	vm7 =	vlt.s32 v5, v10;
	vm6 =	vmand vm5, vm6  }
0x539: {  	vm5 =	vmor vm7, vm6;
	v11 =	vsel vm6, $0x1, v1  }
0x53a: {  	v12 =	vsel vm5, $0x1, v1;
	(xrf0) =	vadd.scan.msk.s32 $0xffff, v11  }
0x53b: {  	(xrf0) =	vadd.scan.msk.s32 $0xffff, v12;
	_ =	sdelay $0x4  }
0x53c: {  	v11, _, _ =	vpop (xrf0)  }
0x53d: {  	v12, _, _ =	vpop (xrf0);
	(v2sf) =	vpush v11, $0xF  }
0x53e: {  	(v2sf) =	vpush v12, $0xF;
	_ =	sdelay $0x1  }
0x53f: {  	v11 =	vld [tilespmem:s17+$0x20];
	_ =	sdelay $0x4  }
0x540: {  	vm7 =	veq.s32 v5, v11  }
0x541: {  	v12 =	vsel vm7, $0x1, v1  }
0x542: {  	vm6 =	vlt.s32 v5, v6;
	(xrf0) =	vadd.scan.msk.s32 $0xffff, v12  }
0x543: {  	vm6 =	vmor vm6, vm2  }
0x544: {  	v12 =	vsel vm6, $0x1, v1  }
0x545: {  	(xrf0) =	vadd.scan.msk.s32 $0xffff, v12;
	_ =	sdelay $0x1  }
0x546: {  	s4 =	spop (v2sf)  }
0x547: {  	s4 =	ssub.s32 s3, s4;
	s3 =	spop (v2sf);
	v12, _, _ =	vpop (xrf0)  }
0x548: {  	vm2 =	vle.s32 v12, s4  }
0x549: {  	vm8 =	vlt.s32 v5, v11;
	vm7 =	vmand vm7, vm2  }
0x54a: {  	vm2 =	vmor vm8, vm7;
	v12 =	vsel vm7, $0x1, v1;
	v13, _, _ =	vpop (xrf0)  }
0x54b: {  	v14 =	vsel vm2, $0x1, v1;
	(v2sf) =	vpush v13, $0xF;
	(xrf0) =	vadd.scan.msk.s32 $0xffff, v12  }
0x54c: {  	(xrf0) =	vadd.scan.msk.s32 $0xffff, v14;
	_ =	sdelay $0x4  }
0x54d: {  	v12, _, _ =	vpop (xrf0)  }
0x54e: {  	v13, _, _ =	vpop (xrf0);
	(v2sf) =	vpush v12, $0xF  }
0x54f: {  	(v2sf) =	vpush v13, $0xF  }
0x550: {  	v12 =	vld [tilespmem:s17+$0x30];
	_ =	sdelay $0x3  }
0x551: {  	s5 =	sadd.s32 $0xFFFFFFA0, s1  }
0x552: {  	v13 =	vor.u32 s5, v2;
	vm7 =	vlt.s32 v5, v12;
	vm8 =	veq.s32 v5, v12  }
0x553: {  	s5 =	sadd.s32 $0xFFFFFFB0, s1;
	[tilespmem:s28+$0xA880] =	vst.msk vm6, v13;
	vm8 =	vmand vm8, vm0;
	s7 =	spop (v2sf)  }
0x554: {  	v13 =	vor.u32 s5, v2;
	[tilespmem:s28+$0xA800] =	vst.msk vm6, v6;
	s5 =	sadd.s32 s28, s7;
	v6 =	vsel vm8, $0x1, v1  }
0x555: {  	s7 =	sadd.s32 $0xFFFFFFC0, s1;
	[tilespmem:s5+$0xA880] =	vst.msk vm1, v13;
	(xrf0) =	vadd.scan.msk.s32 $0xffff, v6  }
0x556: {  	v6 =	vor.u32 s7, v2;
	[tilespmem:s5+$0xA800] =	vst.msk vm1, v7;
	s5 =	sadd.s32 s5, s29  }
0x557: {  	s7 =	sadd.s32 $0xFFFFFFD0, s1;
	[tilespmem:s5+$0xA880] =	vst.msk vm3, v6  }
0x558: {  	v6 =	vor.u32 s7, v2;
	[tilespmem:s5+$0xA800] =	vst.msk vm3, v8;
	s5 =	sadd.s32 s5, s14  }
0x559: {  	s7 =	sadd.s32 $0xFFFFFFE0, s1;
	[tilespmem:s5+$0xA880] =	vst.msk vm4, v6  }
0x55a: {  	v7 =	vor.u32 s7, v2;
	[tilespmem:s5+$0xA800] =	vst.msk vm4, v9;
	s5 =	sadd.s32 s5, s15;
	s7 =	spop (v2sf)  }
0x55b: {  	s14 =	sadd.s32 $0xFFFFFFF0, s1;
	[tilespmem:s5+$0xA880] =	vst.msk vm5, v7;
	s4 =	ssub.s32 s4, s7;
	s7 =	spop (v2sf);
	v6, _, _ =	vpop (xrf0)  }
0x55c: {  	v7 =	vor.u32 s14, v2;
	s3 =	sadd.s32 s5, s3;
	[tilespmem:s5+$0xA800] =	vst.msk vm5, v10;
	vm1 =	vle.s32 v6, s4  }
0x55d: {  	vm3 =	vmand vm7, vm0;
	[tilespmem:s3+$0xA880] =	vst.msk vm2, v7;
	vm1 =	vmand vm8, vm1  }
0x55e: {  	v6 =	vor.u32 s1, v2;
	s28 =	sadd.s32 s3, s7;
	s1 =	smov.u32 s21;
	[tilespmem:s3+$0xA800] =	vst.msk vm2, v11;
	vm2 =	vmor vm3, vm1;
	v7 =	vsel vm1, $0x1, v1  }
0x55f: {  	[tilespmem:s28+$0xA880] =	vst.msk vm2, v6;
	v6 =	vsel vm2, $0x1, v1;
	(xrf0) =	vadd.scan.msk.s32 $0xffff, v7  }
0x560: {  	[tilespmem:s28+$0xA800] =	vst.msk vm2, v12;
	(xrf0) =	vadd.scan.msk.s32 $0xffff, v6;
	_ =	sdelay $0x4  }
0x561: {  	v6, _, _ =	vpop (xrf0)  }
0x562: {  	v7, _, _ =	vpop (xrf0);
	(v2sf) =	vpush v6, $0xF  }
0x563: {  	(v2sf) =	vpush v7, $0xF  }
0x564: {  	s17 =	sadd.s32 $0x80, s17  }
0x565: {  	v6 =	vld [tilespmem:s17+$0xFFFFFFD0];
	_ =	sdelay $0x4  }
0x566: {  	vm1 =	veq.s32 v5, v6  }
0x567: {  	v7 =	vsel vm1, $0x1, v1  }
0x568: {  	(xrf0) =	vadd.scan.msk.s32 $0xffff, v7;
	_ =	sdelay $0x1  }
.Ltmp26:
0x569: {  	(pc) =	sbr.rel @p0 .LBB2_53-.Ltmp26, $3  }
0x56a: {  	_ =	sdelay $0x1  }
0x56b: {  	s3 =	spop (v2sf)  }
0x56c: {  	v7, _, _ =	vpop (xrf0);
	s3 =	ssub.s32 s4, s3;
	s14 =	spop (v2sf)  }
0x56d: {  	vm2 =	vle.s32 v7, s3  }
0x56e: {  	vm3 =	vmand vm1, vm2  }
0x56f: {  	v7 =	vsel vm3, $0x1, v1  }
0x570: {  	(xrf0) =	vadd.scan.msk.s32 $0xffff, v7;
	_ =	sdelay $0x5  }
0x571: {  	v7, _, _ =	vpop (xrf0)  }
0x572: {  	(v2sf) =	vpush v7, $0xF;
	_ =	sdelay $0x2  }
0x573: {  	v7 =	vld [tilespmem:s17+$0xFFFFFFE0];
	_ =	sdelay $0x4  }
0x574: {  	vm11 =	veq.s32 v5, v7  }
0x575: {  	v8 =	vsel vm11, $0x1, v1  }
0x576: {  	(xrf0) =	vadd.scan.msk.s32 $0xffff, v8;
	_ =	sdelay $0x4  }
0x577: {  	s4 =	spop (v2sf)  }
0x578: {  	v8, _, _ =	vpop (xrf0);
	s4 =	ssub.s32 s3, s4  }
0x579: {  	vm12 =	vle.s32 v8, s4  }
0x57a: {  	vm1 =	vmand vm11, vm12  }
0x57b: {  	v8 =	vsel vm1, $0x1, v1  }
0x57c: {  	(xrf0) =	vadd.scan.msk.s32 $0xffff, v8;
	_ =	sdelay $0x5  }
0x57d: {  	v8, _, _ =	vpop (xrf0)  }
0x57e: {  	(v2sf) =	vpush v8, $0xF;
	_ =	sdelay $0x2  }
0x57f: {  	v8 =	vld [tilespmem:s17+$0xFFFFFFF0];
	_ =	sdelay $0x2  }
0x580: {  	vm13 =	vlt.s32 v5, v7  }
0x581: {  	vm1 =	vmor vm13, vm1  }
0x582: {  	v9 =	vsel vm1, $0x1, v1;
	vm14 =	veq.s32 v5, v8  }
0x583: {  	(xrf0) =	vadd.scan.msk.s32 $0xffff, v9;
	v9 =	vsel vm14, $0x1, v1  }
0x584: {  	(xrf0) =	vadd.scan.msk.s32 $0xffff, v9;
	_ =	sdelay $0x4  }
0x585: {  	v9, _, _ =	vpop (xrf0);
	s5 =	spop (v2sf)  }
0x586: {  	v10, _, _ =	vpop (xrf0);
	s3 =	ssub.s32 s4, s5  }
0x587: {  	vm4 =	vle.s32 v10, s3  }
0x588: {  	vm2 =	vmand vm14, vm4  }
0x589: {  	v10 =	vsel vm2, $0x1, v1  }
0x58a: {  	(xrf0) =	vadd.scan.msk.s32 $0xffff, v10;
	_ =	sdelay $0x5  }
0x58b: {  	(v2sf) =	vpush v9, $0xF;
	v9, _, _ =	vpop (xrf0)  }
0x58c: {  	(v2sf) =	vpush v9, $0xF;
	_ =	sdelay $0x2  }
0x58d: {  	v9 =	vld [tilespmem:s17+$0x0];
	_ =	sdelay $0x2  }
0x58e: {  	vm15 =	vlt.s32 v5, v8  }
0x58f: {  	vm2 =	vmor vm15, vm2  }
0x590: {  	v10 =	vsel vm2, $0x1, v1;
	vm8 =	veq.s32 v5, v9  }
0x591: {  	(xrf0) =	vadd.scan.msk.s32 $0xffff, v10;
	v10 =	vsel vm8, $0x1, v1  }
0x592: {  	(xrf0) =	vadd.scan.msk.s32 $0xffff, v10;
	_ =	sdelay $0x3  }
0x593: {  	s15 =	spop (v2sf)  }
0x594: {  	v10, _, _ =	vpop (xrf0);
	s7 =	spop (v2sf)  }
0x595: {  	v11, _, _ =	vpop (xrf0);
	s4 =	ssub.s32 s3, s7  }
0x596: {  	vm5 =	vle.s32 v11, s4  }
0x597: {  	vm4 =	vmand vm8, vm5  }
0x598: {  	v11 =	vsel vm4, $0x1, v1  }
0x599: {  	(xrf0) =	vadd.scan.msk.s32 $0xffff, v11;
	_ =	sdelay $0x5  }
0x59a: {  	(v2sf) =	vpush v10, $0xF;
	v10, _, _ =	vpop (xrf0)  }
0x59b: {  	(v2sf) =	vpush v10, $0xF;
	_ =	sdelay $0x2  }
0x59c: {  	v10 =	vld [tilespmem:s17+$0x10];
	_ =	sdelay $0x2  }
0x59d: {  	vm9 =	vlt.s32 v5, v9  }
0x59e: {  	vm4 =	vmor vm9, vm4  }
0x59f: {  	v11 =	vsel vm4, $0x1, v1;
	vm10 =	veq.s32 v5, v10  }
0x5a0: {  	(xrf0) =	vadd.scan.msk.s32 $0xffff, v11;
	v11 =	vsel vm10, $0x1, v1  }
0x5a1: {  	(xrf0) =	vadd.scan.msk.s32 $0xffff, v11;
	_ =	sdelay $0x3  }
0x5a2: {  	s3 =	spop (v2sf)  }
0x5a3: {  	v11, _, _ =	vpop (xrf0);
	s5 =	spop (v2sf)  }
0x5a4: {  	v12, _, _ =	vpop (xrf0);
	s4 =	ssub.s32 s4, s5  }
0x5a5: {  	vm6 =	vle.s32 v12, s4  }
0x5a6: {  	vm5 =	vmand vm10, vm6  }
0x5a7: {  	v12 =	vsel vm5, $0x1, v1  }
0x5a8: {  	(xrf0) =	vadd.scan.msk.s32 $0xffff, v12;
	_ =	sdelay $0x5  }
0x5a9: {  	(v2sf) =	vpush v11, $0xF;
	v11, _, _ =	vpop (xrf0)  }
0x5aa: {  	(v2sf) =	vpush v11, $0xF;
	_ =	sdelay $0x2  }
0x5ab: {  	v11 =	vld [tilespmem:s17+$0x20];
	_ =	sdelay $0x2  }
0x5ac: {  	vm11 =	vlt.s32 v5, v10  }
0x5ad: {  	vm5 =	vmor vm11, vm5  }
0x5ae: {  	v12 =	vsel vm5, $0x1, v1;
	vm7 =	veq.s32 v5, v11  }
0x5af: {  	(xrf0) =	vadd.scan.msk.s32 $0xffff, v12;
	v12 =	vsel vm7, $0x1, v1  }
0x5b0: {  	(xrf0) =	vadd.scan.msk.s32 $0xffff, v12  }
0x5b1: {  	vm12 =	vlt.s32 v5, v6  }
0x5b2: {  	vm6 =	vmor vm12, vm3  }
0x5b3: {  	v12 =	vsel vm6, $0x1, v1  }
0x5b4: {  	s5 =	spop (v2sf)  }
0x5b5: {  	v13, _, _ =	vpop (xrf0);
	s7 =	spop (v2sf)  }
0x5b6: {  	(xrf0) =	vadd.scan.msk.s32 $0xffff, v12;
	v12, _, _ =	vpop (xrf0);
	s4 =	ssub.s32 s4, s7  }
0x5b7: {  	vm13 =	vle.s32 v12, s4  }
0x5b8: {  	vm3 =	vmand vm7, vm13  }
0x5b9: {  	v12 =	vsel vm3, $0x1, v1;
	_ =	sdelay $0x2  }
0x5ba: {  	(v2sf) =	vpush v13, $0xF;
	(xrf0) =	vadd.scan.msk.s32 $0xffff, v12;
	v12, _, _ =	vpop (xrf0)  }
0x5bb: {  	vm14 =	vlt.s32 v5, v11;
	(v2sf) =	vpush v12, $0xF  }
0x5bc: {  	vm3 =	vmor vm14, vm3  }
0x5bd: {  	v12 =	vsel vm3, $0x1, v1;
	_ =	sdelay $0x1  }
0x5be: {  	(xrf0) =	vadd.scan.msk.s32 $0xffff, v12  }
0x5bf: {  	v12, _, _ =	vpop (xrf0)  }
0x5c0: {  	(v2sf) =	vpush v12, $0xF;
	_ =	sdelay $0x1  }
0x5c1: {  	v12 =	vld [tilespmem:s17+$0x30];
	_ =	sdelay $0x1  }
0x5c2: {  	v13, _, _ =	vpop (xrf0)  }
0x5c3: {  	(v2sf) =	vpush v13, $0xF;
	_ =	sdelay $0x1  }
0x5c4: {  	s20 =	sadd.s32 $0xFFFFFFA0, s1;
	vm15 =	veq.s32 v5, v12  }
0x5c5: {  	s14 =	sadd.s32 s28, s14;
	s17 =	spop (v2sf);
	v13 =	vor.u32 s20, v2;
	vm7 =	vmand vm15, vm0  }
0x5c6: {  	s21 =	sadd.s32 $0xFFFFFFB0, s1;
	[tilespmem:s14+$0xA880] =	vst.msk vm6, v13;
	v14 =	vsel vm7, $0x1, v1;
	s20 =	spop (v2sf)  }
0x5c7: {  	v13 =	vor.u32 s21, v2;
	[tilespmem:s14+$0xA800] =	vst.msk vm6, v6;
	(xrf0) =	vadd.scan.msk.s32 $0xffff, v14;
	s28 =	sadd.s32 s14, s20  }
0x5c8: {  	s29 =	sadd.s32 $0xFFFFFFC0, s1;
	[tilespmem:s28+$0xA880] =	vst.msk vm1, v13  }
0x5c9: {  	v6 =	vor.u32 s29, v2;
	s7 =	sadd.s32 s28, s15;
	s15 =	sadd.s32 $0xFFFFFFD0, s1;
	[tilespmem:s28+$0xA800] =	vst.msk vm1, v7  }
0x5ca: {  	[tilespmem:s7+$0xA880] =	vst.msk vm2, v6;
	v6 =	vor.u32 s15, v2;
	_ =	sdelay $0x1  }
0x5cb: {  	s3 =	sadd.s32 s7, s3;
	s20 =	spop (v2sf);
	[tilespmem:s7+$0xA800] =	vst.msk vm2, v8  }
0x5cc: {  	s21 =	sadd.s32 $0xFFFFFFE0, s1;
	s4 =	ssub.s32 s4, s20;
	[tilespmem:s3+$0xA880] =	vst.msk vm4, v6;
	v6, _, _ =	vpop (xrf0)  }
0x5cd: {  	vm8 =	vlt.s32 v5, v12;
	v5 =	vor.u32 s21, v2;
	[tilespmem:s3+$0xA800] =	vst.msk vm4, v9;
	s3 =	sadd.s32 s3, s5;
	vm9 =	vle.s32 v6, s4  }
0x5ce: {  	vm10 =	vmand vm8, vm0;
	s28 =	sadd.s32 $0xFFFFFFF0, s1;
	[tilespmem:s3+$0xA880] =	vst.msk vm5, v5;
	vm11 =	vmand vm7, vm9  }
0x5cf: {  	v5 =	vor.u32 s28, v2;
	[tilespmem:s3+$0xA800] =	vst.msk vm5, v10;
	s3 =	sadd.s32 s3, s17;
	vm0 =	vmor vm10, vm11;
	v6 =	vsel vm11, $0x1, v1  }
0x5d0: {  	s29 =	spop (v2sf);
	[tilespmem:s3+$0xA880] =	vst.msk vm3, v5;
	v5 =	vsel vm0, $0x1, v1;
	(xrf0) =	vadd.scan.msk.s32 $0xffff, v6  }
0x5d1: {  	v6 =	vor.u32 s1, v2;
	[tilespmem:s3+$0xA800] =	vst.msk vm3, v11;
	s3 =	sadd.s32 s3, s29;
	(xrf0) =	vadd.scan.msk.s32 $0xffff, v5  }
0x5d2: {  	[tilespmem:s3+$0xA880] =	vst.msk vm0, v6  }
0x5d3: {  	s1 =	simm.s32 $0xA880;
	[tilespmem:s3+$0xA800] =	vst.msk vm0, v12  }
0x5d4: {  	v5 =	vld [tilespmem:s1+$0x0];
	_ =	sdelay $0x1  }
0x5d5: {  	v6, _, _ =	vpop (xrf0)  }
0x5d6: {  	v7, _, _ =	vpop (xrf0);
	(v2sf) =	vpush v6, $0xF  }
0x5d7: {  	(v2sf) =	vpush v7, $0xF  }
0x5d8: {  	(v2sf) =	vpush v5, $0x0;
	_ =	sdelay $0x9  }
0x5d9: {  	s17 =	simm.s32 $0xA800  }
0x5da: {  	v11 =	vld.msk [tilespmem:s17+$0x0 ss:$0x0], $0xffff  }
0x5db: {  	v12 =	vld [tilespmem:$0xA800]  }
0x5dc: {  	v13 =	vld [tilespmem:$0xA810];
	s4 =	spop (v2sf)  }
0x5dd: {  	v15 =	vmov s0;
	v14 =	vld [tilespmem:$0xA820];
	s5 =	spop (v2sf)  }
0x5de: {  	vm14 =	vgt.u32 v15, v2;
	s7 =	spop (v2sf)  }
0x5df: {  	v8 =	vor.u32 $0x50, v2;
	v9 =	vor.u32 $0x10, v2;
	v10 =	vor.u32 $0x20, v2;
	s15 =	smulhi.u32 $0x92492493, s7;
	s3 =	sshra.s32 s7, $0x1F  }
0x5e0: {  	vm9 =	vgt.u32 v15, v9;
	vm11 =	vgt.u32 v15, v10;
	v61 =	vld [tilespmem:$0xA850];
	v6 =	vor.u32 $0x30, v2;
	s3 =	smul.u32 $0x92492493, s3  }
0x5e1: {  	v7 =	vor.u32 $0x40, v2;
	vm12 =	vgt.f32 v12, v11;
	vm13 =	veq.f32 v12, v11;
	s0 =	ssub.s32 s15, s7  }
0x5e2: {  	vm2 =	vgt.u32 v15, v6;
	vm15 =	veq.f32 v13, v11;
	vm10 =	veq.f32 v14, v11;
	s0 =	sadd.s32 s3, s0  }
0x5e3: {  	v12 =	vld [tilespmem:$0xA830];
	v5 =	vor.u32 $0x60, v2;
	v16 =	vsel vm12, $0x1, v1;
	vm1 =	vmand vm14, vm13;
	s0 =	sadd.s32 s7, s0  }
0x5e4: {  	vm12 =	vgt.f32 v13, v11;
	vm13 =	vgt.f32 v14, v11;
	vm14 =	vmand vm9, vm15;
	s20 =	sshrl.u32 s0, $0x1F;
	s0 =	sshra.s32 s0, $0x6  }
0x5e5: {  	vm0 =	vmand vm11, vm10;
	vm8 =	vgt.u32 v15, v7;
	vm10 =	veq.f32 v61, v11;
	s0 =	sadd.s32 s20, s0  }
0x5e6: {  	v13 =	vld [tilespmem:$0xA840];
	vm11 =	vgt.u32 v15, v8;
	v14 =	vsel vm1, $0x1, v1;
	v17 =	vsel vm12, $0x1, v1;
	s3 =	smul.u32 $0xFFFFFF90, s0  }
0x5e7: {  	v18 =	vsel vm13, $0x1, v1;
	v62 =	vsel vm14, $0x1, v1;
	v14 =	vadd.s32 v16, v14;
	s21 =	ssub.s32 $0x0, s7  }
0x5e8: {  	vm15 =	vgt.f32 v12, v11;
	vm5 =	veq.f32 v12, v11;
	v12 =	vadd.s32 v17, v14;
	p0 =	slt.s32 s7, $0x1;
	p1 =	sne.s32 s3, s21  }
0x5e9: {  	v20 =	vld [tilespmem:$0xA860];
	v19 =	vsel vm0, $0x1, v1;
	vm12 =	vgt.f32 v61, v11;
	v12 =	vadd.s32 v62, v12;
	p0 =	por !p0, !p1  }
0x5ea: {  	vm1 =	vmand vm11, vm10;
	vm0 =	vmand vm2, vm5;
	v12 =	vadd.s32 v18, v12;
	s3 =	simm.s32 $0x1;
	p0 =	por !p0, !p0  }
0x5eb: {  	v14 =	vsel vm15, $0x1, v1;
	vm6 =	vgt.f32 v13, v11;
	v12 =	vadd.s32 v19, v12;
	s3 =	simm.s32 @!p0 $0x0  }
0x5ec: {  	vm7 =	veq.f32 v13, v11;
	v21 =	vsel vm0, $0x1, v1;
	v12 =	vadd.s32 v14, v12;
	s0 =	ssub.s32 s0, s3  }
0x5ed: {  	v13 =	vsel vm6, $0x1, v1;
	vm9 =	vmand vm8, vm7;
	v12 =	vadd.s32 v21, v12;
	v14 =	vld [tilespmem:s0+$0x6F00]  }
0x5ee: {  	vm13 =	veq.f32 v20, v11;
	v63 =	vsel vm9, $0x1, v1;
	v12 =	vadd.s32 v13, v12  }
0x5ef: {  	vm14 =	vgt.u32 v15, v5;
	v13 =	vsel vm12, $0x1, v1;
	v12 =	vadd.s32 v63, v12  }
0x5f0: {  	v15 =	vsel vm1, $0x1, v1;
	vm15 =	vgt.f32 v20, v11;
	v12 =	vadd.s32 v13, v12  }
0x5f1: {  	vm0 =	vmand vm14, vm13;
	v13 =	vsel vm15, $0x1, v1;
	v12 =	vadd.s32 v15, v12  }
0x5f2: {  	v12 =	vadd.s32 v13, v12;
	v13 =	vsel vm0, $0x1, v1;
	(v2sf) =	vpush v14, $0x0  }
0x5f3: {  	v12 =	vadd.s32 v13, v12  }
0x5f4: {  	(xrf0) =	vadd.scan.msk.s32 $0xffff, v12;
	_ =	sdelay $0x5  }
0x5f5: {  	v12, _, _ =	vpop (xrf0)  }
0x5f6: {  	v12 =	vbroadcast v12, $0xF;
	_ =	sdelay $0x2  }
0x5f7: {  	s0 =	smul.u32 $0xFFFFFF90, s0;
	_ =	sdelay $0x1  }
0x5f8: {  	s0 =	sadd.s32 s7, s0  }
0x5f9: {  	[tilespmem:v12+s23+$0x0] =	vst.idx.msk $0x1, v11;
	v11 =	vmov s0;
	v13 =	vbroadcast v14, $0x0;
	s28 =	spop (v2sf)  }
0x5fa: {  	[tilespmem:v12+s24+$0x0] =	vst.idx.msk $0x1, v11;
	s29 =	sadd.s32 s6, s28  }
0x5fb: {  	s0 =	simm.s32 $0x1;
	[tilespmem:v12+s25+$0x0] =	vst.idx.msk $0x1, v13;
	v11 =	vmov s29  }
.LBB2_55:
0x5fc: {  	p0 =	sne.s32 s0, $0x63;
	[tilespmem:v12+s26+$0x0] =	vst.idx.msk $0x1, v11;
	s1 =	sadd.s32 $0x1, s1;
	s17 =	sadd.s32 $0x1, s17  }
0x5fd: {  	s3 =	smov.u32 s0;
	s0 =	sadd.s32 $0x1, s0;
	v12 =	vld [tilespmem:s1+$0x0];
	_ =	sdelay $0x1  }
0x5fe: {  	v13 =	vld [tilespmem:$0xA810]  }
0x5ff: {  	v11 =	vld.msk [tilespmem:s17+$0x0 ss:$0x0], $0xffff  }
0x600: {  	v14 =	vld [tilespmem:$0xA800]  }
0x601: {  	v15 =	vld [tilespmem:$0xA820];
	(v2sf) =	vpush v12, $0x0;
	_ =	sdelay $0x2  }
0x602: {  	v12 =	vmov s3  }
0x603: {  	vm2 =	vgt.u32 v12, v6;
	vm0 =	vgt.f32 v14, v11;
	vm1 =	veq.f32 v14, v11;
	v14 =	vld [tilespmem:$0xA830]  }
0x604: {  	vm3 =	vgt.u32 v12, v2;
	vm5 =	vgt.u32 v12, v9;
	vm4 =	veq.f32 v13, v11  }
0x605: {  	vm6 =	vgt.u32 v12, v10;
	v16 =	vsel vm0, $0x1, v1;
	vm0 =	veq.f32 v15, v11  }
0x606: {  	vm1 =	vmand vm3, vm1;
	vm3 =	vgt.f32 v13, v11;
	vm7 =	vgt.f32 v15, v11;
	v13 =	vld [tilespmem:$0xA840]  }
0x607: {  	v15 =	vsel vm1, $0x1, v1;
	vm1 =	vmand vm5, vm4;
	v17 =	vsel vm3, $0x1, v1  }
0x608: {  	vm0 =	vmand vm6, vm0;
	v18 =	vsel vm7, $0x1, v1;
	vm3 =	vgt.f32 v14, v11;
	v19 =	vld [tilespmem:$0xA850]  }
0x609: {  	v15 =	vadd.s32 v16, v15;
	v16 =	vsel vm0, $0x1, v1;
	vm0 =	veq.f32 v14, v11  }
0x60a: {  	v14 =	vadd.s32 v17, v15;
	vm0 =	vmand vm2, vm0;
	v15 =	vsel vm3, $0x1, v1;
	v17 =	vld [tilespmem:$0xA860]  }
0x60b: {  	v20 =	vsel vm1, $0x1, v1;
	v21 =	vsel vm0, $0x1, v1;
	vm0 =	vgt.f32 v13, v11  }
0x60c: {  	vm2 =	vgt.u32 v12, v7;
	vm1 =	veq.f32 v13, v11;
	v13 =	vsel vm0, $0x1, v1  }
0x60d: {  	v14 =	vadd.s32 v20, v14;
	vm0 =	vmand vm2, vm1;
	vm1 =	vgt.f32 v19, v11  }
0x60e: {  	vm3 =	vgt.u32 v12, v8;
	v14 =	vadd.s32 v18, v14;
	vm2 =	veq.f32 v19, v11;
	s3 =	spop (v2sf)  }
0x60f: {  	v14 =	vadd.s32 v16, v14;
	vm2 =	vmand vm3, vm2;
	vm3 =	veq.f32 v17, v11;
	s4 =	smulhi.u32 $0x92492493, s3;
	s5 =	sshra.s32 s3, $0x1F  }
0x610: {  	v14 =	vadd.s32 v15, v14;
	v15 =	vsel vm0, $0x1, v1;
	vm0 =	vgt.u32 v12, v5;
	s5 =	smul.u32 $0x92492493, s5  }
0x611: {  	v12 =	vadd.s32 v21, v14;
	v14 =	vsel vm1, $0x1, v1;
	vm0 =	vmand vm0, vm3;
	s4 =	ssub.s32 s4, s3  }
0x612: {  	v12 =	vadd.s32 v13, v12;
	v13 =	vsel vm2, $0x1, v1;
	vm1 =	vgt.f32 v17, v11;
	s4 =	sadd.s32 s5, s4  }
0x613: {  	v12 =	vadd.s32 v15, v12;
	s4 =	sadd.s32 s3, s4  }
0x614: {  	v12 =	vadd.s32 v14, v12;
	s5 =	sshrl.u32 s4, $0x1F;
	s4 =	sshra.s32 s4, $0x6  }
0x615: {  	v12 =	vadd.s32 v13, v12;
	v13 =	vsel vm1, $0x1, v1;
	s4 =	sadd.s32 s5, s4  }
0x616: {  	v12 =	vadd.s32 v13, v12;
	v13 =	vsel vm0, $0x1, v1;
	s5 =	smul.u32 $0xFFFFFF90, s4  }
0x617: {  	s7 =	ssub.s32 $0x0, s3;
	v12 =	vadd.s32 v13, v12  }
0x618: {  	p1 =	slt.s32 s3, $0x1;
	p2 =	sne.s32 s5, s7;
	(xrf0) =	vadd.scan.msk.s32 $0xffff, v12  }
0x619: {  	p1 =	por !p1, !p2  }
0x61a: {  	s5 =	simm.s32 $0x1;
	p1 =	por !p1, !p1  }
0x61b: {  	s5 =	simm.s32 @!p1 $0x0  }
0x61c: {  	s4 =	ssub.s32 s4, s5  }
0x61d: {  	s5 =	smul.u32 $0xFFFFFF90, s4;
	v13 =	vld [tilespmem:s4+$0x6F00]  }
0x61e: {  	v12, _, _ =	vpop (xrf0)  }
0x61f: {  	s3 =	sadd.s32 s3, s5;
	_ =	sdelay $0x2  }
0x620: {  	(v2sf) =	vpush v13, $0x0;
	_ =	sdelay $0x8  }
0x621: {  	v12 =	vbroadcast v12, $0xF;
	_ =	sdelay $0x3  }
.Ltmp27:
0x622: {  	(pc) =	sbr.rel @p0 .LBB2_55-.Ltmp27, $4  }
0x623: {  	_ = 	snop  }
0x624: {  	v13 =	vbroadcast v13, $0x0;
	[tilespmem:v12+s23+$0x0] =	vst.idx.msk $0x1, v11;
	v11 =	vmov s3;
	s3 =	spop (v2sf)  }
0x625: {  	[tilespmem:v12+s24+$0x0] =	vst.idx.msk $0x1, v11;
	s3 =	sadd.s32 s6, s3  }
0x626: {  	[tilespmem:v12+s25+$0x0] =	vst.idx.msk $0x1, v13;
	v11 =	vmov s3  }
0x627: {  	_ =	sdelay $0x3  }
0x628: {  	[tilespmem:v12+s26+$0x0] =	vst.idx.msk $0x1, v11;
	s0 =	rddreg [dreg:$0x7];
	s1 =	simm.s32 $0xAC00  }
0x629: {  	[tilespmem:s1], [sflag:$0x1] =	stream.indirect.gather [hbm4b:s0+s19], $0x1, s26, s19, $0xb8;
	[tilespmem:$0xAD80] =	vst v63  }
0x62a: {  	s28 =	rddreg [dreg:$0x8];
	s29 =	simm.s32 $0xAC80  }
0x62b: {  	[tilespmem:s29], [sflag:$0x1] =	stream.indirect.gather [hbm4b:s28+s19], $0x1, s26, s19, $0xb8;
	[tilespmem:$0xAD80] =	vst v63  }
0x62c: {  	_ =	swait.ge [sflag:s22], $0x70  }
0x62d: {  	[sflag:s22] =	ssyncset.done $0x0  }
0x62e: {  	[sflag:s22] =	ssyncadd.s32 $0xFFFFFF90  }
0x62f: {  	_ =	swait.ge [sflag:s22], $0x70  }
0x630: {  	[sflag:s22] =	ssyncset.done $0x0  }
0x631: {  	[sflag:s22] =	ssyncadd.s32 $0xFFFFFF90  }
0x632: {  	v5 =	vld [tilespmem:$0xAC80];
	_ =	sdelay $0x1  }
0x633: {  	v6 =	vld [tilespmem:$0xAC00];
	_ =	sdelay $0x1  }
0x634: {  	v7 =	vld [tilespmem:$0xAD00]  }
0x635: {  	v8 =	vmul.u32 $0x2, v2;
	v5 =	vmul.f32 $5.000000000e-01, v5;
	_ =	sdelay $0x1  }
0x636: {  	v10 =	vor.u32 $0x1, v8;
	v9 =	vsub.f32 v6, v5  }
0x637: {  	v5 =	vadd.f32 v5, v6  }
0x638: {  	v6 =	vmul.f32 v9, v7  }
0x639: {  	v5 =	vmul.f32 v5, v7  }
0x63a: {  	[tilespmem:v8+s30+$0x0] =	vst.idx.msk $0xffff, v6  }
0x63b: {  	[tilespmem:v10+s30+$0x0] =	vst.idx.msk $0xffff, v5  }
0x63c: {  	v5 =	vld [tilespmem:$0xAC90];
	_ =	sdelay $0x1  }
0x63d: {  	v6 =	vld [tilespmem:$0xAC10];
	_ =	sdelay $0x2  }
0x63e: {  	v5 =	vmul.f32 $5.000000000e-01, v5  }
0x63f: {  	v47 =	vor.u32 $0x20, v8  }
0x640: {  	v49 =	vor.u32 $0x21, v8;
	v48 =	vsub.f32 v6, v5  }
0x641: {  	v5 =	vadd.f32 v5, v6  }
0x642: {  	v6 =	vmul.f32 v48, v7  }
0x643: {  	v5 =	vmul.f32 v5, v7  }
0x644: {  	[tilespmem:v47+s30+$0x0] =	vst.idx.msk $0xffff, v6  }
0x645: {  	[tilespmem:v49+s30+$0x0] =	vst.idx.msk $0xffff, v5  }
0x646: {  	v5 =	vld [tilespmem:$0xACA0];
	_ =	sdelay $0x1  }
0x647: {  	v6 =	vld [tilespmem:$0xAC20];
	_ =	sdelay $0x2  }
0x648: {  	v5 =	vmul.f32 $5.000000000e-01, v5  }
0x649: {  	v50 =	vor.u32 $0x40, v8  }
0x64a: {  	v52 =	vor.u32 $0x41, v8;
	v51 =	vsub.f32 v6, v5  }
0x64b: {  	v5 =	vadd.f32 v5, v6  }
0x64c: {  	v6 =	vmul.f32 v51, v7  }
0x64d: {  	v5 =	vmul.f32 v5, v7  }
0x64e: {  	[tilespmem:v50+s30+$0x0] =	vst.idx.msk $0xffff, v6  }
0x64f: {  	[tilespmem:v52+s30+$0x0] =	vst.idx.msk $0xffff, v5  }
0x650: {  	v5 =	vld [tilespmem:$0xACB0];
	_ =	sdelay $0x1  }
0x651: {  	v6 =	vld [tilespmem:$0xAC30];
	_ =	sdelay $0x2  }
0x652: {  	v5 =	vmul.f32 $5.000000000e-01, v5  }
0x653: {  	v53 =	vor.u32 $0x60, v8  }
0x654: {  	v55 =	vor.u32 $0x61, v8;
	v54 =	vsub.f32 v6, v5  }
0x655: {  	v5 =	vadd.f32 v5, v6  }
0x656: {  	v6 =	vmul.f32 v54, v7  }
0x657: {  	v5 =	vmul.f32 v5, v7  }
0x658: {  	[tilespmem:v53+s30+$0x0] =	vst.idx.msk $0xffff, v6  }
0x659: {  	[tilespmem:v55+s30+$0x0] =	vst.idx.msk $0xffff, v5  }
0x65a: {  	v5 =	vld [tilespmem:$0xACC0];
	_ =	sdelay $0x1  }
0x65b: {  	v6 =	vld [tilespmem:$0xAC40];
	_ =	sdelay $0x2  }
0x65c: {  	v5 =	vmul.f32 $5.000000000e-01, v5  }
0x65d: {  	v56 =	vor.u32 $0x80, v8  }
0x65e: {  	v58 =	vor.u32 $0x81, v8;
	v57 =	vsub.f32 v6, v5  }
0x65f: {  	v5 =	vadd.f32 v5, v6  }
0x660: {  	v6 =	vmul.f32 v57, v7  }
0x661: {  	v5 =	vmul.f32 v5, v7  }
0x662: {  	[tilespmem:v56+s30+$0x0] =	vst.idx.msk $0xffff, v6  }
0x663: {  	[tilespmem:v58+s30+$0x0] =	vst.idx.msk $0xffff, v5  }
0x664: {  	v5 =	vld [tilespmem:$0xACD0];
	_ =	sdelay $0x1  }
0x665: {  	v6 =	vld [tilespmem:$0xAC50];
	_ =	sdelay $0x2  }
0x666: {  	v5 =	vmul.f32 $5.000000000e-01, v5  }
0x667: {  	v59 =	vor.u32 $0xA0, v8  }
0x668: {  	v61 =	vor.u32 $0xA1, v8;
	v60 =	vsub.f32 v6, v5  }
0x669: {  	v5 =	vadd.f32 v5, v6  }
0x66a: {  	v6 =	vmul.f32 v60, v7  }
0x66b: {  	v5 =	vmul.f32 v5, v7  }
0x66c: {  	[tilespmem:v59+s30+$0x0] =	vst.idx.msk $0xffff, v6  }
0x66d: {  	[tilespmem:v61+s30+$0x0] =	vst.idx.msk $0xffff, v5  }
0x66e: {  	v5 =	vld [tilespmem:$0xACE0];
	_ =	sdelay $0x1  }
0x66f: {  	v6 =	vld [tilespmem:$0xAC60];
	_ =	sdelay $0x2  }
0x670: {  	v5 =	vmul.f32 $5.000000000e-01, v5  }
0x671: {  	v62 =	vor.u32 $0xC0, v8  }
0x672: {  	v8 =	vor.u32 $0xC1, v8;
	v63 =	vsub.f32 v6, v5  }
0x673: {  	v5 =	vadd.f32 v5, v6  }
0x674: {  	v6 =	vmul.f32 v63, v7  }
0x675: {  	v5 =	vmul.f32 v5, v7  }
0x676: {  	[tilespmem:v62+s30+$0x0] =	vst.idx.msk $0xffff, v6  }
0x677: {  	[tilespmem:v8+s30+$0x0] =	vst.idx.msk $0xffff, v5  }
0x678: {  	[hbm4b:s8+s2] =	stream.linear.scatter [tilespmem:s23], [sflag:$0x2], $0x80, $0x38;
	[tilespmem:$0xAD80] =	vst v63  }
0x679: {  	_ =	swait.ge [sflag:s16], $0x80  }
0x67a: {  	[sflag:s16] =	ssyncset.done $0x0  }
0x67b: {  	[sflag:s16] =	ssyncadd.s32 $0xFFFFFF80  }
0x67c: {  	[hbm4b:s9+s2] =	stream.linear.scatter [tilespmem:s24], [sflag:$0x2], $0x80, $0x38;
	[tilespmem:$0xAD80] =	vst v63  }
0x67d: {  	_ =	swait.ge [sflag:s16], $0x80  }
0x67e: {  	[sflag:s16] =	ssyncset.done $0x0  }
0x67f: {  	[sflag:s16] =	ssyncadd.s32 $0xFFFFFF80  }
0x680: {  	[hbm4b:s10+s2] =	stream.linear.scatter [tilespmem:s25], [sflag:$0x2], $0x80, $0x38;
	[tilespmem:$0xAD80] =	vst v63  }
0x681: {  	s31 =	sadd.s32 $0x1, s31;
	_ =	swait.ge [sflag:s16], $0x80  }
0x682: {  	s3 =	simm.s32 $0x400;
	p0 =	sne.s32 s31, s13;
	[sflag:s16] =	ssyncset.done $0x0  }
.Ltmp28:
0x683: {  	s1 =	simm.s32 $0x80;
	[sflag:s16] =	ssyncadd.s32 $0xFFFFFF80;
	(pc) =	sbr.rel @p0 .LBB2_2-.Ltmp28, $4  }
0x684: {  	[hbm4b:s11+s1] =	stream.strided.scatter [tilespmem:s30], [sflag:$0x2], $0x100, s3, s1, $0x38;
	[tilespmem:$0xAD80] =	vst v63  }
0x685: {  	_ =	swait.ge [sflag:s16], $0x100  }
0x686: {  	[sflag:s16] =	ssyncset.done $0x0  }
0x687: {  	[sflag:s16] =	ssyncadd.s32 $0xFFFFFF00  }
.LBB2_57:
0x688: {  	_ =	sfence.sel $0x180000  }
0x689: {  	[bflag:$0x0] =	sbarrier.arrive $0xFFFF  }
0x68a: {  	_ =	strace $0x90000047  }
0x68b: {  	s0 =	stileid.u32;
	[bflag:$0x2] =	sbarrier.arrive $0xFFFF  }
0x68c: {  	p0 =	sne.s32 s0, $0x0;
	s0 =	rddreg [dreg:$0x5]  }
0x68d: {  	s0 =	sadd.s32 @!p0 $0x100000, s0  }
0x68e: {  	[sflag:s0] =	ssyncadd.tile.s32 @!p0 $0x1;
	_ =	shalt  }
.Lfunc_end2:
_tile_overlayer_lowered:
.L_overlay_start_2:
0x68f: {  	(tag) =	ssettag $0x2  }
0x690: {  	s0 =	rddreg [dreg:$0x0];
	s2 =	stileid.u32  }
0x691: {  	s1 =	rddreg [dreg:$0x1];
	p0 =	sne.s32 s2, $0x0  }
0x692: {  	s3 =	rddreg [dreg:$0x2];
	[bflag:$0x3] =	sbarrier.arrive $0xFFFF;
	s2 =	simm.s32 @!p0 $0x1C02  }
0x693: {  	[timem:s3], [sflag:s2] =	dma.local @!p0 [hbm:s0], s1  }
0x694: {  	s0 =	simm.s32 @!p0 $0x2  }
0x695: {  	_ =	swait.ge @!p0 [sflag:s0], s1  }
0x696: {  	s1 =	ssub.s32 @!p0 $0x0, s1;
	[sflag:s0] =	ssyncset.done @!p0 $0x0  }
0x697: {  	[sflag:s0] =	ssyncadd.s32 @!p0 s1  }
0x698: {  	[bflag:$0x3] =	sbarrier.arrive $0xFFFF  }
0x699: {  	_ =	shalt  }

</sc_bundles>
